<compile_context>
chip_gen: v7x
topology: tpu7x:2x2x1
jax: 0.10.2.dev20260603
libtpu: 0.0.44.dev20260713+nightly
codegen_flags: <defaults>
</compile_context>

<pallas_src>
import functools

import jax
import jax.numpy as jnp
from jax import lax
from jax.experimental import pallas as pl
from jax.experimental.pallas import tpu as pltpu
from jax.experimental.pallas import tpu_sc as plsc

N = 10000
E = 320000
D = 128
NCLS = 40

NC = 2
NS = 16
NW = NC * NS
EB = 128
NB = E // EB
NBW = NB // NW
NBX = NB - NBW * NW
ARS = 624
ACH = 104
NCH = ARS // ACH
TAIL = N - ARS * NS
DZ = 624

RB = 2000
G = N // RB

@functools.lru_cache(maxsize=None)
def _sc_kernels():
    mesh = plsc.VectorSubcoreMesh(core_axis_name="c", subcore_axis_name="s",
                                  num_cores=NC, num_subcores=NS)
    deg = _make_sc_deg(mesh)
    agg = _make_sc_agg(mesh)
    return deg, agg


def _make_sc_deg(mesh):
    return functools.partial(
        pl.kernel,
        out_type=jax.ShapeDtypeStruct((NC * N,), jnp.float32),
        mesh=mesh,
        scratch_types=[
            pltpu.VMEM((NBW * EB,), jnp.int32),
            pltpu.VMEM((NBX * EB,), jnp.int32),
            pltpu.VMEM((NBW * EB,), jnp.float32),
            pltpu.VMEM((DZ + 16,), jnp.float32),
            pltpu.VMEM_SHARED((N,), jnp.float32),
            pltpu.SemaphoreType.DMA,
        ],
    )(_sc_deg_body)


def _sc_deg_body(dst_hbm, out_hbm, dstv, dstx, ones, zb, acc, sem):
    c = lax.axis_index("c")
    s = lax.axis_index("s")
    w = c * NS + s

    base = w * NBW * EB
    pltpu.async_copy(dst_hbm.at[pl.ds(base, NBW * EB)], dstv, sem)

    @pl.when(w == NW - 1)
    def _():
        pltpu.sync_copy(dst_hbm.at[pl.ds(NBW * NW * EB, NBX * EB)], dstx)

    def fill_z(i, carry):
        zb[pl.ds(i * 16, 16)] = jnp.zeros((16,), jnp.float32)
        return carry

    lax.fori_loop(0, (DZ + 16) // 16, fill_z, 0)

    def fill_o(i, carry):
        ones[pl.ds(i * 16, 16)] = jnp.ones((16,), jnp.float32)
        return carry

    lax.fori_loop(0, NBW * EB // 16, fill_o, 0)

    pltpu.sync_copy(zb.at[pl.ds(0, DZ)], acc.at[pl.ds(s * DZ, DZ)])

    @pl.when(s == NS - 1)
    def _():
        pltpu.sync_copy(zb.at[pl.ds(0, 16)], acc.at[pl.ds(DZ * NS, 16)])

    plsc.subcore_barrier()
    pltpu.make_async_copy(dst_hbm.at[pl.ds(base, NBW * EB)], dstv, sem).wait()

    pltpu.sync_copy(ones, acc.at[dstv], add=True)

    @pl.when(w == NW - 1)
    def _():
        pltpu.sync_copy(ones.at[pl.ds(0, NBX * EB)], acc.at[dstx], add=True)

    plsc.subcore_barrier()

    pltpu.sync_copy(acc.at[pl.ds(s * DZ, DZ)], zb.at[pl.ds(0, DZ)])
    pltpu.sync_copy(zb.at[pl.ds(0, DZ)], out_hbm.at[pl.ds(c * N + s * DZ, DZ)])

    @pl.when(s == NS - 1)
    def _():
        pltpu.sync_copy(acc.at[pl.ds(DZ * NS, 16)], zb.at[pl.ds(0, 16)])
        pltpu.sync_copy(zb.at[pl.ds(0, 16)],
                        out_hbm.at[pl.ds(c * N + DZ * NS, 16)])


def _make_sc_agg(mesh):
    return functools.partial(
        pl.kernel,
        out_type=jax.ShapeDtypeStruct((NC, N, D), jnp.float32),
        mesh=mesh,
        scratch_types=[
            [pltpu.VMEM((EB,), jnp.int32) for _ in range(3)],
            [pltpu.VMEM((EB,), jnp.int32) for _ in range(3)],
            [pltpu.VMEM((EB, D), jnp.float32) for _ in range(3)],
            pltpu.VMEM_SHARED((N, D), jnp.float32),
            [pltpu.SemaphoreType.DMA for _ in range(3)],
            [pltpu.SemaphoreType.DMA for _ in range(3)],
            [pltpu.SemaphoreType.DMA for _ in range(3)],
        ],
    )(_sc_agg_body)


def _sc_agg_body(y_hbm, src_hbm, dst_hbm, out_hbm, srcb, dstb, rows, acc,
                 isem, dsem, gsem):
    c = lax.axis_index("c")
    s = lax.axis_index("s")
    w = c * NS + s

    base = w * NBW

    def load_idx(g, r):
        pltpu.async_copy(src_hbm.at[pl.ds((base + g) * EB, EB)], srcb[r],
                         isem[r])
        pltpu.async_copy(dst_hbm.at[pl.ds((base + g) * EB, EB)], dstb[r],
                         dsem[r])

    def start_gather(g, r):
        pltpu.make_async_copy(src_hbm.at[pl.ds((base + g) * EB, EB)], srcb[r],
                              isem[r]).wait()
        pltpu.async_copy(y_hbm.at[srcb[r]], rows[r], gsem[r])

    def finish_batch(g, r):
        pltpu.make_async_copy(y_hbm.at[srcb[r]], rows[r], gsem[r]).wait()
        pltpu.make_async_copy(dst_hbm.at[pl.ds((base + g) * EB, EB)], dstb[r],
                              dsem[r]).wait()
        pltpu.sync_copy(rows[r], acc.at[dstb[r]], add=True)

    for r in range(3):
        load_idx(r, r)
    start_gather(0, 0)
    start_gather(1, 1)

    def zrow(i, carry):
        def zcol(j, carry2):
            rows[2][i, pl.ds(j * 16, 16)] = jnp.zeros((16,), jnp.float32)
            return carry2

        lax.fori_loop(0, D // 16, zcol, 0)
        return carry

    lax.fori_loop(0, EB, zrow, 0)

    for k in range(NCH):
        pltpu.sync_copy(rows[2].at[pl.ds(0, ACH)],
                        acc.at[pl.ds(s * ARS + k * ACH, ACH)])

    @pl.when(s == NS - 1)
    def _():
        pltpu.sync_copy(rows[2].at[pl.ds(0, TAIL)],
                        acc.at[pl.ds(ARS * NS, TAIL)])

    plsc.subcore_barrier()

    def triple(k, carry):
        g0 = 3 * k
        for j in range(3):
            r = j
            r2 = (j + 2) % 3

            @pl.when(g0 + j + 2 < NBW)
            def _():
                start_gather(g0 + j + 2, r2)

            finish_batch(g0 + j, r)

            @pl.when(g0 + j + 3 < NBW)
            def _():
                load_idx(g0 + j + 3, r)

        return carry

    lax.fori_loop(0, NBW // 3, triple, 0)

    @pl.when(w == NW - 1)
    def _():
        def extra(i, carry):
            e0 = (NBW * NW + i) * EB
            pltpu.sync_copy(src_hbm.at[pl.ds(e0, EB)], srcb[0])
            pltpu.sync_copy(dst_hbm.at[pl.ds(e0, EB)], dstb[0])
            pltpu.async_copy(y_hbm.at[srcb[0]], rows[0], gsem[0]).wait()
            pltpu.sync_copy(rows[0], acc.at[dstb[0]], add=True)
            return carry

        lax.fori_loop(0, NBX, extra, 0)

    plsc.subcore_barrier()

    for k in range(NCH):
        r0 = s * ARS + k * ACH
        pltpu.sync_copy(acc.at[pl.ds(r0, ACH)], rows[0].at[pl.ds(0, ACH)])
        pltpu.sync_copy(rows[0].at[pl.ds(0, ACH)],
                        out_hbm.at[c, pl.ds(r0, ACH)])

    @pl.when(s == NS - 1)
    def _():
        r0 = ARS * NS
        pltpu.sync_copy(acc.at[pl.ds(r0, TAIL)], rows[1].at[pl.ds(0, TAIL)])
        pltpu.sync_copy(rows[1].at[pl.ds(0, TAIL)],
                        out_hbm.at[c, pl.ds(r0, TAIL)])


def _tc1_body(degp_ref, x_ref, w_ref, y_ref, dinv_ref):
    deg = degp_ref[0] + degp_ref[1] + 1.0
    dinv = lax.rsqrt(jnp.maximum(deg, 1e-12))
    xw = jnp.dot(x_ref[...], w_ref[...], preferred_element_type=jnp.float32)
    y_ref[...] = xw * dinv
    dinv_ref[...] = dinv


def _tc1(degp, x, W1):
    return pl.pallas_call(
        _tc1_body,
        grid=(G,),
        in_specs=[
            pl.BlockSpec((NC, RB, 1), lambda i: (0, i, 0)),
            pl.BlockSpec((RB, D), lambda i: (i, 0)),
            pl.BlockSpec((D, D), lambda i: (0, 0)),
        ],
        out_specs=[
            pl.BlockSpec((RB, D), lambda i: (i, 0)),
            pl.BlockSpec((RB, 1), lambda i: (i, 0)),
        ],
        out_shape=[
            jax.ShapeDtypeStruct((N, D), jnp.float32),
            jax.ShapeDtypeStruct((N, 1), jnp.float32),
        ],
    )(degp, x, W1)


def _tc_mid_body(a_ref, y_ref, dinv_ref, b_ref, w_ref, yn_ref):
    dinv = dinv_ref[...]
    h = dinv * (a_ref[0] + a_ref[1] + y_ref[...]) + b_ref[...]
    h = jnp.maximum(h, 0.0)
    yn_ref[...] = jnp.dot(h, w_ref[...],
                          preferred_element_type=jnp.float32) * dinv


def _tc_mid(a, y, dinv, b, W):
    return pl.pallas_call(
        _tc_mid_body,
        grid=(G,),
        in_specs=[
            pl.BlockSpec((NC, RB, D), lambda i: (0, i, 0)),
            pl.BlockSpec((RB, D), lambda i: (i, 0)),
            pl.BlockSpec((RB, 1), lambda i: (i, 0)),
            pl.BlockSpec((1, D), lambda i: (0, 0)),
            pl.BlockSpec((D, D), lambda i: (0, 0)),
        ],
        out_specs=pl.BlockSpec((RB, D), lambda i: (i, 0)),
        out_shape=jax.ShapeDtypeStruct((N, D), jnp.float32),
    )(a, y, dinv, b, W)


def _tc_final_body(a_ref, y_ref, dinv_ref, b3_ref, wf1_ref, bf1_ref, wf2_ref,
                   bf2_ref, out_ref):
    h = dinv_ref[...] * (a_ref[0] + a_ref[1] + y_ref[...]) + b3_ref[...]
    h = jnp.maximum(h, 0.0)
    z = jnp.dot(h, wf1_ref[...],
                preferred_element_type=jnp.float32) + bf1_ref[...]
    z = jnp.maximum(z, 0.0)
    out_ref[...] = jnp.dot(z, wf2_ref[...],
                           preferred_element_type=jnp.float32) + bf2_ref[...]


def _tc_final(a, y, dinv, b3, Wf1, bf1, Wf2, bf2):
    return pl.pallas_call(
        _tc_final_body,
        grid=(G,),
        in_specs=[
            pl.BlockSpec((NC, RB, D), lambda i: (0, i, 0)),
            pl.BlockSpec((RB, D), lambda i: (i, 0)),
            pl.BlockSpec((RB, 1), lambda i: (i, 0)),
            pl.BlockSpec((1, D), lambda i: (0, 0)),
            pl.BlockSpec((D, D), lambda i: (0, 0)),
            pl.BlockSpec((1, D), lambda i: (0, 0)),
            pl.BlockSpec((D, NCLS), lambda i: (0, 0)),
            pl.BlockSpec((1, NCLS), lambda i: (0, 0)),
        ],
        out_specs=pl.BlockSpec((RB, NCLS), lambda i: (i, 0)),
        out_shape=jax.ShapeDtypeStruct((N, NCLS), jnp.float32),
    )(a, y, dinv, b3, Wf1, bf1, Wf2, bf2)


def kernel(x, edge_index, batch, W1, b1, W2, b2, W3, b3, Wf1, bf1, Wf2, bf2):
    src = edge_index[0]
    dst = edge_index[1]

    _sc_deg, _sc_agg = _sc_kernels()
    degp = _sc_deg(dst)
    y1, dinv = _tc1(degp.reshape(NC, N, 1), x, W1)
    a1 = _sc_agg(y1, src, dst)
    y2 = _tc_mid(a1, y1, dinv, b1.reshape(1, D), W2)
    a2 = _sc_agg(y2, src, dst)
    y3 = _tc_mid(a2, y2, dinv, b2.reshape(1, D), W3)
    a3 = _sc_agg(y3, src, dst)
    out = _tc_final(a3, y3, dinv, b3.reshape(1, D), Wf1, bf1.reshape(1, D),
                    Wf2, bf2.reshape(1, NCLS))
    return out

# --- scband reference (transcript-rebuilt; emitter-appended) ---
"""Pipeline reference for scband-gcn-3l-13288628814527 (READ-ONLY COPY).

The authoritative reference and input builder live on the scoring server;
editing this copy changes nothing except your own understanding.
"""

import jax, jax.numpy as jnp
import numpy as np

N_NODES = 10000
N_EDGES = 320000
D_NODE = 128
D_HID = 128
N_CLS = 40


def gcn_conv(x, edge_index, W, b):
    n = x.shape[0]
    src = edge_index[0]
    dst = edge_index[1]
    loop = jnp.arange(n, dtype=src.dtype)
    src = jnp.concatenate([src, loop])
    dst = jnp.concatenate([dst, loop])
    deg = jnp.zeros((n,), dtype=x.dtype).at[dst].add(1.0)
    dinv = jax.lax.rsqrt(jnp.maximum(deg, 1e-12))
    norm = dinv[src] * dinv[dst]
    xw = x @ W
    msg = xw[src] * norm[:, None]
    out = jnp.zeros((n, W.shape[1]), dtype=x.dtype).at[dst].add(msg)
    return out + b


def setup_inputs(seed: int = 0) -> dict:
    key = jax.random.key(seed)
    ks = jax.random.split(key, 16)
    x = jax.random.normal(ks[0], (N_NODES, D_NODE), dtype=jnp.float32)
    edge_index = jax.random.randint(ks[1], (2, N_EDGES), 0, N_NODES, dtype=jnp.int64 if jax.config.jax_enable_x64 else jnp.int32).astype(jnp.int32)
    batch = jnp.zeros((N_NODES,), dtype=jnp.int32)
    s1 = 1.0 / np.sqrt(D_NODE)
    s2 = 1.0 / np.sqrt(D_HID)
    W1 = jax.random.uniform(ks[2], (D_NODE, D_HID), minval=-s1, maxval=s1, dtype=jnp.float32)
    b1 = jnp.zeros((D_HID,), dtype=jnp.float32)
    W2 = jax.random.uniform(ks[3], (D_HID, D_HID), minval=-s2, maxval=s2, dtype=jnp.float32)
    b2 = jnp.zeros((D_HID,), dtype=jnp.float32)
    W3 = jax.random.uniform(ks[4], (D_HID, D_HID), minval=-s2, maxval=s2, dtype=jnp.float32)
    b3 = jnp.zeros((D_HID,), dtype=jnp.float32)
    Wf1 = jax.random.uniform(ks[5], (D_HID, D_HID), minval=-s2, maxval=s2, dtype=jnp.float32)
    bf1 = jax.random.uniform(ks[6], (D_HID,), minval=-s2, maxval=s2, dtype=jnp.float32)
    Wf2 = jax.random.uniform(ks[7], (D_HID, N_CLS), minval=-s2, maxval=s2, dtype=jnp.float32)
    bf2 = jax.random.uniform(ks[8], (N_CLS,), minval=-s2, maxval=s2, dtype=jnp.float32)
    return {"x": x, "edge_index": edge_index, "batch": batch,
            "W1": W1, "b1": b1, "W2": W2, "b2": b2, "W3": W3, "b3": b3,
            "Wf1": Wf1, "bf1": bf1, "Wf2": Wf2, "bf2": bf2}


def reference(x, edge_index, batch, W1, b1, W2, b2, W3, b3, Wf1, bf1, Wf2, bf2):
    h = jax.nn.relu(gcn_conv(x, edge_index, W1, b1))
    h = jax.nn.relu(gcn_conv(h, edge_index, W2, b2))
    h = jax.nn.relu(gcn_conv(h, edge_index, W3, b3))
    # readout: IdenticalPool (node-level) -> identity; batch unused
    h = jax.nn.relu(h @ Wf1 + bf1)
    # dropout is identity in eval mode
    out = h @ Wf2 + bf2
    return out

if __name__ == "__main__":
    import jax
    _d = setup_inputs()
    print(jax.jit(kernel)(*tuple(_d.values())))

</pallas_src>

<mosaic_0001>
#map = affine_map<(d0, d1) -> (0, 0)>
#map1 = affine_map<(d0, d1) -> (0)>
#map2 = affine_map<(d0, d1) -> (0, 0, 0)>
module attributes {stable_mosaic.version = 14 : i64} {
  func.func @_sc_agg_body(%arg0: i32, %arg1: i32, %arg2: memref<10000x128xf32, #tpu.memory_space<hbm>>, %arg3: memref<320000xi32, #tpu.memory_space<hbm>>, %arg4: memref<320000xi32, #tpu.memory_space<hbm>>, %arg5: memref<2x10000x128xf32, #tpu.memory_space<hbm>>, %arg6: memref<128xi32, #tpu.memory_space<vmem>>, %arg7: memref<128xi32, #tpu.memory_space<vmem>>, %arg8: memref<128xi32, #tpu.memory_space<vmem>>, %arg9: memref<128xi32, #tpu.memory_space<vmem>>, %arg10: memref<128xi32, #tpu.memory_space<vmem>>, %arg11: memref<128xi32, #tpu.memory_space<vmem>>, %arg12: memref<128x128xf32, #tpu.memory_space<vmem>>, %arg13: memref<128x128xf32, #tpu.memory_space<vmem>>, %arg14: memref<128x128xf32, #tpu.memory_space<vmem>>, %arg15: memref<10000x128xf32, #tpu.memory_space<vmem_shared>>, %arg16: memref<!tpu.dma_semaphore, #tpu.memory_space<semaphore_mem>>, %arg17: memref<!tpu.dma_semaphore, #tpu.memory_space<semaphore_mem>>, %arg18: memref<!tpu.dma_semaphore, #tpu.memory_space<semaphore_mem>>, %arg19: memref<!tpu.dma_semaphore, #tpu.memory_space<semaphore_mem>>, %arg20: memref<!tpu.dma_semaphore, #tpu.memory_space<semaphore_mem>>, %arg21: memref<!tpu.dma_semaphore, #tpu.memory_space<semaphore_mem>>, %arg22: memref<!tpu.dma_semaphore, #tpu.memory_space<semaphore_mem>>, %arg23: memref<!tpu.dma_semaphore, #tpu.memory_space<semaphore_mem>>, %arg24: memref<!tpu.dma_semaphore, #tpu.memory_space<semaphore_mem>>) attributes {dimension_semantics = [#tpu.dimension_semantics<core_parallel>, #tpu.dimension_semantics<subcore_parallel>], iteration_bounds = array<i64: 2, 16>, scalar_prefetch = 0 : i64, scratch_operands = 19 : i64, tpu.core_type = #tpu.core_type<sc_vector_subcore>, window_params = [{transform_indices = #map}, {transform_indices = #map1}, {transform_indices = #map1}, {transform_indices = #map2}]} {
    %mul3A = arith.constant 16 : i32
    %mul3A_0 = arith.muli %arg0, %mul3A : i32
    %add3A = arith.addi %mul3A_0, %arg1 : i32
    %mul3A_1 = arith.constant 78 : i32
    %mul3A_2 = arith.muli %add3A, %mul3A_1 : i32
    %add3A_3 = arith.constant 0 : i32
    %add3A_4 = arith.addi %mul3A_2, %add3A_3 : i32
    %mul3A_5 = arith.constant 128 : i32
    %mul3A_6 = arith.muli %add3A_4, %mul3A_5 : i32
    %dma_start3A = tpu.memref_slice %arg3[%mul3A_6] : memref<320000xi32, #tpu.memory_space<hbm>> -> memref<128xi32, #tpu.memory_space<hbm>>
    %dma_start3A_7 = tpu.memref_slice %arg3[%mul3A_6] : memref<320000xi32, #tpu.memory_space<hbm>> -> memref<128xi32, #tpu.memory_space<hbm>>
    tpu.enqueue_dma source(%dma_start3A_7 : memref<128xi32, #tpu.memory_space<hbm>>) target(%arg6 : memref<128xi32, #tpu.memory_space<vmem>>) target_semaphore(%arg16 : memref<!tpu.dma_semaphore, #tpu.memory_space<semaphore_mem>>)
    %add3A_8 = arith.constant 0 : i32
    %add3A_9 = arith.addi %mul3A_2, %add3A_8 : i32
    %mul3A_10 = arith.constant 128 : i32
    %mul3A_11 = arith.muli %add3A_9, %mul3A_10 : i32
    %dma_start3A_12 = tpu.memref_slice %arg4[%mul3A_11] : memref<320000xi32, #tpu.memory_space<hbm>> -> memref<128xi32, #tpu.memory_space<hbm>>
    %dma_start3A_13 = tpu.memref_slice %arg4[%mul3A_11] : memref<320000xi32, #tpu.memory_space<hbm>> -> memref<128xi32, #tpu.memory_space<hbm>>
    tpu.enqueue_dma source(%dma_start3A_13 : memref<128xi32, #tpu.memory_space<hbm>>) target(%arg9 : memref<128xi32, #tpu.memory_space<vmem>>) target_semaphore(%arg19 : memref<!tpu.dma_semaphore, #tpu.memory_space<semaphore_mem>>)
    %add3A_14 = arith.constant 1 : i32
    %add3A_15 = arith.addi %mul3A_2, %add3A_14 : i32
    %mul3A_16 = arith.constant 128 : i32
    %mul3A_17 = arith.muli %add3A_15, %mul3A_16 : i32
    %dma_start3A_18 = tpu.memref_slice %arg3[%mul3A_17] : memref<320000xi32, #tpu.memory_space<hbm>> -> memref<128xi32, #tpu.memory_space<hbm>>
    %dma_start3A_19 = tpu.memref_slice %arg3[%mul3A_17] : memref<320000xi32, #tpu.memory_space<hbm>> -> memref<128xi32, #tpu.memory_space<hbm>>
    tpu.enqueue_dma source(%dma_start3A_19 : memref<128xi32, #tpu.memory_space<hbm>>) target(%arg7 : memref<128xi32, #tpu.memory_space<vmem>>) target_semaphore(%arg17 : memref<!tpu.dma_semaphore, #tpu.memory_space<semaphore_mem>>)
    %add3A_20 = arith.constant 1 : i32
    %add3A_21 = arith.addi %mul3A_2, %add3A_20 : i32
    %mul3A_22 = arith.constant 128 : i32
    %mul3A_23 = arith.muli %add3A_21, %mul3A_22 : i32
    %dma_start3A_24 = tpu.memref_slice %arg4[%mul3A_23] : memref<320000xi32, #tpu.memory_space<hbm>> -> memref<128xi32, #tpu.memory_space<hbm>>
    %dma_start3A_25 = tpu.memref_slice %arg4[%mul3A_23] : memref<320000xi32, #tpu.memory_space<hbm>> -> memref<128xi32, #tpu.memory_space<hbm>>
    tpu.enqueue_dma source(%dma_start3A_25 : memref<128xi32, #tpu.memory_space<hbm>>) target(%arg10 : memref<128xi32, #tpu.memory_space<vmem>>) target_semaphore(%arg20 : memref<!tpu.dma_semaphore, #tpu.memory_space<semaphore_mem>>)
    %add3A_26 = arith.constant 2 : i32
    %add3A_27 = arith.addi %mul3A_2, %add3A_26 : i32
    %mul3A_28 = arith.constant 128 : i32
    %mul3A_29 = arith.muli %add3A_27, %mul3A_28 : i32
    %dma_start3A_30 = tpu.memref_slice %arg3[%mul3A_29] : memref<320000xi32, #tpu.memory_space<hbm>> -> memref<128xi32, #tpu.memory_space<hbm>>
    %dma_start3A_31 = tpu.memref_slice %arg3[%mul3A_29] : memref<320000xi32, #tpu.memory_space<hbm>> -> memref<128xi32, #tpu.memory_space<hbm>>
    tpu.enqueue_dma source(%dma_start3A_31 : memref<128xi32, #tpu.memory_space<hbm>>) target(%arg8 : memref<128xi32, #tpu.memory_space<vmem>>) target_semaphore(%arg18 : memref<!tpu.dma_semaphore, #tpu.memory_space<semaphore_mem>>)
    %add3A_32 = arith.constant 2 : i32
    %add3A_33 = arith.addi %mul3A_2, %add3A_32 : i32
    %mul3A_34 = arith.constant 128 : i32
    %mul3A_35 = arith.muli %add3A_33, %mul3A_34 : i32
    %dma_start3A_36 = tpu.memref_slice %arg4[%mul3A_35] : memref<320000xi32, #tpu.memory_space<hbm>> -> memref<128xi32, #tpu.memory_space<hbm>>
    %dma_start3A_37 = tpu.memref_slice %arg4[%mul3A_35] : memref<320000xi32, #tpu.memory_space<hbm>> -> memref<128xi32, #tpu.memory_space<hbm>>
    tpu.enqueue_dma source(%dma_start3A_37 : memref<128xi32, #tpu.memory_space<hbm>>) target(%arg11 : memref<128xi32, #tpu.memory_space<vmem>>) target_semaphore(%arg21 : memref<!tpu.dma_semaphore, #tpu.memory_space<semaphore_mem>>)
    %add3A_38 = arith.constant 0 : i32
    %add3A_39 = arith.addi %mul3A_2, %add3A_38 : i32
    %mul3A_40 = arith.constant 128 : i32
    %mul3A_41 = arith.muli %add3A_39, %mul3A_40 : i32
    %dma_wait3A = tpu.memref_slice %arg3[%mul3A_41] : memref<320000xi32, #tpu.memory_space<hbm>> -> memref<128xi32, #tpu.memory_space<hbm>>
    %dma_wait3A_42 = tpu.memref_slice %arg3[%mul3A_41] : memref<320000xi32, #tpu.memory_space<hbm>> -> memref<128xi32, #tpu.memory_space<hbm>>
    tpu.wait_dma2 semaphore(%arg16 : memref<!tpu.dma_semaphore, #tpu.memory_space<semaphore_mem>>) src(%dma_wait3A_42 : memref<128xi32, #tpu.memory_space<hbm>>) dst(%arg6 : memref<128xi32, #tpu.memory_space<vmem>>)
    %dma_start3A_43 = arith.constant 0 : i32
    %dma_start3A_44 = arith.constant 0 : i32
    %dma_start3A_45 = tpu.memref_slice %arg2[%dma_start3A_43, %dma_start3A_44] : memref<10000x128xf32, #tpu.memory_space<hbm>> -> memref<10000x128xf32, #tpu.memory_space<hbm>>
    tpu.enqueue_indirect_dma source(%dma_start3A_45 : memref<10000x128xf32, #tpu.memory_space<hbm>>) target(%arg12 : memref<128x128xf32, #tpu.memory_space<vmem>>) offsets(%arg6 : memref<128xi32, #tpu.memory_space<vmem>>) semaphore(%arg22 : memref<!tpu.dma_semaphore, #tpu.memory_space<semaphore_mem>>)
    %add3A_46 = arith.constant 1 : i32
    %add3A_47 = arith.addi %mul3A_2, %add3A_46 : i32
    %mul3A_48 = arith.constant 128 : i32
    %mul3A_49 = arith.muli %add3A_47, %mul3A_48 : i32
    %dma_wait3A_50 = tpu.memref_slice %arg3[%mul3A_49] : memref<320000xi32, #tpu.memory_space<hbm>> -> memref<128xi32, #tpu.memory_space<hbm>>
    %dma_wait3A_51 = tpu.memref_slice %arg3[%mul3A_49] : memref<320000xi32, #tpu.memory_space<hbm>> -> memref<128xi32, #tpu.memory_space<hbm>>
    tpu.wait_dma2 semaphore(%arg17 : memref<!tpu.dma_semaphore, #tpu.memory_space<semaphore_mem>>) src(%dma_wait3A_51 : memref<128xi32, #tpu.memory_space<hbm>>) dst(%arg7 : memref<128xi32, #tpu.memory_space<vmem>>)
    %dma_start3A_52 = arith.constant 0 : i32
    %dma_start3A_53 = arith.constant 0 : i32
    %dma_start3A_54 = tpu.memref_slice %arg2[%dma_start3A_52, %dma_start3A_53] : memref<10000x128xf32, #tpu.memory_space<hbm>> -> memref<10000x128xf32, #tpu.memory_space<hbm>>
    tpu.enqueue_indirect_dma source(%dma_start3A_54 : memref<10000x128xf32, #tpu.memory_space<hbm>>) target(%arg13 : memref<128x128xf32, #tpu.memory_space<vmem>>) offsets(%arg7 : memref<128xi32, #tpu.memory_space<vmem>>) semaphore(%arg23 : memref<!tpu.dma_semaphore, #tpu.memory_space<semaphore_mem>>)
    %scan3A = arith.constant 0 : i32
    %scan3A_55 = arith.constant 0 : i32
    %scan3A_56 = arith.constant 128 : i32
    %scan3A_57 = arith.addi %scan3A_55, %scan3A_56 : i32
    %scan3A_58 = arith.constant 1 : i32
    scf.for %scan3A_127 = %scan3A_55 to %scan3A_57 step %scan3A_58  : i32 {
      %scan3A_128 = arith.constant 0 : i32
      %scan3A_129 = arith.constant 0 : i32
      %scan3A_130 = arith.constant 8 : i32
      %scan3A_131 = arith.addi %scan3A_129, %scan3A_130 : i32
      %scan3A_132 = arith.constant 1 : i32
      scf.for %scan3A_134 = %scan3A_129 to %scan3A_131 step %scan3A_132  : i32 {
        %broadcast_in_dim3A = arith.constant 0.000000e+00 : f32
        %broadcast_in_dim3A_135 = vector.broadcast %broadcast_in_dim3A : f32 to vector<16xf32>
        %mul3A_136 = arith.constant 16 : i32
        %mul3A_137 = arith.muli %scan3A_134, %mul3A_136 : i32
        %swap3A = arith.index_cast %scan3A_127 : i32 to index
        %swap3A_138 = arith.index_cast %mul3A_137 : i32 to index
        %swap3A_139 = tpu.vector_load %arg14[%swap3A, %swap3A_138] {strides = array<i32>} : memref<128x128xf32, #tpu.memory_space<vmem>>, vector<1x16xf32>,
        %swap3A_140 = vector.shape_cast %swap3A_139 : vector<1x16xf32> to vector<16xf32>
        %swap3A_141 = vector.shape_cast %broadcast_in_dim3A_135 : vector<16xf32> to vector<1x16xf32>
        tpu.vector_store %arg14[%swap3A, %swap3A_138], %swap3A_141 {strides = array<i32>} : memref<128x128xf32, #tpu.memory_space<vmem>>, vector<1x16xf32>,
      }
      %scan3A_133 = arith.constant 8 : i32
    }
    %scan3A_59 = arith.constant 128 : i32
    %mul3A_60 = arith.constant 624 : i32
    %mul3A_61 = arith.muli %arg1, %mul3A_60 : i32
    %add3A_62 = arith.constant 0 : i32
    %add3A_63 = arith.addi %mul3A_61, %add3A_62 : i32
    "tpu.region"() ({
      %run_scoped3A = tpu.sem_alloc : memref<!tpu.dma_semaphore, #tpu.memory_space<semaphore_mem>>
      %dma_start3A_127 = arith.constant 0 : i32
      %dma_start3A_128 = arith.constant 0 : i32
      %dma_start3A_129 = tpu.memref_slice %arg14[%dma_start3A_127, %dma_start3A_128] : memref<128x128xf32, #tpu.memory_space<vmem>> -> memref<104x128xf32, #tpu.memory_space<vmem>>
      %dma_start3A_130 = arith.constant 0 : i32
      %dma_start3A_131 = tpu.memref_slice %arg15[%add3A_63, %dma_start3A_130] : memref<10000x128xf32, #tpu.memory_space<vmem_shared>> -> memref<104x128xf32, #tpu.memory_space<vmem_shared>>
      %dma_start3A_132 = arith.constant 0 : i32
      %dma_start3A_133 = tpu.memref_slice %arg15[%add3A_63, %dma_start3A_132] : memref<10000x128xf32, #tpu.memory_space<vmem_shared>> -> memref<104x128xf32, #tpu.memory_space<vmem_shared>>
      %dma_start3A_134 = arith.constant 0 : i32
      %dma_start3A_135 = arith.constant 0 : i32
      %dma_start3A_136 = tpu.memref_slice %arg14[%dma_start3A_134, %dma_start3A_135] : memref<128x128xf32, #tpu.memory_space<vmem>> -> memref<104x128xf32, #tpu.memory_space<vmem>>
      tpu.enqueue_dma source(%dma_start3A_136 : memref<104x128xf32, #tpu.memory_space<vmem>>) target(%dma_start3A_133 : memref<104x128xf32, #tpu.memory_space<vmem_shared>>) target_semaphore(%run_scoped3A : memref<!tpu.dma_semaphore, #tpu.memory_space<semaphore_mem>>)
      %dma_wait3A_137 = arith.constant 0 : i32
      %dma_wait3A_138 = arith.constant 0 : i32
      %dma_wait3A_139 = tpu.memref_slice %arg14[%dma_wait3A_137, %dma_wait3A_138] : memref<128x128xf32, #tpu.memory_space<vmem>> -> memref<104x128xf32, #tpu.memory_space<vmem>>
      %dma_wait3A_140 = arith.constant 0 : i32
      %dma_wait3A_141 = tpu.memref_slice %arg15[%add3A_63, %dma_wait3A_140] : memref<10000x128xf32, #tpu.memory_space<vmem_shared>> -> memref<104x128xf32, #tpu.memory_space<vmem_shared>>
      %dma_wait3A_142 = arith.constant 0 : i32
      %dma_wait3A_143 = tpu.memref_slice %arg15[%add3A_63, %dma_wait3A_142] : memref<10000x128xf32, #tpu.memory_space<vmem_shared>> -> memref<104x128xf32, #tpu.memory_space<vmem_shared>>
      %dma_wait3A_144 = arith.constant 0 : i32
      %dma_wait3A_145 = arith.constant 0 : i32
      %dma_wait3A_146 = tpu.memref_slice %arg14[%dma_wait3A_144, %dma_wait3A_145] : memref<128x128xf32, #tpu.memory_space<vmem>> -> memref<104x128xf32, #tpu.memory_space<vmem>>
      tpu.wait_dma2 semaphore(%run_scoped3A : memref<!tpu.dma_semaphore, #tpu.memory_space<semaphore_mem>>) src(%dma_wait3A_146 : memref<104x128xf32, #tpu.memory_space<vmem>>) dst(%dma_wait3A_143 : memref<104x128xf32, #tpu.memory_space<vmem_shared>>)
      tpu.yield
    }) : () -> ()
    %mul3A_64 = arith.constant 624 : i32
    %mul3A_65 = arith.muli %arg1, %mul3A_64 : i32
    %add3A_66 = arith.constant 104 : i32
    %add3A_67 = arith.addi %mul3A_65, %add3A_66 : i32
    "tpu.region"() ({
      %run_scoped3A = tpu.sem_alloc : memref<!tpu.dma_semaphore, #tpu.memory_space<semaphore_mem>>
      %dma_start3A_127 = arith.constant 0 : i32
      %dma_start3A_128 = arith.constant 0 : i32
      %dma_start3A_129 = tpu.memref_slice %arg14[%dma_start3A_127, %dma_start3A_128] : memref<128x128xf32, #tpu.memory_space<vmem>> -> memref<104x128xf32, #tpu.memory_space<vmem>>
      %dma_start3A_130 = arith.constant 0 : i32
      %dma_start3A_131 = tpu.memref_slice %arg15[%add3A_67, %dma_start3A_130] : memref<10000x128xf32, #tpu.memory_space<vmem_shared>> -> memref<104x128xf32, #tpu.memory_space<vmem_shared>>
      %dma_start3A_132 = arith.constant 0 : i32
      %dma_start3A_133 = tpu.memref_slice %arg15[%add3A_67, %dma_start3A_132] : memref<10000x128xf32, #tpu.memory_space<vmem_shared>> -> memref<104x128xf32, #tpu.memory_space<vmem_shared>>
      %dma_start3A_134 = arith.constant 0 : i32
      %dma_start3A_135 = arith.constant 0 : i32
      %dma_start3A_136 = tpu.memref_slice %arg14[%dma_start3A_134, %dma_start3A_135] : memref<128x128xf32, #tpu.memory_space<vmem>> -> memref<104x128xf32, #tpu.memory_space<vmem>>
      tpu.enqueue_dma source(%dma_start3A_136 : memref<104x128xf32, #tpu.memory_space<vmem>>) target(%dma_start3A_133 : memref<104x128xf32, #tpu.memory_space<vmem_shared>>) target_semaphore(%run_scoped3A : memref<!tpu.dma_semaphore, #tpu.memory_space<semaphore_mem>>)
      %dma_wait3A_137 = arith.constant 0 : i32
      %dma_wait3A_138 = arith.constant 0 : i32
      %dma_wait3A_139 = tpu.memref_slice %arg14[%dma_wait3A_137, %dma_wait3A_138] : memref<128x128xf32, #tpu.memory_space<vmem>> -> memref<104x128xf32, #tpu.memory_space<vmem>>
      %dma_wait3A_140 = arith.constant 0 : i32
      %dma_wait3A_141 = tpu.memref_slice %arg15[%add3A_67, %dma_wait3A_140] : memref<10000x128xf32, #tpu.memory_space<vmem_shared>> -> memref<104x128xf32, #tpu.memory_space<vmem_shared>>
      %dma_wait3A_142 = arith.constant 0 : i32
      %dma_wait3A_143 = tpu.memref_slice %arg15[%add3A_67, %dma_wait3A_142] : memref<10000x128xf32, #tpu.memory_space<vmem_shared>> -> memref<104x128xf32, #tpu.memory_space<vmem_shared>>
      %dma_wait3A_144 = arith.constant 0 : i32
      %dma_wait3A_145 = arith.constant 0 : i32
      %dma_wait3A_146 = tpu.memref_slice %arg14[%dma_wait3A_144, %dma_wait3A_145] : memref<128x128xf32, #tpu.memory_space<vmem>> -> memref<104x128xf32, #tpu.memory_space<vmem>>
      tpu.wait_dma2 semaphore(%run_scoped3A : memref<!tpu.dma_semaphore, #tpu.memory_space<semaphore_mem>>) src(%dma_wait3A_146 : memref<104x128xf32, #tpu.memory_space<vmem>>) dst(%dma_wait3A_143 : memref<104x128xf32, #tpu.memory_space<vmem_shared>>)
      tpu.yield
    }) : () -> ()
    %mul3A_68 = arith.constant 624 : i32
    %mul3A_69 = arith.muli %arg1, %mul3A_68 : i32
    %add3A_70 = arith.constant 208 : i32
    %add3A_71 = arith.addi %mul3A_69, %add3A_70 : i32
    "tpu.region"() ({
      %run_scoped3A = tpu.sem_alloc : memref<!tpu.dma_semaphore, #tpu.memory_space<semaphore_mem>>
      %dma_start3A_127 = arith.constant 0 : i32
      %dma_start3A_128 = arith.constant 0 : i32
      %dma_start3A_129 = tpu.memref_slice %arg14[%dma_start3A_127, %dma_start3A_128] : memref<128x128xf32, #tpu.memory_space<vmem>> -> memref<104x128xf32, #tpu.memory_space<vmem>>
      %dma_start3A_130 = arith.constant 0 : i32
      %dma_start3A_131 = tpu.memref_slice %arg15[%add3A_71, %dma_start3A_130] : memref<10000x128xf32, #tpu.memory_space<vmem_shared>> -> memref<104x128xf32, #tpu.memory_space<vmem_shared>>
      %dma_start3A_132 = arith.constant 0 : i32
      %dma_start3A_133 = tpu.memref_slice %arg15[%add3A_71, %dma_start3A_132] : memref<10000x128xf32, #tpu.memory_space<vmem_shared>> -> memref<104x128xf32, #tpu.memory_space<vmem_shared>>
      %dma_start3A_134 = arith.constant 0 : i32
      %dma_start3A_135 = arith.constant 0 : i32
      %dma_start3A_136 = tpu.memref_slice %arg14[%dma_start3A_134, %dma_start3A_135] : memref<128x128xf32, #tpu.memory_space<vmem>> -> memref<104x128xf32, #tpu.memory_space<vmem>>
      tpu.enqueue_dma source(%dma_start3A_136 : memref<104x128xf32, #tpu.memory_space<vmem>>) target(%dma_start3A_133 : memref<104x128xf32, #tpu.memory_space<vmem_shared>>) target_semaphore(%run_scoped3A : memref<!tpu.dma_semaphore, #tpu.memory_space<semaphore_mem>>)
      %dma_wait3A_137 = arith.constant 0 : i32
      %dma_wait3A_138 = arith.constant 0 : i32
      %dma_wait3A_139 = tpu.memref_slice %arg14[%dma_wait3A_137, %dma_wait3A_138] : memref<128x128xf32, #tpu.memory_space<vmem>> -> memref<104x128xf32, #tpu.memory_space<vmem>>
      %dma_wait3A_140 = arith.constant 0 : i32
      %dma_wait3A_141 = tpu.memref_slice %arg15[%add3A_71, %dma_wait3A_140] : memref<10000x128xf32, #tpu.memory_space<vmem_shared>> -> memref<104x128xf32, #tpu.memory_space<vmem_shared>>
      %dma_wait3A_142 = arith.constant 0 : i32
      %dma_wait3A_143 = tpu.memref_slice %arg15[%add3A_71, %dma_wait3A_142] : memref<10000x128xf32, #tpu.memory_space<vmem_shared>> -> memref<104x128xf32, #tpu.memory_space<vmem_shared>>
      %dma_wait3A_144 = arith.constant 0 : i32
      %dma_wait3A_145 = arith.constant 0 : i32
      %dma_wait3A_146 = tpu.memref_slice %arg14[%dma_wait3A_144, %dma_wait3A_145] : memref<128x128xf32, #tpu.memory_space<vmem>> -> memref<104x128xf32, #tpu.memory_space<vmem>>
      tpu.wait_dma2 semaphore(%run_scoped3A : memref<!tpu.dma_semaphore, #tpu.memory_space<semaphore_mem>>) src(%dma_wait3A_146 : memref<104x128xf32, #tpu.memory_space<vmem>>) dst(%dma_wait3A_143 : memref<104x128xf32, #tpu.memory_space<vmem_shared>>)
      tpu.yield
    }) : () -> ()
    %mul3A_72 = arith.constant 624 : i32
    %mul3A_73 = arith.muli %arg1, %mul3A_72 : i32
    %add3A_74 = arith.constant 312 : i32
    %add3A_75 = arith.addi %mul3A_73, %add3A_74 : i32
    "tpu.region"() ({
      %run_scoped3A = tpu.sem_alloc : memref<!tpu.dma_semaphore, #tpu.memory_space<semaphore_mem>>
      %dma_start3A_127 = arith.constant 0 : i32
      %dma_start3A_128 = arith.constant 0 : i32
      %dma_start3A_129 = tpu.memref_slice %arg14[%dma_start3A_127, %dma_start3A_128] : memref<128x128xf32, #tpu.memory_space<vmem>> -> memref<104x128xf32, #tpu.memory_space<vmem>>
      %dma_start3A_130 = arith.constant 0 : i32
      %dma_start3A_131 = tpu.memref_slice %arg15[%add3A_75, %dma_start3A_130] : memref<10000x128xf32, #tpu.memory_space<vmem_shared>> -> memref<104x128xf32, #tpu.memory_space<vmem_shared>>
      %dma_start3A_132 = arith.constant 0 : i32
      %dma_start3A_133 = tpu.memref_slice %arg15[%add3A_75, %dma_start3A_132] : memref<10000x128xf32, #tpu.memory_space<vmem_shared>> -> memref<104x128xf32, #tpu.memory_space<vmem_shared>>
      %dma_start3A_134 = arith.constant 0 : i32
      %dma_start3A_135 = arith.constant 0 : i32
      %dma_start3A_136 = tpu.memref_slice %arg14[%dma_start3A_134, %dma_start3A_135] : memref<128x128xf32, #tpu.memory_space<vmem>> -> memref<104x128xf32, #tpu.memory_space<vmem>>
      tpu.enqueue_dma source(%dma_start3A_136 : memref<104x128xf32, #tpu.memory_space<vmem>>) target(%dma_start3A_133 : memref<104x128xf32, #tpu.memory_space<vmem_shared>>) target_semaphore(%run_scoped3A : memref<!tpu.dma_semaphore, #tpu.memory_space<semaphore_mem>>)
      %dma_wait3A_137 = arith.constant 0 : i32
      %dma_wait3A_138 = arith.constant 0 : i32
      %dma_wait3A_139 = tpu.memref_slice %arg14[%dma_wait3A_137, %dma_wait3A_138] : memref<128x128xf32, #tpu.memory_space<vmem>> -> memref<104x128xf32, #tpu.memory_space<vmem>>
      %dma_wait3A_140 = arith.constant 0 : i32
      %dma_wait3A_141 = tpu.memref_slice %arg15[%add3A_75, %dma_wait3A_140] : memref<10000x128xf32, #tpu.memory_space<vmem_shared>> -> memref<104x128xf32, #tpu.memory_space<vmem_shared>>
      %dma_wait3A_142 = arith.constant 0 : i32
      %dma_wait3A_143 = tpu.memref_slice %arg15[%add3A_75, %dma_wait3A_142] : memref<10000x128xf32, #tpu.memory_space<vmem_shared>> -> memref<104x128xf32, #tpu.memory_space<vmem_shared>>
      %dma_wait3A_144 = arith.constant 0 : i32
      %dma_wait3A_145 = arith.constant 0 : i32
      %dma_wait3A_146 = tpu.memref_slice %arg14[%dma_wait3A_144, %dma_wait3A_145] : memref<128x128xf32, #tpu.memory_space<vmem>> -> memref<104x128xf32, #tpu.memory_space<vmem>>
      tpu.wait_dma2 semaphore(%run_scoped3A : memref<!tpu.dma_semaphore, #tpu.memory_space<semaphore_mem>>) src(%dma_wait3A_146 : memref<104x128xf32, #tpu.memory_space<vmem>>) dst(%dma_wait3A_143 : memref<104x128xf32, #tpu.memory_space<vmem_shared>>)
      tpu.yield
    }) : () -> ()
    %mul3A_76 = arith.constant 624 : i32
    %mul3A_77 = arith.muli %arg1, %mul3A_76 : i32
    %add3A_78 = arith.constant 416 : i32
    %add3A_79 = arith.addi %mul3A_77, %add3A_78 : i32
    "tpu.region"() ({
      %run_scoped3A = tpu.sem_alloc : memref<!tpu.dma_semaphore, #tpu.memory_space<semaphore_mem>>
      %dma_start3A_127 = arith.constant 0 : i32
      %dma_start3A_128 = arith.constant 0 : i32
      %dma_start3A_129 = tpu.memref_slice %arg14[%dma_start3A_127, %dma_start3A_128] : memref<128x128xf32, #tpu.memory_space<vmem>> -> memref<104x128xf32, #tpu.memory_space<vmem>>
      %dma_start3A_130 = arith.constant 0 : i32
      %dma_start3A_131 = tpu.memref_slice %arg15[%add3A_79, %dma_start3A_130] : memref<10000x128xf32, #tpu.memory_space<vmem_shared>> -> memref<104x128xf32, #tpu.memory_space<vmem_shared>>
      %dma_start3A_132 = arith.constant 0 : i32
      %dma_start3A_133 = tpu.memref_slice %arg15[%add3A_79, %dma_start3A_132] : memref<10000x128xf32, #tpu.memory_space<vmem_shared>> -> memref<104x128xf32, #tpu.memory_space<vmem_shared>>
      %dma_start3A_134 = arith.constant 0 : i32
      %dma_start3A_135 = arith.constant 0 : i32
      %dma_start3A_136 = tpu.memref_slice %arg14[%dma_start3A_134, %dma_start3A_135] : memref<128x128xf32, #tpu.memory_space<vmem>> -> memref<104x128xf32, #tpu.memory_space<vmem>>
      tpu.enqueue_dma source(%dma_start3A_136 : memref<104x128xf32, #tpu.memory_space<vmem>>) target(%dma_start3A_133 : memref<104x128xf32, #tpu.memory_space<vmem_shared>>) target_semaphore(%run_scoped3A : memref<!tpu.dma_semaphore, #tpu.memory_space<semaphore_mem>>)
      %dma_wait3A_137 = arith.constant 0 : i32
      %dma_wait3A_138 = arith.constant 0 : i32
      %dma_wait3A_139 = tpu.memref_slice %arg14[%dma_wait3A_137, %dma_wait3A_138] : memref<128x128xf32, #tpu.memory_space<vmem>> -> memref<104x128xf32, #tpu.memory_space<vmem>>
      %dma_wait3A_140 = arith.constant 0 : i32
      %dma_wait3A_141 = tpu.memref_slice %arg15[%add3A_79, %dma_wait3A_140] : memref<10000x128xf32, #tpu.memory_space<vmem_shared>> -> memref<104x128xf32, #tpu.memory_space<vmem_shared>>
      %dma_wait3A_142 = arith.constant 0 : i32
      %dma_wait3A_143 = tpu.memref_slice %arg15[%add3A_79, %dma_wait3A_142] : memref<10000x128xf32, #tpu.memory_space<vmem_shared>> -> memref<104x128xf32, #tpu.memory_space<vmem_shared>>
      %dma_wait3A_144 = arith.constant 0 : i32
      %dma_wait3A_145 = arith.constant 0 : i32
      %dma_wait3A_146 = tpu.memref_slice %arg14[%dma_wait3A_144, %dma_wait3A_145] : memref<128x128xf32, #tpu.memory_space<vmem>> -> memref<104x128xf32, #tpu.memory_space<vmem>>
      tpu.wait_dma2 semaphore(%run_scoped3A : memref<!tpu.dma_semaphore, #tpu.memory_space<semaphore_mem>>) src(%dma_wait3A_146 : memref<104x128xf32, #tpu.memory_space<vmem>>) dst(%dma_wait3A_143 : memref<104x128xf32, #tpu.memory_space<vmem_shared>>)
      tpu.yield
    }) : () -> ()
    %mul3A_80 = arith.constant 624 : i32
    %mul3A_81 = arith.muli %arg1, %mul3A_80 : i32
    %add3A_82 = arith.constant 520 : i32
    %add3A_83 = arith.addi %mul3A_81, %add3A_82 : i32
    "tpu.region"() ({
      %run_scoped3A = tpu.sem_alloc : memref<!tpu.dma_semaphore, #tpu.memory_space<semaphore_mem>>
      %dma_start3A_127 = arith.constant 0 : i32
      %dma_start3A_128 = arith.constant 0 : i32
      %dma_start3A_129 = tpu.memref_slice %arg14[%dma_start3A_127, %dma_start3A_128] : memref<128x128xf32, #tpu.memory_space<vmem>> -> memref<104x128xf32, #tpu.memory_space<vmem>>
      %dma_start3A_130 = arith.constant 0 : i32
      %dma_start3A_131 = tpu.memref_slice %arg15[%add3A_83, %dma_start3A_130] : memref<10000x128xf32, #tpu.memory_space<vmem_shared>> -> memref<104x128xf32, #tpu.memory_space<vmem_shared>>
      %dma_start3A_132 = arith.constant 0 : i32
      %dma_start3A_133 = tpu.memref_slice %arg15[%add3A_83, %dma_start3A_132] : memref<10000x128xf32, #tpu.memory_space<vmem_shared>> -> memref<104x128xf32, #tpu.memory_space<vmem_shared>>
      %dma_start3A_134 = arith.constant 0 : i32
      %dma_start3A_135 = arith.constant 0 : i32
      %dma_start3A_136 = tpu.memref_slice %arg14[%dma_start3A_134, %dma_start3A_135] : memref<128x128xf32, #tpu.memory_space<vmem>> -> memref<104x128xf32, #tpu.memory_space<vmem>>
      tpu.enqueue_dma source(%dma_start3A_136 : memref<104x128xf32, #tpu.memory_space<vmem>>) target(%dma_start3A_133 : memref<104x128xf32, #tpu.memory_space<vmem_shared>>) target_semaphore(%run_scoped3A : memref<!tpu.dma_semaphore, #tpu.memory_space<semaphore_mem>>)
      %dma_wait3A_137 = arith.constant 0 : i32
      %dma_wait3A_138 = arith.constant 0 : i32
      %dma_wait3A_139 = tpu.memref_slice %arg14[%dma_wait3A_137, %dma_wait3A_138] : memref<128x128xf32, #tpu.memory_space<vmem>> -> memref<104x128xf32, #tpu.memory_space<vmem>>
      %dma_wait3A_140 = arith.constant 0 : i32
      %dma_wait3A_141 = tpu.memref_slice %arg15[%add3A_83, %dma_wait3A_140] : memref<10000x128xf32, #tpu.memory_space<vmem_shared>> -> memref<104x128xf32, #tpu.memory_space<vmem_shared>>
      %dma_wait3A_142 = arith.constant 0 : i32
      %dma_wait3A_143 = tpu.memref_slice %arg15[%add3A_83, %dma_wait3A_142] : memref<10000x128xf32, #tpu.memory_space<vmem_shared>> -> memref<104x128xf32, #tpu.memory_space<vmem_shared>>
      %dma_wait3A_144 = arith.constant 0 : i32
      %dma_wait3A_145 = arith.constant 0 : i32
      %dma_wait3A_146 = tpu.memref_slice %arg14[%dma_wait3A_144, %dma_wait3A_145] : memref<128x128xf32, #tpu.memory_space<vmem>> -> memref<104x128xf32, #tpu.memory_space<vmem>>
      tpu.wait_dma2 semaphore(%run_scoped3A : memref<!tpu.dma_semaphore, #tpu.memory_space<semaphore_mem>>) src(%dma_wait3A_146 : memref<104x128xf32, #tpu.memory_space<vmem>>) dst(%dma_wait3A_143 : memref<104x128xf32, #tpu.memory_space<vmem_shared>>)
      tpu.yield
    }) : () -> ()
    %eq3A = arith.constant 15 : i32
    %eq3A_84 = arith.cmpi eq, %arg1, %eq3A : i32
    %convert_element_type3A = arith.extui %eq3A_84 : i1 to i32
    %cond3A = arith.constant 0 : i32
    %cond3A_85 = arith.cmpi ne, %convert_element_type3A, %cond3A : i32
    scf.if %cond3A_85 {
      "tpu.region"() ({
        %run_scoped3A = tpu.sem_alloc : memref<!tpu.dma_semaphore, #tpu.memory_space<semaphore_mem>>
        %dma_start3A_127 = arith.constant 0 : i32
        %dma_start3A_128 = arith.constant 0 : i32
        %dma_start3A_129 = tpu.memref_slice %arg14[%dma_start3A_127, %dma_start3A_128] : memref<128x128xf32, #tpu.memory_space<vmem>> -> memref<16x128xf32, #tpu.memory_space<vmem>>
        %dma_start3A_130 = arith.constant 9984 : i32
        %dma_start3A_131 = arith.constant 0 : i32
        %dma_start3A_132 = tpu.memref_slice %arg15[%dma_start3A_130, %dma_start3A_131] : memref<10000x128xf32, #tpu.memory_space<vmem_shared>> -> memref<16x128xf32, #tpu.memory_space<vmem_shared>>
        %dma_start3A_133 = arith.constant 9984 : i32
        %dma_start3A_134 = arith.constant 0 : i32
        %dma_start3A_135 = tpu.memref_slice %arg15[%dma_start3A_133, %dma_start3A_134] : memref<10000x128xf32, #tpu.memory_space<vmem_shared>> -> memref<16x128xf32, #tpu.memory_space<vmem_shared>>
        %dma_start3A_136 = arith.constant 0 : i32
        %dma_start3A_137 = arith.constant 0 : i32
        %dma_start3A_138 = tpu.memref_slice %arg14[%dma_start3A_136, %dma_start3A_137] : memref<128x128xf32, #tpu.memory_space<vmem>> -> memref<16x128xf32, #tpu.memory_space<vmem>>
        tpu.enqueue_dma source(%dma_start3A_138 : memref<16x128xf32, #tpu.memory_space<vmem>>) target(%dma_start3A_135 : memref<16x128xf32, #tpu.memory_space<vmem_shared>>) target_semaphore(%run_scoped3A : memref<!tpu.dma_semaphore, #tpu.memory_space<semaphore_mem>>)
        %dma_wait3A_139 = arith.constant 0 : i32
        %dma_wait3A_140 = arith.constant 0 : i32
        %dma_wait3A_141 = tpu.memref_slice %arg14[%dma_wait3A_139, %dma_wait3A_140] : memref<128x128xf32, #tpu.memory_space<vmem>> -> memref<16x128xf32, #tpu.memory_space<vmem>>
        %dma_wait3A_142 = arith.constant 9984 : i32
        %dma_wait3A_143 = arith.constant 0 : i32
        %dma_wait3A_144 = tpu.memref_slice %arg15[%dma_wait3A_142, %dma_wait3A_143] : memref<10000x128xf32, #tpu.memory_space<vmem_shared>> -> memref<16x128xf32, #tpu.memory_space<vmem_shared>>
        %dma_wait3A_145 = arith.constant 9984 : i32
        %dma_wait3A_146 = arith.constant 0 : i32
        %dma_wait3A_147 = tpu.memref_slice %arg15[%dma_wait3A_145, %dma_wait3A_146] : memref<10000x128xf32, #tpu.memory_space<vmem_shared>> -> memref<16x128xf32, #tpu.memory_space<vmem_shared>>
        %dma_wait3A_148 = arith.constant 0 : i32
        %dma_wait3A_149 = arith.constant 0 : i32
        %dma_wait3A_150 = tpu.memref_slice %arg14[%dma_wait3A_148, %dma_wait3A_149] : memref<128x128xf32, #tpu.memory_space<vmem>> -> memref<16x128xf32, #tpu.memory_space<vmem>>
        tpu.wait_dma2 semaphore(%run_scoped3A : memref<!tpu.dma_semaphore, #tpu.memory_space<semaphore_mem>>) src(%dma_wait3A_150 : memref<16x128xf32, #tpu.memory_space<vmem>>) dst(%dma_wait3A_147 : memref<16x128xf32, #tpu.memory_space<vmem_shared>>)
        tpu.yield
      }) : () -> ()
    } else {
    }
    %barrier3A = arith.constant 0 : index
    tpu.barrier barrier_id(%barrier3A)
    %scan3A_86 = arith.constant 0 : i32
    %scan3A_87 = arith.constant 0 : i32
    %scan3A_88 = arith.constant 26 : i32
    %scan3A_89 = arith.addi %scan3A_87, %scan3A_88 : i32
    %scan3A_90 = arith.constant 1 : i32
    scf.for %scan3A_127 = %scan3A_87 to %scan3A_89 step %scan3A_90  : i32 {
      %mul3A_128 = arith.constant 3 : i32
      %mul3A_129 = arith.muli %mul3A_128, %scan3A_127 : i32
      %add3A_130 = arith.constant 0 : i32
      %add3A_131 = arith.addi %mul3A_129, %add3A_130 : i32
      %add3A_132 = arith.constant 2 : i32
      %add3A_133 = arith.addi %add3A_131, %add3A_132 : i32
      %lt3A = arith.constant 78 : i32
      %lt3A_134 = arith.cmpi slt, %add3A_133, %lt3A : i32
      %convert_element_type3A_135 = arith.extui %lt3A_134 : i1 to i32
      %cond3A_136 = arith.constant 0 : i32
      %cond3A_137 = arith.cmpi ne, %convert_element_type3A_135, %cond3A_136 : i32
      scf.if %cond3A_137 {
        %add3A_213 = arith.constant 0 : i32
        %add3A_214 = arith.addi %mul3A_129, %add3A_213 : i32
        %add3A_215 = arith.constant 2 : i32
        %add3A_216 = arith.addi %add3A_214, %add3A_215 : i32
        %add3A_217 = arith.addi %mul3A_2, %add3A_216 : i32
        %mul3A_218 = arith.constant 128 : i32
        %mul3A_219 = arith.muli %add3A_217, %mul3A_218 : i32
        %dma_wait3A_220 = tpu.memref_slice %arg3[%mul3A_219] : memref<320000xi32, #tpu.memory_space<hbm>> -> memref<128xi32, #tpu.memory_space<hbm>>
        %dma_wait3A_221 = tpu.memref_slice %arg3[%mul3A_219] : memref<320000xi32, #tpu.memory_space<hbm>> -> memref<128xi32, #tpu.memory_space<hbm>>
        tpu.wait_dma2 semaphore(%arg18 : memref<!tpu.dma_semaphore, #tpu.memory_space<semaphore_mem>>) src(%dma_wait3A_221 : memref<128xi32, #tpu.memory_space<hbm>>) dst(%arg8 : memref<128xi32, #tpu.memory_space<vmem>>)
        %dma_start3A_222 = arith.constant 0 : i32
        %dma_start3A_223 = arith.constant 0 : i32
        %dma_start3A_224 = tpu.memref_slice %arg2[%dma_start3A_222, %dma_start3A_223] : memref<10000x128xf32, #tpu.memory_space<hbm>> -> memref<10000x128xf32, #tpu.memory_space<hbm>>
        tpu.enqueue_indirect_dma source(%dma_start3A_224 : memref<10000x128xf32, #tpu.memory_space<hbm>>) target(%arg14 : memref<128x128xf32, #tpu.memory_space<vmem>>) offsets(%arg8 : memref<128xi32, #tpu.memory_space<vmem>>) semaphore(%arg24 : memref<!tpu.dma_semaphore, #tpu.memory_space<semaphore_mem>>)
      } else {
      }
      %add3A_138 = arith.constant 0 : i32
      %add3A_139 = arith.addi %mul3A_129, %add3A_138 : i32
      %dma_wait3A_140 = arith.constant 0 : i32
      %dma_wait3A_141 = arith.constant 0 : i32
      %dma_wait3A_142 = tpu.memref_slice %arg2[%dma_wait3A_140, %dma_wait3A_141] : memref<10000x128xf32, #tpu.memory_space<hbm>> -> memref<10000x128xf32, #tpu.memory_space<hbm>>
      tpu.wait_indirect_dma semaphore(%arg22 : memref<!tpu.dma_semaphore, #tpu.memory_space<semaphore_mem>>) src(%dma_wait3A_142 : memref<10000x128xf32, #tpu.memory_space<hbm>>) dst(%arg12 : memref<128x128xf32, #tpu.memory_space<vmem>>)
      %add3A_143 = arith.addi %mul3A_2, %add3A_139 : i32
      %mul3A_144 = arith.constant 128 : i32
      %mul3A_145 = arith.muli %add3A_143, %mul3A_144 : i32
      %dma_wait3A_146 = tpu.memref_slice %arg4[%mul3A_145] : memref<320000xi32, #tpu.memory_space<hbm>> -> memref<128xi32, #tpu.memory_space<hbm>>
      %dma_wait3A_147 = tpu.memref_slice %arg4[%mul3A_145] : memref<320000xi32, #tpu.memory_space<hbm>> -> memref<128xi32, #tpu.memory_space<hbm>>
      tpu.wait_dma2 semaphore(%arg19 : memref<!tpu.dma_semaphore, #tpu.memory_space<semaphore_mem>>) src(%dma_wait3A_147 : memref<128xi32, #tpu.memory_space<hbm>>) dst(%arg9 : memref<128xi32, #tpu.memory_space<vmem>>)
      "tpu.region"() ({
        %run_scoped3A = tpu.sem_alloc : memref<!tpu.dma_semaphore, #tpu.memory_space<semaphore_mem>>
        %dma_start3A_213 = arith.constant 0 : i32
        %dma_start3A_214 = arith.constant 0 : i32
        %dma_start3A_215 = tpu.memref_slice %arg15[%dma_start3A_213, %dma_start3A_214] : memref<10000x128xf32, #tpu.memory_space<vmem_shared>> -> memref<10000x128xf32, #tpu.memory_space<vmem_shared>>
        tpu.enqueue_indirect_dma source(%arg12 : memref<128x128xf32, #tpu.memory_space<vmem>>) target(%dma_start3A_215 : memref<10000x128xf32, #tpu.memory_space<vmem_shared>>) offsets(%arg9 : memref<128xi32, #tpu.memory_space<vmem>>) semaphore(%run_scoped3A : memref<!tpu.dma_semaphore, #tpu.memory_space<semaphore_mem>>) {add = true}
        %dma_wait3A_216 = arith.constant 0 : i32
        %dma_wait3A_217 = arith.constant 0 : i32
        %dma_wait3A_218 = tpu.memref_slice %arg15[%dma_wait3A_216, %dma_wait3A_217] : memref<10000x128xf32, #tpu.memory_space<vmem_shared>> -> memref<10000x128xf32, #tpu.memory_space<vmem_shared>>
        tpu.wait_indirect_dma semaphore(%run_scoped3A : memref<!tpu.dma_semaphore, #tpu.memory_space<semaphore_mem>>) src(%arg12 : memref<128x128xf32, #tpu.memory_space<vmem>>) dst(%dma_wait3A_218 : memref<10000x128xf32, #tpu.memory_space<vmem_shared>>)
        tpu.yield
      }) : () -> ()
      %add3A_148 = arith.constant 0 : i32
      %add3A_149 = arith.addi %mul3A_129, %add3A_148 : i32
      %add3A_150 = arith.constant 3 : i32
      %add3A_151 = arith.addi %add3A_149, %add3A_150 : i32
      %lt3A_152 = arith.constant 78 : i32
      %lt3A_153 = arith.cmpi slt, %add3A_151, %lt3A_152 : i32
      %convert_element_type3A_154 = arith.extui %lt3A_153 : i1 to i32
      %cond3A_155 = arith.constant 0 : i32
      %cond3A_156 = arith.cmpi ne, %convert_element_type3A_154, %cond3A_155 : i32
      scf.if %cond3A_156 {
        %add3A_213 = arith.constant 0 : i32
        %add3A_214 = arith.addi %mul3A_129, %add3A_213 : i32
        %add3A_215 = arith.constant 3 : i32
        %add3A_216 = arith.addi %add3A_214, %add3A_215 : i32
        %add3A_217 = arith.addi %mul3A_2, %add3A_216 : i32
        %mul3A_218 = arith.constant 128 : i32
        %mul3A_219 = arith.muli %add3A_217, %mul3A_218 : i32
        %dma_start3A_220 = tpu.memref_slice %arg3[%mul3A_219] : memref<320000xi32, #tpu.memory_space<hbm>> -> memref<128xi32, #tpu.memory_space<hbm>>
        %dma_start3A_221 = tpu.memref_slice %arg3[%mul3A_219] : memref<320000xi32, #tpu.memory_space<hbm>> -> memref<128xi32, #tpu.memory_space<hbm>>
        tpu.enqueue_dma source(%dma_start3A_221 : memref<128xi32, #tpu.memory_space<hbm>>) target(%arg6 : memref<128xi32, #tpu.memory_space<vmem>>) target_semaphore(%arg16 : memref<!tpu.dma_semaphore, #tpu.memory_space<semaphore_mem>>)
        %add3A_222 = arith.addi %mul3A_2, %add3A_216 : i32
        %mul3A_223 = arith.constant 128 : i32
        %mul3A_224 = arith.muli %add3A_222, %mul3A_223 : i32
        %dma_start3A_225 = tpu.memref_slice %arg4[%mul3A_224] : memref<320000xi32, #tpu.memory_space<hbm>> -> memref<128xi32, #tpu.memory_space<hbm>>
        %dma_start3A_226 = tpu.memref_slice %arg4[%mul3A_224] : memref<320000xi32, #tpu.memory_space<hbm>> -> memref<128xi32, #tpu.memory_space<hbm>>
        tpu.enqueue_dma source(%dma_start3A_226 : memref<128xi32, #tpu.memory_space<hbm>>) target(%arg9 : memref<128xi32, #tpu.memory_space<vmem>>) target_semaphore(%arg19 : memref<!tpu.dma_semaphore, #tpu.memory_space<semaphore_mem>>)
      } else {
      }
      %add3A_157 = arith.constant 1 : i32
      %add3A_158 = arith.addi %mul3A_129, %add3A_157 : i32
      %add3A_159 = arith.constant 2 : i32
      %add3A_160 = arith.addi %add3A_158, %add3A_159 : i32
      %lt3A_161 = arith.constant 78 : i32
      %lt3A_162 = arith.cmpi slt, %add3A_160, %lt3A_161 : i32
      %convert_element_type3A_163 = arith.extui %lt3A_162 : i1 to i32
      %cond3A_164 = arith.constant 0 : i32
      %cond3A_165 = arith.cmpi ne, %convert_element_type3A_163, %cond3A_164 : i32
      scf.if %cond3A_165 {
        %add3A_213 = arith.constant 1 : i32
        %add3A_214 = arith.addi %mul3A_129, %add3A_213 : i32
        %add3A_215 = arith.constant 2 : i32
        %add3A_216 = arith.addi %add3A_214, %add3A_215 : i32
        %add3A_217 = arith.addi %mul3A_2, %add3A_216 : i32
        %mul3A_218 = arith.constant 128 : i32
        %mul3A_219 = arith.muli %add3A_217, %mul3A_218 : i32
        %dma_wait3A_220 = tpu.memref_slice %arg3[%mul3A_219] : memref<320000xi32, #tpu.memory_space<hbm>> -> memref<128xi32, #tpu.memory_space<hbm>>
        %dma_wait3A_221 = tpu.memref_slice %arg3[%mul3A_219] : memref<320000xi32, #tpu.memory_space<hbm>> -> memref<128xi32, #tpu.memory_space<hbm>>
        tpu.wait_dma2 semaphore(%arg16 : memref<!tpu.dma_semaphore, #tpu.memory_space<semaphore_mem>>) src(%dma_wait3A_221 : memref<128xi32, #tpu.memory_space<hbm>>) dst(%arg6 : memref<128xi32, #tpu.memory_space<vmem>>)
        %dma_start3A_222 = arith.constant 0 : i32
        %dma_start3A_223 = arith.constant 0 : i32
        %dma_start3A_224 = tpu.memref_slice %arg2[%dma_start3A_222, %dma_start3A_223] : memref<10000x128xf32, #tpu.memory_space<hbm>> -> memref<10000x128xf32, #tpu.memory_space<hbm>>
        tpu.enqueue_indirect_dma source(%dma_start3A_224 : memref<10000x128xf32, #tpu.memory_space<hbm>>) target(%arg12 : memref<128x128xf32, #tpu.memory_space<vmem>>) offsets(%arg6 : memref<128xi32, #tpu.memory_space<vmem>>) semaphore(%arg22 : memref<!tpu.dma_semaphore, #tpu.memory_space<semaphore_mem>>)
      } else {
      }
      %add3A_166 = arith.constant 1 : i32
      %add3A_167 = arith.addi %mul3A_129, %add3A_166 : i32
      %dma_wait3A_168 = arith.constant 0 : i32
      %dma_wait3A_169 = arith.constant 0 : i32
      %dma_wait3A_170 = tpu.memref_slice %arg2[%dma_wait3A_168, %dma_wait3A_169] : memref<10000x128xf32, #tpu.memory_space<hbm>> -> memref<10000x128xf32, #tpu.memory_space<hbm>>
      tpu.wait_indirect_dma semaphore(%arg23 : memref<!tpu.dma_semaphore, #tpu.memory_space<semaphore_mem>>) src(%dma_wait3A_170 : memref<10000x128xf32, #tpu.memory_space<hbm>>) dst(%arg13 : memref<128x128xf32, #tpu.memory_space<vmem>>)
      %add3A_171 = arith.addi %mul3A_2, %add3A_167 : i32
      %mul3A_172 = arith.constant 128 : i32
      %mul3A_173 = arith.muli %add3A_171, %mul3A_172 : i32
      %dma_wait3A_174 = tpu.memref_slice %arg4[%mul3A_173] : memref<320000xi32, #tpu.memory_space<hbm>> -> memref<128xi32, #tpu.memory_space<hbm>>
      %dma_wait3A_175 = tpu.memref_slice %arg4[%mul3A_173] : memref<320000xi32, #tpu.memory_space<hbm>> -> memref<128xi32, #tpu.memory_space<hbm>>
      tpu.wait_dma2 semaphore(%arg20 : memref<!tpu.dma_semaphore, #tpu.memory_space<semaphore_mem>>) src(%dma_wait3A_175 : memref<128xi32, #tpu.memory_space<hbm>>) dst(%arg10 : memref<128xi32, #tpu.memory_space<vmem>>)
      "tpu.region"() ({
        %run_scoped3A = tpu.sem_alloc : memref<!tpu.dma_semaphore, #tpu.memory_space<semaphore_mem>>
        %dma_start3A_213 = arith.constant 0 : i32
        %dma_start3A_214 = arith.constant 0 : i32
        %dma_start3A_215 = tpu.memref_slice %arg15[%dma_start3A_213, %dma_start3A_214] : memref<10000x128xf32, #tpu.memory_space<vmem_shared>> -> memref<10000x128xf32, #tpu.memory_space<vmem_shared>>
        tpu.enqueue_indirect_dma source(%arg13 : memref<128x128xf32, #tpu.memory_space<vmem>>) target(%dma_start3A_215 : memref<10000x128xf32, #tpu.memory_space<vmem_shared>>) offsets(%arg10 : memref<128xi32, #tpu.memory_space<vmem>>) semaphore(%run_scoped3A : memref<!tpu.dma_semaphore, #tpu.memory_space<semaphore_mem>>) {add = true}
        %dma_wait3A_216 = arith.constant 0 : i32
        %dma_wait3A_217 = arith.constant 0 : i32
        %dma_wait3A_218 = tpu.memref_slice %arg15[%dma_wait3A_216, %dma_wait3A_217] : memref<10000x128xf32, #tpu.memory_space<vmem_shared>> -> memref<10000x128xf32, #tpu.memory_space<vmem_shared>>
        tpu.wait_indirect_dma semaphore(%run_scoped3A : memref<!tpu.dma_semaphore, #tpu.memory_space<semaphore_mem>>) src(%arg13 : memref<128x128xf32, #tpu.memory_space<vmem>>) dst(%dma_wait3A_218 : memref<10000x128xf32, #tpu.memory_space<vmem_shared>>)
        tpu.yield
      }) : () -> ()
      %add3A_176 = arith.constant 1 : i32
      %add3A_177 = arith.addi %mul3A_129, %add3A_176 : i32
      %add3A_178 = arith.constant 3 : i32
      %add3A_179 = arith.addi %add3A_177, %add3A_178 : i32
      %lt3A_180 = arith.constant 78 : i32
      %lt3A_181 = arith.cmpi slt, %add3A_179, %lt3A_180 : i32
      %convert_element_type3A_182 = arith.extui %lt3A_181 : i1 to i32
      %cond3A_183 = arith.constant 0 : i32
      %cond3A_184 = arith.cmpi ne, %convert_element_type3A_182, %cond3A_183 : i32
      scf.if %cond3A_184 {
        %add3A_213 = arith.constant 1 : i32
        %add3A_214 = arith.addi %mul3A_129, %add3A_213 : i32
        %add3A_215 = arith.constant 3 : i32
        %add3A_216 = arith.addi %add3A_214, %add3A_215 : i32
        %add3A_217 = arith.addi %mul3A_2, %add3A_216 : i32
        %mul3A_218 = arith.constant 128 : i32
        %mul3A_219 = arith.muli %add3A_217, %mul3A_218 : i32
        %dma_start3A_220 = tpu.memref_slice %arg3[%mul3A_219] : memref<320000xi32, #tpu.memory_space<hbm>> -> memref<128xi32, #tpu.memory_space<hbm>>
        %dma_start3A_221 = tpu.memref_slice %arg3[%mul3A_219] : memref<320000xi32, #tpu.memory_space<hbm>> -> memref<128xi32, #tpu.memory_space<hbm>>
        tpu.enqueue_dma source(%dma_start3A_221 : memref<128xi32, #tpu.memory_space<hbm>>) target(%arg7 : memref<128xi32, #tpu.memory_space<vmem>>) target_semaphore(%arg17 : memref<!tpu.dma_semaphore, #tpu.memory_space<semaphore_mem>>)
        %add3A_222 = arith.addi %mul3A_2, %add3A_216 : i32
        %mul3A_223 = arith.constant 128 : i32
        %mul3A_224 = arith.muli %add3A_222, %mul3A_223 : i32
        %dma_start3A_225 = tpu.memref_slice %arg4[%mul3A_224] : memref<320000xi32, #tpu.memory_space<hbm>> -> memref<128xi32, #tpu.memory_space<hbm>>
        %dma_start3A_226 = tpu.memref_slice %arg4[%mul3A_224] : memref<320000xi32, #tpu.memory_space<hbm>> -> memref<128xi32, #tpu.memory_space<hbm>>
        tpu.enqueue_dma source(%dma_start3A_226 : memref<128xi32, #tpu.memory_space<hbm>>) target(%arg10 : memref<128xi32, #tpu.memory_space<vmem>>) target_semaphore(%arg20 : memref<!tpu.dma_semaphore, #tpu.memory_space<semaphore_mem>>)
      } else {
      }
      %add3A_185 = arith.constant 2 : i32
      %add3A_186 = arith.addi %mul3A_129, %add3A_185 : i32
      %add3A_187 = arith.constant 2 : i32
      %add3A_188 = arith.addi %add3A_186, %add3A_187 : i32
      %lt3A_189 = arith.constant 78 : i32
      %lt3A_190 = arith.cmpi slt, %add3A_188, %lt3A_189 : i32
      %convert_element_type3A_191 = arith.extui %lt3A_190 : i1 to i32
      %cond3A_192 = arith.constant 0 : i32
      %cond3A_193 = arith.cmpi ne, %convert_element_type3A_191, %cond3A_192 : i32
      scf.if %cond3A_193 {
        %add3A_213 = arith.constant 2 : i32
        %add3A_214 = arith.addi %mul3A_129, %add3A_213 : i32
        %add3A_215 = arith.constant 2 : i32
        %add3A_216 = arith.addi %add3A_214, %add3A_215 : i32
        %add3A_217 = arith.addi %mul3A_2, %add3A_216 : i32
        %mul3A_218 = arith.constant 128 : i32
        %mul3A_219 = arith.muli %add3A_217, %mul3A_218 : i32
        %dma_wait3A_220 = tpu.memref_slice %arg3[%mul3A_219] : memref<320000xi32, #tpu.memory_space<hbm>> -> memref<128xi32, #tpu.memory_space<hbm>>
        %dma_wait3A_221 = tpu.memref_slice %arg3[%mul3A_219] : memref<320000xi32, #tpu.memory_space<hbm>> -> memref<128xi32, #tpu.memory_space<hbm>>
        tpu.wait_dma2 semaphore(%arg17 : memref<!tpu.dma_semaphore, #tpu.memory_space<semaphore_mem>>) src(%dma_wait3A_221 : memref<128xi32, #tpu.memory_space<hbm>>) dst(%arg7 : memref<128xi32, #tpu.memory_space<vmem>>)
        %dma_start3A_222 = arith.constant 0 : i32
        %dma_start3A_223 = arith.constant 0 : i32
        %dma_start3A_224 = tpu.memref_slice %arg2[%dma_start3A_222, %dma_start3A_223] : memref<10000x128xf32, #tpu.memory_space<hbm>> -> memref<10000x128xf32, #tpu.memory_space<hbm>>
        tpu.enqueue_indirect_dma source(%dma_start3A_224 : memref<10000x128xf32, #tpu.memory_space<hbm>>) target(%arg13 : memref<128x128xf32, #tpu.memory_space<vmem>>) offsets(%arg7 : memref<128xi32, #tpu.memory_space<vmem>>) semaphore(%arg23 : memref<!tpu.dma_semaphore, #tpu.memory_space<semaphore_mem>>)
      } else {
      }
      %add3A_194 = arith.constant 2 : i32
      %add3A_195 = arith.addi %mul3A_129, %add3A_194 : i32
      %dma_wait3A_196 = arith.constant 0 : i32
      %dma_wait3A_197 = arith.constant 0 : i32
      %dma_wait3A_198 = tpu.memref_slice %arg2[%dma_wait3A_196, %dma_wait3A_197] : memref<10000x128xf32, #tpu.memory_space<hbm>> -> memref<10000x128xf32, #tpu.memory_space<hbm>>
      tpu.wait_indirect_dma semaphore(%arg24 : memref<!tpu.dma_semaphore, #tpu.memory_space<semaphore_mem>>) src(%dma_wait3A_198 : memref<10000x128xf32, #tpu.memory_space<hbm>>) dst(%arg14 : memref<128x128xf32, #tpu.memory_space<vmem>>)
      %add3A_199 = arith.addi %mul3A_2, %add3A_195 : i32
      %mul3A_200 = arith.constant 128 : i32
      %mul3A_201 = arith.muli %add3A_199, %mul3A_200 : i32
      %dma_wait3A_202 = tpu.memref_slice %arg4[%mul3A_201] : memref<320000xi32, #tpu.memory_space<hbm>> -> memref<128xi32, #tpu.memory_space<hbm>>
      %dma_wait3A_203 = tpu.memref_slice %arg4[%mul3A_201] : memref<320000xi32, #tpu.memory_space<hbm>> -> memref<128xi32, #tpu.memory_space<hbm>>
      tpu.wait_dma2 semaphore(%arg21 : memref<!tpu.dma_semaphore, #tpu.memory_space<semaphore_mem>>) src(%dma_wait3A_203 : memref<128xi32, #tpu.memory_space<hbm>>) dst(%arg11 : memref<128xi32, #tpu.memory_space<vmem>>)
      "tpu.region"() ({
        %run_scoped3A = tpu.sem_alloc : memref<!tpu.dma_semaphore, #tpu.memory_space<semaphore_mem>>
        %dma_start3A_213 = arith.constant 0 : i32
        %dma_start3A_214 = arith.constant 0 : i32
        %dma_start3A_215 = tpu.memref_slice %arg15[%dma_start3A_213, %dma_start3A_214] : memref<10000x128xf32, #tpu.memory_space<vmem_shared>> -> memref<10000x128xf32, #tpu.memory_space<vmem_shared>>
        tpu.enqueue_indirect_dma source(%arg14 : memref<128x128xf32, #tpu.memory_space<vmem>>) target(%dma_start3A_215 : memref<10000x128xf32, #tpu.memory_space<vmem_shared>>) offsets(%arg11 : memref<128xi32, #tpu.memory_space<vmem>>) semaphore(%run_scoped3A : memref<!tpu.dma_semaphore, #tpu.memory_space<semaphore_mem>>) {add = true}
        %dma_wait3A_216 = arith.constant 0 : i32
        %dma_wait3A_217 = arith.constant 0 : i32
        %dma_wait3A_218 = tpu.memref_slice %arg15[%dma_wait3A_216, %dma_wait3A_217] : memref<10000x128xf32, #tpu.memory_space<vmem_shared>> -> memref<10000x128xf32, #tpu.memory_space<vmem_shared>>
        tpu.wait_indirect_dma semaphore(%run_scoped3A : memref<!tpu.dma_semaphore, #tpu.memory_space<semaphore_mem>>) src(%arg14 : memref<128x128xf32, #tpu.memory_space<vmem>>) dst(%dma_wait3A_218 : memref<10000x128xf32, #tpu.memory_space<vmem_shared>>)
        tpu.yield
      }) : () -> ()
      %add3A_204 = arith.constant 2 : i32
      %add3A_205 = arith.addi %mul3A_129, %add3A_204 : i32
      %add3A_206 = arith.constant 3 : i32
      %add3A_207 = arith.addi %add3A_205, %add3A_206 : i32
      %lt3A_208 = arith.constant 78 : i32
      %lt3A_209 = arith.cmpi slt, %add3A_207, %lt3A_208 : i32
      %convert_element_type3A_210 = arith.extui %lt3A_209 : i1 to i32
      %cond3A_211 = arith.constant 0 : i32
      %cond3A_212 = arith.cmpi ne, %convert_element_type3A_210, %cond3A_211 : i32
      scf.if %cond3A_212 {
        %add3A_213 = arith.constant 2 : i32
        %add3A_214 = arith.addi %mul3A_129, %add3A_213 : i32
        %add3A_215 = arith.constant 3 : i32
        %add3A_216 = arith.addi %add3A_214, %add3A_215 : i32
        %add3A_217 = arith.addi %mul3A_2, %add3A_216 : i32
        %mul3A_218 = arith.constant 128 : i32
        %mul3A_219 = arith.muli %add3A_217, %mul3A_218 : i32
        %dma_start3A_220 = tpu.memref_slice %arg3[%mul3A_219] : memref<320000xi32, #tpu.memory_space<hbm>> -> memref<128xi32, #tpu.memory_space<hbm>>
        %dma_start3A_221 = tpu.memref_slice %arg3[%mul3A_219] : memref<320000xi32, #tpu.memory_space<hbm>> -> memref<128xi32, #tpu.memory_space<hbm>>
        tpu.enqueue_dma source(%dma_start3A_221 : memref<128xi32, #tpu.memory_space<hbm>>) target(%arg8 : memref<128xi32, #tpu.memory_space<vmem>>) target_semaphore(%arg18 : memref<!tpu.dma_semaphore, #tpu.memory_space<semaphore_mem>>)
        %add3A_222 = arith.addi %mul3A_2, %add3A_216 : i32
        %mul3A_223 = arith.constant 128 : i32
        %mul3A_224 = arith.muli %add3A_222, %mul3A_223 : i32
        %dma_start3A_225 = tpu.memref_slice %arg4[%mul3A_224] : memref<320000xi32, #tpu.memory_space<hbm>> -> memref<128xi32, #tpu.memory_space<hbm>>
        %dma_start3A_226 = tpu.memref_slice %arg4[%mul3A_224] : memref<320000xi32, #tpu.memory_space<hbm>> -> memref<128xi32, #tpu.memory_space<hbm>>
        tpu.enqueue_dma source(%dma_start3A_226 : memref<128xi32, #tpu.memory_space<hbm>>) target(%arg11 : memref<128xi32, #tpu.memory_space<vmem>>) target_semaphore(%arg21 : memref<!tpu.dma_semaphore, #tpu.memory_space<semaphore_mem>>)
      } else {
      }
    }
    %scan3A_91 = arith.constant 26 : i32
    %eq3A_92 = arith.constant 31 : i32
    %eq3A_93 = arith.cmpi eq, %add3A, %eq3A_92 : i32
    %convert_element_type3A_94 = arith.extui %eq3A_93 : i1 to i32
    %cond3A_95 = arith.constant 0 : i32
    %cond3A_96 = arith.cmpi ne, %convert_element_type3A_94, %cond3A_95 : i32
    scf.if %cond3A_96 {
      %scan3A_127 = arith.constant 0 : i32
      %scan3A_128 = arith.constant 0 : i32
      %scan3A_129 = arith.constant 4 : i32
      %scan3A_130 = arith.addi %scan3A_128, %scan3A_129 : i32
      %scan3A_131 = arith.constant 1 : i32
      scf.for %scan3A_133 = %scan3A_128 to %scan3A_130 step %scan3A_131  : i32 {
        %add3A_134 = arith.constant 2496 : i32
        %add3A_135 = arith.addi %add3A_134, %scan3A_133 : i32
        %mul3A_136 = arith.constant 128 : i32
        %mul3A_137 = arith.muli %add3A_135, %mul3A_136 : i32
        "tpu.region"() ({
          %run_scoped3A = tpu.sem_alloc : memref<!tpu.dma_semaphore, #tpu.memory_space<semaphore_mem>>
          %dma_start3A_144 = tpu.memref_slice %arg3[%mul3A_137] : memref<320000xi32, #tpu.memory_space<hbm>> -> memref<128xi32, #tpu.memory_space<hbm>>
          %dma_start3A_145 = tpu.memref_slice %arg3[%mul3A_137] : memref<320000xi32, #tpu.memory_space<hbm>> -> memref<128xi32, #tpu.memory_space<hbm>>
          tpu.enqueue_dma source(%dma_start3A_145 : memref<128xi32, #tpu.memory_space<hbm>>) target(%arg6 : memref<128xi32, #tpu.memory_space<vmem>>) target_semaphore(%run_scoped3A : memref<!tpu.dma_semaphore, #tpu.memory_space<semaphore_mem>>)
          %dma_wait3A_146 = tpu.memref_slice %arg3[%mul3A_137] : memref<320000xi32, #tpu.memory_space<hbm>> -> memref<128xi32, #tpu.memory_space<hbm>>
          %dma_wait3A_147 = tpu.memref_slice %arg3[%mul3A_137] : memref<320000xi32, #tpu.memory_space<hbm>> -> memref<128xi32, #tpu.memory_space<hbm>>
          tpu.wait_dma2 semaphore(%run_scoped3A : memref<!tpu.dma_semaphore, #tpu.memory_space<semaphore_mem>>) src(%dma_wait3A_147 : memref<128xi32, #tpu.memory_space<hbm>>) dst(%arg6 : memref<128xi32, #tpu.memory_space<vmem>>)
          tpu.yield
        }) : () -> ()
        "tpu.region"() ({
          %run_scoped3A = tpu.sem_alloc : memref<!tpu.dma_semaphore, #tpu.memory_space<semaphore_mem>>
          %dma_start3A_144 = tpu.memref_slice %arg4[%mul3A_137] : memref<320000xi32, #tpu.memory_space<hbm>> -> memref<128xi32, #tpu.memory_space<hbm>>
          %dma_start3A_145 = tpu.memref_slice %arg4[%mul3A_137] : memref<320000xi32, #tpu.memory_space<hbm>> -> memref<128xi32, #tpu.memory_space<hbm>>
          tpu.enqueue_dma source(%dma_start3A_145 : memref<128xi32, #tpu.memory_space<hbm>>) target(%arg9 : memref<128xi32, #tpu.memory_space<vmem>>) target_semaphore(%run_scoped3A : memref<!tpu.dma_semaphore, #tpu.memory_space<semaphore_mem>>)
          %dma_wait3A_146 = tpu.memref_slice %arg4[%mul3A_137] : memref<320000xi32, #tpu.memory_space<hbm>> -> memref<128xi32, #tpu.memory_space<hbm>>
          %dma_wait3A_147 = tpu.memref_slice %arg4[%mul3A_137] : memref<320000xi32, #tpu.memory_space<hbm>> -> memref<128xi32, #tpu.memory_space<hbm>>
          tpu.wait_dma2 semaphore(%run_scoped3A : memref<!tpu.dma_semaphore, #tpu.memory_space<semaphore_mem>>) src(%dma_wait3A_147 : memref<128xi32, #tpu.memory_space<hbm>>) dst(%arg9 : memref<128xi32, #tpu.memory_space<vmem>>)
          tpu.yield
        }) : () -> ()
        %dma_start3A_138 = arith.constant 0 : i32
        %dma_start3A_139 = arith.constant 0 : i32
        %dma_start3A_140 = tpu.memref_slice %arg2[%dma_start3A_138, %dma_start3A_139] : memref<10000x128xf32, #tpu.memory_space<hbm>> -> memref<10000x128xf32, #tpu.memory_space<hbm>>
        tpu.enqueue_indirect_dma source(%dma_start3A_140 : memref<10000x128xf32, #tpu.memory_space<hbm>>) target(%arg12 : memref<128x128xf32, #tpu.memory_space<vmem>>) offsets(%arg6 : memref<128xi32, #tpu.memory_space<vmem>>) semaphore(%arg22 : memref<!tpu.dma_semaphore, #tpu.memory_space<semaphore_mem>>)
        %dma_wait3A_141 = arith.constant 0 : i32
        %dma_wait3A_142 = arith.constant 0 : i32
        %dma_wait3A_143 = tpu.memref_slice %arg2[%dma_wait3A_141, %dma_wait3A_142] : memref<10000x128xf32, #tpu.memory_space<hbm>> -> memref<10000x128xf32, #tpu.memory_space<hbm>>
        tpu.wait_indirect_dma semaphore(%arg22 : memref<!tpu.dma_semaphore, #tpu.memory_space<semaphore_mem>>) src(%dma_wait3A_143 : memref<10000x128xf32, #tpu.memory_space<hbm>>) dst(%arg12 : memref<128x128xf32, #tpu.memory_space<vmem>>)
        "tpu.region"() ({
          %run_scoped3A = tpu.sem_alloc : memref<!tpu.dma_semaphore, #tpu.memory_space<semaphore_mem>>
          %dma_start3A_144 = arith.constant 0 : i32
          %dma_start3A_145 = arith.constant 0 : i32
          %dma_start3A_146 = tpu.memref_slice %arg15[%dma_start3A_144, %dma_start3A_145] : memref<10000x128xf32, #tpu.memory_space<vmem_shared>> -> memref<10000x128xf32, #tpu.memory_space<vmem_shared>>
          tpu.enqueue_indirect_dma source(%arg12 : memref<128x128xf32, #tpu.memory_space<vmem>>) target(%dma_start3A_146 : memref<10000x128xf32, #tpu.memory_space<vmem_shared>>) offsets(%arg9 : memref<128xi32, #tpu.memory_space<vmem>>) semaphore(%run_scoped3A : memref<!tpu.dma_semaphore, #tpu.memory_space<semaphore_mem>>) {add = true}
          %dma_wait3A_147 = arith.constant 0 : i32
          %dma_wait3A_148 = arith.constant 0 : i32
          %dma_wait3A_149 = tpu.memref_slice %arg15[%dma_wait3A_147, %dma_wait3A_148] : memref<10000x128xf32, #tpu.memory_space<vmem_shared>> -> memref<10000x128xf32, #tpu.memory_space<vmem_shared>>
          tpu.wait_indirect_dma semaphore(%run_scoped3A : memref<!tpu.dma_semaphore, #tpu.memory_space<semaphore_mem>>) src(%arg12 : memref<128x128xf32, #tpu.memory_space<vmem>>) dst(%dma_wait3A_149 : memref<10000x128xf32, #tpu.memory_space<vmem_shared>>)
          tpu.yield
        }) : () -> ()
      }
      %scan3A_132 = arith.constant 4 : i32
    } else {
    }
    %barrier3A_97 = arith.constant 0 : index
    tpu.barrier barrier_id(%barrier3A_97)
    %mul3A_98 = arith.constant 624 : i32
    %mul3A_99 = arith.muli %arg1, %mul3A_98 : i32
    %add3A_100 = arith.constant 0 : i32
    %add3A_101 = arith.addi %mul3A_99, %add3A_100 : i32
    "tpu.region"() ({
      %run_scoped3A = tpu.sem_alloc : memref<!tpu.dma_semaphore, #tpu.memory_space<semaphore_mem>>
      %dma_start3A_127 = arith.constant 0 : i32
      %dma_start3A_128 = arith.constant 0 : i32
      %dma_start3A_129 = tpu.memref_slice %arg12[%dma_start3A_127, %dma_start3A_128] : memref<128x128xf32, #tpu.memory_space<vmem>> -> memref<104x128xf32, #tpu.memory_space<vmem>>
      %dma_start3A_130 = arith.constant 0 : i32
      %dma_start3A_131 = tpu.memref_slice %arg15[%add3A_101, %dma_start3A_130] : memref<10000x128xf32, #tpu.memory_space<vmem_shared>> -> memref<104x128xf32, #tpu.memory_space<vmem_shared>>
      %dma_start3A_132 = arith.constant 0 : i32
      %dma_start3A_133 = arith.constant 0 : i32
      %dma_start3A_134 = tpu.memref_slice %arg12[%dma_start3A_132, %dma_start3A_133] : memref<128x128xf32, #tpu.memory_space<vmem>> -> memref<104x128xf32, #tpu.memory_space<vmem>>
      %dma_start3A_135 = arith.constant 0 : i32
      %dma_start3A_136 = tpu.memref_slice %arg15[%add3A_101, %dma_start3A_135] : memref<10000x128xf32, #tpu.memory_space<vmem_shared>> -> memref<104x128xf32, #tpu.memory_space<vmem_shared>>
      tpu.enqueue_dma source(%dma_start3A_136 : memref<104x128xf32, #tpu.memory_space<vmem_shared>>) target(%dma_start3A_134 : memref<104x128xf32, #tpu.memory_space<vmem>>) target_semaphore(%run_scoped3A : memref<!tpu.dma_semaphore, #tpu.memory_space<semaphore_mem>>)
      %dma_wait3A_137 = arith.constant 0 : i32
      %dma_wait3A_138 = arith.constant 0 : i32
      %dma_wait3A_139 = tpu.memref_slice %arg12[%dma_wait3A_137, %dma_wait3A_138] : memref<128x128xf32, #tpu.memory_space<vmem>> -> memref<104x128xf32, #tpu.memory_space<vmem>>
      %dma_wait3A_140 = arith.constant 0 : i32
      %dma_wait3A_141 = tpu.memref_slice %arg15[%add3A_101, %dma_wait3A_140] : memref<10000x128xf32, #tpu.memory_space<vmem_shared>> -> memref<104x128xf32, #tpu.memory_space<vmem_shared>>
      %dma_wait3A_142 = arith.constant 0 : i32
      %dma_wait3A_143 = arith.constant 0 : i32
      %dma_wait3A_144 = tpu.memref_slice %arg12[%dma_wait3A_142, %dma_wait3A_143] : memref<128x128xf32, #tpu.memory_space<vmem>> -> memref<104x128xf32, #tpu.memory_space<vmem>>
      %dma_wait3A_145 = arith.constant 0 : i32
      %dma_wait3A_146 = tpu.memref_slice %arg15[%add3A_101, %dma_wait3A_145] : memref<10000x128xf32, #tpu.memory_space<vmem_shared>> -> memref<104x128xf32, #tpu.memory_space<vmem_shared>>
      tpu.wait_dma2 semaphore(%run_scoped3A : memref<!tpu.dma_semaphore, #tpu.memory_space<semaphore_mem>>) src(%dma_wait3A_146 : memref<104x128xf32, #tpu.memory_space<vmem_shared>>) dst(%dma_wait3A_144 : memref<104x128xf32, #tpu.memory_space<vmem>>)
      tpu.yield
    }) : () -> ()
    "tpu.region"() ({
      %run_scoped3A = tpu.sem_alloc : memref<!tpu.dma_semaphore, #tpu.memory_space<semaphore_mem>>
      %dma_start3A_127 = arith.constant 0 : i32
      %dma_start3A_128 = arith.constant 0 : i32
      %dma_start3A_129 = tpu.memref_slice %arg12[%dma_start3A_127, %dma_start3A_128] : memref<128x128xf32, #tpu.memory_space<vmem>> -> memref<104x128xf32, #tpu.memory_space<vmem>>
      %dma_start3A_130 = arith.constant 0 : i32
      %dma_start3A_131 = tpu.memref_slice %arg5[%arg0, %add3A_101, %dma_start3A_130] : memref<2x10000x128xf32, #tpu.memory_space<hbm>> -> memref<1x104x128xf32, #tpu.memory_space<hbm>>
      %dma_start3A_132 = tpu.memref_squeeze %dma_start3A_131 : memref<1x104x128xf32, #tpu.memory_space<hbm>> -> memref<104x128xf32, #tpu.memory_space<hbm>>
      %dma_start3A_133 = arith.constant 0 : i32
      %dma_start3A_134 = tpu.memref_slice %arg5[%arg0, %add3A_101, %dma_start3A_133] : memref<2x10000x128xf32, #tpu.memory_space<hbm>> -> memref<1x104x128xf32, #tpu.memory_space<hbm>>
      %dma_start3A_135 = tpu.memref_squeeze %dma_start3A_134 : memref<1x104x128xf32, #tpu.memory_space<hbm>> -> memref<104x128xf32, #tpu.memory_space<hbm>>
      %dma_start3A_136 = arith.constant 0 : i32
      %dma_start3A_137 = arith.constant 0 : i32
      %dma_start3A_138 = tpu.memref_slice %arg12[%dma_start3A_136, %dma_start3A_137] : memref<128x128xf32, #tpu.memory_space<vmem>> -> memref<104x128xf32, #tpu.memory_space<vmem>>
      tpu.enqueue_dma source(%dma_start3A_138 : memref<104x128xf32, #tpu.memory_space<vmem>>) target(%dma_start3A_135 : memref<104x128xf32, #tpu.memory_space<hbm>>) target_semaphore(%run_scoped3A : memref<!tpu.dma_semaphore, #tpu.memory_space<semaphore_mem>>)
      %dma_wait3A_139 = arith.constant 0 : i32
      %dma_wait3A_140 = arith.constant 0 : i32
      %dma_wait3A_141 = tpu.memref_slice %arg12[%dma_wait3A_139, %dma_wait3A_140] : memref<128x128xf32, #tpu.memory_space<vmem>> -> memref<104x128xf32, #tpu.memory_space<vmem>>
      %dma_wait3A_142 = arith.constant 0 : i32
      %dma_wait3A_143 = tpu.memref_slice %arg5[%arg0, %add3A_101, %dma_wait3A_142] : memref<2x10000x128xf32, #tpu.memory_space<hbm>> -> memref<1x104x128xf32, #tpu.memory_space<hbm>>
      %dma_wait3A_144 = tpu.memref_squeeze %dma_wait3A_143 : memref<1x104x128xf32, #tpu.memory_space<hbm>> -> memref<104x128xf32, #tpu.memory_space<hbm>>
      %dma_wait3A_145 = arith.constant 0 : i32
      %dma_wait3A_146 = tpu.memref_slice %arg5[%arg0, %add3A_101, %dma_wait3A_145] : memref<2x10000x128xf32, #tpu.memory_space<hbm>> -> memref<1x104x128xf32, #tpu.memory_space<hbm>>
      %dma_wait3A_147 = tpu.memref_squeeze %dma_wait3A_146 : memref<1x104x128xf32, #tpu.memory_space<hbm>> -> memref<104x128xf32, #tpu.memory_space<hbm>>
      %dma_wait3A_148 = arith.constant 0 : i32
      %dma_wait3A_149 = arith.constant 0 : i32
      %dma_wait3A_150 = tpu.memref_slice %arg12[%dma_wait3A_148, %dma_wait3A_149] : memref<128x128xf32, #tpu.memory_space<vmem>> -> memref<104x128xf32, #tpu.memory_space<vmem>>
      tpu.wait_dma2 semaphore(%run_scoped3A : memref<!tpu.dma_semaphore, #tpu.memory_space<semaphore_mem>>) src(%dma_wait3A_150 : memref<104x128xf32, #tpu.memory_space<vmem>>) dst(%dma_wait3A_147 : memref<104x128xf32, #tpu.memory_space<hbm>>)
      tpu.yield
    }) : () -> ()
    %mul3A_102 = arith.constant 624 : i32
    %mul3A_103 = arith.muli %arg1, %mul3A_102 : i32
    %add3A_104 = arith.constant 104 : i32
    %add3A_105 = arith.addi %mul3A_103, %add3A_104 : i32
    "tpu.region"() ({
      %run_scoped3A = tpu.sem_alloc : memref<!tpu.dma_semaphore, #tpu.memory_space<semaphore_mem>>
      %dma_start3A_127 = arith.constant 0 : i32
      %dma_start3A_128 = arith.constant 0 : i32
      %dma_start3A_129 = tpu.memref_slice %arg12[%dma_start3A_127, %dma_start3A_128] : memref<128x128xf32, #tpu.memory_space<vmem>> -> memref<104x128xf32, #tpu.memory_space<vmem>>
      %dma_start3A_130 = arith.constant 0 : i32
      %dma_start3A_131 = tpu.memref_slice %arg15[%add3A_105, %dma_start3A_130] : memref<10000x128xf32, #tpu.memory_space<vmem_shared>> -> memref<104x128xf32, #tpu.memory_space<vmem_shared>>
      %dma_start3A_132 = arith.constant 0 : i32
      %dma_start3A_133 = arith.constant 0 : i32
      %dma_start3A_134 = tpu.memref_slice %arg12[%dma_start3A_132, %dma_start3A_133] : memref<128x128xf32, #tpu.memory_space<vmem>> -> memref<104x128xf32, #tpu.memory_space<vmem>>
      %dma_start3A_135 = arith.constant 0 : i32
      %dma_start3A_136 = tpu.memref_slice %arg15[%add3A_105, %dma_start3A_135] : memref<10000x128xf32, #tpu.memory_space<vmem_shared>> -> memref<104x128xf32, #tpu.memory_space<vmem_shared>>
      tpu.enqueue_dma source(%dma_start3A_136 : memref<104x128xf32, #tpu.memory_space<vmem_shared>>) target(%dma_start3A_134 : memref<104x128xf32, #tpu.memory_space<vmem>>) target_semaphore(%run_scoped3A : memref<!tpu.dma_semaphore, #tpu.memory_space<semaphore_mem>>)
      %dma_wait3A_137 = arith.constant 0 : i32
      %dma_wait3A_138 = arith.constant 0 : i32
      %dma_wait3A_139 = tpu.memref_slice %arg12[%dma_wait3A_137, %dma_wait3A_138] : memref<128x128xf32, #tpu.memory_space<vmem>> -> memref<104x128xf32, #tpu.memory_space<vmem>>
      %dma_wait3A_140 = arith.constant 0 : i32
      %dma_wait3A_141 = tpu.memref_slice %arg15[%add3A_105, %dma_wait3A_140] : memref<10000x128xf32, #tpu.memory_space<vmem_shared>> -> memref<104x128xf32, #tpu.memory_space<vmem_shared>>
      %dma_wait3A_142 = arith.constant 0 : i32
      %dma_wait3A_143 = arith.constant 0 : i32
      %dma_wait3A_144 = tpu.memref_slice %arg12[%dma_wait3A_142, %dma_wait3A_143] : memref<128x128xf32, #tpu.memory_space<vmem>> -> memref<104x128xf32, #tpu.memory_space<vmem>>
      %dma_wait3A_145 = arith.constant 0 : i32
      %dma_wait3A_146 = tpu.memref_slice %arg15[%add3A_105, %dma_wait3A_145] : memref<10000x128xf32, #tpu.memory_space<vmem_shared>> -> memref<104x128xf32, #tpu.memory_space<vmem_shared>>
      tpu.wait_dma2 semaphore(%run_scoped3A : memref<!tpu.dma_semaphore, #tpu.memory_space<semaphore_mem>>) src(%dma_wait3A_146 : memref<104x128xf32, #tpu.memory_space<vmem_shared>>) dst(%dma_wait3A_144 : memref<104x128xf32, #tpu.memory_space<vmem>>)
      tpu.yield
    }) : () -> ()
    "tpu.region"() ({
      %run_scoped3A = tpu.sem_alloc : memref<!tpu.dma_semaphore, #tpu.memory_space<semaphore_mem>>
      %dma_start3A_127 = arith.constant 0 : i32
      %dma_start3A_128 = arith.constant 0 : i32
      %dma_start3A_129 = tpu.memref_slice %arg12[%dma_start3A_127, %dma_start3A_128] : memref<128x128xf32, #tpu.memory_space<vmem>> -> memref<104x128xf32, #tpu.memory_space<vmem>>
      %dma_start3A_130 = arith.constant 0 : i32
      %dma_start3A_131 = tpu.memref_slice %arg5[%arg0, %add3A_105, %dma_start3A_130] : memref<2x10000x128xf32, #tpu.memory_space<hbm>> -> memref<1x104x128xf32, #tpu.memory_space<hbm>>
      %dma_start3A_132 = tpu.memref_squeeze %dma_start3A_131 : memref<1x104x128xf32, #tpu.memory_space<hbm>> -> memref<104x128xf32, #tpu.memory_space<hbm>>
      %dma_start3A_133 = arith.constant 0 : i32
      %dma_start3A_134 = tpu.memref_slice %arg5[%arg0, %add3A_105, %dma_start3A_133] : memref<2x10000x128xf32, #tpu.memory_space<hbm>> -> memref<1x104x128xf32, #tpu.memory_space<hbm>>
      %dma_start3A_135 = tpu.memref_squeeze %dma_start3A_134 : memref<1x104x128xf32, #tpu.memory_space<hbm>> -> memref<104x128xf32, #tpu.memory_space<hbm>>
      %dma_start3A_136 = arith.constant 0 : i32
      %dma_start3A_137 = arith.constant 0 : i32
      %dma_start3A_138 = tpu.memref_slice %arg12[%dma_start3A_136, %dma_start3A_137] : memref<128x128xf32, #tpu.memory_space<vmem>> -> memref<104x128xf32, #tpu.memory_space<vmem>>
      tpu.enqueue_dma source(%dma_start3A_138 : memref<104x128xf32, #tpu.memory_space<vmem>>) target(%dma_start3A_135 : memref<104x128xf32, #tpu.memory_space<hbm>>) target_semaphore(%run_scoped3A : memref<!tpu.dma_semaphore, #tpu.memory_space<semaphore_mem>>)
      %dma_wait3A_139 = arith.constant 0 : i32
      %dma_wait3A_140 = arith.constant 0 : i32
      %dma_wait3A_141 = tpu.memref_slice %arg12[%dma_wait3A_139, %dma_wait3A_140] : memref<128x128xf32, #tpu.memory_space<vmem>> -> memref<104x128xf32, #tpu.memory_space<vmem>>
      %dma_wait3A_142 = arith.constant 0 : i32
      %dma_wait3A_143 = tpu.memref_slice %arg5[%arg0, %add3A_105, %dma_wait3A_142] : memref<2x10000x128xf32, #tpu.memory_space<hbm>> -> memref<1x104x128xf32, #tpu.memory_space<hbm>>
      %dma_wait3A_144 = tpu.memref_squeeze %dma_wait3A_143 : memref<1x104x128xf32, #tpu.memory_space<hbm>> -> memref<104x128xf32, #tpu.memory_space<hbm>>
      %dma_wait3A_145 = arith.constant 0 : i32
      %dma_wait3A_146 = tpu.memref_slice %arg5[%arg0, %add3A_105, %dma_wait3A_145] : memref<2x10000x128xf32, #tpu.memory_space<hbm>> -> memref<1x104x128xf32, #tpu.memory_space<hbm>>
      %dma_wait3A_147 = tpu.memref_squeeze %dma_wait3A_146 : memref<1x104x128xf32, #tpu.memory_space<hbm>> -> memref<104x128xf32, #tpu.memory_space<hbm>>
      %dma_wait3A_148 = arith.constant 0 : i32
      %dma_wait3A_149 = arith.constant 0 : i32
      %dma_wait3A_150 = tpu.memref_slice %arg12[%dma_wait3A_148, %dma_wait3A_149] : memref<128x128xf32, #tpu.memory_space<vmem>> -> memref<104x128xf32, #tpu.memory_space<vmem>>
      tpu.wait_dma2 semaphore(%run_scoped3A : memref<!tpu.dma_semaphore, #tpu.memory_space<semaphore_mem>>) src(%dma_wait3A_150 : memref<104x128xf32, #tpu.memory_space<vmem>>) dst(%dma_wait3A_147 : memref<104x128xf32, #tpu.memory_space<hbm>>)
      tpu.yield
    }) : () -> ()
    %mul3A_106 = arith.constant 624 : i32
    %mul3A_107 = arith.muli %arg1, %mul3A_106 : i32
    %add3A_108 = arith.constant 208 : i32
    %add3A_109 = arith.addi %mul3A_107, %add3A_108 : i32
    "tpu.region"() ({
      %run_scoped3A = tpu.sem_alloc : memref<!tpu.dma_semaphore, #tpu.memory_space<semaphore_mem>>
      %dma_start3A_127 = arith.constant 0 : i32
      %dma_start3A_128 = arith.constant 0 : i32
      %dma_start3A_129 = tpu.memref_slice %arg12[%dma_start3A_127, %dma_start3A_128] : memref<128x128xf32, #tpu.memory_space<vmem>> -> memref<104x128xf32, #tpu.memory_space<vmem>>
      %dma_start3A_130 = arith.constant 0 : i32
      %dma_start3A_131 = tpu.memref_slice %arg15[%add3A_109, %dma_start3A_130] : memref<10000x128xf32, #tpu.memory_space<vmem_shared>> -> memref<104x128xf32, #tpu.memory_space<vmem_shared>>
      %dma_start3A_132 = arith.constant 0 : i32
      %dma_start3A_133 = arith.constant 0 : i32
      %dma_start3A_134 = tpu.memref_slice %arg12[%dma_start3A_132, %dma_start3A_133] : memref<128x128xf32, #tpu.memory_space<vmem>> -> memref<104x128xf32, #tpu.memory_space<vmem>>
      %dma_start3A_135 = arith.constant 0 : i32
      %dma_start3A_136 = tpu.memref_slice %arg15[%add3A_109, %dma_start3A_135] : memref<10000x128xf32, #tpu.memory_space<vmem_shared>> -> memref<104x128xf32, #tpu.memory_space<vmem_shared>>
      tpu.enqueue_dma source(%dma_start3A_136 : memref<104x128xf32, #tpu.memory_space<vmem_shared>>) target(%dma_start3A_134 : memref<104x128xf32, #tpu.memory_space<vmem>>) target_semaphore(%run_scoped3A : memref<!tpu.dma_semaphore, #tpu.memory_space<semaphore_mem>>)
      %dma_wait3A_137 = arith.constant 0 : i32
      %dma_wait3A_138 = arith.constant 0 : i32
      %dma_wait3A_139 = tpu.memref_slice %arg12[%dma_wait3A_137, %dma_wait3A_138] : memref<128x128xf32, #tpu.memory_space<vmem>> -> memref<104x128xf32, #tpu.memory_space<vmem>>
      %dma_wait3A_140 = arith.constant 0 : i32
      %dma_wait3A_141 = tpu.memref_slice %arg15[%add3A_109, %dma_wait3A_140] : memref<10000x128xf32, #tpu.memory_space<vmem_shared>> -> memref<104x128xf32, #tpu.memory_space<vmem_shared>>
      %dma_wait3A_142 = arith.constant 0 : i32
      %dma_wait3A_143 = arith.constant 0 : i32
      %dma_wait3A_144 = tpu.memref_slice %arg12[%dma_wait3A_142, %dma_wait3A_143] : memref<128x128xf32, #tpu.memory_space<vmem>> -> memref<104x128xf32, #tpu.memory_space<vmem>>
      %dma_wait3A_145 = arith.constant 0 : i32
      %dma_wait3A_146 = tpu.memref_slice %arg15[%add3A_109, %dma_wait3A_145] : memref<10000x128xf32, #tpu.memory_space<vmem_shared>> -> memref<104x128xf32, #tpu.memory_space<vmem_shared>>
      tpu.wait_dma2 semaphore(%run_scoped3A : memref<!tpu.dma_semaphore, #tpu.memory_space<semaphore_mem>>) src(%dma_wait3A_146 : memref<104x128xf32, #tpu.memory_space<vmem_shared>>) dst(%dma_wait3A_144 : memref<104x128xf32, #tpu.memory_space<vmem>>)
      tpu.yield
    }) : () -> ()
    "tpu.region"() ({
      %run_scoped3A = tpu.sem_alloc : memref<!tpu.dma_semaphore, #tpu.memory_space<semaphore_mem>>
      %dma_start3A_127 = arith.constant 0 : i32
      %dma_start3A_128 = arith.constant 0 : i32
      %dma_start3A_129 = tpu.memref_slice %arg12[%dma_start3A_127, %dma_start3A_128] : memref<128x128xf32, #tpu.memory_space<vmem>> -> memref<104x128xf32, #tpu.memory_space<vmem>>
      %dma_start3A_130 = arith.constant 0 : i32
      %dma_start3A_131 = tpu.memref_slice %arg5[%arg0, %add3A_109, %dma_start3A_130] : memref<2x10000x128xf32, #tpu.memory_space<hbm>> -> memref<1x104x128xf32, #tpu.memory_space<hbm>>
      %dma_start3A_132 = tpu.memref_squeeze %dma_start3A_131 : memref<1x104x128xf32, #tpu.memory_space<hbm>> -> memref<104x128xf32, #tpu.memory_space<hbm>>
      %dma_start3A_133 = arith.constant 0 : i32
      %dma_start3A_134 = tpu.memref_slice %arg5[%arg0, %add3A_109, %dma_start3A_133] : memref<2x10000x128xf32, #tpu.memory_space<hbm>> -> memref<1x104x128xf32, #tpu.memory_space<hbm>>
      %dma_start3A_135 = tpu.memref_squeeze %dma_start3A_134 : memref<1x104x128xf32, #tpu.memory_space<hbm>> -> memref<104x128xf32, #tpu.memory_space<hbm>>
      %dma_start3A_136 = arith.constant 0 : i32
      %dma_start3A_137 = arith.constant 0 : i32
      %dma_start3A_138 = tpu.memref_slice %arg12[%dma_start3A_136, %dma_start3A_137] : memref<128x128xf32, #tpu.memory_space<vmem>> -> memref<104x128xf32, #tpu.memory_space<vmem>>
      tpu.enqueue_dma source(%dma_start3A_138 : memref<104x128xf32, #tpu.memory_space<vmem>>) target(%dma_start3A_135 : memref<104x128xf32, #tpu.memory_space<hbm>>) target_semaphore(%run_scoped3A : memref<!tpu.dma_semaphore, #tpu.memory_space<semaphore_mem>>)
      %dma_wait3A_139 = arith.constant 0 : i32
      %dma_wait3A_140 = arith.constant 0 : i32
      %dma_wait3A_141 = tpu.memref_slice %arg12[%dma_wait3A_139, %dma_wait3A_140] : memref<128x128xf32, #tpu.memory_space<vmem>> -> memref<104x128xf32, #tpu.memory_space<vmem>>
      %dma_wait3A_142 = arith.constant 0 : i32
      %dma_wait3A_143 = tpu.memref_slice %arg5[%arg0, %add3A_109, %dma_wait3A_142] : memref<2x10000x128xf32, #tpu.memory_space<hbm>> -> memref<1x104x128xf32, #tpu.memory_space<hbm>>
      %dma_wait3A_144 = tpu.memref_squeeze %dma_wait3A_143 : memref<1x104x128xf32, #tpu.memory_space<hbm>> -> memref<104x128xf32, #tpu.memory_space<hbm>>
      %dma_wait3A_145 = arith.constant 0 : i32
      %dma_wait3A_146 = tpu.memref_slice %arg5[%arg0, %add3A_109, %dma_wait3A_145] : memref<2x10000x128xf32, #tpu.memory_space<hbm>> -> memref<1x104x128xf32, #tpu.memory_space<hbm>>
      %dma_wait3A_147 = tpu.memref_squeeze %dma_wait3A_146 : memref<1x104x128xf32, #tpu.memory_space<hbm>> -> memref<104x128xf32, #tpu.memory_space<hbm>>
      %dma_wait3A_148 = arith.constant 0 : i32
      %dma_wait3A_149 = arith.constant 0 : i32
      %dma_wait3A_150 = tpu.memref_slice %arg12[%dma_wait3A_148, %dma_wait3A_149] : memref<128x128xf32, #tpu.memory_space<vmem>> -> memref<104x128xf32, #tpu.memory_space<vmem>>
      tpu.wait_dma2 semaphore(%run_scoped3A : memref<!tpu.dma_semaphore, #tpu.memory_space<semaphore_mem>>) src(%dma_wait3A_150 : memref<104x128xf32, #tpu.memory_space<vmem>>) dst(%dma_wait3A_147 : memref<104x128xf32, #tpu.memory_space<hbm>>)
      tpu.yield
    }) : () -> ()
    %mul3A_110 = arith.constant 624 : i32
    %mul3A_111 = arith.muli %arg1, %mul3A_110 : i32
    %add3A_112 = arith.constant 312 : i32
    %add3A_113 = arith.addi %mul3A_111, %add3A_112 : i32
    "tpu.region"() ({
      %run_scoped3A = tpu.sem_alloc : memref<!tpu.dma_semaphore, #tpu.memory_space<semaphore_mem>>
      %dma_start3A_127 = arith.constant 0 : i32
      %dma_start3A_128 = arith.constant 0 : i32
      %dma_start3A_129 = tpu.memref_slice %arg12[%dma_start3A_127, %dma_start3A_128] : memref<128x128xf32, #tpu.memory_space<vmem>> -> memref<104x128xf32, #tpu.memory_space<vmem>>
      %dma_start3A_130 = arith.constant 0 : i32
      %dma_start3A_131 = tpu.memref_slice %arg15[%add3A_113, %dma_start3A_130] : memref<10000x128xf32, #tpu.memory_space<vmem_shared>> -> memref<104x128xf32, #tpu.memory_space<vmem_shared>>
      %dma_start3A_132 = arith.constant 0 : i32
      %dma_start3A_133 = arith.constant 0 : i32
      %dma_start3A_134 = tpu.memref_slice %arg12[%dma_start3A_132, %dma_start3A_133] : memref<128x128xf32, #tpu.memory_space<vmem>> -> memref<104x128xf32, #tpu.memory_space<vmem>>
      %dma_start3A_135 = arith.constant 0 : i32
      %dma_start3A_136 = tpu.memref_slice %arg15[%add3A_113, %dma_start3A_135] : memref<10000x128xf32, #tpu.memory_space<vmem_shared>> -> memref<104x128xf32, #tpu.memory_space<vmem_shared>>
      tpu.enqueue_dma source(%dma_start3A_136 : memref<104x128xf32, #tpu.memory_space<vmem_shared>>) target(%dma_start3A_134 : memref<104x128xf32, #tpu.memory_space<vmem>>) target_semaphore(%run_scoped3A : memref<!tpu.dma_semaphore, #tpu.memory_space<semaphore_mem>>)
      %dma_wait3A_137 = arith.constant 0 : i32
      %dma_wait3A_138 = arith.constant 0 : i32
      %dma_wait3A_139 = tpu.memref_slice %arg12[%dma_wait3A_137, %dma_wait3A_138] : memref<128x128xf32, #tpu.memory_space<vmem>> -> memref<104x128xf32, #tpu.memory_space<vmem>>
      %dma_wait3A_140 = arith.constant 0 : i32
      %dma_wait3A_141 = tpu.memref_slice %arg15[%add3A_113, %dma_wait3A_140] : memref<10000x128xf32, #tpu.memory_space<vmem_shared>> -> memref<104x128xf32, #tpu.memory_space<vmem_shared>>
      %dma_wait3A_142 = arith.constant 0 : i32
      %dma_wait3A_143 = arith.constant 0 : i32
      %dma_wait3A_144 = tpu.memref_slice %arg12[%dma_wait3A_142, %dma_wait3A_143] : memref<128x128xf32, #tpu.memory_space<vmem>> -> memref<104x128xf32, #tpu.memory_space<vmem>>
      %dma_wait3A_145 = arith.constant 0 : i32
      %dma_wait3A_146 = tpu.memref_slice %arg15[%add3A_113, %dma_wait3A_145] : memref<10000x128xf32, #tpu.memory_space<vmem_shared>> -> memref<104x128xf32, #tpu.memory_space<vmem_shared>>
      tpu.wait_dma2 semaphore(%run_scoped3A : memref<!tpu.dma_semaphore, #tpu.memory_space<semaphore_mem>>) src(%dma_wait3A_146 : memref<104x128xf32, #tpu.memory_space<vmem_shared>>) dst(%dma_wait3A_144 : memref<104x128xf32, #tpu.memory_space<vmem>>)
      tpu.yield
    }) : () -> ()
    "tpu.region"() ({
      %run_scoped3A = tpu.sem_alloc : memref<!tpu.dma_semaphore, #tpu.memory_space<semaphore_mem>>
      %dma_start3A_127 = arith.constant 0 : i32
      %dma_start3A_128 = arith.constant 0 : i32
      %dma_start3A_129 = tpu.memref_slice %arg12[%dma_start3A_127, %dma_start3A_128] : memref<128x128xf32, #tpu.memory_space<vmem>> -> memref<104x128xf32, #tpu.memory_space<vmem>>
      %dma_start3A_130 = arith.constant 0 : i32
      %dma_start3A_131 = tpu.memref_slice %arg5[%arg0, %add3A_113, %dma_start3A_130] : memref<2x10000x128xf32, #tpu.memory_space<hbm>> -> memref<1x104x128xf32, #tpu.memory_space<hbm>>
      %dma_start3A_132 = tpu.memref_squeeze %dma_start3A_131 : memref<1x104x128xf32, #tpu.memory_space<hbm>> -> memref<104x128xf32, #tpu.memory_space<hbm>>
      %dma_start3A_133 = arith.constant 0 : i32
      %dma_start3A_134 = tpu.memref_slice %arg5[%arg0, %add3A_113, %dma_start3A_133] : memref<2x10000x128xf32, #tpu.memory_space<hbm>> -> memref<1x104x128xf32, #tpu.memory_space<hbm>>
      %dma_start3A_135 = tpu.memref_squeeze %dma_start3A_134 : memref<1x104x128xf32, #tpu.memory_space<hbm>> -> memref<104x128xf32, #tpu.memory_space<hbm>>
      %dma_start3A_136 = arith.constant 0 : i32
      %dma_start3A_137 = arith.constant 0 : i32
      %dma_start3A_138 = tpu.memref_slice %arg12[%dma_start3A_136, %dma_start3A_137] : memref<128x128xf32, #tpu.memory_space<vmem>> -> memref<104x128xf32, #tpu.memory_space<vmem>>
      tpu.enqueue_dma source(%dma_start3A_138 : memref<104x128xf32, #tpu.memory_space<vmem>>) target(%dma_start3A_135 : memref<104x128xf32, #tpu.memory_space<hbm>>) target_semaphore(%run_scoped3A : memref<!tpu.dma_semaphore, #tpu.memory_space<semaphore_mem>>)
      %dma_wait3A_139 = arith.constant 0 : i32
      %dma_wait3A_140 = arith.constant 0 : i32
      %dma_wait3A_141 = tpu.memref_slice %arg12[%dma_wait3A_139, %dma_wait3A_140] : memref<128x128xf32, #tpu.memory_space<vmem>> -> memref<104x128xf32, #tpu.memory_space<vmem>>
      %dma_wait3A_142 = arith.constant 0 : i32
      %dma_wait3A_143 = tpu.memref_slice %arg5[%arg0, %add3A_113, %dma_wait3A_142] : memref<2x10000x128xf32, #tpu.memory_space<hbm>> -> memref<1x104x128xf32, #tpu.memory_space<hbm>>
      %dma_wait3A_144 = tpu.memref_squeeze %dma_wait3A_143 : memref<1x104x128xf32, #tpu.memory_space<hbm>> -> memref<104x128xf32, #tpu.memory_space<hbm>>
      %dma_wait3A_145 = arith.constant 0 : i32
      %dma_wait3A_146 = tpu.memref_slice %arg5[%arg0, %add3A_113, %dma_wait3A_145] : memref<2x10000x128xf32, #tpu.memory_space<hbm>> -> memref<1x104x128xf32, #tpu.memory_space<hbm>>
      %dma_wait3A_147 = tpu.memref_squeeze %dma_wait3A_146 : memref<1x104x128xf32, #tpu.memory_space<hbm>> -> memref<104x128xf32, #tpu.memory_space<hbm>>
      %dma_wait3A_148 = arith.constant 0 : i32
      %dma_wait3A_149 = arith.constant 0 : i32
      %dma_wait3A_150 = tpu.memref_slice %arg12[%dma_wait3A_148, %dma_wait3A_149] : memref<128x128xf32, #tpu.memory_space<vmem>> -> memref<104x128xf32, #tpu.memory_space<vmem>>
      tpu.wait_dma2 semaphore(%run_scoped3A : memref<!tpu.dma_semaphore, #tpu.memory_space<semaphore_mem>>) src(%dma_wait3A_150 : memref<104x128xf32, #tpu.memory_space<vmem>>) dst(%dma_wait3A_147 : memref<104x128xf32, #tpu.memory_space<hbm>>)
      tpu.yield
    }) : () -> ()
    %mul3A_114 = arith.constant 624 : i32
    %mul3A_115 = arith.muli %arg1, %mul3A_114 : i32
    %add3A_116 = arith.constant 416 : i32
    %add3A_117 = arith.addi %mul3A_115, %add3A_116 : i32
    "tpu.region"() ({
      %run_scoped3A = tpu.sem_alloc : memref<!tpu.dma_semaphore, #tpu.memory_space<semaphore_mem>>
      %dma_start3A_127 = arith.constant 0 : i32
      %dma_start3A_128 = arith.constant 0 : i32
      %dma_start3A_129 = tpu.memref_slice %arg12[%dma_start3A_127, %dma_start3A_128] : memref<128x128xf32, #tpu.memory_space<vmem>> -> memref<104x128xf32, #tpu.memory_space<vmem>>
      %dma_start3A_130 = arith.constant 0 : i32
      %dma_start3A_131 = tpu.memref_slice %arg15[%add3A_117, %dma_start3A_130] : memref<10000x128xf32, #tpu.memory_space<vmem_shared>> -> memref<104x128xf32, #tpu.memory_space<vmem_shared>>
      %dma_start3A_132 = arith.constant 0 : i32
      %dma_start3A_133 = arith.constant 0 : i32
      %dma_start3A_134 = tpu.memref_slice %arg12[%dma_start3A_132, %dma_start3A_133] : memref<128x128xf32, #tpu.memory_space<vmem>> -> memref<104x128xf32, #tpu.memory_space<vmem>>
      %dma_start3A_135 = arith.constant 0 : i32
      %dma_start3A_136 = tpu.memref_slice %arg15[%add3A_117, %dma_start3A_135] : memref<10000x128xf32, #tpu.memory_space<vmem_shared>> -> memref<104x128xf32, #tpu.memory_space<vmem_shared>>
      tpu.enqueue_dma source(%dma_start3A_136 : memref<104x128xf32, #tpu.memory_space<vmem_shared>>) target(%dma_start3A_134 : memref<104x128xf32, #tpu.memory_space<vmem>>) target_semaphore(%run_scoped3A : memref<!tpu.dma_semaphore, #tpu.memory_space<semaphore_mem>>)
      %dma_wait3A_137 = arith.constant 0 : i32
      %dma_wait3A_138 = arith.constant 0 : i32
      %dma_wait3A_139 = tpu.memref_slice %arg12[%dma_wait3A_137, %dma_wait3A_138] : memref<128x128xf32, #tpu.memory_space<vmem>> -> memref<104x128xf32, #tpu.memory_space<vmem>>
      %dma_wait3A_140 = arith.constant 0 : i32
      %dma_wait3A_141 = tpu.memref_slice %arg15[%add3A_117, %dma_wait3A_140] : memref<10000x128xf32, #tpu.memory_space<vmem_shared>> -> memref<104x128xf32, #tpu.memory_space<vmem_shared>>
      %dma_wait3A_142 = arith.constant 0 : i32
      %dma_wait3A_143 = arith.constant 0 : i32
      %dma_wait3A_144 = tpu.memref_slice %arg12[%dma_wait3A_142, %dma_wait3A_143] : memref<128x128xf32, #tpu.memory_space<vmem>> -> memref<104x128xf32, #tpu.memory_space<vmem>>
      %dma_wait3A_145 = arith.constant 0 : i32
      %dma_wait3A_146 = tpu.memref_slice %arg15[%add3A_117, %dma_wait3A_145] : memref<10000x128xf32, #tpu.memory_space<vmem_shared>> -> memref<104x128xf32, #tpu.memory_space<vmem_shared>>
      tpu.wait_dma2 semaphore(%run_scoped3A : memref<!tpu.dma_semaphore, #tpu.memory_space<semaphore_mem>>) src(%dma_wait3A_146 : memref<104x128xf32, #tpu.memory_space<vmem_shared>>) dst(%dma_wait3A_144 : memref<104x128xf32, #tpu.memory_space<vmem>>)
      tpu.yield
    }) : () -> ()
    "tpu.region"() ({
      %run_scoped3A = tpu.sem_alloc : memref<!tpu.dma_semaphore, #tpu.memory_space<semaphore_mem>>
      %dma_start3A_127 = arith.constant 0 : i32
      %dma_start3A_128 = arith.constant 0 : i32
      %dma_start3A_129 = tpu.memref_slice %arg12[%dma_start3A_127, %dma_start3A_128] : memref<128x128xf32, #tpu.memory_space<vmem>> -> memref<104x128xf32, #tpu.memory_space<vmem>>
      %dma_start3A_130 = arith.constant 0 : i32
      %dma_start3A_131 = tpu.memref_slice %arg5[%arg0, %add3A_117, %dma_start3A_130] : memref<2x10000x128xf32, #tpu.memory_space<hbm>> -> memref<1x104x128xf32, #tpu.memory_space<hbm>>
      %dma_start3A_132 = tpu.memref_squeeze %dma_start3A_131 : memref<1x104x128xf32, #tpu.memory_space<hbm>> -> memref<104x128xf32, #tpu.memory_space<hbm>>
      %dma_start3A_133 = arith.constant 0 : i32
      %dma_start3A_134 = tpu.memref_slice %arg5[%arg0, %add3A_117, %dma_start3A_133] : memref<2x10000x128xf32, #tpu.memory_space<hbm>> -> memref<1x104x128xf32, #tpu.memory_space<hbm>>
      %dma_start3A_135 = tpu.memref_squeeze %dma_start3A_134 : memref<1x104x128xf32, #tpu.memory_space<hbm>> -> memref<104x128xf32, #tpu.memory_space<hbm>>
      %dma_start3A_136 = arith.constant 0 : i32
      %dma_start3A_137 = arith.constant 0 : i32
      %dma_start3A_138 = tpu.memref_slice %arg12[%dma_start3A_136, %dma_start3A_137] : memref<128x128xf32, #tpu.memory_space<vmem>> -> memref<104x128xf32, #tpu.memory_space<vmem>>
      tpu.enqueue_dma source(%dma_start3A_138 : memref<104x128xf32, #tpu.memory_space<vmem>>) target(%dma_start3A_135 : memref<104x128xf32, #tpu.memory_space<hbm>>) target_semaphore(%run_scoped3A : memref<!tpu.dma_semaphore, #tpu.memory_space<semaphore_mem>>)
      %dma_wait3A_139 = arith.constant 0 : i32
      %dma_wait3A_140 = arith.constant 0 : i32
      %dma_wait3A_141 = tpu.memref_slice %arg12[%dma_wait3A_139, %dma_wait3A_140] : memref<128x128xf32, #tpu.memory_space<vmem>> -> memref<104x128xf32, #tpu.memory_space<vmem>>
      %dma_wait3A_142 = arith.constant 0 : i32
      %dma_wait3A_143 = tpu.memref_slice %arg5[%arg0, %add3A_117, %dma_wait3A_142] : memref<2x10000x128xf32, #tpu.memory_space<hbm>> -> memref<1x104x128xf32, #tpu.memory_space<hbm>>
      %dma_wait3A_144 = tpu.memref_squeeze %dma_wait3A_143 : memref<1x104x128xf32, #tpu.memory_space<hbm>> -> memref<104x128xf32, #tpu.memory_space<hbm>>
      %dma_wait3A_145 = arith.constant 0 : i32
      %dma_wait3A_146 = tpu.memref_slice %arg5[%arg0, %add3A_117, %dma_wait3A_145] : memref<2x10000x128xf32, #tpu.memory_space<hbm>> -> memref<1x104x128xf32, #tpu.memory_space<hbm>>
      %dma_wait3A_147 = tpu.memref_squeeze %dma_wait3A_146 : memref<1x104x128xf32, #tpu.memory_space<hbm>> -> memref<104x128xf32, #tpu.memory_space<hbm>>
      %dma_wait3A_148 = arith.constant 0 : i32
      %dma_wait3A_149 = arith.constant 0 : i32
      %dma_wait3A_150 = tpu.memref_slice %arg12[%dma_wait3A_148, %dma_wait3A_149] : memref<128x128xf32, #tpu.memory_space<vmem>> -> memref<104x128xf32, #tpu.memory_space<vmem>>
      tpu.wait_dma2 semaphore(%run_scoped3A : memref<!tpu.dma_semaphore, #tpu.memory_space<semaphore_mem>>) src(%dma_wait3A_150 : memref<104x128xf32, #tpu.memory_space<vmem>>) dst(%dma_wait3A_147 : memref<104x128xf32, #tpu.memory_space<hbm>>)
      tpu.yield
    }) : () -> ()
    %mul3A_118 = arith.constant 624 : i32
    %mul3A_119 = arith.muli %arg1, %mul3A_118 : i32
    %add3A_120 = arith.constant 520 : i32
    %add3A_121 = arith.addi %mul3A_119, %add3A_120 : i32
    "tpu.region"() ({
      %run_scoped3A = tpu.sem_alloc : memref<!tpu.dma_semaphore, #tpu.memory_space<semaphore_mem>>
      %dma_start3A_127 = arith.constant 0 : i32
      %dma_start3A_128 = arith.constant 0 : i32
      %dma_start3A_129 = tpu.memref_slice %arg12[%dma_start3A_127, %dma_start3A_128] : memref<128x128xf32, #tpu.memory_space<vmem>> -> memref<104x128xf32, #tpu.memory_space<vmem>>
      %dma_start3A_130 = arith.constant 0 : i32
      %dma_start3A_131 = tpu.memref_slice %arg15[%add3A_121, %dma_start3A_130] : memref<10000x128xf32, #tpu.memory_space<vmem_shared>> -> memref<104x128xf32, #tpu.memory_space<vmem_shared>>
      %dma_start3A_132 = arith.constant 0 : i32
      %dma_start3A_133 = arith.constant 0 : i32
      %dma_start3A_134 = tpu.memref_slice %arg12[%dma_start3A_132, %dma_start3A_133] : memref<128x128xf32, #tpu.memory_space<vmem>> -> memref<104x128xf32, #tpu.memory_space<vmem>>
      %dma_start3A_135 = arith.constant 0 : i32
      %dma_start3A_136 = tpu.memref_slice %arg15[%add3A_121, %dma_start3A_135] : memref<10000x128xf32, #tpu.memory_space<vmem_shared>> -> memref<104x128xf32, #tpu.memory_space<vmem_shared>>
      tpu.enqueue_dma source(%dma_start3A_136 : memref<104x128xf32, #tpu.memory_space<vmem_shared>>) target(%dma_start3A_134 : memref<104x128xf32, #tpu.memory_space<vmem>>) target_semaphore(%run_scoped3A : memref<!tpu.dma_semaphore, #tpu.memory_space<semaphore_mem>>)
      %dma_wait3A_137 = arith.constant 0 : i32
      %dma_wait3A_138 = arith.constant 0 : i32
      %dma_wait3A_139 = tpu.memref_slice %arg12[%dma_wait3A_137, %dma_wait3A_138] : memref<128x128xf32, #tpu.memory_space<vmem>> -> memref<104x128xf32, #tpu.memory_space<vmem>>
      %dma_wait3A_140 = arith.constant 0 : i32
      %dma_wait3A_141 = tpu.memref_slice %arg15[%add3A_121, %dma_wait3A_140] : memref<10000x128xf32, #tpu.memory_space<vmem_shared>> -> memref<104x128xf32, #tpu.memory_space<vmem_shared>>
      %dma_wait3A_142 = arith.constant 0 : i32
      %dma_wait3A_143 = arith.constant 0 : i32
      %dma_wait3A_144 = tpu.memref_slice %arg12[%dma_wait3A_142, %dma_wait3A_143] : memref<128x128xf32, #tpu.memory_space<vmem>> -> memref<104x128xf32, #tpu.memory_space<vmem>>
      %dma_wait3A_145 = arith.constant 0 : i32
      %dma_wait3A_146 = tpu.memref_slice %arg15[%add3A_121, %dma_wait3A_145] : memref<10000x128xf32, #tpu.memory_space<vmem_shared>> -> memref<104x128xf32, #tpu.memory_space<vmem_shared>>
      tpu.wait_dma2 semaphore(%run_scoped3A : memref<!tpu.dma_semaphore, #tpu.memory_space<semaphore_mem>>) src(%dma_wait3A_146 : memref<104x128xf32, #tpu.memory_space<vmem_shared>>) dst(%dma_wait3A_144 : memref<104x128xf32, #tpu.memory_space<vmem>>)
      tpu.yield
    }) : () -> ()
    "tpu.region"() ({
      %run_scoped3A = tpu.sem_alloc : memref<!tpu.dma_semaphore, #tpu.memory_space<semaphore_mem>>
      %dma_start3A_127 = arith.constant 0 : i32
      %dma_start3A_128 = arith.constant 0 : i32
      %dma_start3A_129 = tpu.memref_slice %arg12[%dma_start3A_127, %dma_start3A_128] : memref<128x128xf32, #tpu.memory_space<vmem>> -> memref<104x128xf32, #tpu.memory_space<vmem>>
      %dma_start3A_130 = arith.constant 0 : i32
      %dma_start3A_131 = tpu.memref_slice %arg5[%arg0, %add3A_121, %dma_start3A_130] : memref<2x10000x128xf32, #tpu.memory_space<hbm>> -> memref<1x104x128xf32, #tpu.memory_space<hbm>>
      %dma_start3A_132 = tpu.memref_squeeze %dma_start3A_131 : memref<1x104x128xf32, #tpu.memory_space<hbm>> -> memref<104x128xf32, #tpu.memory_space<hbm>>
      %dma_start3A_133 = arith.constant 0 : i32
      %dma_start3A_134 = tpu.memref_slice %arg5[%arg0, %add3A_121, %dma_start3A_133] : memref<2x10000x128xf32, #tpu.memory_space<hbm>> -> memref<1x104x128xf32, #tpu.memory_space<hbm>>
      %dma_start3A_135 = tpu.memref_squeeze %dma_start3A_134 : memref<1x104x128xf32, #tpu.memory_space<hbm>> -> memref<104x128xf32, #tpu.memory_space<hbm>>
      %dma_start3A_136 = arith.constant 0 : i32
      %dma_start3A_137 = arith.constant 0 : i32
      %dma_start3A_138 = tpu.memref_slice %arg12[%dma_start3A_136, %dma_start3A_137] : memref<128x128xf32, #tpu.memory_space<vmem>> -> memref<104x128xf32, #tpu.memory_space<vmem>>
      tpu.enqueue_dma source(%dma_start3A_138 : memref<104x128xf32, #tpu.memory_space<vmem>>) target(%dma_start3A_135 : memref<104x128xf32, #tpu.memory_space<hbm>>) target_semaphore(%run_scoped3A : memref<!tpu.dma_semaphore, #tpu.memory_space<semaphore_mem>>)
      %dma_wait3A_139 = arith.constant 0 : i32
      %dma_wait3A_140 = arith.constant 0 : i32
      %dma_wait3A_141 = tpu.memref_slice %arg12[%dma_wait3A_139, %dma_wait3A_140] : memref<128x128xf32, #tpu.memory_space<vmem>> -> memref<104x128xf32, #tpu.memory_space<vmem>>
      %dma_wait3A_142 = arith.constant 0 : i32
      %dma_wait3A_143 = tpu.memref_slice %arg5[%arg0, %add3A_121, %dma_wait3A_142] : memref<2x10000x128xf32, #tpu.memory_space<hbm>> -> memref<1x104x128xf32, #tpu.memory_space<hbm>>
      %dma_wait3A_144 = tpu.memref_squeeze %dma_wait3A_143 : memref<1x104x128xf32, #tpu.memory_space<hbm>> -> memref<104x128xf32, #tpu.memory_space<hbm>>
      %dma_wait3A_145 = arith.constant 0 : i32
      %dma_wait3A_146 = tpu.memref_slice %arg5[%arg0, %add3A_121, %dma_wait3A_145] : memref<2x10000x128xf32, #tpu.memory_space<hbm>> -> memref<1x104x128xf32, #tpu.memory_space<hbm>>
      %dma_wait3A_147 = tpu.memref_squeeze %dma_wait3A_146 : memref<1x104x128xf32, #tpu.memory_space<hbm>> -> memref<104x128xf32, #tpu.memory_space<hbm>>
      %dma_wait3A_148 = arith.constant 0 : i32
      %dma_wait3A_149 = arith.constant 0 : i32
      %dma_wait3A_150 = tpu.memref_slice %arg12[%dma_wait3A_148, %dma_wait3A_149] : memref<128x128xf32, #tpu.memory_space<vmem>> -> memref<104x128xf32, #tpu.memory_space<vmem>>
      tpu.wait_dma2 semaphore(%run_scoped3A : memref<!tpu.dma_semaphore, #tpu.memory_space<semaphore_mem>>) src(%dma_wait3A_150 : memref<104x128xf32, #tpu.memory_space<vmem>>) dst(%dma_wait3A_147 : memref<104x128xf32, #tpu.memory_space<hbm>>)
      tpu.yield
    }) : () -> ()
    %eq3A_122 = arith.constant 15 : i32
    %eq3A_123 = arith.cmpi eq, %arg1, %eq3A_122 : i32
    %convert_element_type3A_124 = arith.extui %eq3A_123 : i1 to i32
    %cond3A_125 = arith.constant 0 : i32
    %cond3A_126 = arith.cmpi ne, %convert_element_type3A_124, %cond3A_125 : i32
    scf.if %cond3A_126 {
      "tpu.region"() ({
        %run_scoped3A = tpu.sem_alloc : memref<!tpu.dma_semaphore, #tpu.memory_space<semaphore_mem>>
        %dma_start3A_127 = arith.constant 0 : i32
        %dma_start3A_128 = arith.constant 0 : i32
        %dma_start3A_129 = tpu.memref_slice %arg13[%dma_start3A_127, %dma_start3A_128] : memref<128x128xf32, #tpu.memory_space<vmem>> -> memref<16x128xf32, #tpu.memory_space<vmem>>
        %dma_start3A_130 = arith.constant 9984 : i32
        %dma_start3A_131 = arith.constant 0 : i32
        %dma_start3A_132 = tpu.memref_slice %arg15[%dma_start3A_130, %dma_start3A_131] : memref<10000x128xf32, #tpu.memory_space<vmem_shared>> -> memref<16x128xf32, #tpu.memory_space<vmem_shared>>
        %dma_start3A_133 = arith.constant 0 : i32
        %dma_start3A_134 = arith.constant 0 : i32
        %dma_start3A_135 = tpu.memref_slice %arg13[%dma_start3A_133, %dma_start3A_134] : memref<128x128xf32, #tpu.memory_space<vmem>> -> memref<16x128xf32, #tpu.memory_space<vmem>>
        %dma_start3A_136 = arith.constant 9984 : i32
        %dma_start3A_137 = arith.constant 0 : i32
        %dma_start3A_138 = tpu.memref_slice %arg15[%dma_start3A_136, %dma_start3A_137] : memref<10000x128xf32, #tpu.memory_space<vmem_shared>> -> memref<16x128xf32, #tpu.memory_space<vmem_shared>>
        tpu.enqueue_dma source(%dma_start3A_138 : memref<16x128xf32, #tpu.memory_space<vmem_shared>>) target(%dma_start3A_135 : memref<16x128xf32, #tpu.memory_space<vmem>>) target_semaphore(%run_scoped3A : memref<!tpu.dma_semaphore, #tpu.memory_space<semaphore_mem>>)
        %dma_wait3A_139 = arith.constant 0 : i32
        %dma_wait3A_140 = arith.constant 0 : i32
        %dma_wait3A_141 = tpu.memref_slice %arg13[%dma_wait3A_139, %dma_wait3A_140] : memref<128x128xf32, #tpu.memory_space<vmem>> -> memref<16x128xf32, #tpu.memory_space<vmem>>
        %dma_wait3A_142 = arith.constant 9984 : i32
        %dma_wait3A_143 = arith.constant 0 : i32
        %dma_wait3A_144 = tpu.memref_slice %arg15[%dma_wait3A_142, %dma_wait3A_143] : memref<10000x128xf32, #tpu.memory_space<vmem_shared>> -> memref<16x128xf32, #tpu.memory_space<vmem_shared>>
        %dma_wait3A_145 = arith.constant 0 : i32
        %dma_wait3A_146 = arith.constant 0 : i32
        %dma_wait3A_147 = tpu.memref_slice %arg13[%dma_wait3A_145, %dma_wait3A_146] : memref<128x128xf32, #tpu.memory_space<vmem>> -> memref<16x128xf32, #tpu.memory_space<vmem>>
        %dma_wait3A_148 = arith.constant 9984 : i32
        %dma_wait3A_149 = arith.constant 0 : i32
        %dma_wait3A_150 = tpu.memref_slice %arg15[%dma_wait3A_148, %dma_wait3A_149] : memref<10000x128xf32, #tpu.memory_space<vmem_shared>> -> memref<16x128xf32, #tpu.memory_space<vmem_shared>>
        tpu.wait_dma2 semaphore(%run_scoped3A : memref<!tpu.dma_semaphore, #tpu.memory_space<semaphore_mem>>) src(%dma_wait3A_150 : memref<16x128xf32, #tpu.memory_space<vmem_shared>>) dst(%dma_wait3A_147 : memref<16x128xf32, #tpu.memory_space<vmem>>)
        tpu.yield
      }) : () -> ()
      "tpu.region"() ({
        %run_scoped3A = tpu.sem_alloc : memref<!tpu.dma_semaphore, #tpu.memory_space<semaphore_mem>>
        %dma_start3A_127 = arith.constant 0 : i32
        %dma_start3A_128 = arith.constant 0 : i32
        %dma_start3A_129 = tpu.memref_slice %arg13[%dma_start3A_127, %dma_start3A_128] : memref<128x128xf32, #tpu.memory_space<vmem>> -> memref<16x128xf32, #tpu.memory_space<vmem>>
        %dma_start3A_130 = arith.constant 9984 : i32
        %dma_start3A_131 = arith.constant 0 : i32
        %dma_start3A_132 = tpu.memref_slice %arg5[%arg0, %dma_start3A_130, %dma_start3A_131] : memref<2x10000x128xf32, #tpu.memory_space<hbm>> -> memref<1x16x128xf32, #tpu.memory_space<hbm>>
        %dma_start3A_133 = tpu.memref_squeeze %dma_start3A_132 : memref<1x16x128xf32, #tpu.memory_space<hbm>> -> memref<16x128xf32, #tpu.memory_space<hbm>>
        %dma_start3A_134 = arith.constant 9984 : i32
        %dma_start3A_135 = arith.constant 0 : i32
        %dma_start3A_136 = tpu.memref_slice %arg5[%arg0, %dma_start3A_134, %dma_start3A_135] : memref<2x10000x128xf32, #tpu.memory_space<hbm>> -> memref<1x16x128xf32, #tpu.memory_space<hbm>>
        %dma_start3A_137 = tpu.memref_squeeze %dma_start3A_136 : memref<1x16x128xf32, #tpu.memory_space<hbm>> -> memref<16x128xf32, #tpu.memory_space<hbm>>
        %dma_start3A_138 = arith.constant 0 : i32
        %dma_start3A_139 = arith.constant 0 : i32
        %dma_start3A_140 = tpu.memref_slice %arg13[%dma_start3A_138, %dma_start3A_139] : memref<128x128xf32, #tpu.memory_space<vmem>> -> memref<16x128xf32, #tpu.memory_space<vmem>>
        tpu.enqueue_dma source(%dma_start3A_140 : memref<16x128xf32, #tpu.memory_space<vmem>>) target(%dma_start3A_137 : memref<16x128xf32, #tpu.memory_space<hbm>>) target_semaphore(%run_scoped3A : memref<!tpu.dma_semaphore, #tpu.memory_space<semaphore_mem>>)
        %dma_wait3A_141 = arith.constant 0 : i32
        %dma_wait3A_142 = arith.constant 0 : i32
        %dma_wait3A_143 = tpu.memref_slice %arg13[%dma_wait3A_141, %dma_wait3A_142] : memref<128x128xf32, #tpu.memory_space<vmem>> -> memref<16x128xf32, #tpu.memory_space<vmem>>
        %dma_wait3A_144 = arith.constant 9984 : i32
        %dma_wait3A_145 = arith.constant 0 : i32
        %dma_wait3A_146 = tpu.memref_slice %arg5[%arg0, %dma_wait3A_144, %dma_wait3A_145] : memref<2x10000x128xf32, #tpu.memory_space<hbm>> -> memref<1x16x128xf32, #tpu.memory_space<hbm>>
        %dma_wait3A_147 = tpu.memref_squeeze %dma_wait3A_146 : memref<1x16x128xf32, #tpu.memory_space<hbm>> -> memref<16x128xf32, #tpu.memory_space<hbm>>
        %dma_wait3A_148 = arith.constant 9984 : i32
        %dma_wait3A_149 = arith.constant 0 : i32
        %dma_wait3A_150 = tpu.memref_slice %arg5[%arg0, %dma_wait3A_148, %dma_wait3A_149] : memref<2x10000x128xf32, #tpu.memory_space<hbm>> -> memref<1x16x128xf32, #tpu.memory_space<hbm>>
        %dma_wait3A_151 = tpu.memref_squeeze %dma_wait3A_150 : memref<1x16x128xf32, #tpu.memory_space<hbm>> -> memref<16x128xf32, #tpu.memory_space<hbm>>
        %dma_wait3A_152 = arith.constant 0 : i32
        %dma_wait3A_153 = arith.constant 0 : i32
        %dma_wait3A_154 = tpu.memref_slice %arg13[%dma_wait3A_152, %dma_wait3A_153] : memref<128x128xf32, #tpu.memory_space<vmem>> -> memref<16x128xf32, #tpu.memory_space<vmem>>
        tpu.wait_dma2 semaphore(%run_scoped3A : memref<!tpu.dma_semaphore, #tpu.memory_space<semaphore_mem>>) src(%dma_wait3A_154 : memref<16x128xf32, #tpu.memory_space<vmem>>) dst(%dma_wait3A_151 : memref<16x128xf32, #tpu.memory_space<hbm>>)
        tpu.yield
      }) : () -> ()
    } else {
    }
    return
  }
}

#map = affine_map<(d0, d1) -> (0)>
module attributes {stable_mosaic.version = 14 : i64} {
  func.func @_sc_deg_body(%arg0: i32, %arg1: i32, %arg2: memref<320000xi32, #tpu.memory_space<hbm>>, %arg3: memref<20000xf32, #tpu.memory_space<hbm>>, %arg4: memref<9984xi32, #tpu.memory_space<vmem>>, %arg5: memref<512xi32, #tpu.memory_space<vmem>>, %arg6: memref<9984xf32, #tpu.memory_space<vmem>>, %arg7: memref<640xf32, #tpu.memory_space<vmem>>, %arg8: memref<10000xf32, #tpu.memory_space<vmem_shared>>, %arg9: memref<!tpu.dma_semaphore, #tpu.memory_space<semaphore_mem>>) attributes {dimension_semantics = [#tpu.dimension_semantics<core_parallel>, #tpu.dimension_semantics<subcore_parallel>], iteration_bounds = array<i64: 2, 16>, scalar_prefetch = 0 : i64, scratch_operands = 6 : i64, tpu.core_type = #tpu.core_type<sc_vector_subcore>, window_params = [{transform_indices = #map}, {transform_indices = #map}]} {
    %mul3A = arith.constant 16 : i32
    %mul3A_0 = arith.muli %arg0, %mul3A : i32
    %add3A = arith.addi %mul3A_0, %arg1 : i32
    %mul3A_1 = arith.constant 78 : i32
    %mul3A_2 = arith.muli %add3A, %mul3A_1 : i32
    %mul3A_3 = arith.constant 128 : i32
    %mul3A_4 = arith.muli %mul3A_2, %mul3A_3 : i32
    %dma_start3A = tpu.memref_slice %arg2[%mul3A_4] : memref<320000xi32, #tpu.memory_space<hbm>> -> memref<9984xi32, #tpu.memory_space<hbm>>
    %dma_start3A_5 = tpu.memref_slice %arg2[%mul3A_4] : memref<320000xi32, #tpu.memory_space<hbm>> -> memref<9984xi32, #tpu.memory_space<hbm>>
    tpu.enqueue_dma source(%dma_start3A_5 : memref<9984xi32, #tpu.memory_space<hbm>>) target(%arg4 : memref<9984xi32, #tpu.memory_space<vmem>>) target_semaphore(%arg9 : memref<!tpu.dma_semaphore, #tpu.memory_space<semaphore_mem>>)
    %eq3A = arith.constant 31 : i32
    %eq3A_6 = arith.cmpi eq, %add3A, %eq3A : i32
    %convert_element_type3A = arith.extui %eq3A_6 : i1 to i32
    %cond3A = arith.constant 0 : i32
    %cond3A_7 = arith.cmpi ne, %convert_element_type3A, %cond3A : i32
    scf.if %cond3A_7 {
      "tpu.region"() ({
        %run_scoped3A = tpu.sem_alloc : memref<!tpu.dma_semaphore, #tpu.memory_space<semaphore_mem>>
        %dma_start3A_45 = arith.constant 319488 : i32
        %dma_start3A_46 = tpu.memref_slice %arg2[%dma_start3A_45] : memref<320000xi32, #tpu.memory_space<hbm>> -> memref<512xi32, #tpu.memory_space<hbm>>
        %dma_start3A_47 = arith.constant 319488 : i32
        %dma_start3A_48 = tpu.memref_slice %arg2[%dma_start3A_47] : memref<320000xi32, #tpu.memory_space<hbm>> -> memref<512xi32, #tpu.memory_space<hbm>>
        tpu.enqueue_dma source(%dma_start3A_48 : memref<512xi32, #tpu.memory_space<hbm>>) target(%arg5 : memref<512xi32, #tpu.memory_space<vmem>>) target_semaphore(%run_scoped3A : memref<!tpu.dma_semaphore, #tpu.memory_space<semaphore_mem>>)
        %dma_wait3A_49 = arith.constant 319488 : i32
        %dma_wait3A_50 = tpu.memref_slice %arg2[%dma_wait3A_49] : memref<320000xi32, #tpu.memory_space<hbm>> -> memref<512xi32, #tpu.memory_space<hbm>>
        %dma_wait3A_51 = arith.constant 319488 : i32
        %dma_wait3A_52 = tpu.memref_slice %arg2[%dma_wait3A_51] : memref<320000xi32, #tpu.memory_space<hbm>> -> memref<512xi32, #tpu.memory_space<hbm>>
        tpu.wait_dma2 semaphore(%run_scoped3A : memref<!tpu.dma_semaphore, #tpu.memory_space<semaphore_mem>>) src(%dma_wait3A_52 : memref<512xi32, #tpu.memory_space<hbm>>) dst(%arg5 : memref<512xi32, #tpu.memory_space<vmem>>)
        tpu.yield
      }) : () -> ()
    } else {
    }
    %scan3A = arith.constant 0 : i32
    %scan3A_8 = arith.constant 0 : i32
    %scan3A_9 = arith.constant 40 : i32
    %scan3A_10 = arith.addi %scan3A_8, %scan3A_9 : i32
    %scan3A_11 = arith.constant 1 : i32
    scf.for %scan3A_45 = %scan3A_8 to %scan3A_10 step %scan3A_11  : i32 {
      %broadcast_in_dim3A = arith.constant 0.000000e+00 : f32
      %broadcast_in_dim3A_46 = vector.broadcast %broadcast_in_dim3A : f32 to vector<16xf32>
      %mul3A_47 = arith.constant 16 : i32
      %mul3A_48 = arith.muli %scan3A_45, %mul3A_47 : i32
      %swap3A = arith.index_cast %mul3A_48 : i32 to index
      %swap3A_49 = tpu.vector_load %arg7[%swap3A] {strides = array<i32>} : memref<640xf32, #tpu.memory_space<vmem>>, vector<16xf32>,
      %swap3A_50 = vector.shape_cast %swap3A_49 : vector<16xf32> to vector<16xf32>
      %swap3A_51 = vector.shape_cast %broadcast_in_dim3A_46 : vector<16xf32> to vector<16xf32>
      tpu.vector_store %arg7[%swap3A], %swap3A_51 {strides = array<i32>} : memref<640xf32, #tpu.memory_space<vmem>>, vector<16xf32>,
    }
    %scan3A_12 = arith.constant 40 : i32
    %scan3A_13 = arith.constant 0 : i32
    %scan3A_14 = arith.constant 0 : i32
    %scan3A_15 = arith.constant 624 : i32
    %scan3A_16 = arith.addi %scan3A_14, %scan3A_15 : i32
    %scan3A_17 = arith.constant 1 : i32
    scf.for %scan3A_45 = %scan3A_14 to %scan3A_16 step %scan3A_17  : i32 {
      %broadcast_in_dim3A = arith.constant 1.000000e+00 : f32
      %broadcast_in_dim3A_46 = vector.broadcast %broadcast_in_dim3A : f32 to vector<16xf32>
      %mul3A_47 = arith.constant 16 : i32
      %mul3A_48 = arith.muli %scan3A_45, %mul3A_47 : i32
      %swap3A = arith.index_cast %mul3A_48 : i32 to index
      %swap3A_49 = tpu.vector_load %arg6[%swap3A] {strides = array<i32>} : memref<9984xf32, #tpu.memory_space<vmem>>, vector<16xf32>,
      %swap3A_50 = vector.shape_cast %swap3A_49 : vector<16xf32> to vector<16xf32>
      %swap3A_51 = vector.shape_cast %broadcast_in_dim3A_46 : vector<16xf32> to vector<16xf32>
      tpu.vector_store %arg6[%swap3A], %swap3A_51 {strides = array<i32>} : memref<9984xf32, #tpu.memory_space<vmem>>, vector<16xf32>,
    }
    %scan3A_18 = arith.constant 624 : i32
    %mul3A_19 = arith.constant 624 : i32
    %mul3A_20 = arith.muli %arg1, %mul3A_19 : i32
    "tpu.region"() ({
      %run_scoped3A = tpu.sem_alloc : memref<!tpu.dma_semaphore, #tpu.memory_space<semaphore_mem>>
      %dma_start3A_45 = arith.constant 0 : i32
      %dma_start3A_46 = tpu.memref_slice %arg7[%dma_start3A_45] : memref<640xf32, #tpu.memory_space<vmem>> -> memref<624xf32, #tpu.memory_space<vmem>>
      %dma_start3A_47 = tpu.memref_slice %arg8[%mul3A_20] : memref<10000xf32, #tpu.memory_space<vmem_shared>> -> memref<624xf32, #tpu.memory_space<vmem_shared>>
      %dma_start3A_48 = tpu.memref_slice %arg8[%mul3A_20] : memref<10000xf32, #tpu.memory_space<vmem_shared>> -> memref<624xf32, #tpu.memory_space<vmem_shared>>
      %dma_start3A_49 = arith.constant 0 : i32
      %dma_start3A_50 = tpu.memref_slice %arg7[%dma_start3A_49] : memref<640xf32, #tpu.memory_space<vmem>> -> memref<624xf32, #tpu.memory_space<vmem>>
      tpu.enqueue_dma source(%dma_start3A_50 : memref<624xf32, #tpu.memory_space<vmem>>) target(%dma_start3A_48 : memref<624xf32, #tpu.memory_space<vmem_shared>>) target_semaphore(%run_scoped3A : memref<!tpu.dma_semaphore, #tpu.memory_space<semaphore_mem>>)
      %dma_wait3A_51 = arith.constant 0 : i32
      %dma_wait3A_52 = tpu.memref_slice %arg7[%dma_wait3A_51] : memref<640xf32, #tpu.memory_space<vmem>> -> memref<624xf32, #tpu.memory_space<vmem>>
      %dma_wait3A_53 = tpu.memref_slice %arg8[%mul3A_20] : memref<10000xf32, #tpu.memory_space<vmem_shared>> -> memref<624xf32, #tpu.memory_space<vmem_shared>>
      %dma_wait3A_54 = tpu.memref_slice %arg8[%mul3A_20] : memref<10000xf32, #tpu.memory_space<vmem_shared>> -> memref<624xf32, #tpu.memory_space<vmem_shared>>
      %dma_wait3A_55 = arith.constant 0 : i32
      %dma_wait3A_56 = tpu.memref_slice %arg7[%dma_wait3A_55] : memref<640xf32, #tpu.memory_space<vmem>> -> memref<624xf32, #tpu.memory_space<vmem>>
      tpu.wait_dma2 semaphore(%run_scoped3A : memref<!tpu.dma_semaphore, #tpu.memory_space<semaphore_mem>>) src(%dma_wait3A_56 : memref<624xf32, #tpu.memory_space<vmem>>) dst(%dma_wait3A_54 : memref<624xf32, #tpu.memory_space<vmem_shared>>)
      tpu.yield
    }) : () -> ()
    %eq3A_21 = arith.constant 15 : i32
    %eq3A_22 = arith.cmpi eq, %arg1, %eq3A_21 : i32
    %convert_element_type3A_23 = arith.extui %eq3A_22 : i1 to i32
    %cond3A_24 = arith.constant 0 : i32
    %cond3A_25 = arith.cmpi ne, %convert_element_type3A_23, %cond3A_24 : i32
    scf.if %cond3A_25 {
      "tpu.region"() ({
        %run_scoped3A = tpu.sem_alloc : memref<!tpu.dma_semaphore, #tpu.memory_space<semaphore_mem>>
        %dma_start3A_45 = arith.constant 0 : i32
        %dma_start3A_46 = tpu.memref_slice %arg7[%dma_start3A_45] : memref<640xf32, #tpu.memory_space<vmem>> -> memref<16xf32, #tpu.memory_space<vmem>>
        %dma_start3A_47 = arith.constant 9984 : i32
        %dma_start3A_48 = tpu.memref_slice %arg8[%dma_start3A_47] : memref<10000xf32, #tpu.memory_space<vmem_shared>> -> memref<16xf32, #tpu.memory_space<vmem_shared>>
        %dma_start3A_49 = arith.constant 9984 : i32
        %dma_start3A_50 = tpu.memref_slice %arg8[%dma_start3A_49] : memref<10000xf32, #tpu.memory_space<vmem_shared>> -> memref<16xf32, #tpu.memory_space<vmem_shared>>
        %dma_start3A_51 = arith.constant 0 : i32
        %dma_start3A_52 = tpu.memref_slice %arg7[%dma_start3A_51] : memref<640xf32, #tpu.memory_space<vmem>> -> memref<16xf32, #tpu.memory_space<vmem>>
        tpu.enqueue_dma source(%dma_start3A_52 : memref<16xf32, #tpu.memory_space<vmem>>) target(%dma_start3A_50 : memref<16xf32, #tpu.memory_space<vmem_shared>>) target_semaphore(%run_scoped3A : memref<!tpu.dma_semaphore, #tpu.memory_space<semaphore_mem>>)
        %dma_wait3A_53 = arith.constant 0 : i32
        %dma_wait3A_54 = tpu.memref_slice %arg7[%dma_wait3A_53] : memref<640xf32, #tpu.memory_space<vmem>> -> memref<16xf32, #tpu.memory_space<vmem>>
        %dma_wait3A_55 = arith.constant 9984 : i32
        %dma_wait3A_56 = tpu.memref_slice %arg8[%dma_wait3A_55] : memref<10000xf32, #tpu.memory_space<vmem_shared>> -> memref<16xf32, #tpu.memory_space<vmem_shared>>
        %dma_wait3A_57 = arith.constant 9984 : i32
        %dma_wait3A_58 = tpu.memref_slice %arg8[%dma_wait3A_57] : memref<10000xf32, #tpu.memory_space<vmem_shared>> -> memref<16xf32, #tpu.memory_space<vmem_shared>>
        %dma_wait3A_59 = arith.constant 0 : i32
        %dma_wait3A_60 = tpu.memref_slice %arg7[%dma_wait3A_59] : memref<640xf32, #tpu.memory_space<vmem>> -> memref<16xf32, #tpu.memory_space<vmem>>
        tpu.wait_dma2 semaphore(%run_scoped3A : memref<!tpu.dma_semaphore, #tpu.memory_space<semaphore_mem>>) src(%dma_wait3A_60 : memref<16xf32, #tpu.memory_space<vmem>>) dst(%dma_wait3A_58 : memref<16xf32, #tpu.memory_space<vmem_shared>>)
        tpu.yield
      }) : () -> ()
    } else {
    }
    %barrier3A = arith.constant 0 : index
    tpu.barrier barrier_id(%barrier3A)
    %dma_wait3A = tpu.memref_slice %arg2[%mul3A_4] : memref<320000xi32, #tpu.memory_space<hbm>> -> memref<9984xi32, #tpu.memory_space<hbm>>
    %dma_wait3A_26 = tpu.memref_slice %arg2[%mul3A_4] : memref<320000xi32, #tpu.memory_space<hbm>> -> memref<9984xi32, #tpu.memory_space<hbm>>
    tpu.wait_dma2 semaphore(%arg9 : memref<!tpu.dma_semaphore, #tpu.memory_space<semaphore_mem>>) src(%dma_wait3A_26 : memref<9984xi32, #tpu.memory_space<hbm>>) dst(%arg4 : memref<9984xi32, #tpu.memory_space<vmem>>)
    "tpu.region"() ({
      %run_scoped3A = tpu.sem_alloc : memref<!tpu.dma_semaphore, #tpu.memory_space<semaphore_mem>>
      %dma_start3A_45 = arith.constant 0 : i32
      %dma_start3A_46 = tpu.memref_slice %arg8[%dma_start3A_45] : memref<10000xf32, #tpu.memory_space<vmem_shared>> -> memref<10000xf32, #tpu.memory_space<vmem_shared>>
      tpu.enqueue_indirect_dma source(%arg6 : memref<9984xf32, #tpu.memory_space<vmem>>) target(%dma_start3A_46 : memref<10000xf32, #tpu.memory_space<vmem_shared>>) offsets(%arg4 : memref<9984xi32, #tpu.memory_space<vmem>>) semaphore(%run_scoped3A : memref<!tpu.dma_semaphore, #tpu.memory_space<semaphore_mem>>) {add = true}
      %dma_wait3A_47 = arith.constant 0 : i32
      %dma_wait3A_48 = tpu.memref_slice %arg8[%dma_wait3A_47] : memref<10000xf32, #tpu.memory_space<vmem_shared>> -> memref<10000xf32, #tpu.memory_space<vmem_shared>>
      tpu.wait_indirect_dma semaphore(%run_scoped3A : memref<!tpu.dma_semaphore, #tpu.memory_space<semaphore_mem>>) src(%arg6 : memref<9984xf32, #tpu.memory_space<vmem>>) dst(%dma_wait3A_48 : memref<10000xf32, #tpu.memory_space<vmem_shared>>)
      tpu.yield
    }) : () -> ()
    %eq3A_27 = arith.constant 31 : i32
    %eq3A_28 = arith.cmpi eq, %add3A, %eq3A_27 : i32
    %convert_element_type3A_29 = arith.extui %eq3A_28 : i1 to i32
    %cond3A_30 = arith.constant 0 : i32
    %cond3A_31 = arith.cmpi ne, %convert_element_type3A_29, %cond3A_30 : i32
    scf.if %cond3A_31 {
      "tpu.region"() ({
        %run_scoped3A = tpu.sem_alloc : memref<!tpu.dma_semaphore, #tpu.memory_space<semaphore_mem>>
        %dma_start3A_45 = arith.constant 0 : i32
        %dma_start3A_46 = tpu.memref_slice %arg6[%dma_start3A_45] : memref<9984xf32, #tpu.memory_space<vmem>> -> memref<512xf32, #tpu.memory_space<vmem>>
        %dma_start3A_47 = arith.constant 0 : i32
        %dma_start3A_48 = tpu.memref_slice %arg8[%dma_start3A_47] : memref<10000xf32, #tpu.memory_space<vmem_shared>> -> memref<10000xf32, #tpu.memory_space<vmem_shared>>
        tpu.enqueue_indirect_dma source(%dma_start3A_46 : memref<512xf32, #tpu.memory_space<vmem>>) target(%dma_start3A_48 : memref<10000xf32, #tpu.memory_space<vmem_shared>>) offsets(%arg5 : memref<512xi32, #tpu.memory_space<vmem>>) semaphore(%run_scoped3A : memref<!tpu.dma_semaphore, #tpu.memory_space<semaphore_mem>>) {add = true}
        %dma_wait3A_49 = arith.constant 0 : i32
        %dma_wait3A_50 = tpu.memref_slice %arg6[%dma_wait3A_49] : memref<9984xf32, #tpu.memory_space<vmem>> -> memref<512xf32, #tpu.memory_space<vmem>>
        %dma_wait3A_51 = arith.constant 0 : i32
        %dma_wait3A_52 = tpu.memref_slice %arg8[%dma_wait3A_51] : memref<10000xf32, #tpu.memory_space<vmem_shared>> -> memref<10000xf32, #tpu.memory_space<vmem_shared>>
        tpu.wait_indirect_dma semaphore(%run_scoped3A : memref<!tpu.dma_semaphore, #tpu.memory_space<semaphore_mem>>) src(%dma_wait3A_50 : memref<512xf32, #tpu.memory_space<vmem>>) dst(%dma_wait3A_52 : memref<10000xf32, #tpu.memory_space<vmem_shared>>)
        tpu.yield
      }) : () -> ()
    } else {
    }
    %barrier3A_32 = arith.constant 0 : index
    tpu.barrier barrier_id(%barrier3A_32)
    %mul3A_33 = arith.constant 624 : i32
    %mul3A_34 = arith.muli %arg1, %mul3A_33 : i32
    "tpu.region"() ({
      %run_scoped3A = tpu.sem_alloc : memref<!tpu.dma_semaphore, #tpu.memory_space<semaphore_mem>>
      %dma_start3A_45 = arith.constant 0 : i32
      %dma_start3A_46 = tpu.memref_slice %arg7[%dma_start3A_45] : memref<640xf32, #tpu.memory_space<vmem>> -> memref<624xf32, #tpu.memory_space<vmem>>
      %dma_start3A_47 = tpu.memref_slice %arg8[%mul3A_34] : memref<10000xf32, #tpu.memory_space<vmem_shared>> -> memref<624xf32, #tpu.memory_space<vmem_shared>>
      %dma_start3A_48 = arith.constant 0 : i32
      %dma_start3A_49 = tpu.memref_slice %arg7[%dma_start3A_48] : memref<640xf32, #tpu.memory_space<vmem>> -> memref<624xf32, #tpu.memory_space<vmem>>
      %dma_start3A_50 = tpu.memref_slice %arg8[%mul3A_34] : memref<10000xf32, #tpu.memory_space<vmem_shared>> -> memref<624xf32, #tpu.memory_space<vmem_shared>>
      tpu.enqueue_dma source(%dma_start3A_50 : memref<624xf32, #tpu.memory_space<vmem_shared>>) target(%dma_start3A_49 : memref<624xf32, #tpu.memory_space<vmem>>) target_semaphore(%run_scoped3A : memref<!tpu.dma_semaphore, #tpu.memory_space<semaphore_mem>>)
      %dma_wait3A_51 = arith.constant 0 : i32
      %dma_wait3A_52 = tpu.memref_slice %arg7[%dma_wait3A_51] : memref<640xf32, #tpu.memory_space<vmem>> -> memref<624xf32, #tpu.memory_space<vmem>>
      %dma_wait3A_53 = tpu.memref_slice %arg8[%mul3A_34] : memref<10000xf32, #tpu.memory_space<vmem_shared>> -> memref<624xf32, #tpu.memory_space<vmem_shared>>
      %dma_wait3A_54 = arith.constant 0 : i32
      %dma_wait3A_55 = tpu.memref_slice %arg7[%dma_wait3A_54] : memref<640xf32, #tpu.memory_space<vmem>> -> memref<624xf32, #tpu.memory_space<vmem>>
      %dma_wait3A_56 = tpu.memref_slice %arg8[%mul3A_34] : memref<10000xf32, #tpu.memory_space<vmem_shared>> -> memref<624xf32, #tpu.memory_space<vmem_shared>>
      tpu.wait_dma2 semaphore(%run_scoped3A : memref<!tpu.dma_semaphore, #tpu.memory_space<semaphore_mem>>) src(%dma_wait3A_56 : memref<624xf32, #tpu.memory_space<vmem_shared>>) dst(%dma_wait3A_55 : memref<624xf32, #tpu.memory_space<vmem>>)
      tpu.yield
    }) : () -> ()
    %mul3A_35 = arith.constant 10000 : i32
    %mul3A_36 = arith.muli %arg0, %mul3A_35 : i32
    %mul3A_37 = arith.constant 624 : i32
    %mul3A_38 = arith.muli %arg1, %mul3A_37 : i32
    %add3A_39 = arith.addi %mul3A_36, %mul3A_38 : i32
    "tpu.region"() ({
      %run_scoped3A = tpu.sem_alloc : memref<!tpu.dma_semaphore, #tpu.memory_space<semaphore_mem>>
      %dma_start3A_45 = arith.constant 0 : i32
      %dma_start3A_46 = tpu.memref_slice %arg7[%dma_start3A_45] : memref<640xf32, #tpu.memory_space<vmem>> -> memref<624xf32, #tpu.memory_space<vmem>>
      %dma_start3A_47 = tpu.memref_slice %arg3[%add3A_39] : memref<20000xf32, #tpu.memory_space<hbm>> -> memref<624xf32, #tpu.memory_space<hbm>>
      %dma_start3A_48 = tpu.memref_slice %arg3[%add3A_39] : memref<20000xf32, #tpu.memory_space<hbm>> -> memref<624xf32, #tpu.memory_space<hbm>>
      %dma_start3A_49 = arith.constant 0 : i32
      %dma_start3A_50 = tpu.memref_slice %arg7[%dma_start3A_49] : memref<640xf32, #tpu.memory_space<vmem>> -> memref<624xf32, #tpu.memory_space<vmem>>
      tpu.enqueue_dma source(%dma_start3A_50 : memref<624xf32, #tpu.memory_space<vmem>>) target(%dma_start3A_48 : memref<624xf32, #tpu.memory_space<hbm>>) target_semaphore(%run_scoped3A : memref<!tpu.dma_semaphore, #tpu.memory_space<semaphore_mem>>)
      %dma_wait3A_51 = arith.constant 0 : i32
      %dma_wait3A_52 = tpu.memref_slice %arg7[%dma_wait3A_51] : memref<640xf32, #tpu.memory_space<vmem>> -> memref<624xf32, #tpu.memory_space<vmem>>
      %dma_wait3A_53 = tpu.memref_slice %arg3[%add3A_39] : memref<20000xf32, #tpu.memory_space<hbm>> -> memref<624xf32, #tpu.memory_space<hbm>>
      %dma_wait3A_54 = tpu.memref_slice %arg3[%add3A_39] : memref<20000xf32, #tpu.memory_space<hbm>> -> memref<624xf32, #tpu.memory_space<hbm>>
      %dma_wait3A_55 = arith.constant 0 : i32
      %dma_wait3A_56 = tpu.memref_slice %arg7[%dma_wait3A_55] : memref<640xf32, #tpu.memory_space<vmem>> -> memref<624xf32, #tpu.memory_space<vmem>>
      tpu.wait_dma2 semaphore(%run_scoped3A : memref<!tpu.dma_semaphore, #tpu.memory_space<semaphore_mem>>) src(%dma_wait3A_56 : memref<624xf32, #tpu.memory_space<vmem>>) dst(%dma_wait3A_54 : memref<624xf32, #tpu.memory_space<hbm>>)
      tpu.yield
    }) : () -> ()
    %eq3A_40 = arith.constant 15 : i32
    %eq3A_41 = arith.cmpi eq, %arg1, %eq3A_40 : i32
    %convert_element_type3A_42 = arith.extui %eq3A_41 : i1 to i32
    %cond3A_43 = arith.constant 0 : i32
    %cond3A_44 = arith.cmpi ne, %convert_element_type3A_42, %cond3A_43 : i32
    scf.if %cond3A_44 {
      "tpu.region"() ({
        %run_scoped3A = tpu.sem_alloc : memref<!tpu.dma_semaphore, #tpu.memory_space<semaphore_mem>>
        %dma_start3A_49 = arith.constant 0 : i32
        %dma_start3A_50 = tpu.memref_slice %arg7[%dma_start3A_49] : memref<640xf32, #tpu.memory_space<vmem>> -> memref<16xf32, #tpu.memory_space<vmem>>
        %dma_start3A_51 = arith.constant 9984 : i32
        %dma_start3A_52 = tpu.memref_slice %arg8[%dma_start3A_51] : memref<10000xf32, #tpu.memory_space<vmem_shared>> -> memref<16xf32, #tpu.memory_space<vmem_shared>>
        %dma_start3A_53 = arith.constant 0 : i32
        %dma_start3A_54 = tpu.memref_slice %arg7[%dma_start3A_53] : memref<640xf32, #tpu.memory_space<vmem>> -> memref<16xf32, #tpu.memory_space<vmem>>
        %dma_start3A_55 = arith.constant 9984 : i32
        %dma_start3A_56 = tpu.memref_slice %arg8[%dma_start3A_55] : memref<10000xf32, #tpu.memory_space<vmem_shared>> -> memref<16xf32, #tpu.memory_space<vmem_shared>>
        tpu.enqueue_dma source(%dma_start3A_56 : memref<16xf32, #tpu.memory_space<vmem_shared>>) target(%dma_start3A_54 : memref<16xf32, #tpu.memory_space<vmem>>) target_semaphore(%run_scoped3A : memref<!tpu.dma_semaphore, #tpu.memory_space<semaphore_mem>>)
        %dma_wait3A_57 = arith.constant 0 : i32
        %dma_wait3A_58 = tpu.memref_slice %arg7[%dma_wait3A_57] : memref<640xf32, #tpu.memory_space<vmem>> -> memref<16xf32, #tpu.memory_space<vmem>>
        %dma_wait3A_59 = arith.constant 9984 : i32
        %dma_wait3A_60 = tpu.memref_slice %arg8[%dma_wait3A_59] : memref<10000xf32, #tpu.memory_space<vmem_shared>> -> memref<16xf32, #tpu.memory_space<vmem_shared>>
        %dma_wait3A_61 = arith.constant 0 : i32
        %dma_wait3A_62 = tpu.memref_slice %arg7[%dma_wait3A_61] : memref<640xf32, #tpu.memory_space<vmem>> -> memref<16xf32, #tpu.memory_space<vmem>>
        %dma_wait3A_63 = arith.constant 9984 : i32
        %dma_wait3A_64 = tpu.memref_slice %arg8[%dma_wait3A_63] : memref<10000xf32, #tpu.memory_space<vmem_shared>> -> memref<16xf32, #tpu.memory_space<vmem_shared>>
        tpu.wait_dma2 semaphore(%run_scoped3A : memref<!tpu.dma_semaphore, #tpu.memory_space<semaphore_mem>>) src(%dma_wait3A_64 : memref<16xf32, #tpu.memory_space<vmem_shared>>) dst(%dma_wait3A_62 : memref<16xf32, #tpu.memory_space<vmem>>)
        tpu.yield
      }) : () -> ()
      %mul3A_45 = arith.constant 10000 : i32
      %mul3A_46 = arith.muli %arg0, %mul3A_45 : i32
      %add3A_47 = arith.constant 9984 : i32
      %add3A_48 = arith.addi %mul3A_46, %add3A_47 : i32
      "tpu.region"() ({
        %run_scoped3A = tpu.sem_alloc : memref<!tpu.dma_semaphore, #tpu.memory_space<semaphore_mem>>
        %dma_start3A_49 = arith.constant 0 : i32
        %dma_start3A_50 = tpu.memref_slice %arg7[%dma_start3A_49] : memref<640xf32, #tpu.memory_space<vmem>> -> memref<16xf32, #tpu.memory_space<vmem>>
        %dma_start3A_51 = tpu.memref_slice %arg3[%add3A_48] : memref<20000xf32, #tpu.memory_space<hbm>> -> memref<16xf32, #tpu.memory_space<hbm>>
        %dma_start3A_52 = tpu.memref_slice %arg3[%add3A_48] : memref<20000xf32, #tpu.memory_space<hbm>> -> memref<16xf32, #tpu.memory_space<hbm>>
        %dma_start3A_53 = arith.constant 0 : i32
        %dma_start3A_54 = tpu.memref_slice %arg7[%dma_start3A_53] : memref<640xf32, #tpu.memory_space<vmem>> -> memref<16xf32, #tpu.memory_space<vmem>>
        tpu.enqueue_dma source(%dma_start3A_54 : memref<16xf32, #tpu.memory_space<vmem>>) target(%dma_start3A_52 : memref<16xf32, #tpu.memory_space<hbm>>) target_semaphore(%run_scoped3A : memref<!tpu.dma_semaphore, #tpu.memory_space<semaphore_mem>>)
        %dma_wait3A_55 = arith.constant 0 : i32
        %dma_wait3A_56 = tpu.memref_slice %arg7[%dma_wait3A_55] : memref<640xf32, #tpu.memory_space<vmem>> -> memref<16xf32, #tpu.memory_space<vmem>>
        %dma_wait3A_57 = tpu.memref_slice %arg3[%add3A_48] : memref<20000xf32, #tpu.memory_space<hbm>> -> memref<16xf32, #tpu.memory_space<hbm>>
        %dma_wait3A_58 = tpu.memref_slice %arg3[%add3A_48] : memref<20000xf32, #tpu.memory_space<hbm>> -> memref<16xf32, #tpu.memory_space<hbm>>
        %dma_wait3A_59 = arith.constant 0 : i32
        %dma_wait3A_60 = tpu.memref_slice %arg7[%dma_wait3A_59] : memref<640xf32, #tpu.memory_space<vmem>> -> memref<16xf32, #tpu.memory_space<vmem>>
        tpu.wait_dma2 semaphore(%run_scoped3A : memref<!tpu.dma_semaphore, #tpu.memory_space<semaphore_mem>>) src(%dma_wait3A_60 : memref<16xf32, #tpu.memory_space<vmem>>) dst(%dma_wait3A_58 : memref<16xf32, #tpu.memory_space<hbm>>)
        tpu.yield
      }) : () -> ()
    } else {
    }
    return
  }
}

#map = affine_map<(d0, d1) -> (0, 0)>
#map1 = affine_map<(d0, d1) -> (0)>
#map2 = affine_map<(d0, d1) -> (0, 0, 0)>
module attributes {stable_mosaic.version = 14 : i64} {
  func.func @_sc_agg_body(%arg0: i32, %arg1: i32, %arg2: memref<10000x128xf32, #tpu.memory_space<hbm>>, %arg3: memref<320000xi32, #tpu.memory_space<hbm>>, %arg4: memref<320000xi32, #tpu.memory_space<hbm>>, %arg5: memref<2x10000x128xf32, #tpu.memory_space<hbm>>, %arg6: memref<128xi32, #tpu.memory_space<vmem>>, %arg7: memref<128xi32, #tpu.memory_space<vmem>>, %arg8: memref<128xi32, #tpu.memory_space<vmem>>, %arg9: memref<128xi32, #tpu.memory_space<vmem>>, %arg10: memref<128xi32, #tpu.memory_space<vmem>>, %arg11: memref<128xi32, #tpu.memory_space<vmem>>, %arg12: memref<128x128xf32, #tpu.memory_space<vmem>>, %arg13: memref<128x128xf32, #tpu.memory_space<vmem>>, %arg14: memref<128x128xf32, #tpu.memory_space<vmem>>, %arg15: memref<10000x128xf32, #tpu.memory_space<vmem_shared>>, %arg16: memref<!tpu.dma_semaphore, #tpu.memory_space<semaphore_mem>>, %arg17: memref<!tpu.dma_semaphore, #tpu.memory_space<semaphore_mem>>, %arg18: memref<!tpu.dma_semaphore, #tpu.memory_space<semaphore_mem>>, %arg19: memref<!tpu.dma_semaphore, #tpu.memory_space<semaphore_mem>>, %arg20: memref<!tpu.dma_semaphore, #tpu.memory_space<semaphore_mem>>, %arg21: memref<!tpu.dma_semaphore, #tpu.memory_space<semaphore_mem>>, %arg22: memref<!tpu.dma_semaphore, #tpu.memory_space<semaphore_mem>>, %arg23: memref<!tpu.dma_semaphore, #tpu.memory_space<semaphore_mem>>, %arg24: memref<!tpu.dma_semaphore, #tpu.memory_space<semaphore_mem>>) attributes {dimension_semantics = [#tpu.dimension_semantics<core_parallel>, #tpu.dimension_semantics<subcore_parallel>], iteration_bounds = array<i64: 2, 16>, scalar_prefetch = 0 : i64, scratch_operands = 19 : i64, tpu.core_type = #tpu.core_type<sc_vector_subcore>, window_params = [{transform_indices = #map}, {transform_indices = #map1}, {transform_indices = #map1}, {transform_indices = #map2}]} {
    %mul3A = arith.constant 16 : i32
    %mul3A_0 = arith.muli %arg0, %mul3A : i32
    %add3A = arith.addi %mul3A_0, %arg1 : i32
    %mul3A_1 = arith.constant 78 : i32
    %mul3A_2 = arith.muli %add3A, %mul3A_1 : i32
    %add3A_3 = arith.constant 0 : i32
    %add3A_4 = arith.addi %mul3A_2, %add3A_3 : i32
    %mul3A_5 = arith.constant 128 : i32
    %mul3A_6 = arith.muli %add3A_4, %mul3A_5 : i32
    %dma_start3A = tpu.memref_slice %arg3[%mul3A_6] : memref<320000xi32, #tpu.memory_space<hbm>> -> memref<128xi32, #tpu.memory_space<hbm>>
    %dma_start3A_7 = tpu.memref_slice %arg3[%mul3A_6] : memref<320000xi32, #tpu.memory_space<hbm>> -> memref<128xi32, #tpu.memory_space<hbm>>
    tpu.enqueue_dma source(%dma_start3A_7 : memref<128xi32, #tpu.memory_space<hbm>>) target(%arg6 : memref<128xi32, #tpu.memory_space<vmem>>) target_semaphore(%arg16 : memref<!tpu.dma_semaphore, #tpu.memory_space<semaphore_mem>>)
    %add3A_8 = arith.constant 0 : i32
    %add3A_9 = arith.addi %mul3A_2, %add3A_8 : i32
    %mul3A_10 = arith.constant 128 : i32
    %mul3A_11 = arith.muli %add3A_9, %mul3A_10 : i32
    %dma_start3A_12 = tpu.memref_slice %arg4[%mul3A_11] : memref<320000xi32, #tpu.memory_space<hbm>> -> memref<128xi32, #tpu.memory_space<hbm>>
    %dma_start3A_13 = tpu.memref_slice %arg4[%mul3A_11] : memref<320000xi32, #tpu.memory_space<hbm>> -> memref<128xi32, #tpu.memory_space<hbm>>
    tpu.enqueue_dma source(%dma_start3A_13 : memref<128xi32, #tpu.memory_space<hbm>>) target(%arg9 : memref<128xi32, #tpu.memory_space<vmem>>) target_semaphore(%arg19 : memref<!tpu.dma_semaphore, #tpu.memory_space<semaphore_mem>>)
    %add3A_14 = arith.constant 1 : i32
    %add3A_15 = arith.addi %mul3A_2, %add3A_14 : i32
    %mul3A_16 = arith.constant 128 : i32
    %mul3A_17 = arith.muli %add3A_15, %mul3A_16 : i32
    %dma_start3A_18 = tpu.memref_slice %arg3[%mul3A_17] : memref<320000xi32, #tpu.memory_space<hbm>> -> memref<128xi32, #tpu.memory_space<hbm>>
    %dma_start3A_19 = tpu.memref_slice %arg3[%mul3A_17] : memref<320000xi32, #tpu.memory_space<hbm>> -> memref<128xi32, #tpu.memory_space<hbm>>
    tpu.enqueue_dma source(%dma_start3A_19 : memref<128xi32, #tpu.memory_space<hbm>>) target(%arg7 : memref<128xi32, #tpu.memory_space<vmem>>) target_semaphore(%arg17 : memref<!tpu.dma_semaphore, #tpu.memory_space<semaphore_mem>>)
    %add3A_20 = arith.constant 1 : i32
    %add3A_21 = arith.addi %mul3A_2, %add3A_20 : i32
    %mul3A_22 = arith.constant 128 : i32
    %mul3A_23 = arith.muli %add3A_21, %mul3A_22 : i32
    %dma_start3A_24 = tpu.memref_slice %arg4[%mul3A_23] : memref<320000xi32, #tpu.memory_space<hbm>> -> memref<128xi32, #tpu.memory_space<hbm>>
    %dma_start3A_25 = tpu.memref_slice %arg4[%mul3A_23] : memref<320000xi32, #tpu.memory_space<hbm>> -> memref<128xi32, #tpu.memory_space<hbm>>
    tpu.enqueue_dma source(%dma_start3A_25 : memref<128xi32, #tpu.memory_space<hbm>>) target(%arg10 : memref<128xi32, #tpu.memory_space<vmem>>) target_semaphore(%arg20 : memref<!tpu.dma_semaphore, #tpu.memory_space<semaphore_mem>>)
    %add3A_26 = arith.constant 2 : i32
    %add3A_27 = arith.addi %mul3A_2, %add3A_26 : i32
    %mul3A_28 = arith.constant 128 : i32
    %mul3A_29 = arith.muli %add3A_27, %mul3A_28 : i32
    %dma_start3A_30 = tpu.memref_slice %arg3[%mul3A_29] : memref<320000xi32, #tpu.memory_space<hbm>> -> memref<128xi32, #tpu.memory_space<hbm>>
    %dma_start3A_31 = tpu.memref_slice %arg3[%mul3A_29] : memref<320000xi32, #tpu.memory_space<hbm>> -> memref<128xi32, #tpu.memory_space<hbm>>
    tpu.enqueue_dma source(%dma_start3A_31 : memref<128xi32, #tpu.memory_space<hbm>>) target(%arg8 : memref<128xi32, #tpu.memory_space<vmem>>) target_semaphore(%arg18 : memref<!tpu.dma_semaphore, #tpu.memory_space<semaphore_mem>>)
    %add3A_32 = arith.constant 2 : i32
    %add3A_33 = arith.addi %mul3A_2, %add3A_32 : i32
    %mul3A_34 = arith.constant 128 : i32
    %mul3A_35 = arith.muli %add3A_33, %mul3A_34 : i32
    %dma_start3A_36 = tpu.memref_slice %arg4[%mul3A_35] : memref<320000xi32, #tpu.memory_space<hbm>> -> memref<128xi32, #tpu.memory_space<hbm>>
    %dma_start3A_37 = tpu.memref_slice %arg4[%mul3A_35] : memref<320000xi32, #tpu.memory_space<hbm>> -> memref<128xi32, #tpu.memory_space<hbm>>
    tpu.enqueue_dma source(%dma_start3A_37 : memref<128xi32, #tpu.memory_space<hbm>>) target(%arg11 : memref<128xi32, #tpu.memory_space<vmem>>) target_semaphore(%arg21 : memref<!tpu.dma_semaphore, #tpu.memory_space<semaphore_mem>>)
    %add3A_38 = arith.constant 0 : i32
    %add3A_39 = arith.addi %mul3A_2, %add3A_38 : i32
    %mul3A_40 = arith.constant 128 : i32
    %mul3A_41 = arith.muli %add3A_39, %mul3A_40 : i32
    %dma_wait3A = tpu.memref_slice %arg3[%mul3A_41] : memref<320000xi32, #tpu.memory_space<hbm>> -> memref<128xi32, #tpu.memory_space<hbm>>
    %dma_wait3A_42 = tpu.memref_slice %arg3[%mul3A_41] : memref<320000xi32, #tpu.memory_space<hbm>> -> memref<128xi32, #tpu.memory_space<hbm>>
    tpu.wait_dma2 semaphore(%arg16 : memref<!tpu.dma_semaphore, #tpu.memory_space<semaphore_mem>>) src(%dma_wait3A_42 : memref<128xi32, #tpu.memory_space<hbm>>) dst(%arg6 : memref<128xi32, #tpu.memory_space<vmem>>)
    %dma_start3A_43 = arith.constant 0 : i32
    %dma_start3A_44 = arith.constant 0 : i32
    %dma_start3A_45 = tpu.memref_slice %arg2[%dma_start3A_43, %dma_start3A_44] : memref<10000x128xf32, #tpu.memory_space<hbm>> -> memref<10000x128xf32, #tpu.memory_space<hbm>>
    tpu.enqueue_indirect_dma source(%dma_start3A_45 : memref<10000x128xf32, #tpu.memory_space<hbm>>) target(%arg12 : memref<128x128xf32, #tpu.memory_space<vmem>>) offsets(%arg6 : memref<128xi32, #tpu.memory_space<vmem>>) semaphore(%arg22 : memref<!tpu.dma_semaphore, #tpu.memory_space<semaphore_mem>>)
    %add3A_46 = arith.constant 1 : i32
    %add3A_47 = arith.addi %mul3A_2, %add3A_46 : i32
    %mul3A_48 = arith.constant 128 : i32
    %mul3A_49 = arith.muli %add3A_47, %mul3A_48 : i32
    %dma_wait3A_50 = tpu.memref_slice %arg3[%mul3A_49] : memref<320000xi32, #tpu.memory_space<hbm>> -> memref<128xi32, #tpu.memory_space<hbm>>
    %dma_wait3A_51 = tpu.memref_slice %arg3[%mul3A_49] : memref<320000xi32, #tpu.memory_space<hbm>> -> memref<128xi32, #tpu.memory_space<hbm>>
    tpu.wait_dma2 semaphore(%arg17 : memref<!tpu.dma_semaphore, #tpu.memory_space<semaphore_mem>>) src(%dma_wait3A_51 : memref<128xi32, #tpu.memory_space<hbm>>) dst(%arg7 : memref<128xi32, #tpu.memory_space<vmem>>)
    %dma_start3A_52 = arith.constant 0 : i32
    %dma_start3A_53 = arith.constant 0 : i32
    %dma_start3A_54 = tpu.memref_slice %arg2[%dma_start3A_52, %dma_start3A_53] : memref<10000x128xf32, #tpu.memory_space<hbm>> -> memref<10000x128xf32, #tpu.memory_space<hbm>>
    tpu.enqueue_indirect_dma source(%dma_start3A_54 : memref<10000x128xf32, #tpu.memory_space<hbm>>) target(%arg13 : memref<128x128xf32, #tpu.memory_space<vmem>>) offsets(%arg7 : memref<128xi32, #tpu.memory_space<vmem>>) semaphore(%arg23 : memref<!tpu.dma_semaphore, #tpu.memory_space<semaphore_mem>>)
    %scan3A = arith.constant 0 : i32
    %scan3A_55 = arith.constant 0 : i32
    %scan3A_56 = arith.constant 128 : i32
    %scan3A_57 = arith.addi %scan3A_55, %scan3A_56 : i32
    %scan3A_58 = arith.constant 1 : i32
    scf.for %scan3A_127 = %scan3A_55 to %scan3A_57 step %scan3A_58  : i32 {
      %scan3A_128 = arith.constant 0 : i32
      %scan3A_129 = arith.constant 0 : i32
      %scan3A_130 = arith.constant 8 : i32
      %scan3A_131 = arith.addi %scan3A_129, %scan3A_130 : i32
      %scan3A_132 = arith.constant 1 : i32
      scf.for %scan3A_134 = %scan3A_129 to %scan3A_131 step %scan3A_132  : i32 {
        %broadcast_in_dim3A = arith.constant 0.000000e+00 : f32
        %broadcast_in_dim3A_135 = vector.broadcast %broadcast_in_dim3A : f32 to vector<16xf32>
        %mul3A_136 = arith.constant 16 : i32
        %mul3A_137 = arith.muli %scan3A_134, %mul3A_136 : i32
        %swap3A = arith.index_cast %scan3A_127 : i32 to index
        %swap3A_138 = arith.index_cast %mul3A_137 : i32 to index
        %swap3A_139 = tpu.vector_load %arg14[%swap3A, %swap3A_138] {strides = array<i32>} : memref<128x128xf32, #tpu.memory_space<vmem>>, vector<1x16xf32>,
        %swap3A_140 = vector.shape_cast %swap3A_139 : vector<1x16xf32> to vector<16xf32>
        %swap3A_141 = vector.shape_cast %broadcast_in_dim3A_135 : vector<16xf32> to vector<1x16xf32>
        tpu.vector_store %arg14[%swap3A, %swap3A_138], %swap3A_141 {strides = array<i32>} : memref<128x128xf32, #tpu.memory_space<vmem>>, vector<1x16xf32>,
      }
      %scan3A_133 = arith.constant 8 : i32
    }
    %scan3A_59 = arith.constant 128 : i32
    %mul3A_60 = arith.constant 624 : i32
    %mul3A_61 = arith.muli %arg1, %mul3A_60 : i32
    %add3A_62 = arith.constant 0 : i32
    %add3A_63 = arith.addi %mul3A_61, %add3A_62 : i32
    "tpu.region"() ({
      %run_scoped3A = tpu.sem_alloc : memref<!tpu.dma_semaphore, #tpu.memory_space<semaphore_mem>>
      %dma_start3A_127 = arith.constant 0 : i32
      %dma_start3A_128 = arith.constant 0 : i32
      %dma_start3A_129 = tpu.memref_slice %arg14[%dma_start3A_127, %dma_start3A_128] : memref<128x128xf32, #tpu.memory_space<vmem>> -> memref<104x128xf32, #tpu.memory_space<vmem>>
      %dma_start3A_130 = arith.constant 0 : i32
      %dma_start3A_131 = tpu.memref_slice %arg15[%add3A_63, %dma_start3A_130] : memref<10000x128xf32, #tpu.memory_space<vmem_shared>> -> memref<104x128xf32, #tpu.memory_space<vmem_shared>>
      %dma_start3A_132 = arith.constant 0 : i32
      %dma_start3A_133 = tpu.memref_slice %arg15[%add3A_63, %dma_start3A_132] : memref<10000x128xf32, #tpu.memory_space<vmem_shared>> -> memref<104x128xf32, #tpu.memory_space<vmem_shared>>
      %dma_start3A_134 = arith.constant 0 : i32
      %dma_start3A_135 = arith.constant 0 : i32
      %dma_start3A_136 = tpu.memref_slice %arg14[%dma_start3A_134, %dma_start3A_135] : memref<128x128xf32, #tpu.memory_space<vmem>> -> memref<104x128xf32, #tpu.memory_space<vmem>>
      tpu.enqueue_dma source(%dma_start3A_136 : memref<104x128xf32, #tpu.memory_space<vmem>>) target(%dma_start3A_133 : memref<104x128xf32, #tpu.memory_space<vmem_shared>>) target_semaphore(%run_scoped3A : memref<!tpu.dma_semaphore, #tpu.memory_space<semaphore_mem>>)
      %dma_wait3A_137 = arith.constant 0 : i32
      %dma_wait3A_138 = arith.constant 0 : i32
      %dma_wait3A_139 = tpu.memref_slice %arg14[%dma_wait3A_137, %dma_wait3A_138] : memref<128x128xf32, #tpu.memory_space<vmem>> -> memref<104x128xf32, #tpu.memory_space<vmem>>
      %dma_wait3A_140 = arith.constant 0 : i32
      %dma_wait3A_141 = tpu.memref_slice %arg15[%add3A_63, %dma_wait3A_140] : memref<10000x128xf32, #tpu.memory_space<vmem_shared>> -> memref<104x128xf32, #tpu.memory_space<vmem_shared>>
      %dma_wait3A_142 = arith.constant 0 : i32
      %dma_wait3A_143 = tpu.memref_slice %arg15[%add3A_63, %dma_wait3A_142] : memref<10000x128xf32, #tpu.memory_space<vmem_shared>> -> memref<104x128xf32, #tpu.memory_space<vmem_shared>>
      %dma_wait3A_144 = arith.constant 0 : i32
      %dma_wait3A_145 = arith.constant 0 : i32
      %dma_wait3A_146 = tpu.memref_slice %arg14[%dma_wait3A_144, %dma_wait3A_145] : memref<128x128xf32, #tpu.memory_space<vmem>> -> memref<104x128xf32, #tpu.memory_space<vmem>>
      tpu.wait_dma2 semaphore(%run_scoped3A : memref<!tpu.dma_semaphore, #tpu.memory_space<semaphore_mem>>) src(%dma_wait3A_146 : memref<104x128xf32, #tpu.memory_space<vmem>>) dst(%dma_wait3A_143 : memref<104x128xf32, #tpu.memory_space<vmem_shared>>)
      tpu.yield
    }) : () -> ()
    %mul3A_64 = arith.constant 624 : i32
    %mul3A_65 = arith.muli %arg1, %mul3A_64 : i32
    %add3A_66 = arith.constant 104 : i32
    %add3A_67 = arith.addi %mul3A_65, %add3A_66 : i32
    "tpu.region"() ({
      %run_scoped3A = tpu.sem_alloc : memref<!tpu.dma_semaphore, #tpu.memory_space<semaphore_mem>>
      %dma_start3A_127 = arith.constant 0 : i32
      %dma_start3A_128 = arith.constant 0 : i32
      %dma_start3A_129 = tpu.memref_slice %arg14[%dma_start3A_127, %dma_start3A_128] : memref<128x128xf32, #tpu.memory_space<vmem>> -> memref<104x128xf32, #tpu.memory_space<vmem>>
      %dma_start3A_130 = arith.constant 0 : i32
      %dma_start3A_131 = tpu.memref_slice %arg15[%add3A_67, %dma_start3A_130] : memref<10000x128xf32, #tpu.memory_space<vmem_shared>> -> memref<104x128xf32, #tpu.memory_space<vmem_shared>>
      %dma_start3A_132 = arith.constant 0 : i32
      %dma_start3A_133 = tpu.memref_slice %arg15[%add3A_67, %dma_start3A_132] : memref<10000x128xf32, #tpu.memory_space<vmem_shared>> -> memref<104x128xf32, #tpu.memory_space<vmem_shared>>
      %dma_start3A_134 = arith.constant 0 : i32
      %dma_start3A_135 = arith.constant 0 : i32
      %dma_start3A_136 = tpu.memref_slice %arg14[%dma_start3A_134, %dma_start3A_135] : memref<128x128xf32, #tpu.memory_space<vmem>> -> memref<104x128xf32, #tpu.memory_space<vmem>>
      tpu.enqueue_dma source(%dma_start3A_136 : memref<104x128xf32, #tpu.memory_space<vmem>>) target(%dma_start3A_133 : memref<104x128xf32, #tpu.memory_space<vmem_shared>>) target_semaphore(%run_scoped3A : memref<!tpu.dma_semaphore, #tpu.memory_space<semaphore_mem>>)
      %dma_wait3A_137 = arith.constant 0 : i32
      %dma_wait3A_138 = arith.constant 0 : i32
      %dma_wait3A_139 = tpu.memref_slice %arg14[%dma_wait3A_137, %dma_wait3A_138] : memref<128x128xf32, #tpu.memory_space<vmem>> -> memref<104x128xf32, #tpu.memory_space<vmem>>
      %dma_wait3A_140 = arith.constant 0 : i32
      %dma_wait3A_141 = tpu.memref_slice %arg15[%add3A_67, %dma_wait3A_140] : memref<10000x128xf32, #tpu.memory_space<vmem_shared>> -> memref<104x128xf32, #tpu.memory_space<vmem_shared>>
      %dma_wait3A_142 = arith.constant 0 : i32
      %dma_wait3A_143 = tpu.memref_slice %arg15[%add3A_67, %dma_wait3A_142] : memref<10000x128xf32, #tpu.memory_space<vmem_shared>> -> memref<104x128xf32, #tpu.memory_space<vmem_shared>>
      %dma_wait3A_144 = arith.constant 0 : i32
      %dma_wait3A_145 = arith.constant 0 : i32
      %dma_wait3A_146 = tpu.memref_slice %arg14[%dma_wait3A_144, %dma_wait3A_145] : memref<128x128xf32, #tpu.memory_space<vmem>> -> memref<104x128xf32, #tpu.memory_space<vmem>>
      tpu.wait_dma2 semaphore(%run_scoped3A : memref<!tpu.dma_semaphore, #tpu.memory_space<semaphore_mem>>) src(%dma_wait3A_146 : memref<104x128xf32, #tpu.memory_space<vmem>>) dst(%dma_wait3A_143 : memref<104x128xf32, #tpu.memory_space<vmem_shared>>)
      tpu.yield
    }) : () -> ()
    %mul3A_68 = arith.constant 624 : i32
    %mul3A_69 = arith.muli %arg1, %mul3A_68 : i32
    %add3A_70 = arith.constant 208 : i32
    %add3A_71 = arith.addi %mul3A_69, %add3A_70 : i32
    "tpu.region"() ({
      %run_scoped3A = tpu.sem_alloc : memref<!tpu.dma_semaphore, #tpu.memory_space<semaphore_mem>>
      %dma_start3A_127 = arith.constant 0 : i32
      %dma_start3A_128 = arith.constant 0 : i32
      %dma_start3A_129 = tpu.memref_slice %arg14[%dma_start3A_127, %dma_start3A_128] : memref<128x128xf32, #tpu.memory_space<vmem>> -> memref<104x128xf32, #tpu.memory_space<vmem>>
      %dma_start3A_130 = arith.constant 0 : i32
      %dma_start3A_131 = tpu.memref_slice %arg15[%add3A_71, %dma_start3A_130] : memref<10000x128xf32, #tpu.memory_space<vmem_shared>> -> memref<104x128xf32, #tpu.memory_space<vmem_shared>>
      %dma_start3A_132 = arith.constant 0 : i32
      %dma_start3A_133 = tpu.memref_slice %arg15[%add3A_71, %dma_start3A_132] : memref<10000x128xf32, #tpu.memory_space<vmem_shared>> -> memref<104x128xf32, #tpu.memory_space<vmem_shared>>
      %dma_start3A_134 = arith.constant 0 : i32
      %dma_start3A_135 = arith.constant 0 : i32
      %dma_start3A_136 = tpu.memref_slice %arg14[%dma_start3A_134, %dma_start3A_135] : memref<128x128xf32, #tpu.memory_space<vmem>> -> memref<104x128xf32, #tpu.memory_space<vmem>>
      tpu.enqueue_dma source(%dma_start3A_136 : memref<104x128xf32, #tpu.memory_space<vmem>>) target(%dma_start3A_133 : memref<104x128xf32, #tpu.memory_space<vmem_shared>>) target_semaphore(%run_scoped3A : memref<!tpu.dma_semaphore, #tpu.memory_space<semaphore_mem>>)
      %dma_wait3A_137 = arith.constant 0 : i32
      %dma_wait3A_138 = arith.constant 0 : i32
      %dma_wait3A_139 = tpu.memref_slice %arg14[%dma_wait3A_137, %dma_wait3A_138] : memref<128x128xf32, #tpu.memory_space<vmem>> -> memref<104x128xf32, #tpu.memory_space<vmem>>
      %dma_wait3A_140 = arith.constant 0 : i32
      %dma_wait3A_141 = tpu.memref_slice %arg15[%add3A_71, %dma_wait3A_140] : memref<10000x128xf32, #tpu.memory_space<vmem_shared>> -> memref<104x128xf32, #tpu.memory_space<vmem_shared>>
      %dma_wait3A_142 = arith.constant 0 : i32
      %dma_wait3A_143 = tpu.memref_slice %arg15[%add3A_71, %dma_wait3A_142] : memref<10000x128xf32, #tpu.memory_space<vmem_shared>> -> memref<104x128xf32, #tpu.memory_space<vmem_shared>>
      %dma_wait3A_144 = arith.constant 0 : i32
      %dma_wait3A_145 = arith.constant 0 : i32
      %dma_wait3A_146 = tpu.memref_slice %arg14[%dma_wait3A_144, %dma_wait3A_145] : memref<128x128xf32, #tpu.memory_space<vmem>> -> memref<104x128xf32, #tpu.memory_space<vmem>>
      tpu.wait_dma2 semaphore(%run_scoped3A : memref<!tpu.dma_semaphore, #tpu.memory_space<semaphore_mem>>) src(%dma_wait3A_146 : memref<104x128xf32, #tpu.memory_space<vmem>>) dst(%dma_wait3A_143 : memref<104x128xf32, #tpu.memory_space<vmem_shared>>)
      tpu.yield
    }) : () -> ()
    %mul3A_72 = arith.constant 624 : i32
    %mul3A_73 = arith.muli %arg1, %mul3A_72 : i32
    %add3A_74 = arith.constant 312 : i32
    %add3A_75 = arith.addi %mul3A_73, %add3A_74 : i32
    "tpu.region"() ({
      %run_scoped3A = tpu.sem_alloc : memref<!tpu.dma_semaphore, #tpu.memory_space<semaphore_mem>>
      %dma_start3A_127 = arith.constant 0 : i32
      %dma_start3A_128 = arith.constant 0 : i32
      %dma_start3A_129 = tpu.memref_slice %arg14[%dma_start3A_127, %dma_start3A_128] : memref<128x128xf32, #tpu.memory_space<vmem>> -> memref<104x128xf32, #tpu.memory_space<vmem>>
      %dma_start3A_130 = arith.constant 0 : i32
      %dma_start3A_131 = tpu.memref_slice %arg15[%add3A_75, %dma_start3A_130] : memref<10000x128xf32, #tpu.memory_space<vmem_shared>> -> memref<104x128xf32, #tpu.memory_space<vmem_shared>>
      %dma_start3A_132 = arith.constant 0 : i32
      %dma_start3A_133 = tpu.memref_slice %arg15[%add3A_75, %dma_start3A_132] : memref<10000x128xf32, #tpu.memory_space<vmem_shared>> -> memref<104x128xf32, #tpu.memory_space<vmem_shared>>
      %dma_start3A_134 = arith.constant 0 : i32
      %dma_start3A_135 = arith.constant 0 : i32
      %dma_start3A_136 = tpu.memref_slice %arg14[%dma_start3A_134, %dma_start3A_135] : memref<128x128xf32, #tpu.memory_space<vmem>> -> memref<104x128xf32, #tpu.memory_space<vmem>>
      tpu.enqueue_dma source(%dma_start3A_136 : memref<104x128xf32, #tpu.memory_space<vmem>>) target(%dma_start3A_133 : memref<104x128xf32, #tpu.memory_space<vmem_shared>>) target_semaphore(%run_scoped3A : memref<!tpu.dma_semaphore, #tpu.memory_space<semaphore_mem>>)
      %dma_wait3A_137 = arith.constant 0 : i32
      %dma_wait3A_138 = arith.constant 0 : i32
      %dma_wait3A_139 = tpu.memref_slice %arg14[%dma_wait3A_137, %dma_wait3A_138] : memref<128x128xf32, #tpu.memory_space<vmem>> -> memref<104x128xf32, #tpu.memory_space<vmem>>
      %dma_wait3A_140 = arith.constant 0 : i32
      %dma_wait3A_141 = tpu.memref_slice %arg15[%add3A_75, %dma_wait3A_140] : memref<10000x128xf32, #tpu.memory_space<vmem_shared>> -> memref<104x128xf32, #tpu.memory_space<vmem_shared>>
      %dma_wait3A_142 = arith.constant 0 : i32
      %dma_wait3A_143 = tpu.memref_slice %arg15[%add3A_75, %dma_wait3A_142] : memref<10000x128xf32, #tpu.memory_space<vmem_shared>> -> memref<104x128xf32, #tpu.memory_space<vmem_shared>>
      %dma_wait3A_144 = arith.constant 0 : i32
      %dma_wait3A_145 = arith.constant 0 : i32
      %dma_wait3A_146 = tpu.memref_slice %arg14[%dma_wait3A_144, %dma_wait3A_145] : memref<128x128xf32, #tpu.memory_space<vmem>> -> memref<104x128xf32, #tpu.memory_space<vmem>>
      tpu.wait_dma2 semaphore(%run_scoped3A : memref<!tpu.dma_semaphore, #tpu.memory_space<semaphore_mem>>) src(%dma_wait3A_146 : memref<104x128xf32, #tpu.memory_space<vmem>>) dst(%dma_wait3A_143 : memref<104x128xf32, #tpu.memory_space<vmem_shared>>)
      tpu.yield
    }) : () -> ()
    %mul3A_76 = arith.constant 624 : i32
    %mul3A_77 = arith.muli %arg1, %mul3A_76 : i32
    %add3A_78 = arith.constant 416 : i32
    %add3A_79 = arith.addi %mul3A_77, %add3A_78 : i32
    "tpu.region"() ({
      %run_scoped3A = tpu.sem_alloc : memref<!tpu.dma_semaphore, #tpu.memory_space<semaphore_mem>>
      %dma_start3A_127 = arith.constant 0 : i32
      %dma_start3A_128 = arith.constant 0 : i32
      %dma_start3A_129 = tpu.memref_slice %arg14[%dma_start3A_127, %dma_start3A_128] : memref<128x128xf32, #tpu.memory_space<vmem>> -> memref<104x128xf32, #tpu.memory_space<vmem>>
      %dma_start3A_130 = arith.constant 0 : i32
      %dma_start3A_131 = tpu.memref_slice %arg15[%add3A_79, %dma_start3A_130] : memref<10000x128xf32, #tpu.memory_space<vmem_shared>> -> memref<104x128xf32, #tpu.memory_space<vmem_shared>>
      %dma_start3A_132 = arith.constant 0 : i32
      %dma_start3A_133 = tpu.memref_slice %arg15[%add3A_79, %dma_start3A_132] : memref<10000x128xf32, #tpu.memory_space<vmem_shared>> -> memref<104x128xf32, #tpu.memory_space<vmem_shared>>
      %dma_start3A_134 = arith.constant 0 : i32
      %dma_start3A_135 = arith.constant 0 : i32
      %dma_start3A_136 = tpu.memref_slice %arg14[%dma_start3A_134, %dma_start3A_135] : memref<128x128xf32, #tpu.memory_space<vmem>> -> memref<104x128xf32, #tpu.memory_space<vmem>>
      tpu.enqueue_dma source(%dma_start3A_136 : memref<104x128xf32, #tpu.memory_space<vmem>>) target(%dma_start3A_133 : memref<104x128xf32, #tpu.memory_space<vmem_shared>>) target_semaphore(%run_scoped3A : memref<!tpu.dma_semaphore, #tpu.memory_space<semaphore_mem>>)
      %dma_wait3A_137 = arith.constant 0 : i32
      %dma_wait3A_138 = arith.constant 0 : i32
      %dma_wait3A_139 = tpu.memref_slice %arg14[%dma_wait3A_137, %dma_wait3A_138] : memref<128x128xf32, #tpu.memory_space<vmem>> -> memref<104x128xf32, #tpu.memory_space<vmem>>
      %dma_wait3A_140 = arith.constant 0 : i32
      %dma_wait3A_141 = tpu.memref_slice %arg15[%add3A_79, %dma_wait3A_140] : memref<10000x128xf32, #tpu.memory_space<vmem_shared>> -> memref<104x128xf32, #tpu.memory_space<vmem_shared>>
      %dma_wait3A_142 = arith.constant 0 : i32
      %dma_wait3A_143 = tpu.memref_slice %arg15[%add3A_79, %dma_wait3A_142] : memref<10000x128xf32, #tpu.memory_space<vmem_shared>> -> memref<104x128xf32, #tpu.memory_space<vmem_shared>>
      %dma_wait3A_144 = arith.constant 0 : i32
      %dma_wait3A_145 = arith.constant 0 : i32
      %dma_wait3A_146 = tpu.memref_slice %arg14[%dma_wait3A_144, %dma_wait3A_145] : memref<128x128xf32, #tpu.memory_space<vmem>> -> memref<104x128xf32, #tpu.memory_space<vmem>>
      tpu.wait_dma2 semaphore(%run_scoped3A : memref<!tpu.dma_semaphore, #tpu.memory_space<semaphore_mem>>) src(%dma_wait3A_146 : memref<104x128xf32, #tpu.memory_space<vmem>>) dst(%dma_wait3A_143 : memref<104x128xf32, #tpu.memory_space<vmem_shared>>)
      tpu.yield
    }) : () -> ()
    %mul3A_80 = arith.constant 624 : i32
    %mul3A_81 = arith.muli %arg1, %mul3A_80 : i32
    %add3A_82 = arith.constant 520 : i32
    %add3A_83 = arith.addi %mul3A_81, %add3A_82 : i32
    "tpu.region"() ({
      %run_scoped3A = tpu.sem_alloc : memref<!tpu.dma_semaphore, #tpu.memory_space<semaphore_mem>>
      %dma_start3A_127 = arith.constant 0 : i32
      %dma_start3A_128 = arith.constant 0 : i32
      %dma_start3A_129 = tpu.memref_slice %arg14[%dma_start3A_127, %dma_start3A_128] : memref<128x128xf32, #tpu.memory_space<vmem>> -> memref<104x128xf32, #tpu.memory_space<vmem>>
      %dma_start3A_130 = arith.constant 0 : i32
      %dma_start3A_131 = tpu.memref_slice %arg15[%add3A_83, %dma_start3A_130] : memref<10000x128xf32, #tpu.memory_space<vmem_shared>> -> memref<104x128xf32, #tpu.memory_space<vmem_shared>>
      %dma_start3A_132 = arith.constant 0 : i32
      %dma_start3A_133 = tpu.memref_slice %arg15[%add3A_83, %dma_start3A_132] : memref<10000x128xf32, #tpu.memory_space<vmem_shared>> -> memref<104x128xf32, #tpu.memory_space<vmem_shared>>
      %dma_start3A_134 = arith.constant 0 : i32
      %dma_start3A_135 = arith.constant 0 : i32
      %dma_start3A_136 = tpu.memref_slice %arg14[%dma_start3A_134, %dma_start3A_135] : memref<128x128xf32, #tpu.memory_space<vmem>> -> memref<104x128xf32, #tpu.memory_space<vmem>>
      tpu.enqueue_dma source(%dma_start3A_136 : memref<104x128xf32, #tpu.memory_space<vmem>>) target(%dma_start3A_133 : memref<104x128xf32, #tpu.memory_space<vmem_shared>>) target_semaphore(%run_scoped3A : memref<!tpu.dma_semaphore, #tpu.memory_space<semaphore_mem>>)
      %dma_wait3A_137 = arith.constant 0 : i32
      %dma_wait3A_138 = arith.constant 0 : i32
      %dma_wait3A_139 = tpu.memref_slice %arg14[%dma_wait3A_137, %dma_wait3A_138] : memref<128x128xf32, #tpu.memory_space<vmem>> -> memref<104x128xf32, #tpu.memory_space<vmem>>
      %dma_wait3A_140 = arith.constant 0 : i32
      %dma_wait3A_141 = tpu.memref_slice %arg15[%add3A_83, %dma_wait3A_140] : memref<10000x128xf32, #tpu.memory_space<vmem_shared>> -> memref<104x128xf32, #tpu.memory_space<vmem_shared>>
      %dma_wait3A_142 = arith.constant 0 : i32
      %dma_wait3A_143 = tpu.memref_slice %arg15[%add3A_83, %dma_wait3A_142] : memref<10000x128xf32, #tpu.memory_space<vmem_shared>> -> memref<104x128xf32, #tpu.memory_space<vmem_shared>>
      %dma_wait3A_144 = arith.constant 0 : i32
      %dma_wait3A_145 = arith.constant 0 : i32
      %dma_wait3A_146 = tpu.memref_slice %arg14[%dma_wait3A_144, %dma_wait3A_145] : memref<128x128xf32, #tpu.memory_space<vmem>> -> memref<104x128xf32, #tpu.memory_space<vmem>>
      tpu.wait_dma2 semaphore(%run_scoped3A : memref<!tpu.dma_semaphore, #tpu.memory_space<semaphore_mem>>) src(%dma_wait3A_146 : memref<104x128xf32, #tpu.memory_space<vmem>>) dst(%dma_wait3A_143 : memref<104x128xf32, #tpu.memory_space<vmem_shared>>)
      tpu.yield
    }) : () -> ()
    %eq3A = arith.constant 15 : i32
    %eq3A_84 = arith.cmpi eq, %arg1, %eq3A : i32
    %convert_element_type3A = arith.extui %eq3A_84 : i1 to i32
    %cond3A = arith.constant 0 : i32
    %cond3A_85 = arith.cmpi ne, %convert_element_type3A, %cond3A : i32
    scf.if %cond3A_85 {
      "tpu.region"() ({
        %run_scoped3A = tpu.sem_alloc : memref<!tpu.dma_semaphore, #tpu.memory_space<semaphore_mem>>
        %dma_start3A_127 = arith.constant 0 : i32
        %dma_start3A_128 = arith.constant 0 : i32
        %dma_start3A_129 = tpu.memref_slice %arg14[%dma_start3A_127, %dma_start3A_128] : memref<128x128xf32, #tpu.memory_space<vmem>> -> memref<16x128xf32, #tpu.memory_space<vmem>>
        %dma_start3A_130 = arith.constant 9984 : i32
        %dma_start3A_131 = arith.constant 0 : i32
        %dma_start3A_132 = tpu.memref_slice %arg15[%dma_start3A_130, %dma_start3A_131] : memref<10000x128xf32, #tpu.memory_space<vmem_shared>> -> memref<16x128xf32, #tpu.memory_space<vmem_shared>>
        %dma_start3A_133 = arith.constant 9984 : i32
        %dma_start3A_134 = arith.constant 0 : i32
        %dma_start3A_135 = tpu.memref_slice %arg15[%dma_start3A_133, %dma_start3A_134] : memref<10000x128xf32, #tpu.memory_space<vmem_shared>> -> memref<16x128xf32, #tpu.memory_space<vmem_shared>>
        %dma_start3A_136 = arith.constant 0 : i32
        %dma_start3A_137 = arith.constant 0 : i32
        %dma_start3A_138 = tpu.memref_slice %arg14[%dma_start3A_136, %dma_start3A_137] : memref<128x128xf32, #tpu.memory_space<vmem>> -> memref<16x128xf32, #tpu.memory_space<vmem>>
        tpu.enqueue_dma source(%dma_start3A_138 : memref<16x128xf32, #tpu.memory_space<vmem>>) target(%dma_start3A_135 : memref<16x128xf32, #tpu.memory_space<vmem_shared>>) target_semaphore(%run_scoped3A : memref<!tpu.dma_semaphore, #tpu.memory_space<semaphore_mem>>)
        %dma_wait3A_139 = arith.constant 0 : i32
        %dma_wait3A_140 = arith.constant 0 : i32
        %dma_wait3A_141 = tpu.memref_slice %arg14[%dma_wait3A_139, %dma_wait3A_140] : memref<128x128xf32, #tpu.memory_space<vmem>> -> memref<16x128xf32, #tpu.memory_space<vmem>>
        %dma_wait3A_142 = arith.constant 9984 : i32
        %dma_wait3A_143 = arith.constant 0 : i32
        %dma_wait3A_144 = tpu.memref_slice %arg15[%dma_wait3A_142, %dma_wait3A_143] : memref<10000x128xf32, #tpu.memory_space<vmem_shared>> -> memref<16x128xf32, #tpu.memory_space<vmem_shared>>
        %dma_wait3A_145 = arith.constant 9984 : i32
        %dma_wait3A_146 = arith.constant 0 : i32
        %dma_wait3A_147 = tpu.memref_slice %arg15[%dma_wait3A_145, %dma_wait3A_146] : memref<10000x128xf32, #tpu.memory_space<vmem_shared>> -> memref<16x128xf32, #tpu.memory_space<vmem_shared>>
        %dma_wait3A_148 = arith.constant 0 : i32
        %dma_wait3A_149 = arith.constant 0 : i32
        %dma_wait3A_150 = tpu.memref_slice %arg14[%dma_wait3A_148, %dma_wait3A_149] : memref<128x128xf32, #tpu.memory_space<vmem>> -> memref<16x128xf32, #tpu.memory_space<vmem>>
        tpu.wait_dma2 semaphore(%run_scoped3A : memref<!tpu.dma_semaphore, #tpu.memory_space<semaphore_mem>>) src(%dma_wait3A_150 : memref<16x128xf32, #tpu.memory_space<vmem>>) dst(%dma_wait3A_147 : memref<16x128xf32, #tpu.memory_space<vmem_shared>>)
        tpu.yield
      }) : () -> ()
    } else {
    }
    %barrier3A = arith.constant 0 : index
    tpu.barrier barrier_id(%barrier3A)
    %scan3A_86 = arith.constant 0 : i32
    %scan3A_87 = arith.constant 0 : i32
    %scan3A_88 = arith.constant 26 : i32
    %scan3A_89 = arith.addi %scan3A_87, %scan3A_88 : i32
    %scan3A_90 = arith.constant 1 : i32
    scf.for %scan3A_127 = %scan3A_87 to %scan3A_89 step %scan3A_90  : i32 {
      %mul3A_128 = arith.constant 3 : i32
      %mul3A_129 = arith.muli %mul3A_128, %scan3A_127 : i32
      %add3A_130 = arith.constant 0 : i32
      %add3A_131 = arith.addi %mul3A_129, %add3A_130 : i32
      %add3A_132 = arith.constant 2 : i32
      %add3A_133 = arith.addi %add3A_131, %add3A_132 : i32
      %lt3A = arith.constant 78 : i32
      %lt3A_134 = arith.cmpi slt, %add3A_133, %lt3A : i32
      %convert_element_type3A_135 = arith.extui %lt3A_134 : i1 to i32
      %cond3A_136 = arith.constant 0 : i32
      %cond3A_137 = arith.cmpi ne, %convert_element_type3A_135, %cond3A_136 : i32
      scf.if %cond3A_137 {
        %add3A_213 = arith.constant 0 : i32
        %add3A_214 = arith.addi %mul3A_129, %add3A_213 : i32
        %add3A_215 = arith.constant 2 : i32
        %add3A_216 = arith.addi %add3A_214, %add3A_215 : i32
        %add3A_217 = arith.addi %mul3A_2, %add3A_216 : i32
        %mul3A_218 = arith.constant 128 : i32
        %mul3A_219 = arith.muli %add3A_217, %mul3A_218 : i32
        %dma_wait3A_220 = tpu.memref_slice %arg3[%mul3A_219] : memref<320000xi32, #tpu.memory_space<hbm>> -> memref<128xi32, #tpu.memory_space<hbm>>
        %dma_wait3A_221 = tpu.memref_slice %arg3[%mul3A_219] : memref<320000xi32, #tpu.memory_space<hbm>> -> memref<128xi32, #tpu.memory_space<hbm>>
        tpu.wait_dma2 semaphore(%arg18 : memref<!tpu.dma_semaphore, #tpu.memory_space<semaphore_mem>>) src(%dma_wait3A_221 : memref<128xi32, #tpu.memory_space<hbm>>) dst(%arg8 : memref<128xi32, #tpu.memory_space<vmem>>)
        %dma_start3A_222 = arith.constant 0 : i32
        %dma_start3A_223 = arith.constant 0 : i32
        %dma_start3A_224 = tpu.memref_slice %arg2[%dma_start3A_222, %dma_start3A_223] : memref<10000x128xf32, #tpu.memory_space<hbm>> -> memref<10000x128xf32, #tpu.memory_space<hbm>>
        tpu.enqueue_indirect_dma source(%dma_start3A_224 : memref<10000x128xf32, #tpu.memory_space<hbm>>) target(%arg14 : memref<128x128xf32, #tpu.memory_space<vmem>>) offsets(%arg8 : memref<128xi32, #tpu.memory_space<vmem>>) semaphore(%arg24 : memref<!tpu.dma_semaphore, #tpu.memory_space<semaphore_mem>>)
      } else {
      }
      %add3A_138 = arith.constant 0 : i32
      %add3A_139 = arith.addi %mul3A_129, %add3A_138 : i32
      %dma_wait3A_140 = arith.constant 0 : i32
      %dma_wait3A_141 = arith.constant 0 : i32
      %dma_wait3A_142 = tpu.memref_slice %arg2[%dma_wait3A_140, %dma_wait3A_141] : memref<10000x128xf32, #tpu.memory_space<hbm>> -> memref<10000x128xf32, #tpu.memory_space<hbm>>
      tpu.wait_indirect_dma semaphore(%arg22 : memref<!tpu.dma_semaphore, #tpu.memory_space<semaphore_mem>>) src(%dma_wait3A_142 : memref<10000x128xf32, #tpu.memory_space<hbm>>) dst(%arg12 : memref<128x128xf32, #tpu.memory_space<vmem>>)
      %add3A_143 = arith.addi %mul3A_2, %add3A_139 : i32
      %mul3A_144 = arith.constant 128 : i32
      %mul3A_145 = arith.muli %add3A_143, %mul3A_144 : i32
      %dma_wait3A_146 = tpu.memref_slice %arg4[%mul3A_145] : memref<320000xi32, #tpu.memory_space<hbm>> -> memref<128xi32, #tpu.memory_space<hbm>>
      %dma_wait3A_147 = tpu.memref_slice %arg4[%mul3A_145] : memref<320000xi32, #tpu.memory_space<hbm>> -> memref<128xi32, #tpu.memory_space<hbm>>
      tpu.wait_dma2 semaphore(%arg19 : memref<!tpu.dma_semaphore, #tpu.memory_space<semaphore_mem>>) src(%dma_wait3A_147 : memref<128xi32, #tpu.memory_space<hbm>>) dst(%arg9 : memref<128xi32, #tpu.memory_space<vmem>>)
      "tpu.region"() ({
        %run_scoped3A = tpu.sem_alloc : memref<!tpu.dma_semaphore, #tpu.memory_space<semaphore_mem>>
        %dma_start3A_213 = arith.constant 0 : i32
        %dma_start3A_214 = arith.constant 0 : i32
        %dma_start3A_215 = tpu.memref_slice %arg15[%dma_start3A_213, %dma_start3A_214] : memref<10000x128xf32, #tpu.memory_space<vmem_shared>> -> memref<10000x128xf32, #tpu.memory_space<vmem_shared>>
        tpu.enqueue_indirect_dma source(%arg12 : memref<128x128xf32, #tpu.memory_space<vmem>>) target(%dma_start3A_215 : memref<10000x128xf32, #tpu.memory_space<vmem_shared>>) offsets(%arg9 : memref<128xi32, #tpu.memory_space<vmem>>) semaphore(%run_scoped3A : memref<!tpu.dma_semaphore, #tpu.memory_space<semaphore_mem>>) {add = true}
        %dma_wait3A_216 = arith.constant 0 : i32
        %dma_wait3A_217 = arith.constant 0 : i32
        %dma_wait3A_218 = tpu.memref_slice %arg15[%dma_wait3A_216, %dma_wait3A_217] : memref<10000x128xf32, #tpu.memory_space<vmem_shared>> -> memref<10000x128xf32, #tpu.memory_space<vmem_shared>>
        tpu.wait_indirect_dma semaphore(%run_scoped3A : memref<!tpu.dma_semaphore, #tpu.memory_space<semaphore_mem>>) src(%arg12 : memref<128x128xf32, #tpu.memory_space<vmem>>) dst(%dma_wait3A_218 : memref<10000x128xf32, #tpu.memory_space<vmem_shared>>)
        tpu.yield
      }) : () -> ()
      %add3A_148 = arith.constant 0 : i32
      %add3A_149 = arith.addi %mul3A_129, %add3A_148 : i32
      %add3A_150 = arith.constant 3 : i32
      %add3A_151 = arith.addi %add3A_149, %add3A_150 : i32
      %lt3A_152 = arith.constant 78 : i32
      %lt3A_153 = arith.cmpi slt, %add3A_151, %lt3A_152 : i32
      %convert_element_type3A_154 = arith.extui %lt3A_153 : i1 to i32
      %cond3A_155 = arith.constant 0 : i32
      %cond3A_156 = arith.cmpi ne, %convert_element_type3A_154, %cond3A_155 : i32
      scf.if %cond3A_156 {
        %add3A_213 = arith.constant 0 : i32
        %add3A_214 = arith.addi %mul3A_129, %add3A_213 : i32
        %add3A_215 = arith.constant 3 : i32
        %add3A_216 = arith.addi %add3A_214, %add3A_215 : i32
        %add3A_217 = arith.addi %mul3A_2, %add3A_216 : i32
        %mul3A_218 = arith.constant 128 : i32
        %mul3A_219 = arith.muli %add3A_217, %mul3A_218 : i32
        %dma_start3A_220 = tpu.memref_slice %arg3[%mul3A_219] : memref<320000xi32, #tpu.memory_space<hbm>> -> memref<128xi32, #tpu.memory_space<hbm>>
        %dma_start3A_221 = tpu.memref_slice %arg3[%mul3A_219] : memref<320000xi32, #tpu.memory_space<hbm>> -> memref<128xi32, #tpu.memory_space<hbm>>
        tpu.enqueue_dma source(%dma_start3A_221 : memref<128xi32, #tpu.memory_space<hbm>>) target(%arg6 : memref<128xi32, #tpu.memory_space<vmem>>) target_semaphore(%arg16 : memref<!tpu.dma_semaphore, #tpu.memory_space<semaphore_mem>>)
        %add3A_222 = arith.addi %mul3A_2, %add3A_216 : i32
        %mul3A_223 = arith.constant 128 : i32
        %mul3A_224 = arith.muli %add3A_222, %mul3A_223 : i32
        %dma_start3A_225 = tpu.memref_slice %arg4[%mul3A_224] : memref<320000xi32, #tpu.memory_space<hbm>> -> memref<128xi32, #tpu.memory_space<hbm>>
        %dma_start3A_226 = tpu.memref_slice %arg4[%mul3A_224] : memref<320000xi32, #tpu.memory_space<hbm>> -> memref<128xi32, #tpu.memory_space<hbm>>
        tpu.enqueue_dma source(%dma_start3A_226 : memref<128xi32, #tpu.memory_space<hbm>>) target(%arg9 : memref<128xi32, #tpu.memory_space<vmem>>) target_semaphore(%arg19 : memref<!tpu.dma_semaphore, #tpu.memory_space<semaphore_mem>>)
      } else {
      }
      %add3A_157 = arith.constant 1 : i32
      %add3A_158 = arith.addi %mul3A_129, %add3A_157 : i32
      %add3A_159 = arith.constant 2 : i32
      %add3A_160 = arith.addi %add3A_158, %add3A_159 : i32
      %lt3A_161 = arith.constant 78 : i32
      %lt3A_162 = arith.cmpi slt, %add3A_160, %lt3A_161 : i32
      %convert_element_type3A_163 = arith.extui %lt3A_162 : i1 to i32
      %cond3A_164 = arith.constant 0 : i32
      %cond3A_165 = arith.cmpi ne, %convert_element_type3A_163, %cond3A_164 : i32
      scf.if %cond3A_165 {
        %add3A_213 = arith.constant 1 : i32
        %add3A_214 = arith.addi %mul3A_129, %add3A_213 : i32
        %add3A_215 = arith.constant 2 : i32
        %add3A_216 = arith.addi %add3A_214, %add3A_215 : i32
        %add3A_217 = arith.addi %mul3A_2, %add3A_216 : i32
        %mul3A_218 = arith.constant 128 : i32
        %mul3A_219 = arith.muli %add3A_217, %mul3A_218 : i32
        %dma_wait3A_220 = tpu.memref_slice %arg3[%mul3A_219] : memref<320000xi32, #tpu.memory_space<hbm>> -> memref<128xi32, #tpu.memory_space<hbm>>
        %dma_wait3A_221 = tpu.memref_slice %arg3[%mul3A_219] : memref<320000xi32, #tpu.memory_space<hbm>> -> memref<128xi32, #tpu.memory_space<hbm>>
        tpu.wait_dma2 semaphore(%arg16 : memref<!tpu.dma_semaphore, #tpu.memory_space<semaphore_mem>>) src(%dma_wait3A_221 : memref<128xi32, #tpu.memory_space<hbm>>) dst(%arg6 : memref<128xi32, #tpu.memory_space<vmem>>)
        %dma_start3A_222 = arith.constant 0 : i32
        %dma_start3A_223 = arith.constant 0 : i32
        %dma_start3A_224 = tpu.memref_slice %arg2[%dma_start3A_222, %dma_start3A_223] : memref<10000x128xf32, #tpu.memory_space<hbm>> -> memref<10000x128xf32, #tpu.memory_space<hbm>>
        tpu.enqueue_indirect_dma source(%dma_start3A_224 : memref<10000x128xf32, #tpu.memory_space<hbm>>) target(%arg12 : memref<128x128xf32, #tpu.memory_space<vmem>>) offsets(%arg6 : memref<128xi32, #tpu.memory_space<vmem>>) semaphore(%arg22 : memref<!tpu.dma_semaphore, #tpu.memory_space<semaphore_mem>>)
      } else {
      }
      %add3A_166 = arith.constant 1 : i32
      %add3A_167 = arith.addi %mul3A_129, %add3A_166 : i32
      %dma_wait3A_168 = arith.constant 0 : i32
      %dma_wait3A_169 = arith.constant 0 : i32
      %dma_wait3A_170 = tpu.memref_slice %arg2[%dma_wait3A_168, %dma_wait3A_169] : memref<10000x128xf32, #tpu.memory_space<hbm>> -> memref<10000x128xf32, #tpu.memory_space<hbm>>
      tpu.wait_indirect_dma semaphore(%arg23 : memref<!tpu.dma_semaphore, #tpu.memory_space<semaphore_mem>>) src(%dma_wait3A_170 : memref<10000x128xf32, #tpu.memory_space<hbm>>) dst(%arg13 : memref<128x128xf32, #tpu.memory_space<vmem>>)
      %add3A_171 = arith.addi %mul3A_2, %add3A_167 : i32
      %mul3A_172 = arith.constant 128 : i32
      %mul3A_173 = arith.muli %add3A_171, %mul3A_172 : i32
      %dma_wait3A_174 = tpu.memref_slice %arg4[%mul3A_173] : memref<320000xi32, #tpu.memory_space<hbm>> -> memref<128xi32, #tpu.memory_space<hbm>>
      %dma_wait3A_175 = tpu.memref_slice %arg4[%mul3A_173] : memref<320000xi32, #tpu.memory_space<hbm>> -> memref<128xi32, #tpu.memory_space<hbm>>
      tpu.wait_dma2 semaphore(%arg20 : memref<!tpu.dma_semaphore, #tpu.memory_space<semaphore_mem>>) src(%dma_wait3A_175 : memref<128xi32, #tpu.memory_space<hbm>>) dst(%arg10 : memref<128xi32, #tpu.memory_space<vmem>>)
      "tpu.region"() ({
        %run_scoped3A = tpu.sem_alloc : memref<!tpu.dma_semaphore, #tpu.memory_space<semaphore_mem>>
        %dma_start3A_213 = arith.constant 0 : i32
        %dma_start3A_214 = arith.constant 0 : i32
        %dma_start3A_215 = tpu.memref_slice %arg15[%dma_start3A_213, %dma_start3A_214] : memref<10000x128xf32, #tpu.memory_space<vmem_shared>> -> memref<10000x128xf32, #tpu.memory_space<vmem_shared>>
        tpu.enqueue_indirect_dma source(%arg13 : memref<128x128xf32, #tpu.memory_space<vmem>>) target(%dma_start3A_215 : memref<10000x128xf32, #tpu.memory_space<vmem_shared>>) offsets(%arg10 : memref<128xi32, #tpu.memory_space<vmem>>) semaphore(%run_scoped3A : memref<!tpu.dma_semaphore, #tpu.memory_space<semaphore_mem>>) {add = true}
        %dma_wait3A_216 = arith.constant 0 : i32
        %dma_wait3A_217 = arith.constant 0 : i32
        %dma_wait3A_218 = tpu.memref_slice %arg15[%dma_wait3A_216, %dma_wait3A_217] : memref<10000x128xf32, #tpu.memory_space<vmem_shared>> -> memref<10000x128xf32, #tpu.memory_space<vmem_shared>>
        tpu.wait_indirect_dma semaphore(%run_scoped3A : memref<!tpu.dma_semaphore, #tpu.memory_space<semaphore_mem>>) src(%arg13 : memref<128x128xf32, #tpu.memory_space<vmem>>) dst(%dma_wait3A_218 : memref<10000x128xf32, #tpu.memory_space<vmem_shared>>)
        tpu.yield
      }) : () -> ()
      %add3A_176 = arith.constant 1 : i32
      %add3A_177 = arith.addi %mul3A_129, %add3A_176 : i32
      %add3A_178 = arith.constant 3 : i32
      %add3A_179 = arith.addi %add3A_177, %add3A_178 : i32
      %lt3A_180 = arith.constant 78 : i32
      %lt3A_181 = arith.cmpi slt, %add3A_179, %lt3A_180 : i32
      %convert_element_type3A_182 = arith.extui %lt3A_181 : i1 to i32
      %cond3A_183 = arith.constant 0 : i32
      %cond3A_184 = arith.cmpi ne, %convert_element_type3A_182, %cond3A_183 : i32
      scf.if %cond3A_184 {
        %add3A_213 = arith.constant 1 : i32
        %add3A_214 = arith.addi %mul3A_129, %add3A_213 : i32
        %add3A_215 = arith.constant 3 : i32
        %add3A_216 = arith.addi %add3A_214, %add3A_215 : i32
        %add3A_217 = arith.addi %mul3A_2, %add3A_216 : i32
        %mul3A_218 = arith.constant 128 : i32
        %mul3A_219 = arith.muli %add3A_217, %mul3A_218 : i32
        %dma_start3A_220 = tpu.memref_slice %arg3[%mul3A_219] : memref<320000xi32, #tpu.memory_space<hbm>> -> memref<128xi32, #tpu.memory_space<hbm>>
        %dma_start3A_221 = tpu.memref_slice %arg3[%mul3A_219] : memref<320000xi32, #tpu.memory_space<hbm>> -> memref<128xi32, #tpu.memory_space<hbm>>
        tpu.enqueue_dma source(%dma_start3A_221 : memref<128xi32, #tpu.memory_space<hbm>>) target(%arg7 : memref<128xi32, #tpu.memory_space<vmem>>) target_semaphore(%arg17 : memref<!tpu.dma_semaphore, #tpu.memory_space<semaphore_mem>>)
        %add3A_222 = arith.addi %mul3A_2, %add3A_216 : i32
        %mul3A_223 = arith.constant 128 : i32
        %mul3A_224 = arith.muli %add3A_222, %mul3A_223 : i32
        %dma_start3A_225 = tpu.memref_slice %arg4[%mul3A_224] : memref<320000xi32, #tpu.memory_space<hbm>> -> memref<128xi32, #tpu.memory_space<hbm>>
        %dma_start3A_226 = tpu.memref_slice %arg4[%mul3A_224] : memref<320000xi32, #tpu.memory_space<hbm>> -> memref<128xi32, #tpu.memory_space<hbm>>
        tpu.enqueue_dma source(%dma_start3A_226 : memref<128xi32, #tpu.memory_space<hbm>>) target(%arg10 : memref<128xi32, #tpu.memory_space<vmem>>) target_semaphore(%arg20 : memref<!tpu.dma_semaphore, #tpu.memory_space<semaphore_mem>>)
      } else {
      }
      %add3A_185 = arith.constant 2 : i32
      %add3A_186 = arith.addi %mul3A_129, %add3A_185 : i32
      %add3A_187 = arith.constant 2 : i32
      %add3A_188 = arith.addi %add3A_186, %add3A_187 : i32
      %lt3A_189 = arith.constant 78 : i32
      %lt3A_190 = arith.cmpi slt, %add3A_188, %lt3A_189 : i32
      %convert_element_type3A_191 = arith.extui %lt3A_190 : i1 to i32
      %cond3A_192 = arith.constant 0 : i32
      %cond3A_193 = arith.cmpi ne, %convert_element_type3A_191, %cond3A_192 : i32
      scf.if %cond3A_193 {
        %add3A_213 = arith.constant 2 : i32
        %add3A_214 = arith.addi %mul3A_129, %add3A_213 : i32
        %add3A_215 = arith.constant 2 : i32
        %add3A_216 = arith.addi %add3A_214, %add3A_215 : i32
        %add3A_217 = arith.addi %mul3A_2, %add3A_216 : i32
        %mul3A_218 = arith.constant 128 : i32
        %mul3A_219 = arith.muli %add3A_217, %mul3A_218 : i32
        %dma_wait3A_220 = tpu.memref_slice %arg3[%mul3A_219] : memref<320000xi32, #tpu.memory_space<hbm>> -> memref<128xi32, #tpu.memory_space<hbm>>
        %dma_wait3A_221 = tpu.memref_slice %arg3[%mul3A_219] : memref<320000xi32, #tpu.memory_space<hbm>> -> memref<128xi32, #tpu.memory_space<hbm>>
        tpu.wait_dma2 semaphore(%arg17 : memref<!tpu.dma_semaphore, #tpu.memory_space<semaphore_mem>>) src(%dma_wait3A_221 : memref<128xi32, #tpu.memory_space<hbm>>) dst(%arg7 : memref<128xi32, #tpu.memory_space<vmem>>)
        %dma_start3A_222 = arith.constant 0 : i32
        %dma_start3A_223 = arith.constant 0 : i32
        %dma_start3A_224 = tpu.memref_slice %arg2[%dma_start3A_222, %dma_start3A_223] : memref<10000x128xf32, #tpu.memory_space<hbm>> -> memref<10000x128xf32, #tpu.memory_space<hbm>>
        tpu.enqueue_indirect_dma source(%dma_start3A_224 : memref<10000x128xf32, #tpu.memory_space<hbm>>) target(%arg13 : memref<128x128xf32, #tpu.memory_space<vmem>>) offsets(%arg7 : memref<128xi32, #tpu.memory_space<vmem>>) semaphore(%arg23 : memref<!tpu.dma_semaphore, #tpu.memory_space<semaphore_mem>>)
      } else {
      }
      %add3A_194 = arith.constant 2 : i32
      %add3A_195 = arith.addi %mul3A_129, %add3A_194 : i32
      %dma_wait3A_196 = arith.constant 0 : i32
      %dma_wait3A_197 = arith.constant 0 : i32
      %dma_wait3A_198 = tpu.memref_slice %arg2[%dma_wait3A_196, %dma_wait3A_197] : memref<10000x128xf32, #tpu.memory_space<hbm>> -> memref<10000x128xf32, #tpu.memory_space<hbm>>
      tpu.wait_indirect_dma semaphore(%arg24 : memref<!tpu.dma_semaphore, #tpu.memory_space<semaphore_mem>>) src(%dma_wait3A_198 : memref<10000x128xf32, #tpu.memory_space<hbm>>) dst(%arg14 : memref<128x128xf32, #tpu.memory_space<vmem>>)
      %add3A_199 = arith.addi %mul3A_2, %add3A_195 : i32
      %mul3A_200 = arith.constant 128 : i32
      %mul3A_201 = arith.muli %add3A_199, %mul3A_200 : i32
      %dma_wait3A_202 = tpu.memref_slice %arg4[%mul3A_201] : memref<320000xi32, #tpu.memory_space<hbm>> -> memref<128xi32, #tpu.memory_space<hbm>>
      %dma_wait3A_203 = tpu.memref_slice %arg4[%mul3A_201] : memref<320000xi32, #tpu.memory_space<hbm>> -> memref<128xi32, #tpu.memory_space<hbm>>
      tpu.wait_dma2 semaphore(%arg21 : memref<!tpu.dma_semaphore, #tpu.memory_space<semaphore_mem>>) src(%dma_wait3A_203 : memref<128xi32, #tpu.memory_space<hbm>>) dst(%arg11 : memref<128xi32, #tpu.memory_space<vmem>>)
      "tpu.region"() ({
        %run_scoped3A = tpu.sem_alloc : memref<!tpu.dma_semaphore, #tpu.memory_space<semaphore_mem>>
        %dma_start3A_213 = arith.constant 0 : i32
        %dma_start3A_214 = arith.constant 0 : i32
        %dma_start3A_215 = tpu.memref_slice %arg15[%dma_start3A_213, %dma_start3A_214] : memref<10000x128xf32, #tpu.memory_space<vmem_shared>> -> memref<10000x128xf32, #tpu.memory_space<vmem_shared>>
        tpu.enqueue_indirect_dma source(%arg14 : memref<128x128xf32, #tpu.memory_space<vmem>>) target(%dma_start3A_215 : memref<10000x128xf32, #tpu.memory_space<vmem_shared>>) offsets(%arg11 : memref<128xi32, #tpu.memory_space<vmem>>) semaphore(%run_scoped3A : memref<!tpu.dma_semaphore, #tpu.memory_space<semaphore_mem>>) {add = true}
        %dma_wait3A_216 = arith.constant 0 : i32
        %dma_wait3A_217 = arith.constant 0 : i32
        %dma_wait3A_218 = tpu.memref_slice %arg15[%dma_wait3A_216, %dma_wait3A_217] : memref<10000x128xf32, #tpu.memory_space<vmem_shared>> -> memref<10000x128xf32, #tpu.memory_space<vmem_shared>>
        tpu.wait_indirect_dma semaphore(%run_scoped3A : memref<!tpu.dma_semaphore, #tpu.memory_space<semaphore_mem>>) src(%arg14 : memref<128x128xf32, #tpu.memory_space<vmem>>) dst(%dma_wait3A_218 : memref<10000x128xf32, #tpu.memory_space<vmem_shared>>)
        tpu.yield
      }) : () -> ()
      %add3A_204 = arith.constant 2 : i32
      %add3A_205 = arith.addi %mul3A_129, %add3A_204 : i32
      %add3A_206 = arith.constant 3 : i32
      %add3A_207 = arith.addi %add3A_205, %add3A_206 : i32
      %lt3A_208 = arith.constant 78 : i32
      %lt3A_209 = arith.cmpi slt, %add3A_207, %lt3A_208 : i32
      %convert_element_type3A_210 = arith.extui %lt3A_209 : i1 to i32
      %cond3A_211 = arith.constant 0 : i32
      %cond3A_212 = arith.cmpi ne, %convert_element_type3A_210, %cond3A_211 : i32
      scf.if %cond3A_212 {
        %add3A_213 = arith.constant 2 : i32
        %add3A_214 = arith.addi %mul3A_129, %add3A_213 : i32
        %add3A_215 = arith.constant 3 : i32
        %add3A_216 = arith.addi %add3A_214, %add3A_215 : i32
        %add3A_217 = arith.addi %mul3A_2, %add3A_216 : i32
        %mul3A_218 = arith.constant 128 : i32
        %mul3A_219 = arith.muli %add3A_217, %mul3A_218 : i32
        %dma_start3A_220 = tpu.memref_slice %arg3[%mul3A_219] : memref<320000xi32, #tpu.memory_space<hbm>> -> memref<128xi32, #tpu.memory_space<hbm>>
        %dma_start3A_221 = tpu.memref_slice %arg3[%mul3A_219] : memref<320000xi32, #tpu.memory_space<hbm>> -> memref<128xi32, #tpu.memory_space<hbm>>
        tpu.enqueue_dma source(%dma_start3A_221 : memref<128xi32, #tpu.memory_space<hbm>>) target(%arg8 : memref<128xi32, #tpu.memory_space<vmem>>) target_semaphore(%arg18 : memref<!tpu.dma_semaphore, #tpu.memory_space<semaphore_mem>>)
        %add3A_222 = arith.addi %mul3A_2, %add3A_216 : i32
        %mul3A_223 = arith.constant 128 : i32
        %mul3A_224 = arith.muli %add3A_222, %mul3A_223 : i32
        %dma_start3A_225 = tpu.memref_slice %arg4[%mul3A_224] : memref<320000xi32, #tpu.memory_space<hbm>> -> memref<128xi32, #tpu.memory_space<hbm>>
        %dma_start3A_226 = tpu.memref_slice %arg4[%mul3A_224] : memref<320000xi32, #tpu.memory_space<hbm>> -> memref<128xi32, #tpu.memory_space<hbm>>
        tpu.enqueue_dma source(%dma_start3A_226 : memref<128xi32, #tpu.memory_space<hbm>>) target(%arg11 : memref<128xi32, #tpu.memory_space<vmem>>) target_semaphore(%arg21 : memref<!tpu.dma_semaphore, #tpu.memory_space<semaphore_mem>>)
      } else {
      }
    }
    %scan3A_91 = arith.constant 26 : i32
    %eq3A_92 = arith.constant 31 : i32
    %eq3A_93 = arith.cmpi eq, %add3A, %eq3A_92 : i32
    %convert_element_type3A_94 = arith.extui %eq3A_93 : i1 to i32
    %cond3A_95 = arith.constant 0 : i32
    %cond3A_96 = arith.cmpi ne, %convert_element_type3A_94, %cond3A_95 : i32
    scf.if %cond3A_96 {
      %scan3A_127 = arith.constant 0 : i32
      %scan3A_128 = arith.constant 0 : i32
      %scan3A_129 = arith.constant 4 : i32
      %scan3A_130 = arith.addi %scan3A_128, %scan3A_129 : i32
      %scan3A_131 = arith.constant 1 : i32
      scf.for %scan3A_133 = %scan3A_128 to %scan3A_130 step %scan3A_131  : i32 {
        %add3A_134 = arith.constant 2496 : i32
        %add3A_135 = arith.addi %add3A_134, %scan3A_133 : i32
        %mul3A_136 = arith.constant 128 : i32
        %mul3A_137 = arith.muli %add3A_135, %mul3A_136 : i32
        "tpu.region"() ({
          %run_scoped3A = tpu.sem_alloc : memref<!tpu.dma_semaphore, #tpu.memory_space<semaphore_mem>>
          %dma_start3A_144 = tpu.memref_slice %arg3[%mul3A_137] : memref<320000xi32, #tpu.memory_space<hbm>> -> memref<128xi32, #tpu.memory_space<hbm>>
          %dma_start3A_145 = tpu.memref_slice %arg3[%mul3A_137] : memref<320000xi32, #tpu.memory_space<hbm>> -> memref<128xi32, #tpu.memory_space<hbm>>
          tpu.enqueue_dma source(%dma_start3A_145 : memref<128xi32, #tpu.memory_space<hbm>>) target(%arg6 : memref<128xi32, #tpu.memory_space<vmem>>) target_semaphore(%run_scoped3A : memref<!tpu.dma_semaphore, #tpu.memory_space<semaphore_mem>>)
          %dma_wait3A_146 = tpu.memref_slice %arg3[%mul3A_137] : memref<320000xi32, #tpu.memory_space<hbm>> -> memref<128xi32, #tpu.memory_space<hbm>>
          %dma_wait3A_147 = tpu.memref_slice %arg3[%mul3A_137] : memref<320000xi32, #tpu.memory_space<hbm>> -> memref<128xi32, #tpu.memory_space<hbm>>
          tpu.wait_dma2 semaphore(%run_scoped3A : memref<!tpu.dma_semaphore, #tpu.memory_space<semaphore_mem>>) src(%dma_wait3A_147 : memref<128xi32, #tpu.memory_space<hbm>>) dst(%arg6 : memref<128xi32, #tpu.memory_space<vmem>>)
          tpu.yield
        }) : () -> ()
        "tpu.region"() ({
          %run_scoped3A = tpu.sem_alloc : memref<!tpu.dma_semaphore, #tpu.memory_space<semaphore_mem>>
          %dma_start3A_144 = tpu.memref_slice %arg4[%mul3A_137] : memref<320000xi32, #tpu.memory_space<hbm>> -> memref<128xi32, #tpu.memory_space<hbm>>
          %dma_start3A_145 = tpu.memref_slice %arg4[%mul3A_137] : memref<320000xi32, #tpu.memory_space<hbm>> -> memref<128xi32, #tpu.memory_space<hbm>>
          tpu.enqueue_dma source(%dma_start3A_145 : memref<128xi32, #tpu.memory_space<hbm>>) target(%arg9 : memref<128xi32, #tpu.memory_space<vmem>>) target_semaphore(%run_scoped3A : memref<!tpu.dma_semaphore, #tpu.memory_space<semaphore_mem>>)
          %dma_wait3A_146 = tpu.memref_slice %arg4[%mul3A_137] : memref<320000xi32, #tpu.memory_space<hbm>> -> memref<128xi32, #tpu.memory_space<hbm>>
          %dma_wait3A_147 = tpu.memref_slice %arg4[%mul3A_137] : memref<320000xi32, #tpu.memory_space<hbm>> -> memref<128xi32, #tpu.memory_space<hbm>>
          tpu.wait_dma2 semaphore(%run_scoped3A : memref<!tpu.dma_semaphore, #tpu.memory_space<semaphore_mem>>) src(%dma_wait3A_147 : memref<128xi32, #tpu.memory_space<hbm>>) dst(%arg9 : memref<128xi32, #tpu.memory_space<vmem>>)
          tpu.yield
        }) : () -> ()
        %dma_start3A_138 = arith.constant 0 : i32
        %dma_start3A_139 = arith.constant 0 : i32
        %dma_start3A_140 = tpu.memref_slice %arg2[%dma_start3A_138, %dma_start3A_139] : memref<10000x128xf32, #tpu.memory_space<hbm>> -> memref<10000x128xf32, #tpu.memory_space<hbm>>
        tpu.enqueue_indirect_dma source(%dma_start3A_140 : memref<10000x128xf32, #tpu.memory_space<hbm>>) target(%arg12 : memref<128x128xf32, #tpu.memory_space<vmem>>) offsets(%arg6 : memref<128xi32, #tpu.memory_space<vmem>>) semaphore(%arg22 : memref<!tpu.dma_semaphore, #tpu.memory_space<semaphore_mem>>)
        %dma_wait3A_141 = arith.constant 0 : i32
        %dma_wait3A_142 = arith.constant 0 : i32
        %dma_wait3A_143 = tpu.memref_slice %arg2[%dma_wait3A_141, %dma_wait3A_142] : memref<10000x128xf32, #tpu.memory_space<hbm>> -> memref<10000x128xf32, #tpu.memory_space<hbm>>
        tpu.wait_indirect_dma semaphore(%arg22 : memref<!tpu.dma_semaphore, #tpu.memory_space<semaphore_mem>>) src(%dma_wait3A_143 : memref<10000x128xf32, #tpu.memory_space<hbm>>) dst(%arg12 : memref<128x128xf32, #tpu.memory_space<vmem>>)
        "tpu.region"() ({
          %run_scoped3A = tpu.sem_alloc : memref<!tpu.dma_semaphore, #tpu.memory_space<semaphore_mem>>
          %dma_start3A_144 = arith.constant 0 : i32
          %dma_start3A_145 = arith.constant 0 : i32
          %dma_start3A_146 = tpu.memref_slice %arg15[%dma_start3A_144, %dma_start3A_145] : memref<10000x128xf32, #tpu.memory_space<vmem_shared>> -> memref<10000x128xf32, #tpu.memory_space<vmem_shared>>
          tpu.enqueue_indirect_dma source(%arg12 : memref<128x128xf32, #tpu.memory_space<vmem>>) target(%dma_start3A_146 : memref<10000x128xf32, #tpu.memory_space<vmem_shared>>) offsets(%arg9 : memref<128xi32, #tpu.memory_space<vmem>>) semaphore(%run_scoped3A : memref<!tpu.dma_semaphore, #tpu.memory_space<semaphore_mem>>) {add = true}
          %dma_wait3A_147 = arith.constant 0 : i32
          %dma_wait3A_148 = arith.constant 0 : i32
          %dma_wait3A_149 = tpu.memref_slice %arg15[%dma_wait3A_147, %dma_wait3A_148] : memref<10000x128xf32, #tpu.memory_space<vmem_shared>> -> memref<10000x128xf32, #tpu.memory_space<vmem_shared>>
          tpu.wait_indirect_dma semaphore(%run_scoped3A : memref<!tpu.dma_semaphore, #tpu.memory_space<semaphore_mem>>) src(%arg12 : memref<128x128xf32, #tpu.memory_space<vmem>>) dst(%dma_wait3A_149 : memref<10000x128xf32, #tpu.memory_space<vmem_shared>>)
          tpu.yield
        }) : () -> ()
      }
      %scan3A_132 = arith.constant 4 : i32
    } else {
    }
    %barrier3A_97 = arith.constant 0 : index
    tpu.barrier barrier_id(%barrier3A_97)
    %mul3A_98 = arith.constant 624 : i32
    %mul3A_99 = arith.muli %arg1, %mul3A_98 : i32
    %add3A_100 = arith.constant 0 : i32
    %add3A_101 = arith.addi %mul3A_99, %add3A_100 : i32
    "tpu.region"() ({
      %run_scoped3A = tpu.sem_alloc : memref<!tpu.dma_semaphore, #tpu.memory_space<semaphore_mem>>
      %dma_start3A_127 = arith.constant 0 : i32
      %dma_start3A_128 = arith.constant 0 : i32
      %dma_start3A_129 = tpu.memref_slice %arg12[%dma_start3A_127, %dma_start3A_128] : memref<128x128xf32, #tpu.memory_space<vmem>> -> memref<104x128xf32, #tpu.memory_space<vmem>>
      %dma_start3A_130 = arith.constant 0 : i32
      %dma_start3A_131 = tpu.memref_slice %arg15[%add3A_101, %dma_start3A_130] : memref<10000x128xf32, #tpu.memory_space<vmem_shared>> -> memref<104x128xf32, #tpu.memory_space<vmem_shared>>
      %dma_start3A_132 = arith.constant 0 : i32
      %dma_start3A_133 = arith.constant 0 : i32
      %dma_start3A_134 = tpu.memref_slice %arg12[%dma_start3A_132, %dma_start3A_133] : memref<128x128xf32, #tpu.memory_space<vmem>> -> memref<104x128xf32, #tpu.memory_space<vmem>>
      %dma_start3A_135 = arith.constant 0 : i32
      %dma_start3A_136 = tpu.memref_slice %arg15[%add3A_101, %dma_start3A_135] : memref<10000x128xf32, #tpu.memory_space<vmem_shared>> -> memref<104x128xf32, #tpu.memory_space<vmem_shared>>
      tpu.enqueue_dma source(%dma_start3A_136 : memref<104x128xf32, #tpu.memory_space<vmem_shared>>) target(%dma_start3A_134 : memref<104x128xf32, #tpu.memory_space<vmem>>) target_semaphore(%run_scoped3A : memref<!tpu.dma_semaphore, #tpu.memory_space<semaphore_mem>>)
      %dma_wait3A_137 = arith.constant 0 : i32
      %dma_wait3A_138 = arith.constant 0 : i32
      %dma_wait3A_139 = tpu.memref_slice %arg12[%dma_wait3A_137, %dma_wait3A_138] : memref<128x128xf32, #tpu.memory_space<vmem>> -> memref<104x128xf32, #tpu.memory_space<vmem>>
      %dma_wait3A_140 = arith.constant 0 : i32
      %dma_wait3A_141 = tpu.memref_slice %arg15[%add3A_101, %dma_wait3A_140] : memref<10000x128xf32, #tpu.memory_space<vmem_shared>> -> memref<104x128xf32, #tpu.memory_space<vmem_shared>>
      %dma_wait3A_142 = arith.constant 0 : i32
      %dma_wait3A_143 = arith.constant 0 : i32
      %dma_wait3A_144 = tpu.memref_slice %arg12[%dma_wait3A_142, %dma_wait3A_143] : memref<128x128xf32, #tpu.memory_space<vmem>> -> memref<104x128xf32, #tpu.memory_space<vmem>>
      %dma_wait3A_145 = arith.constant 0 : i32
      %dma_wait3A_146 = tpu.memref_slice %arg15[%add3A_101, %dma_wait3A_145] : memref<10000x128xf32, #tpu.memory_space<vmem_shared>> -> memref<104x128xf32, #tpu.memory_space<vmem_shared>>
      tpu.wait_dma2 semaphore(%run_scoped3A : memref<!tpu.dma_semaphore, #tpu.memory_space<semaphore_mem>>) src(%dma_wait3A_146 : memref<104x128xf32, #tpu.memory_space<vmem_shared>>) dst(%dma_wait3A_144 : memref<104x128xf32, #tpu.memory_space<vmem>>)
      tpu.yield
    }) : () -> ()
    "tpu.region"() ({
      %run_scoped3A = tpu.sem_alloc : memref<!tpu.dma_semaphore, #tpu.memory_space<semaphore_mem>>
      %dma_start3A_127 = arith.constant 0 : i32
      %dma_start3A_128 = arith.constant 0 : i32
      %dma_start3A_129 = tpu.memref_slice %arg12[%dma_start3A_127, %dma_start3A_128] : memref<128x128xf32, #tpu.memory_space<vmem>> -> memref<104x128xf32, #tpu.memory_space<vmem>>
      %dma_start3A_130 = arith.constant 0 : i32
      %dma_start3A_131 = tpu.memref_slice %arg5[%arg0, %add3A_101, %dma_start3A_130] : memref<2x10000x128xf32, #tpu.memory_space<hbm>> -> memref<1x104x128xf32, #tpu.memory_space<hbm>>
      %dma_start3A_132 = tpu.memref_squeeze %dma_start3A_131 : memref<1x104x128xf32, #tpu.memory_space<hbm>> -> memref<104x128xf32, #tpu.memory_space<hbm>>
      %dma_start3A_133 = arith.constant 0 : i32
      %dma_start3A_134 = tpu.memref_slice %arg5[%arg0, %add3A_101, %dma_start3A_133] : memref<2x10000x128xf32, #tpu.memory_space<hbm>> -> memref<1x104x128xf32, #tpu.memory_space<hbm>>
      %dma_start3A_135 = tpu.memref_squeeze %dma_start3A_134 : memref<1x104x128xf32, #tpu.memory_space<hbm>> -> memref<104x128xf32, #tpu.memory_space<hbm>>
      %dma_start3A_136 = arith.constant 0 : i32
      %dma_start3A_137 = arith.constant 0 : i32
      %dma_start3A_138 = tpu.memref_slice %arg12[%dma_start3A_136, %dma_start3A_137] : memref<128x128xf32, #tpu.memory_space<vmem>> -> memref<104x128xf32, #tpu.memory_space<vmem>>
      tpu.enqueue_dma source(%dma_start3A_138 : memref<104x128xf32, #tpu.memory_space<vmem>>) target(%dma_start3A_135 : memref<104x128xf32, #tpu.memory_space<hbm>>) target_semaphore(%run_scoped3A : memref<!tpu.dma_semaphore, #tpu.memory_space<semaphore_mem>>)
      %dma_wait3A_139 = arith.constant 0 : i32
      %dma_wait3A_140 = arith.constant 0 : i32
      %dma_wait3A_141 = tpu.memref_slice %arg12[%dma_wait3A_139, %dma_wait3A_140] : memref<128x128xf32, #tpu.memory_space<vmem>> -> memref<104x128xf32, #tpu.memory_space<vmem>>
      %dma_wait3A_142 = arith.constant 0 : i32
      %dma_wait3A_143 = tpu.memref_slice %arg5[%arg0, %add3A_101, %dma_wait3A_142] : memref<2x10000x128xf32, #tpu.memory_space<hbm>> -> memref<1x104x128xf32, #tpu.memory_space<hbm>>
      %dma_wait3A_144 = tpu.memref_squeeze %dma_wait3A_143 : memref<1x104x128xf32, #tpu.memory_space<hbm>> -> memref<104x128xf32, #tpu.memory_space<hbm>>
      %dma_wait3A_145 = arith.constant 0 : i32
      %dma_wait3A_146 = tpu.memref_slice %arg5[%arg0, %add3A_101, %dma_wait3A_145] : memref<2x10000x128xf32, #tpu.memory_space<hbm>> -> memref<1x104x128xf32, #tpu.memory_space<hbm>>
      %dma_wait3A_147 = tpu.memref_squeeze %dma_wait3A_146 : memref<1x104x128xf32, #tpu.memory_space<hbm>> -> memref<104x128xf32, #tpu.memory_space<hbm>>
      %dma_wait3A_148 = arith.constant 0 : i32
      %dma_wait3A_149 = arith.constant 0 : i32
      %dma_wait3A_150 = tpu.memref_slice %arg12[%dma_wait3A_148, %dma_wait3A_149] : memref<128x128xf32, #tpu.memory_space<vmem>> -> memref<104x128xf32, #tpu.memory_space<vmem>>
      tpu.wait_dma2 semaphore(%run_scoped3A : memref<!tpu.dma_semaphore, #tpu.memory_space<semaphore_mem>>) src(%dma_wait3A_150 : memref<104x128xf32, #tpu.memory_space<vmem>>) dst(%dma_wait3A_147 : memref<104x128xf32, #tpu.memory_space<hbm>>)
      tpu.yield
    }) : () -> ()
    %mul3A_102 = arith.constant 624 : i32
    %mul3A_103 = arith.muli %arg1, %mul3A_102 : i32
    %add3A_104 = arith.constant 104 : i32
    %add3A_105 = arith.addi %mul3A_103, %add3A_104 : i32
    "tpu.region"() ({
      %run_scoped3A = tpu.sem_alloc : memref<!tpu.dma_semaphore, #tpu.memory_space<semaphore_mem>>
      %dma_start3A_127 = arith.constant 0 : i32
      %dma_start3A_128 = arith.constant 0 : i32
      %dma_start3A_129 = tpu.memref_slice %arg12[%dma_start3A_127, %dma_start3A_128] : memref<128x128xf32, #tpu.memory_space<vmem>> -> memref<104x128xf32, #tpu.memory_space<vmem>>
      %dma_start3A_130 = arith.constant 0 : i32
      %dma_start3A_131 = tpu.memref_slice %arg15[%add3A_105, %dma_start3A_130] : memref<10000x128xf32, #tpu.memory_space<vmem_shared>> -> memref<104x128xf32, #tpu.memory_space<vmem_shared>>
      %dma_start3A_132 = arith.constant 0 : i32
      %dma_start3A_133 = arith.constant 0 : i32
      %dma_start3A_134 = tpu.memref_slice %arg12[%dma_start3A_132, %dma_start3A_133] : memref<128x128xf32, #tpu.memory_space<vmem>> -> memref<104x128xf32, #tpu.memory_space<vmem>>
      %dma_start3A_135 = arith.constant 0 : i32
      %dma_start3A_136 = tpu.memref_slice %arg15[%add3A_105, %dma_start3A_135] : memref<10000x128xf32, #tpu.memory_space<vmem_shared>> -> memref<104x128xf32, #tpu.memory_space<vmem_shared>>
      tpu.enqueue_dma source(%dma_start3A_136 : memref<104x128xf32, #tpu.memory_space<vmem_shared>>) target(%dma_start3A_134 : memref<104x128xf32, #tpu.memory_space<vmem>>) target_semaphore(%run_scoped3A : memref<!tpu.dma_semaphore, #tpu.memory_space<semaphore_mem>>)
      %dma_wait3A_137 = arith.constant 0 : i32
      %dma_wait3A_138 = arith.constant 0 : i32
      %dma_wait3A_139 = tpu.memref_slice %arg12[%dma_wait3A_137, %dma_wait3A_138] : memref<128x128xf32, #tpu.memory_space<vmem>> -> memref<104x128xf32, #tpu.memory_space<vmem>>
      %dma_wait3A_140 = arith.constant 0 : i32
      %dma_wait3A_141 = tpu.memref_slice %arg15[%add3A_105, %dma_wait3A_140] : memref<10000x128xf32, #tpu.memory_space<vmem_shared>> -> memref<104x128xf32, #tpu.memory_space<vmem_shared>>
      %dma_wait3A_142 = arith.constant 0 : i32
      %dma_wait3A_143 = arith.constant 0 : i32
      %dma_wait3A_144 = tpu.memref_slice %arg12[%dma_wait3A_142, %dma_wait3A_143] : memref<128x128xf32, #tpu.memory_space<vmem>> -> memref<104x128xf32, #tpu.memory_space<vmem>>
      %dma_wait3A_145 = arith.constant 0 : i32
      %dma_wait3A_146 = tpu.memref_slice %arg15[%add3A_105, %dma_wait3A_145] : memref<10000x128xf32, #tpu.memory_space<vmem_shared>> -> memref<104x128xf32, #tpu.memory_space<vmem_shared>>
      tpu.wait_dma2 semaphore(%run_scoped3A : memref<!tpu.dma_semaphore, #tpu.memory_space<semaphore_mem>>) src(%dma_wait3A_146 : memref<104x128xf32, #tpu.memory_space<vmem_shared>>) dst(%dma_wait3A_144 : memref<104x128xf32, #tpu.memory_space<vmem>>)
      tpu.yield
    }) : () -> ()
    "tpu.region"() ({
      %run_scoped3A = tpu.sem_alloc : memref<!tpu.dma_semaphore, #tpu.memory_space<semaphore_mem>>
      %dma_start3A_127 = arith.constant 0 : i32
      %dma_start3A_128 = arith.constant 0 : i32
      %dma_start3A_129 = tpu.memref_slice %arg12[%dma_start3A_127, %dma_start3A_128] : memref<128x128xf32, #tpu.memory_space<vmem>> -> memref<104x128xf32, #tpu.memory_space<vmem>>
      %dma_start3A_130 = arith.constant 0 : i32
      %dma_start3A_131 = tpu.memref_slice %arg5[%arg0, %add3A_105, %dma_start3A_130] : memref<2x10000x128xf32, #tpu.memory_space<hbm>> -> memref<1x104x128xf32, #tpu.memory_space<hbm>>
      %dma_start3A_132 = tpu.memref_squeeze %dma_start3A_131 : memref<1x104x128xf32, #tpu.memory_space<hbm>> -> memref<104x128xf32, #tpu.memory_space<hbm>>
      %dma_start3A_133 = arith.constant 0 : i32
      %dma_start3A_134 = tpu.memref_slice %arg5[%arg0, %add3A_105, %dma_start3A_133] : memref<2x10000x128xf32, #tpu.memory_space<hbm>> -> memref<1x104x128xf32, #tpu.memory_space<hbm>>
      %dma_start3A_135 = tpu.memref_squeeze %dma_start3A_134 : memref<1x104x128xf32, #tpu.memory_space<hbm>> -> memref<104x128xf32, #tpu.memory_space<hbm>>
      %dma_start3A_136 = arith.constant 0 : i32
      %dma_start3A_137 = arith.constant 0 : i32
      %dma_start3A_138 = tpu.memref_slice %arg12[%dma_start3A_136, %dma_start3A_137] : memref<128x128xf32, #tpu.memory_space<vmem>> -> memref<104x128xf32, #tpu.memory_space<vmem>>
      tpu.enqueue_dma source(%dma_start3A_138 : memref<104x128xf32, #tpu.memory_space<vmem>>) target(%dma_start3A_135 : memref<104x128xf32, #tpu.memory_space<hbm>>) target_semaphore(%run_scoped3A : memref<!tpu.dma_semaphore, #tpu.memory_space<semaphore_mem>>)
      %dma_wait3A_139 = arith.constant 0 : i32
      %dma_wait3A_140 = arith.constant 0 : i32
      %dma_wait3A_141 = tpu.memref_slice %arg12[%dma_wait3A_139, %dma_wait3A_140] : memref<128x128xf32, #tpu.memory_space<vmem>> -> memref<104x128xf32, #tpu.memory_space<vmem>>
      %dma_wait3A_142 = arith.constant 0 : i32
      %dma_wait3A_143 = tpu.memref_slice %arg5[%arg0, %add3A_105, %dma_wait3A_142] : memref<2x10000x128xf32, #tpu.memory_space<hbm>> -> memref<1x104x128xf32, #tpu.memory_space<hbm>>
      %dma_wait3A_144 = tpu.memref_squeeze %dma_wait3A_143 : memref<1x104x128xf32, #tpu.memory_space<hbm>> -> memref<104x128xf32, #tpu.memory_space<hbm>>
      %dma_wait3A_145 = arith.constant 0 : i32
      %dma_wait3A_146 = tpu.memref_slice %arg5[%arg0, %add3A_105, %dma_wait3A_145] : memref<2x10000x128xf32, #tpu.memory_space<hbm>> -> memref<1x104x128xf32, #tpu.memory_space<hbm>>
      %dma_wait3A_147 = tpu.memref_squeeze %dma_wait3A_146 : memref<1x104x128xf32, #tpu.memory_space<hbm>> -> memref<104x128xf32, #tpu.memory_space<hbm>>
      %dma_wait3A_148 = arith.constant 0 : i32
      %dma_wait3A_149 = arith.constant 0 : i32
      %dma_wait3A_150 = tpu.memref_slice %arg12[%dma_wait3A_148, %dma_wait3A_149] : memref<128x128xf32, #tpu.memory_space<vmem>> -> memref<104x128xf32, #tpu.memory_space<vmem>>
      tpu.wait_dma2 semaphore(%run_scoped3A : memref<!tpu.dma_semaphore, #tpu.memory_space<semaphore_mem>>) src(%dma_wait3A_150 : memref<104x128xf32, #tpu.memory_space<vmem>>) dst(%dma_wait3A_147 : memref<104x128xf32, #tpu.memory_space<hbm>>)
      tpu.yield
    }) : () -> ()
    %mul3A_106 = arith.constant 624 : i32
    %mul3A_107 = arith.muli %arg1, %mul3A_106 : i32
    %add3A_108 = arith.constant 208 : i32
    %add3A_109 = arith.addi %mul3A_107, %add3A_108 : i32
    "tpu.region"() ({
      %run_scoped3A = tpu.sem_alloc : memref<!tpu.dma_semaphore, #tpu.memory_space<semaphore_mem>>
      %dma_start3A_127 = arith.constant 0 : i32
      %dma_start3A_128 = arith.constant 0 : i32
      %dma_start3A_129 = tpu.memref_slice %arg12[%dma_start3A_127, %dma_start3A_128] : memref<128x128xf32, #tpu.memory_space<vmem>> -> memref<104x128xf32, #tpu.memory_space<vmem>>
      %dma_start3A_130 = arith.constant 0 : i32
      %dma_start3A_131 = tpu.memref_slice %arg15[%add3A_109, %dma_start3A_130] : memref<10000x128xf32, #tpu.memory_space<vmem_shared>> -> memref<104x128xf32, #tpu.memory_space<vmem_shared>>
      %dma_start3A_132 = arith.constant 0 : i32
      %dma_start3A_133 = arith.constant 0 : i32
      %dma_start3A_134 = tpu.memref_slice %arg12[%dma_start3A_132, %dma_start3A_133] : memref<128x128xf32, #tpu.memory_space<vmem>> -> memref<104x128xf32, #tpu.memory_space<vmem>>
      %dma_start3A_135 = arith.constant 0 : i32
      %dma_start3A_136 = tpu.memref_slice %arg15[%add3A_109, %dma_start3A_135] : memref<10000x128xf32, #tpu.memory_space<vmem_shared>> -> memref<104x128xf32, #tpu.memory_space<vmem_shared>>
      tpu.enqueue_dma source(%dma_start3A_136 : memref<104x128xf32, #tpu.memory_space<vmem_shared>>) target(%dma_start3A_134 : memref<104x128xf32, #tpu.memory_space<vmem>>) target_semaphore(%run_scoped3A : memref<!tpu.dma_semaphore, #tpu.memory_space<semaphore_mem>>)
      %dma_wait3A_137 = arith.constant 0 : i32
      %dma_wait3A_138 = arith.constant 0 : i32
      %dma_wait3A_139 = tpu.memref_slice %arg12[%dma_wait3A_137, %dma_wait3A_138] : memref<128x128xf32, #tpu.memory_space<vmem>> -> memref<104x128xf32, #tpu.memory_space<vmem>>
      %dma_wait3A_140 = arith.constant 0 : i32
      %dma_wait3A_141 = tpu.memref_slice %arg15[%add3A_109, %dma_wait3A_140] : memref<10000x128xf32, #tpu.memory_space<vmem_shared>> -> memref<104x128xf32, #tpu.memory_space<vmem_shared>>
      %dma_wait3A_142 = arith.constant 0 : i32
      %dma_wait3A_143 = arith.constant 0 : i32
      %dma_wait3A_144 = tpu.memref_slice %arg12[%dma_wait3A_142, %dma_wait3A_143] : memref<128x128xf32, #tpu.memory_space<vmem>> -> memref<104x128xf32, #tpu.memory_space<vmem>>
      %dma_wait3A_145 = arith.constant 0 : i32
      %dma_wait3A_146 = tpu.memref_slice %arg15[%add3A_109, %dma_wait3A_145] : memref<10000x128xf32, #tpu.memory_space<vmem_shared>> -> memref<104x128xf32, #tpu.memory_space<vmem_shared>>
      tpu.wait_dma2 semaphore(%run_scoped3A : memref<!tpu.dma_semaphore, #tpu.memory_space<semaphore_mem>>) src(%dma_wait3A_146 : memref<104x128xf32, #tpu.memory_space<vmem_shared>>) dst(%dma_wait3A_144 : memref<104x128xf32, #tpu.memory_space<vmem>>)
      tpu.yield
    }) : () -> ()
    "tpu.region"() ({
      %run_scoped3A = tpu.sem_alloc : memref<!tpu.dma_semaphore, #tpu.memory_space<semaphore_mem>>
      %dma_start3A_127 = arith.constant 0 : i32
      %dma_start3A_128 = arith.constant 0 : i32
      %dma_start3A_129 = tpu.memref_slice %arg12[%dma_start3A_127, %dma_start3A_128] : memref<128x128xf32, #tpu.memory_space<vmem>> -> memref<104x128xf32, #tpu.memory_space<vmem>>
      %dma_start3A_130 = arith.constant 0 : i32
      %dma_start3A_131 = tpu.memref_slice %arg5[%arg0, %add3A_109, %dma_start3A_130] : memref<2x10000x128xf32, #tpu.memory_space<hbm>> -> memref<1x104x128xf32, #tpu.memory_space<hbm>>
      %dma_start3A_132 = tpu.memref_squeeze %dma_start3A_131 : memref<1x104x128xf32, #tpu.memory_space<hbm>> -> memref<104x128xf32, #tpu.memory_space<hbm>>
      %dma_start3A_133 = arith.constant 0 : i32
      %dma_start3A_134 = tpu.memref_slice %arg5[%arg0, %add3A_109, %dma_start3A_133] : memref<2x10000x128xf32, #tpu.memory_space<hbm>> -> memref<1x104x128xf32, #tpu.memory_space<hbm>>
      %dma_start3A_135 = tpu.memref_squeeze %dma_start3A_134 : memref<1x104x128xf32, #tpu.memory_space<hbm>> -> memref<104x128xf32, #tpu.memory_space<hbm>>
      %dma_start3A_136 = arith.constant 0 : i32
      %dma_start3A_137 = arith.constant 0 : i32
      %dma_start3A_138 = tpu.memref_slice %arg12[%dma_start3A_136, %dma_start3A_137] : memref<128x128xf32, #tpu.memory_space<vmem>> -> memref<104x128xf32, #tpu.memory_space<vmem>>
      tpu.enqueue_dma source(%dma_start3A_138 : memref<104x128xf32, #tpu.memory_space<vmem>>) target(%dma_start3A_135 : memref<104x128xf32, #tpu.memory_space<hbm>>) target_semaphore(%run_scoped3A : memref<!tpu.dma_semaphore, #tpu.memory_space<semaphore_mem>>)
      %dma_wait3A_139 = arith.constant 0 : i32
      %dma_wait3A_140 = arith.constant 0 : i32
      %dma_wait3A_141 = tpu.memref_slice %arg12[%dma_wait3A_139, %dma_wait3A_140] : memref<128x128xf32, #tpu.memory_space<vmem>> -> memref<104x128xf32, #tpu.memory_space<vmem>>
      %dma_wait3A_142 = arith.constant 0 : i32
      %dma_wait3A_143 = tpu.memref_slice %arg5[%arg0, %add3A_109, %dma_wait3A_142] : memref<2x10000x128xf32, #tpu.memory_space<hbm>> -> memref<1x104x128xf32, #tpu.memory_space<hbm>>
      %dma_wait3A_144 = tpu.memref_squeeze %dma_wait3A_143 : memref<1x104x128xf32, #tpu.memory_space<hbm>> -> memref<104x128xf32, #tpu.memory_space<hbm>>
      %dma_wait3A_145 = arith.constant 0 : i32
      %dma_wait3A_146 = tpu.memref_slice %arg5[%arg0, %add3A_109, %dma_wait3A_145] : memref<2x10000x128xf32, #tpu.memory_space<hbm>> -> memref<1x104x128xf32, #tpu.memory_space<hbm>>
      %dma_wait3A_147 = tpu.memref_squeeze %dma_wait3A_146 : memref<1x104x128xf32, #tpu.memory_space<hbm>> -> memref<104x128xf32, #tpu.memory_space<hbm>>
      %dma_wait3A_148 = arith.constant 0 : i32
      %dma_wait3A_149 = arith.constant 0 : i32
      %dma_wait3A_150 = tpu.memref_slice %arg12[%dma_wait3A_148, %dma_wait3A_149] : memref<128x128xf32, #tpu.memory_space<vmem>> -> memref<104x128xf32, #tpu.memory_space<vmem>>
      tpu.wait_dma2 semaphore(%run_scoped3A : memref<!tpu.dma_semaphore, #tpu.memory_space<semaphore_mem>>) src(%dma_wait3A_150 : memref<104x128xf32, #tpu.memory_space<vmem>>) dst(%dma_wait3A_147 : memref<104x128xf32, #tpu.memory_space<hbm>>)
      tpu.yield
    }) : () -> ()
    %mul3A_110 = arith.constant 624 : i32
    %mul3A_111 = arith.muli %arg1, %mul3A_110 : i32
    %add3A_112 = arith.constant 312 : i32
    %add3A_113 = arith.addi %mul3A_111, %add3A_112 : i32
    "tpu.region"() ({
      %run_scoped3A = tpu.sem_alloc : memref<!tpu.dma_semaphore, #tpu.memory_space<semaphore_mem>>
      %dma_start3A_127 = arith.constant 0 : i32
      %dma_start3A_128 = arith.constant 0 : i32
      %dma_start3A_129 = tpu.memref_slice %arg12[%dma_start3A_127, %dma_start3A_128] : memref<128x128xf32, #tpu.memory_space<vmem>> -> memref<104x128xf32, #tpu.memory_space<vmem>>
      %dma_start3A_130 = arith.constant 0 : i32
      %dma_start3A_131 = tpu.memref_slice %arg15[%add3A_113, %dma_start3A_130] : memref<10000x128xf32, #tpu.memory_space<vmem_shared>> -> memref<104x128xf32, #tpu.memory_space<vmem_shared>>
      %dma_start3A_132 = arith.constant 0 : i32
      %dma_start3A_133 = arith.constant 0 : i32
      %dma_start3A_134 = tpu.memref_slice %arg12[%dma_start3A_132, %dma_start3A_133] : memref<128x128xf32, #tpu.memory_space<vmem>> -> memref<104x128xf32, #tpu.memory_space<vmem>>
      %dma_start3A_135 = arith.constant 0 : i32
      %dma_start3A_136 = tpu.memref_slice %arg15[%add3A_113, %dma_start3A_135] : memref<10000x128xf32, #tpu.memory_space<vmem_shared>> -> memref<104x128xf32, #tpu.memory_space<vmem_shared>>
      tpu.enqueue_dma source(%dma_start3A_136 : memref<104x128xf32, #tpu.memory_space<vmem_shared>>) target(%dma_start3A_134 : memref<104x128xf32, #tpu.memory_space<vmem>>) target_semaphore(%run_scoped3A : memref<!tpu.dma_semaphore, #tpu.memory_space<semaphore_mem>>)
      %dma_wait3A_137 = arith.constant 0 : i32
      %dma_wait3A_138 = arith.constant 0 : i32
      %dma_wait3A_139 = tpu.memref_slice %arg12[%dma_wait3A_137, %dma_wait3A_138] : memref<128x128xf32, #tpu.memory_space<vmem>> -> memref<104x128xf32, #tpu.memory_space<vmem>>
      %dma_wait3A_140 = arith.constant 0 : i32
      %dma_wait3A_141 = tpu.memref_slice %arg15[%add3A_113, %dma_wait3A_140] : memref<10000x128xf32, #tpu.memory_space<vmem_shared>> -> memref<104x128xf32, #tpu.memory_space<vmem_shared>>
      %dma_wait3A_142 = arith.constant 0 : i32
      %dma_wait3A_143 = arith.constant 0 : i32
      %dma_wait3A_144 = tpu.memref_slice %arg12[%dma_wait3A_142, %dma_wait3A_143] : memref<128x128xf32, #tpu.memory_space<vmem>> -> memref<104x128xf32, #tpu.memory_space<vmem>>
      %dma_wait3A_145 = arith.constant 0 : i32
      %dma_wait3A_146 = tpu.memref_slice %arg15[%add3A_113, %dma_wait3A_145] : memref<10000x128xf32, #tpu.memory_space<vmem_shared>> -> memref<104x128xf32, #tpu.memory_space<vmem_shared>>
      tpu.wait_dma2 semaphore(%run_scoped3A : memref<!tpu.dma_semaphore, #tpu.memory_space<semaphore_mem>>) src(%dma_wait3A_146 : memref<104x128xf32, #tpu.memory_space<vmem_shared>>) dst(%dma_wait3A_144 : memref<104x128xf32, #tpu.memory_space<vmem>>)
      tpu.yield
    }) : () -> ()
    "tpu.region"() ({
      %run_scoped3A = tpu.sem_alloc : memref<!tpu.dma_semaphore, #tpu.memory_space<semaphore_mem>>
      %dma_start3A_127 = arith.constant 0 : i32
      %dma_start3A_128 = arith.constant 0 : i32
      %dma_start3A_129 = tpu.memref_slice %arg12[%dma_start3A_127, %dma_start3A_128] : memref<128x128xf32, #tpu.memory_space<vmem>> -> memref<104x128xf32, #tpu.memory_space<vmem>>
      %dma_start3A_130 = arith.constant 0 : i32
      %dma_start3A_131 = tpu.memref_slice %arg5[%arg0, %add3A_113, %dma_start3A_130] : memref<2x10000x128xf32, #tpu.memory_space<hbm>> -> memref<1x104x128xf32, #tpu.memory_space<hbm>>
      %dma_start3A_132 = tpu.memref_squeeze %dma_start3A_131 : memref<1x104x128xf32, #tpu.memory_space<hbm>> -> memref<104x128xf32, #tpu.memory_space<hbm>>
      %dma_start3A_133 = arith.constant 0 : i32
      %dma_start3A_134 = tpu.memref_slice %arg5[%arg0, %add3A_113, %dma_start3A_133] : memref<2x10000x128xf32, #tpu.memory_space<hbm>> -> memref<1x104x128xf32, #tpu.memory_space<hbm>>
      %dma_start3A_135 = tpu.memref_squeeze %dma_start3A_134 : memref<1x104x128xf32, #tpu.memory_space<hbm>> -> memref<104x128xf32, #tpu.memory_space<hbm>>
      %dma_start3A_136 = arith.constant 0 : i32
      %dma_start3A_137 = arith.constant 0 : i32
      %dma_start3A_138 = tpu.memref_slice %arg12[%dma_start3A_136, %dma_start3A_137] : memref<128x128xf32, #tpu.memory_space<vmem>> -> memref<104x128xf32, #tpu.memory_space<vmem>>
      tpu.enqueue_dma source(%dma_start3A_138 : memref<104x128xf32, #tpu.memory_space<vmem>>) target(%dma_start3A_135 : memref<104x128xf32, #tpu.memory_space<hbm>>) target_semaphore(%run_scoped3A : memref<!tpu.dma_semaphore, #tpu.memory_space<semaphore_mem>>)
      %dma_wait3A_139 = arith.constant 0 : i32
      %dma_wait3A_140 = arith.constant 0 : i32
      %dma_wait3A_141 = tpu.memref_slice %arg12[%dma_wait3A_139, %dma_wait3A_140] : memref<128x128xf32, #tpu.memory_space<vmem>> -> memref<104x128xf32, #tpu.memory_space<vmem>>
      %dma_wait3A_142 = arith.constant 0 : i32
      %dma_wait3A_143 = tpu.memref_slice %arg5[%arg0, %add3A_113, %dma_wait3A_142] : memref<2x10000x128xf32, #tpu.memory_space<hbm>> -> memref<1x104x128xf32, #tpu.memory_space<hbm>>
      %dma_wait3A_144 = tpu.memref_squeeze %dma_wait3A_143 : memref<1x104x128xf32, #tpu.memory_space<hbm>> -> memref<104x128xf32, #tpu.memory_space<hbm>>
      %dma_wait3A_145 = arith.constant 0 : i32
      %dma_wait3A_146 = tpu.memref_slice %arg5[%arg0, %add3A_113, %dma_wait3A_145] : memref<2x10000x128xf32, #tpu.memory_space<hbm>> -> memref<1x104x128xf32, #tpu.memory_space<hbm>>
      %dma_wait3A_147 = tpu.memref_squeeze %dma_wait3A_146 : memref<1x104x128xf32, #tpu.memory_space<hbm>> -> memref<104x128xf32, #tpu.memory_space<hbm>>
      %dma_wait3A_148 = arith.constant 0 : i32
      %dma_wait3A_149 = arith.constant 0 : i32
      %dma_wait3A_150 = tpu.memref_slice %arg12[%dma_wait3A_148, %dma_wait3A_149] : memref<128x128xf32, #tpu.memory_space<vmem>> -> memref<104x128xf32, #tpu.memory_space<vmem>>
      tpu.wait_dma2 semaphore(%run_scoped3A : memref<!tpu.dma_semaphore, #tpu.memory_space<semaphore_mem>>) src(%dma_wait3A_150 : memref<104x128xf32, #tpu.memory_space<vmem>>) dst(%dma_wait3A_147 : memref<104x128xf32, #tpu.memory_space<hbm>>)
      tpu.yield
    }) : () -> ()
    %mul3A_114 = arith.constant 624 : i32
    %mul3A_115 = arith.muli %arg1, %mul3A_114 : i32
    %add3A_116 = arith.constant 416 : i32
    %add3A_117 = arith.addi %mul3A_115, %add3A_116 : i32
    "tpu.region"() ({
      %run_scoped3A = tpu.sem_alloc : memref<!tpu.dma_semaphore, #tpu.memory_space<semaphore_mem>>
      %dma_start3A_127 = arith.constant 0 : i32
      %dma_start3A_128 = arith.constant 0 : i32
      %dma_start3A_129 = tpu.memref_slice %arg12[%dma_start3A_127, %dma_start3A_128] : memref<128x128xf32, #tpu.memory_space<vmem>> -> memref<104x128xf32, #tpu.memory_space<vmem>>
      %dma_start3A_130 = arith.constant 0 : i32
      %dma_start3A_131 = tpu.memref_slice %arg15[%add3A_117, %dma_start3A_130] : memref<10000x128xf32, #tpu.memory_space<vmem_shared>> -> memref<104x128xf32, #tpu.memory_space<vmem_shared>>
      %dma_start3A_132 = arith.constant 0 : i32
      %dma_start3A_133 = arith.constant 0 : i32
      %dma_start3A_134 = tpu.memref_slice %arg12[%dma_start3A_132, %dma_start3A_133] : memref<128x128xf32, #tpu.memory_space<vmem>> -> memref<104x128xf32, #tpu.memory_space<vmem>>
      %dma_start3A_135 = arith.constant 0 : i32
      %dma_start3A_136 = tpu.memref_slice %arg15[%add3A_117, %dma_start3A_135] : memref<10000x128xf32, #tpu.memory_space<vmem_shared>> -> memref<104x128xf32, #tpu.memory_space<vmem_shared>>
      tpu.enqueue_dma source(%dma_start3A_136 : memref<104x128xf32, #tpu.memory_space<vmem_shared>>) target(%dma_start3A_134 : memref<104x128xf32, #tpu.memory_space<vmem>>) target_semaphore(%run_scoped3A : memref<!tpu.dma_semaphore, #tpu.memory_space<semaphore_mem>>)
      %dma_wait3A_137 = arith.constant 0 : i32
      %dma_wait3A_138 = arith.constant 0 : i32
      %dma_wait3A_139 = tpu.memref_slice %arg12[%dma_wait3A_137, %dma_wait3A_138] : memref<128x128xf32, #tpu.memory_space<vmem>> -> memref<104x128xf32, #tpu.memory_space<vmem>>
      %dma_wait3A_140 = arith.constant 0 : i32
      %dma_wait3A_141 = tpu.memref_slice %arg15[%add3A_117, %dma_wait3A_140] : memref<10000x128xf32, #tpu.memory_space<vmem_shared>> -> memref<104x128xf32, #tpu.memory_space<vmem_shared>>
      %dma_wait3A_142 = arith.constant 0 : i32
      %dma_wait3A_143 = arith.constant 0 : i32
      %dma_wait3A_144 = tpu.memref_slice %arg12[%dma_wait3A_142, %dma_wait3A_143] : memref<128x128xf32, #tpu.memory_space<vmem>> -> memref<104x128xf32, #tpu.memory_space<vmem>>
      %dma_wait3A_145 = arith.constant 0 : i32
      %dma_wait3A_146 = tpu.memref_slice %arg15[%add3A_117, %dma_wait3A_145] : memref<10000x128xf32, #tpu.memory_space<vmem_shared>> -> memref<104x128xf32, #tpu.memory_space<vmem_shared>>
      tpu.wait_dma2 semaphore(%run_scoped3A : memref<!tpu.dma_semaphore, #tpu.memory_space<semaphore_mem>>) src(%dma_wait3A_146 : memref<104x128xf32, #tpu.memory_space<vmem_shared>>) dst(%dma_wait3A_144 : memref<104x128xf32, #tpu.memory_space<vmem>>)
      tpu.yield
    }) : () -> ()
    "tpu.region"() ({
      %run_scoped3A = tpu.sem_alloc : memref<!tpu.dma_semaphore, #tpu.memory_space<semaphore_mem>>
      %dma_start3A_127 = arith.constant 0 : i32
      %dma_start3A_128 = arith.constant 0 : i32
      %dma_start3A_129 = tpu.memref_slice %arg12[%dma_start3A_127, %dma_start3A_128] : memref<128x128xf32, #tpu.memory_space<vmem>> -> memref<104x128xf32, #tpu.memory_space<vmem>>
      %dma_start3A_130 = arith.constant 0 : i32
      %dma_start3A_131 = tpu.memref_slice %arg5[%arg0, %add3A_117, %dma_start3A_130] : memref<2x10000x128xf32, #tpu.memory_space<hbm>> -> memref<1x104x128xf32, #tpu.memory_space<hbm>>
      %dma_start3A_132 = tpu.memref_squeeze %dma_start3A_131 : memref<1x104x128xf32, #tpu.memory_space<hbm>> -> memref<104x128xf32, #tpu.memory_space<hbm>>
      %dma_start3A_133 = arith.constant 0 : i32
      %dma_start3A_134 = tpu.memref_slice %arg5[%arg0, %add3A_117, %dma_start3A_133] : memref<2x10000x128xf32, #tpu.memory_space<hbm>> -> memref<1x104x128xf32, #tpu.memory_space<hbm>>
      %dma_start3A_135 = tpu.memref_squeeze %dma_start3A_134 : memref<1x104x128xf32, #tpu.memory_space<hbm>> -> memref<104x128xf32, #tpu.memory_space<hbm>>
      %dma_start3A_136 = arith.constant 0 : i32
      %dma_start3A_137 = arith.constant 0 : i32
      %dma_start3A_138 = tpu.memref_slice %arg12[%dma_start3A_136, %dma_start3A_137] : memref<128x128xf32, #tpu.memory_space<vmem>> -> memref<104x128xf32, #tpu.memory_space<vmem>>
      tpu.enqueue_dma source(%dma_start3A_138 : memref<104x128xf32, #tpu.memory_space<vmem>>) target(%dma_start3A_135 : memref<104x128xf32, #tpu.memory_space<hbm>>) target_semaphore(%run_scoped3A : memref<!tpu.dma_semaphore, #tpu.memory_space<semaphore_mem>>)
      %dma_wait3A_139 = arith.constant 0 : i32
      %dma_wait3A_140 = arith.constant 0 : i32
      %dma_wait3A_141 = tpu.memref_slice %arg12[%dma_wait3A_139, %dma_wait3A_140] : memref<128x128xf32, #tpu.memory_space<vmem>> -> memref<104x128xf32, #tpu.memory_space<vmem>>
      %dma_wait3A_142 = arith.constant 0 : i32
      %dma_wait3A_143 = tpu.memref_slice %arg5[%arg0, %add3A_117, %dma_wait3A_142] : memref<2x10000x128xf32, #tpu.memory_space<hbm>> -> memref<1x104x128xf32, #tpu.memory_space<hbm>>
      %dma_wait3A_144 = tpu.memref_squeeze %dma_wait3A_143 : memref<1x104x128xf32, #tpu.memory_space<hbm>> -> memref<104x128xf32, #tpu.memory_space<hbm>>
      %dma_wait3A_145 = arith.constant 0 : i32
      %dma_wait3A_146 = tpu.memref_slice %arg5[%arg0, %add3A_117, %dma_wait3A_145] : memref<2x10000x128xf32, #tpu.memory_space<hbm>> -> memref<1x104x128xf32, #tpu.memory_space<hbm>>
      %dma_wait3A_147 = tpu.memref_squeeze %dma_wait3A_146 : memref<1x104x128xf32, #tpu.memory_space<hbm>> -> memref<104x128xf32, #tpu.memory_space<hbm>>
      %dma_wait3A_148 = arith.constant 0 : i32
      %dma_wait3A_149 = arith.constant 0 : i32
      %dma_wait3A_150 = tpu.memref_slice %arg12[%dma_wait3A_148, %dma_wait3A_149] : memref<128x128xf32, #tpu.memory_space<vmem>> -> memref<104x128xf32, #tpu.memory_space<vmem>>
      tpu.wait_dma2 semaphore(%run_scoped3A : memref<!tpu.dma_semaphore, #tpu.memory_space<semaphore_mem>>) src(%dma_wait3A_150 : memref<104x128xf32, #tpu.memory_space<vmem>>) dst(%dma_wait3A_147 : memref<104x128xf32, #tpu.memory_space<hbm>>)
      tpu.yield
    }) : () -> ()
    %mul3A_118 = arith.constant 624 : i32
    %mul3A_119 = arith.muli %arg1, %mul3A_118 : i32
    %add3A_120 = arith.constant 520 : i32
    %add3A_121 = arith.addi %mul3A_119, %add3A_120 : i32
    "tpu.region"() ({
      %run_scoped3A = tpu.sem_alloc : memref<!tpu.dma_semaphore, #tpu.memory_space<semaphore_mem>>
      %dma_start3A_127 = arith.constant 0 : i32
      %dma_start3A_128 = arith.constant 0 : i32
      %dma_start3A_129 = tpu.memref_slice %arg12[%dma_start3A_127, %dma_start3A_128] : memref<128x128xf32, #tpu.memory_space<vmem>> -> memref<104x128xf32, #tpu.memory_space<vmem>>
      %dma_start3A_130 = arith.constant 0 : i32
      %dma_start3A_131 = tpu.memref_slice %arg15[%add3A_121, %dma_start3A_130] : memref<10000x128xf32, #tpu.memory_space<vmem_shared>> -> memref<104x128xf32, #tpu.memory_space<vmem_shared>>
      %dma_start3A_132 = arith.constant 0 : i32
      %dma_start3A_133 = arith.constant 0 : i32
      %dma_start3A_134 = tpu.memref_slice %arg12[%dma_start3A_132, %dma_start3A_133] : memref<128x128xf32, #tpu.memory_space<vmem>> -> memref<104x128xf32, #tpu.memory_space<vmem>>
      %dma_start3A_135 = arith.constant 0 : i32
      %dma_start3A_136 = tpu.memref_slice %arg15[%add3A_121, %dma_start3A_135] : memref<10000x128xf32, #tpu.memory_space<vmem_shared>> -> memref<104x128xf32, #tpu.memory_space<vmem_shared>>
      tpu.enqueue_dma source(%dma_start3A_136 : memref<104x128xf32, #tpu.memory_space<vmem_shared>>) target(%dma_start3A_134 : memref<104x128xf32, #tpu.memory_space<vmem>>) target_semaphore(%run_scoped3A : memref<!tpu.dma_semaphore, #tpu.memory_space<semaphore_mem>>)
      %dma_wait3A_137 = arith.constant 0 : i32
      %dma_wait3A_138 = arith.constant 0 : i32
      %dma_wait3A_139 = tpu.memref_slice %arg12[%dma_wait3A_137, %dma_wait3A_138] : memref<128x128xf32, #tpu.memory_space<vmem>> -> memref<104x128xf32, #tpu.memory_space<vmem>>
      %dma_wait3A_140 = arith.constant 0 : i32
      %dma_wait3A_141 = tpu.memref_slice %arg15[%add3A_121, %dma_wait3A_140] : memref<10000x128xf32, #tpu.memory_space<vmem_shared>> -> memref<104x128xf32, #tpu.memory_space<vmem_shared>>
      %dma_wait3A_142 = arith.constant 0 : i32
      %dma_wait3A_143 = arith.constant 0 : i32
      %dma_wait3A_144 = tpu.memref_slice %arg12[%dma_wait3A_142, %dma_wait3A_143] : memref<128x128xf32, #tpu.memory_space<vmem>> -> memref<104x128xf32, #tpu.memory_space<vmem>>
      %dma_wait3A_145 = arith.constant 0 : i32
      %dma_wait3A_146 = tpu.memref_slice %arg15[%add3A_121, %dma_wait3A_145] : memref<10000x128xf32, #tpu.memory_space<vmem_shared>> -> memref<104x128xf32, #tpu.memory_space<vmem_shared>>
      tpu.wait_dma2 semaphore(%run_scoped3A : memref<!tpu.dma_semaphore, #tpu.memory_space<semaphore_mem>>) src(%dma_wait3A_146 : memref<104x128xf32, #tpu.memory_space<vmem_shared>>) dst(%dma_wait3A_144 : memref<104x128xf32, #tpu.memory_space<vmem>>)
      tpu.yield
    }) : () -> ()
    "tpu.region"() ({
      %run_scoped3A = tpu.sem_alloc : memref<!tpu.dma_semaphore, #tpu.memory_space<semaphore_mem>>
      %dma_start3A_127 = arith.constant 0 : i32
      %dma_start3A_128 = arith.constant 0 : i32
      %dma_start3A_129 = tpu.memref_slice %arg12[%dma_start3A_127, %dma_start3A_128] : memref<128x128xf32, #tpu.memory_space<vmem>> -> memref<104x128xf32, #tpu.memory_space<vmem>>
      %dma_start3A_130 = arith.constant 0 : i32
      %dma_start3A_131 = tpu.memref_slice %arg5[%arg0, %add3A_121, %dma_start3A_130] : memref<2x10000x128xf32, #tpu.memory_space<hbm>> -> memref<1x104x128xf32, #tpu.memory_space<hbm>>
      %dma_start3A_132 = tpu.memref_squeeze %dma_start3A_131 : memref<1x104x128xf32, #tpu.memory_space<hbm>> -> memref<104x128xf32, #tpu.memory_space<hbm>>
      %dma_start3A_133 = arith.constant 0 : i32
      %dma_start3A_134 = tpu.memref_slice %arg5[%arg0, %add3A_121, %dma_start3A_133] : memref<2x10000x128xf32, #tpu.memory_space<hbm>> -> memref<1x104x128xf32, #tpu.memory_space<hbm>>
      %dma_start3A_135 = tpu.memref_squeeze %dma_start3A_134 : memref<1x104x128xf32, #tpu.memory_space<hbm>> -> memref<104x128xf32, #tpu.memory_space<hbm>>
      %dma_start3A_136 = arith.constant 0 : i32
      %dma_start3A_137 = arith.constant 0 : i32
      %dma_start3A_138 = tpu.memref_slice %arg12[%dma_start3A_136, %dma_start3A_137] : memref<128x128xf32, #tpu.memory_space<vmem>> -> memref<104x128xf32, #tpu.memory_space<vmem>>
      tpu.enqueue_dma source(%dma_start3A_138 : memref<104x128xf32, #tpu.memory_space<vmem>>) target(%dma_start3A_135 : memref<104x128xf32, #tpu.memory_space<hbm>>) target_semaphore(%run_scoped3A : memref<!tpu.dma_semaphore, #tpu.memory_space<semaphore_mem>>)
      %dma_wait3A_139 = arith.constant 0 : i32
      %dma_wait3A_140 = arith.constant 0 : i32
      %dma_wait3A_141 = tpu.memref_slice %arg12[%dma_wait3A_139, %dma_wait3A_140] : memref<128x128xf32, #tpu.memory_space<vmem>> -> memref<104x128xf32, #tpu.memory_space<vmem>>
      %dma_wait3A_142 = arith.constant 0 : i32
      %dma_wait3A_143 = tpu.memref_slice %arg5[%arg0, %add3A_121, %dma_wait3A_142] : memref<2x10000x128xf32, #tpu.memory_space<hbm>> -> memref<1x104x128xf32, #tpu.memory_space<hbm>>
      %dma_wait3A_144 = tpu.memref_squeeze %dma_wait3A_143 : memref<1x104x128xf32, #tpu.memory_space<hbm>> -> memref<104x128xf32, #tpu.memory_space<hbm>>
      %dma_wait3A_145 = arith.constant 0 : i32
      %dma_wait3A_146 = tpu.memref_slice %arg5[%arg0, %add3A_121, %dma_wait3A_145] : memref<2x10000x128xf32, #tpu.memory_space<hbm>> -> memref<1x104x128xf32, #tpu.memory_space<hbm>>
      %dma_wait3A_147 = tpu.memref_squeeze %dma_wait3A_146 : memref<1x104x128xf32, #tpu.memory_space<hbm>> -> memref<104x128xf32, #tpu.memory_space<hbm>>
      %dma_wait3A_148 = arith.constant 0 : i32
      %dma_wait3A_149 = arith.constant 0 : i32
      %dma_wait3A_150 = tpu.memref_slice %arg12[%dma_wait3A_148, %dma_wait3A_149] : memref<128x128xf32, #tpu.memory_space<vmem>> -> memref<104x128xf32, #tpu.memory_space<vmem>>
      tpu.wait_dma2 semaphore(%run_scoped3A : memref<!tpu.dma_semaphore, #tpu.memory_space<semaphore_mem>>) src(%dma_wait3A_150 : memref<104x128xf32, #tpu.memory_space<vmem>>) dst(%dma_wait3A_147 : memref<104x128xf32, #tpu.memory_space<hbm>>)
      tpu.yield
    }) : () -> ()
    %eq3A_122 = arith.constant 15 : i32
    %eq3A_123 = arith.cmpi eq, %arg1, %eq3A_122 : i32
    %convert_element_type3A_124 = arith.extui %eq3A_123 : i1 to i32
    %cond3A_125 = arith.constant 0 : i32
    %cond3A_126 = arith.cmpi ne, %convert_element_type3A_124, %cond3A_125 : i32
    scf.if %cond3A_126 {
      "tpu.region"() ({
        %run_scoped3A = tpu.sem_alloc : memref<!tpu.dma_semaphore, #tpu.memory_space<semaphore_mem>>
        %dma_start3A_127 = arith.constant 0 : i32
        %dma_start3A_128 = arith.constant 0 : i32
        %dma_start3A_129 = tpu.memref_slice %arg13[%dma_start3A_127, %dma_start3A_128] : memref<128x128xf32, #tpu.memory_space<vmem>> -> memref<16x128xf32, #tpu.memory_space<vmem>>
        %dma_start3A_130 = arith.constant 9984 : i32
        %dma_start3A_131 = arith.constant 0 : i32
        %dma_start3A_132 = tpu.memref_slice %arg15[%dma_start3A_130, %dma_start3A_131] : memref<10000x128xf32, #tpu.memory_space<vmem_shared>> -> memref<16x128xf32, #tpu.memory_space<vmem_shared>>
        %dma_start3A_133 = arith.constant 0 : i32
        %dma_start3A_134 = arith.constant 0 : i32
        %dma_start3A_135 = tpu.memref_slice %arg13[%dma_start3A_133, %dma_start3A_134] : memref<128x128xf32, #tpu.memory_space<vmem>> -> memref<16x128xf32, #tpu.memory_space<vmem>>
        %dma_start3A_136 = arith.constant 9984 : i32
        %dma_start3A_137 = arith.constant 0 : i32
        %dma_start3A_138 = tpu.memref_slice %arg15[%dma_start3A_136, %dma_start3A_137] : memref<10000x128xf32, #tpu.memory_space<vmem_shared>> -> memref<16x128xf32, #tpu.memory_space<vmem_shared>>
        tpu.enqueue_dma source(%dma_start3A_138 : memref<16x128xf32, #tpu.memory_space<vmem_shared>>) target(%dma_start3A_135 : memref<16x128xf32, #tpu.memory_space<vmem>>) target_semaphore(%run_scoped3A : memref<!tpu.dma_semaphore, #tpu.memory_space<semaphore_mem>>)
        %dma_wait3A_139 = arith.constant 0 : i32
        %dma_wait3A_140 = arith.constant 0 : i32
        %dma_wait3A_141 = tpu.memref_slice %arg13[%dma_wait3A_139, %dma_wait3A_140] : memref<128x128xf32, #tpu.memory_space<vmem>> -> memref<16x128xf32, #tpu.memory_space<vmem>>
        %dma_wait3A_142 = arith.constant 9984 : i32
        %dma_wait3A_143 = arith.constant 0 : i32
        %dma_wait3A_144 = tpu.memref_slice %arg15[%dma_wait3A_142, %dma_wait3A_143] : memref<10000x128xf32, #tpu.memory_space<vmem_shared>> -> memref<16x128xf32, #tpu.memory_space<vmem_shared>>
        %dma_wait3A_145 = arith.constant 0 : i32
        %dma_wait3A_146 = arith.constant 0 : i32
        %dma_wait3A_147 = tpu.memref_slice %arg13[%dma_wait3A_145, %dma_wait3A_146] : memref<128x128xf32, #tpu.memory_space<vmem>> -> memref<16x128xf32, #tpu.memory_space<vmem>>
        %dma_wait3A_148 = arith.constant 9984 : i32
        %dma_wait3A_149 = arith.constant 0 : i32
        %dma_wait3A_150 = tpu.memref_slice %arg15[%dma_wait3A_148, %dma_wait3A_149] : memref<10000x128xf32, #tpu.memory_space<vmem_shared>> -> memref<16x128xf32, #tpu.memory_space<vmem_shared>>
        tpu.wait_dma2 semaphore(%run_scoped3A : memref<!tpu.dma_semaphore, #tpu.memory_space<semaphore_mem>>) src(%dma_wait3A_150 : memref<16x128xf32, #tpu.memory_space<vmem_shared>>) dst(%dma_wait3A_147 : memref<16x128xf32, #tpu.memory_space<vmem>>)
        tpu.yield
      }) : () -> ()
      "tpu.region"() ({
        %run_scoped3A = tpu.sem_alloc : memref<!tpu.dma_semaphore, #tpu.memory_space<semaphore_mem>>
        %dma_start3A_127 = arith.constant 0 : i32
        %dma_start3A_128 = arith.constant 0 : i32
        %dma_start3A_129 = tpu.memref_slice %arg13[%dma_start3A_127, %dma_start3A_128] : memref<128x128xf32, #tpu.memory_space<vmem>> -> memref<16x128xf32, #tpu.memory_space<vmem>>
        %dma_start3A_130 = arith.constant 9984 : i32
        %dma_start3A_131 = arith.constant 0 : i32
        %dma_start3A_132 = tpu.memref_slice %arg5[%arg0, %dma_start3A_130, %dma_start3A_131] : memref<2x10000x128xf32, #tpu.memory_space<hbm>> -> memref<1x16x128xf32, #tpu.memory_space<hbm>>
        %dma_start3A_133 = tpu.memref_squeeze %dma_start3A_132 : memref<1x16x128xf32, #tpu.memory_space<hbm>> -> memref<16x128xf32, #tpu.memory_space<hbm>>
        %dma_start3A_134 = arith.constant 9984 : i32
        %dma_start3A_135 = arith.constant 0 : i32
        %dma_start3A_136 = tpu.memref_slice %arg5[%arg0, %dma_start3A_134, %dma_start3A_135] : memref<2x10000x128xf32, #tpu.memory_space<hbm>> -> memref<1x16x128xf32, #tpu.memory_space<hbm>>
        %dma_start3A_137 = tpu.memref_squeeze %dma_start3A_136 : memref<1x16x128xf32, #tpu.memory_space<hbm>> -> memref<16x128xf32, #tpu.memory_space<hbm>>
        %dma_start3A_138 = arith.constant 0 : i32
        %dma_start3A_139 = arith.constant 0 : i32
        %dma_start3A_140 = tpu.memref_slice %arg13[%dma_start3A_138, %dma_start3A_139] : memref<128x128xf32, #tpu.memory_space<vmem>> -> memref<16x128xf32, #tpu.memory_space<vmem>>
        tpu.enqueue_dma source(%dma_start3A_140 : memref<16x128xf32, #tpu.memory_space<vmem>>) target(%dma_start3A_137 : memref<16x128xf32, #tpu.memory_space<hbm>>) target_semaphore(%run_scoped3A : memref<!tpu.dma_semaphore, #tpu.memory_space<semaphore_mem>>)
        %dma_wait3A_141 = arith.constant 0 : i32
        %dma_wait3A_142 = arith.constant 0 : i32
        %dma_wait3A_143 = tpu.memref_slice %arg13[%dma_wait3A_141, %dma_wait3A_142] : memref<128x128xf32, #tpu.memory_space<vmem>> -> memref<16x128xf32, #tpu.memory_space<vmem>>
        %dma_wait3A_144 = arith.constant 9984 : i32
        %dma_wait3A_145 = arith.constant 0 : i32
        %dma_wait3A_146 = tpu.memref_slice %arg5[%arg0, %dma_wait3A_144, %dma_wait3A_145] : memref<2x10000x128xf32, #tpu.memory_space<hbm>> -> memref<1x16x128xf32, #tpu.memory_space<hbm>>
        %dma_wait3A_147 = tpu.memref_squeeze %dma_wait3A_146 : memref<1x16x128xf32, #tpu.memory_space<hbm>> -> memref<16x128xf32, #tpu.memory_space<hbm>>
        %dma_wait3A_148 = arith.constant 9984 : i32
        %dma_wait3A_149 = arith.constant 0 : i32
        %dma_wait3A_150 = tpu.memref_slice %arg5[%arg0, %dma_wait3A_148, %dma_wait3A_149] : memref<2x10000x128xf32, #tpu.memory_space<hbm>> -> memref<1x16x128xf32, #tpu.memory_space<hbm>>
        %dma_wait3A_151 = tpu.memref_squeeze %dma_wait3A_150 : memref<1x16x128xf32, #tpu.memory_space<hbm>> -> memref<16x128xf32, #tpu.memory_space<hbm>>
        %dma_wait3A_152 = arith.constant 0 : i32
        %dma_wait3A_153 = arith.constant 0 : i32
        %dma_wait3A_154 = tpu.memref_slice %arg13[%dma_wait3A_152, %dma_wait3A_153] : memref<128x128xf32, #tpu.memory_space<vmem>> -> memref<16x128xf32, #tpu.memory_space<vmem>>
        tpu.wait_dma2 semaphore(%run_scoped3A : memref<!tpu.dma_semaphore, #tpu.memory_space<semaphore_mem>>) src(%dma_wait3A_154 : memref<16x128xf32, #tpu.memory_space<vmem>>) dst(%dma_wait3A_151 : memref<16x128xf32, #tpu.memory_space<hbm>>)
        tpu.yield
      }) : () -> ()
    } else {
    }
    return
  }
}

#map = affine_map<(d0, d1) -> (0, 0)>
#map1 = affine_map<(d0, d1) -> (0)>
#map2 = affine_map<(d0, d1) -> (0, 0, 0)>
module attributes {stable_mosaic.version = 14 : i64} {
  func.func @_sc_agg_body(%arg0: i32, %arg1: i32, %arg2: memref<10000x128xf32, #tpu.memory_space<hbm>>, %arg3: memref<320000xi32, #tpu.memory_space<hbm>>, %arg4: memref<320000xi32, #tpu.memory_space<hbm>>, %arg5: memref<2x10000x128xf32, #tpu.memory_space<hbm>>, %arg6: memref<128xi32, #tpu.memory_space<vmem>>, %arg7: memref<128xi32, #tpu.memory_space<vmem>>, %arg8: memref<128xi32, #tpu.memory_space<vmem>>, %arg9: memref<128xi32, #tpu.memory_space<vmem>>, %arg10: memref<128xi32, #tpu.memory_space<vmem>>, %arg11: memref<128xi32, #tpu.memory_space<vmem>>, %arg12: memref<128x128xf32, #tpu.memory_space<vmem>>, %arg13: memref<128x128xf32, #tpu.memory_space<vmem>>, %arg14: memref<128x128xf32, #tpu.memory_space<vmem>>, %arg15: memref<10000x128xf32, #tpu.memory_space<vmem_shared>>, %arg16: memref<!tpu.dma_semaphore, #tpu.memory_space<semaphore_mem>>, %arg17: memref<!tpu.dma_semaphore, #tpu.memory_space<semaphore_mem>>, %arg18: memref<!tpu.dma_semaphore, #tpu.memory_space<semaphore_mem>>, %arg19: memref<!tpu.dma_semaphore, #tpu.memory_space<semaphore_mem>>, %arg20: memref<!tpu.dma_semaphore, #tpu.memory_space<semaphore_mem>>, %arg21: memref<!tpu.dma_semaphore, #tpu.memory_space<semaphore_mem>>, %arg22: memref<!tpu.dma_semaphore, #tpu.memory_space<semaphore_mem>>, %arg23: memref<!tpu.dma_semaphore, #tpu.memory_space<semaphore_mem>>, %arg24: memref<!tpu.dma_semaphore, #tpu.memory_space<semaphore_mem>>) attributes {dimension_semantics = [#tpu.dimension_semantics<core_parallel>, #tpu.dimension_semantics<subcore_parallel>], iteration_bounds = array<i64: 2, 16>, scalar_prefetch = 0 : i64, scratch_operands = 19 : i64, tpu.core_type = #tpu.core_type<sc_vector_subcore>, window_params = [{transform_indices = #map}, {transform_indices = #map1}, {transform_indices = #map1}, {transform_indices = #map2}]} {
    %mul3A = arith.constant 16 : i32
    %mul3A_0 = arith.muli %arg0, %mul3A : i32
    %add3A = arith.addi %mul3A_0, %arg1 : i32
    %mul3A_1 = arith.constant 78 : i32
    %mul3A_2 = arith.muli %add3A, %mul3A_1 : i32
    %add3A_3 = arith.constant 0 : i32
    %add3A_4 = arith.addi %mul3A_2, %add3A_3 : i32
    %mul3A_5 = arith.constant 128 : i32
    %mul3A_6 = arith.muli %add3A_4, %mul3A_5 : i32
    %dma_start3A = tpu.memref_slice %arg3[%mul3A_6] : memref<320000xi32, #tpu.memory_space<hbm>> -> memref<128xi32, #tpu.memory_space<hbm>>
    %dma_start3A_7 = tpu.memref_slice %arg3[%mul3A_6] : memref<320000xi32, #tpu.memory_space<hbm>> -> memref<128xi32, #tpu.memory_space<hbm>>
    tpu.enqueue_dma source(%dma_start3A_7 : memref<128xi32, #tpu.memory_space<hbm>>) target(%arg6 : memref<128xi32, #tpu.memory_space<vmem>>) target_semaphore(%arg16 : memref<!tpu.dma_semaphore, #tpu.memory_space<semaphore_mem>>)
    %add3A_8 = arith.constant 0 : i32
    %add3A_9 = arith.addi %mul3A_2, %add3A_8 : i32
    %mul3A_10 = arith.constant 128 : i32
    %mul3A_11 = arith.muli %add3A_9, %mul3A_10 : i32
    %dma_start3A_12 = tpu.memref_slice %arg4[%mul3A_11] : memref<320000xi32, #tpu.memory_space<hbm>> -> memref<128xi32, #tpu.memory_space<hbm>>
    %dma_start3A_13 = tpu.memref_slice %arg4[%mul3A_11] : memref<320000xi32, #tpu.memory_space<hbm>> -> memref<128xi32, #tpu.memory_space<hbm>>
    tpu.enqueue_dma source(%dma_start3A_13 : memref<128xi32, #tpu.memory_space<hbm>>) target(%arg9 : memref<128xi32, #tpu.memory_space<vmem>>) target_semaphore(%arg19 : memref<!tpu.dma_semaphore, #tpu.memory_space<semaphore_mem>>)
    %add3A_14 = arith.constant 1 : i32
    %add3A_15 = arith.addi %mul3A_2, %add3A_14 : i32
    %mul3A_16 = arith.constant 128 : i32
    %mul3A_17 = arith.muli %add3A_15, %mul3A_16 : i32
    %dma_start3A_18 = tpu.memref_slice %arg3[%mul3A_17] : memref<320000xi32, #tpu.memory_space<hbm>> -> memref<128xi32, #tpu.memory_space<hbm>>
    %dma_start3A_19 = tpu.memref_slice %arg3[%mul3A_17] : memref<320000xi32, #tpu.memory_space<hbm>> -> memref<128xi32, #tpu.memory_space<hbm>>
    tpu.enqueue_dma source(%dma_start3A_19 : memref<128xi32, #tpu.memory_space<hbm>>) target(%arg7 : memref<128xi32, #tpu.memory_space<vmem>>) target_semaphore(%arg17 : memref<!tpu.dma_semaphore, #tpu.memory_space<semaphore_mem>>)
    %add3A_20 = arith.constant 1 : i32
    %add3A_21 = arith.addi %mul3A_2, %add3A_20 : i32
    %mul3A_22 = arith.constant 128 : i32
    %mul3A_23 = arith.muli %add3A_21, %mul3A_22 : i32
    %dma_start3A_24 = tpu.memref_slice %arg4[%mul3A_23] : memref<320000xi32, #tpu.memory_space<hbm>> -> memref<128xi32, #tpu.memory_space<hbm>>
    %dma_start3A_25 = tpu.memref_slice %arg4[%mul3A_23] : memref<320000xi32, #tpu.memory_space<hbm>> -> memref<128xi32, #tpu.memory_space<hbm>>
    tpu.enqueue_dma source(%dma_start3A_25 : memref<128xi32, #tpu.memory_space<hbm>>) target(%arg10 : memref<128xi32, #tpu.memory_space<vmem>>) target_semaphore(%arg20 : memref<!tpu.dma_semaphore, #tpu.memory_space<semaphore_mem>>)
    %add3A_26 = arith.constant 2 : i32
    %add3A_27 = arith.addi %mul3A_2, %add3A_26 : i32
    %mul3A_28 = arith.constant 128 : i32
    %mul3A_29 = arith.muli %add3A_27, %mul3A_28 : i32
    %dma_start3A_30 = tpu.memref_slice %arg3[%mul3A_29] : memref<320000xi32, #tpu.memory_space<hbm>> -> memref<128xi32, #tpu.memory_space<hbm>>
    %dma_start3A_31 = tpu.memref_slice %arg3[%mul3A_29] : memref<320000xi32, #tpu.memory_space<hbm>> -> memref<128xi32, #tpu.memory_space<hbm>>
    tpu.enqueue_dma source(%dma_start3A_31 : memref<128xi32, #tpu.memory_space<hbm>>) target(%arg8 : memref<128xi32, #tpu.memory_space<vmem>>) target_semaphore(%arg18 : memref<!tpu.dma_semaphore, #tpu.memory_space<semaphore_mem>>)
    %add3A_32 = arith.constant 2 : i32
    %add3A_33 = arith.addi %mul3A_2, %add3A_32 : i32
    %mul3A_34 = arith.constant 128 : i32
    %mul3A_35 = arith.muli %add3A_33, %mul3A_34 : i32
    %dma_start3A_36 = tpu.memref_slice %arg4[%mul3A_35] : memref<320000xi32, #tpu.memory_space<hbm>> -> memref<128xi32, #tpu.memory_space<hbm>>
    %dma_start3A_37 = tpu.memref_slice %arg4[%mul3A_35] : memref<320000xi32, #tpu.memory_space<hbm>> -> memref<128xi32, #tpu.memory_space<hbm>>
    tpu.enqueue_dma source(%dma_start3A_37 : memref<128xi32, #tpu.memory_space<hbm>>) target(%arg11 : memref<128xi32, #tpu.memory_space<vmem>>) target_semaphore(%arg21 : memref<!tpu.dma_semaphore, #tpu.memory_space<semaphore_mem>>)
    %add3A_38 = arith.constant 0 : i32
    %add3A_39 = arith.addi %mul3A_2, %add3A_38 : i32
    %mul3A_40 = arith.constant 128 : i32
    %mul3A_41 = arith.muli %add3A_39, %mul3A_40 : i32
    %dma_wait3A = tpu.memref_slice %arg3[%mul3A_41] : memref<320000xi32, #tpu.memory_space<hbm>> -> memref<128xi32, #tpu.memory_space<hbm>>
    %dma_wait3A_42 = tpu.memref_slice %arg3[%mul3A_41] : memref<320000xi32, #tpu.memory_space<hbm>> -> memref<128xi32, #tpu.memory_space<hbm>>
    tpu.wait_dma2 semaphore(%arg16 : memref<!tpu.dma_semaphore, #tpu.memory_space<semaphore_mem>>) src(%dma_wait3A_42 : memref<128xi32, #tpu.memory_space<hbm>>) dst(%arg6 : memref<128xi32, #tpu.memory_space<vmem>>)
    %dma_start3A_43 = arith.constant 0 : i32
    %dma_start3A_44 = arith.constant 0 : i32
    %dma_start3A_45 = tpu.memref_slice %arg2[%dma_start3A_43, %dma_start3A_44] : memref<10000x128xf32, #tpu.memory_space<hbm>> -> memref<10000x128xf32, #tpu.memory_space<hbm>>
    tpu.enqueue_indirect_dma source(%dma_start3A_45 : memref<10000x128xf32, #tpu.memory_space<hbm>>) target(%arg12 : memref<128x128xf32, #tpu.memory_space<vmem>>) offsets(%arg6 : memref<128xi32, #tpu.memory_space<vmem>>) semaphore(%arg22 : memref<!tpu.dma_semaphore, #tpu.memory_space<semaphore_mem>>)
    %add3A_46 = arith.constant 1 : i32
    %add3A_47 = arith.addi %mul3A_2, %add3A_46 : i32
    %mul3A_48 = arith.constant 128 : i32
    %mul3A_49 = arith.muli %add3A_47, %mul3A_48 : i32
    %dma_wait3A_50 = tpu.memref_slice %arg3[%mul3A_49] : memref<320000xi32, #tpu.memory_space<hbm>> -> memref<128xi32, #tpu.memory_space<hbm>>
    %dma_wait3A_51 = tpu.memref_slice %arg3[%mul3A_49] : memref<320000xi32, #tpu.memory_space<hbm>> -> memref<128xi32, #tpu.memory_space<hbm>>
    tpu.wait_dma2 semaphore(%arg17 : memref<!tpu.dma_semaphore, #tpu.memory_space<semaphore_mem>>) src(%dma_wait3A_51 : memref<128xi32, #tpu.memory_space<hbm>>) dst(%arg7 : memref<128xi32, #tpu.memory_space<vmem>>)
    %dma_start3A_52 = arith.constant 0 : i32
    %dma_start3A_53 = arith.constant 0 : i32
    %dma_start3A_54 = tpu.memref_slice %arg2[%dma_start3A_52, %dma_start3A_53] : memref<10000x128xf32, #tpu.memory_space<hbm>> -> memref<10000x128xf32, #tpu.memory_space<hbm>>
    tpu.enqueue_indirect_dma source(%dma_start3A_54 : memref<10000x128xf32, #tpu.memory_space<hbm>>) target(%arg13 : memref<128x128xf32, #tpu.memory_space<vmem>>) offsets(%arg7 : memref<128xi32, #tpu.memory_space<vmem>>) semaphore(%arg23 : memref<!tpu.dma_semaphore, #tpu.memory_space<semaphore_mem>>)
    %scan3A = arith.constant 0 : i32
    %scan3A_55 = arith.constant 0 : i32
    %scan3A_56 = arith.constant 128 : i32
    %scan3A_57 = arith.addi %scan3A_55, %scan3A_56 : i32
    %scan3A_58 = arith.constant 1 : i32
    scf.for %scan3A_127 = %scan3A_55 to %scan3A_57 step %scan3A_58  : i32 {
      %scan3A_128 = arith.constant 0 : i32
      %scan3A_129 = arith.constant 0 : i32
      %scan3A_130 = arith.constant 8 : i32
      %scan3A_131 = arith.addi %scan3A_129, %scan3A_130 : i32
      %scan3A_132 = arith.constant 1 : i32
      scf.for %scan3A_134 = %scan3A_129 to %scan3A_131 step %scan3A_132  : i32 {
        %broadcast_in_dim3A = arith.constant 0.000000e+00 : f32
        %broadcast_in_dim3A_135 = vector.broadcast %broadcast_in_dim3A : f32 to vector<16xf32>
        %mul3A_136 = arith.constant 16 : i32
        %mul3A_137 = arith.muli %scan3A_134, %mul3A_136 : i32
        %swap3A = arith.index_cast %scan3A_127 : i32 to index
        %swap3A_138 = arith.index_cast %mul3A_137 : i32 to index
        %swap3A_139 = tpu.vector_load %arg14[%swap3A, %swap3A_138] {strides = array<i32>} : memref<128x128xf32, #tpu.memory_space<vmem>>, vector<1x16xf32>,
        %swap3A_140 = vector.shape_cast %swap3A_139 : vector<1x16xf32> to vector<16xf32>
        %swap3A_141 = vector.shape_cast %broadcast_in_dim3A_135 : vector<16xf32> to vector<1x16xf32>
        tpu.vector_store %arg14[%swap3A, %swap3A_138], %swap3A_141 {strides = array<i32>} : memref<128x128xf32, #tpu.memory_space<vmem>>, vector<1x16xf32>,
      }
      %scan3A_133 = arith.constant 8 : i32
    }
    %scan3A_59 = arith.constant 128 : i32
    %mul3A_60 = arith.constant 624 : i32
    %mul3A_61 = arith.muli %arg1, %mul3A_60 : i32
    %add3A_62 = arith.constant 0 : i32
    %add3A_63 = arith.addi %mul3A_61, %add3A_62 : i32
    "tpu.region"() ({
      %run_scoped3A = tpu.sem_alloc : memref<!tpu.dma_semaphore, #tpu.memory_space<semaphore_mem>>
      %dma_start3A_127 = arith.constant 0 : i32
      %dma_start3A_128 = arith.constant 0 : i32
      %dma_start3A_129 = tpu.memref_slice %arg14[%dma_start3A_127, %dma_start3A_128] : memref<128x128xf32, #tpu.memory_space<vmem>> -> memref<104x128xf32, #tpu.memory_space<vmem>>
      %dma_start3A_130 = arith.constant 0 : i32
      %dma_start3A_131 = tpu.memref_slice %arg15[%add3A_63, %dma_start3A_130] : memref<10000x128xf32, #tpu.memory_space<vmem_shared>> -> memref<104x128xf32, #tpu.memory_space<vmem_shared>>
      %dma_start3A_132 = arith.constant 0 : i32
      %dma_start3A_133 = tpu.memref_slice %arg15[%add3A_63, %dma_start3A_132] : memref<10000x128xf32, #tpu.memory_space<vmem_shared>> -> memref<104x128xf32, #tpu.memory_space<vmem_shared>>
      %dma_start3A_134 = arith.constant 0 : i32
      %dma_start3A_135 = arith.constant 0 : i32
      %dma_start3A_136 = tpu.memref_slice %arg14[%dma_start3A_134, %dma_start3A_135] : memref<128x128xf32, #tpu.memory_space<vmem>> -> memref<104x128xf32, #tpu.memory_space<vmem>>
      tpu.enqueue_dma source(%dma_start3A_136 : memref<104x128xf32, #tpu.memory_space<vmem>>) target(%dma_start3A_133 : memref<104x128xf32, #tpu.memory_space<vmem_shared>>) target_semaphore(%run_scoped3A : memref<!tpu.dma_semaphore, #tpu.memory_space<semaphore_mem>>)
      %dma_wait3A_137 = arith.constant 0 : i32
      %dma_wait3A_138 = arith.constant 0 : i32
      %dma_wait3A_139 = tpu.memref_slice %arg14[%dma_wait3A_137, %dma_wait3A_138] : memref<128x128xf32, #tpu.memory_space<vmem>> -> memref<104x128xf32, #tpu.memory_space<vmem>>
      %dma_wait3A_140 = arith.constant 0 : i32
      %dma_wait3A_141 = tpu.memref_slice %arg15[%add3A_63, %dma_wait3A_140] : memref<10000x128xf32, #tpu.memory_space<vmem_shared>> -> memref<104x128xf32, #tpu.memory_space<vmem_shared>>
      %dma_wait3A_142 = arith.constant 0 : i32
      %dma_wait3A_143 = tpu.memref_slice %arg15[%add3A_63, %dma_wait3A_142] : memref<10000x128xf32, #tpu.memory_space<vmem_shared>> -> memref<104x128xf32, #tpu.memory_space<vmem_shared>>
      %dma_wait3A_144 = arith.constant 0 : i32
      %dma_wait3A_145 = arith.constant 0 : i32
      %dma_wait3A_146 = tpu.memref_slice %arg14[%dma_wait3A_144, %dma_wait3A_145] : memref<128x128xf32, #tpu.memory_space<vmem>> -> memref<104x128xf32, #tpu.memory_space<vmem>>
      tpu.wait_dma2 semaphore(%run_scoped3A : memref<!tpu.dma_semaphore, #tpu.memory_space<semaphore_mem>>) src(%dma_wait3A_146 : memref<104x128xf32, #tpu.memory_space<vmem>>) dst(%dma_wait3A_143 : memref<104x128xf32, #tpu.memory_space<vmem_shared>>)
      tpu.yield
    }) : () -> ()
    %mul3A_64 = arith.constant 624 : i32
    %mul3A_65 = arith.muli %arg1, %mul3A_64 : i32
    %add3A_66 = arith.constant 104 : i32
    %add3A_67 = arith.addi %mul3A_65, %add3A_66 : i32
    "tpu.region"() ({
      %run_scoped3A = tpu.sem_alloc : memref<!tpu.dma_semaphore, #tpu.memory_space<semaphore_mem>>
      %dma_start3A_127 = arith.constant 0 : i32
      %dma_start3A_128 = arith.constant 0 : i32
      %dma_start3A_129 = tpu.memref_slice %arg14[%dma_start3A_127, %dma_start3A_128] : memref<128x128xf32, #tpu.memory_space<vmem>> -> memref<104x128xf32, #tpu.memory_space<vmem>>
      %dma_start3A_130 = arith.constant 0 : i32
      %dma_start3A_131 = tpu.memref_slice %arg15[%add3A_67, %dma_start3A_130] : memref<10000x128xf32, #tpu.memory_space<vmem_shared>> -> memref<104x128xf32, #tpu.memory_space<vmem_shared>>
      %dma_start3A_132 = arith.constant 0 : i32
      %dma_start3A_133 = tpu.memref_slice %arg15[%add3A_67, %dma_start3A_132] : memref<10000x128xf32, #tpu.memory_space<vmem_shared>> -> memref<104x128xf32, #tpu.memory_space<vmem_shared>>
      %dma_start3A_134 = arith.constant 0 : i32
      %dma_start3A_135 = arith.constant 0 : i32
      %dma_start3A_136 = tpu.memref_slice %arg14[%dma_start3A_134, %dma_start3A_135] : memref<128x128xf32, #tpu.memory_space<vmem>> -> memref<104x128xf32, #tpu.memory_space<vmem>>
      tpu.enqueue_dma source(%dma_start3A_136 : memref<104x128xf32, #tpu.memory_space<vmem>>) target(%dma_start3A_133 : memref<104x128xf32, #tpu.memory_space<vmem_shared>>) target_semaphore(%run_scoped3A : memref<!tpu.dma_semaphore, #tpu.memory_space<semaphore_mem>>)
      %dma_wait3A_137 = arith.constant 0 : i32
      %dma_wait3A_138 = arith.constant 0 : i32
      %dma_wait3A_139 = tpu.memref_slice %arg14[%dma_wait3A_137, %dma_wait3A_138] : memref<128x128xf32, #tpu.memory_space<vmem>> -> memref<104x128xf32, #tpu.memory_space<vmem>>
      %dma_wait3A_140 = arith.constant 0 : i32
      %dma_wait3A_141 = tpu.memref_slice %arg15[%add3A_67, %dma_wait3A_140] : memref<10000x128xf32, #tpu.memory_space<vmem_shared>> -> memref<104x128xf32, #tpu.memory_space<vmem_shared>>
      %dma_wait3A_142 = arith.constant 0 : i32
      %dma_wait3A_143 = tpu.memref_slice %arg15[%add3A_67, %dma_wait3A_142] : memref<10000x128xf32, #tpu.memory_space<vmem_shared>> -> memref<104x128xf32, #tpu.memory_space<vmem_shared>>
      %dma_wait3A_144 = arith.constant 0 : i32
      %dma_wait3A_145 = arith.constant 0 : i32
      %dma_wait3A_146 = tpu.memref_slice %arg14[%dma_wait3A_144, %dma_wait3A_145] : memref<128x128xf32, #tpu.memory_space<vmem>> -> memref<104x128xf32, #tpu.memory_space<vmem>>
      tpu.wait_dma2 semaphore(%run_scoped3A : memref<!tpu.dma_semaphore, #tpu.memory_space<semaphore_mem>>) src(%dma_wait3A_146 : memref<104x128xf32, #tpu.memory_space<vmem>>) dst(%dma_wait3A_143 : memref<104x128xf32, #tpu.memory_space<vmem_shared>>)
      tpu.yield
    }) : () -> ()
    %mul3A_68 = arith.constant 624 : i32
    %mul3A_69 = arith.muli %arg1, %mul3A_68 : i32
    %add3A_70 = arith.constant 208 : i32
    %add3A_71 = arith.addi %mul3A_69, %add3A_70 : i32
    "tpu.region"() ({
      %run_scoped3A = tpu.sem_alloc : memref<!tpu.dma_semaphore, #tpu.memory_space<semaphore_mem>>
      %dma_start3A_127 = arith.constant 0 : i32
      %dma_start3A_128 = arith.constant 0 : i32
      %dma_start3A_129 = tpu.memref_slice %arg14[%dma_start3A_127, %dma_start3A_128] : memref<128x128xf32, #tpu.memory_space<vmem>> -> memref<104x128xf32, #tpu.memory_space<vmem>>
      %dma_start3A_130 = arith.constant 0 : i32
      %dma_start3A_131 = tpu.memref_slice %arg15[%add3A_71, %dma_start3A_130] : memref<10000x128xf32, #tpu.memory_space<vmem_shared>> -> memref<104x128xf32, #tpu.memory_space<vmem_shared>>
      %dma_start3A_132 = arith.constant 0 : i32
      %dma_start3A_133 = tpu.memref_slice %arg15[%add3A_71, %dma_start3A_132] : memref<10000x128xf32, #tpu.memory_space<vmem_shared>> -> memref<104x128xf32, #tpu.memory_space<vmem_shared>>
      %dma_start3A_134 = arith.constant 0 : i32
      %dma_start3A_135 = arith.constant 0 : i32
      %dma_start3A_136 = tpu.memref_slice %arg14[%dma_start3A_134, %dma_start3A_135] : memref<128x128xf32, #tpu.memory_space<vmem>> -> memref<104x128xf32, #tpu.memory_space<vmem>>
      tpu.enqueue_dma source(%dma_start3A_136 : memref<104x128xf32, #tpu.memory_space<vmem>>) target(%dma_start3A_133 : memref<104x128xf32, #tpu.memory_space<vmem_shared>>) target_semaphore(%run_scoped3A : memref<!tpu.dma_semaphore, #tpu.memory_space<semaphore_mem>>)
      %dma_wait3A_137 = arith.constant 0 : i32
      %dma_wait3A_138 = arith.constant 0 : i32
      %dma_wait3A_139 = tpu.memref_slice %arg14[%dma_wait3A_137, %dma_wait3A_138] : memref<128x128xf32, #tpu.memory_space<vmem>> -> memref<104x128xf32, #tpu.memory_space<vmem>>
      %dma_wait3A_140 = arith.constant 0 : i32
      %dma_wait3A_141 = tpu.memref_slice %arg15[%add3A_71, %dma_wait3A_140] : memref<10000x128xf32, #tpu.memory_space<vmem_shared>> -> memref<104x128xf32, #tpu.memory_space<vmem_shared>>
      %dma_wait3A_142 = arith.constant 0 : i32
      %dma_wait3A_143 = tpu.memref_slice %arg15[%add3A_71, %dma_wait3A_142] : memref<10000x128xf32, #tpu.memory_space<vmem_shared>> -> memref<104x128xf32, #tpu.memory_space<vmem_shared>>
      %dma_wait3A_144 = arith.constant 0 : i32
      %dma_wait3A_145 = arith.constant 0 : i32
      %dma_wait3A_146 = tpu.memref_slice %arg14[%dma_wait3A_144, %dma_wait3A_145] : memref<128x128xf32, #tpu.memory_space<vmem>> -> memref<104x128xf32, #tpu.memory_space<vmem>>
      tpu.wait_dma2 semaphore(%run_scoped3A : memref<!tpu.dma_semaphore, #tpu.memory_space<semaphore_mem>>) src(%dma_wait3A_146 : memref<104x128xf32, #tpu.memory_space<vmem>>) dst(%dma_wait3A_143 : memref<104x128xf32, #tpu.memory_space<vmem_shared>>)
      tpu.yield
    }) : () -> ()
    %mul3A_72 = arith.constant 624 : i32
    %mul3A_73 = arith.muli %arg1, %mul3A_72 : i32
    %add3A_74 = arith.constant 312 : i32
    %add3A_75 = arith.addi %mul3A_73, %add3A_74 : i32
    "tpu.region"() ({
      %run_scoped3A = tpu.sem_alloc : memref<!tpu.dma_semaphore, #tpu.memory_space<semaphore_mem>>
      %dma_start3A_127 = arith.constant 0 : i32
      %dma_start3A_128 = arith.constant 0 : i32
      %dma_start3A_129 = tpu.memref_slice %arg14[%dma_start3A_127, %dma_start3A_128] : memref<128x128xf32, #tpu.memory_space<vmem>> -> memref<104x128xf32, #tpu.memory_space<vmem>>
      %dma_start3A_130 = arith.constant 0 : i32
      %dma_start3A_131 = tpu.memref_slice %arg15[%add3A_75, %dma_start3A_130] : memref<10000x128xf32, #tpu.memory_space<vmem_shared>> -> memref<104x128xf32, #tpu.memory_space<vmem_shared>>
      %dma_start3A_132 = arith.constant 0 : i32
      %dma_start3A_133 = tpu.memref_slice %arg15[%add3A_75, %dma_start3A_132] : memref<10000x128xf32, #tpu.memory_space<vmem_shared>> -> memref<104x128xf32, #tpu.memory_space<vmem_shared>>
      %dma_start3A_134 = arith.constant 0 : i32
      %dma_start3A_135 = arith.constant 0 : i32
      %dma_start3A_136 = tpu.memref_slice %arg14[%dma_start3A_134, %dma_start3A_135] : memref<128x128xf32, #tpu.memory_space<vmem>> -> memref<104x128xf32, #tpu.memory_space<vmem>>
      tpu.enqueue_dma source(%dma_start3A_136 : memref<104x128xf32, #tpu.memory_space<vmem>>) target(%dma_start3A_133 : memref<104x128xf32, #tpu.memory_space<vmem_shared>>) target_semaphore(%run_scoped3A : memref<!tpu.dma_semaphore, #tpu.memory_space<semaphore_mem>>)
      %dma_wait3A_137 = arith.constant 0 : i32
      %dma_wait3A_138 = arith.constant 0 : i32
      %dma_wait3A_139 = tpu.memref_slice %arg14[%dma_wait3A_137, %dma_wait3A_138] : memref<128x128xf32, #tpu.memory_space<vmem>> -> memref<104x128xf32, #tpu.memory_space<vmem>>
      %dma_wait3A_140 = arith.constant 0 : i32
      %dma_wait3A_141 = tpu.memref_slice %arg15[%add3A_75, %dma_wait3A_140] : memref<10000x128xf32, #tpu.memory_space<vmem_shared>> -> memref<104x128xf32, #tpu.memory_space<vmem_shared>>
      %dma_wait3A_142 = arith.constant 0 : i32
      %dma_wait3A_143 = tpu.memref_slice %arg15[%add3A_75, %dma_wait3A_142] : memref<10000x128xf32, #tpu.memory_space<vmem_shared>> -> memref<104x128xf32, #tpu.memory_space<vmem_shared>>
      %dma_wait3A_144 = arith.constant 0 : i32
      %dma_wait3A_145 = arith.constant 0 : i32
      %dma_wait3A_146 = tpu.memref_slice %arg14[%dma_wait3A_144, %dma_wait3A_145] : memref<128x128xf32, #tpu.memory_space<vmem>> -> memref<104x128xf32, #tpu.memory_space<vmem>>
      tpu.wait_dma2 semaphore(%run_scoped3A : memref<!tpu.dma_semaphore, #tpu.memory_space<semaphore_mem>>) src(%dma_wait3A_146 : memref<104x128xf32, #tpu.memory_space<vmem>>) dst(%dma_wait3A_143 : memref<104x128xf32, #tpu.memory_space<vmem_shared>>)
      tpu.yield
    }) : () -> ()
    %mul3A_76 = arith.constant 624 : i32
    %mul3A_77 = arith.muli %arg1, %mul3A_76 : i32
    %add3A_78 = arith.constant 416 : i32
    %add3A_79 = arith.addi %mul3A_77, %add3A_78 : i32
    "tpu.region"() ({
      %run_scoped3A = tpu.sem_alloc : memref<!tpu.dma_semaphore, #tpu.memory_space<semaphore_mem>>
      %dma_start3A_127 = arith.constant 0 : i32
      %dma_start3A_128 = arith.constant 0 : i32
      %dma_start3A_129 = tpu.memref_slice %arg14[%dma_start3A_127, %dma_start3A_128] : memref<128x128xf32, #tpu.memory_space<vmem>> -> memref<104x128xf32, #tpu.memory_space<vmem>>
      %dma_start3A_130 = arith.constant 0 : i32
      %dma_start3A_131 = tpu.memref_slice %arg15[%add3A_79, %dma_start3A_130] : memref<10000x128xf32, #tpu.memory_space<vmem_shared>> -> memref<104x128xf32, #tpu.memory_space<vmem_shared>>
      %dma_start3A_132 = arith.constant 0 : i32
      %dma_start3A_133 = tpu.memref_slice %arg15[%add3A_79, %dma_start3A_132] : memref<10000x128xf32, #tpu.memory_space<vmem_shared>> -> memref<104x128xf32, #tpu.memory_space<vmem_shared>>
      %dma_start3A_134 = arith.constant 0 : i32
      %dma_start3A_135 = arith.constant 0 : i32
      %dma_start3A_136 = tpu.memref_slice %arg14[%dma_start3A_134, %dma_start3A_135] : memref<128x128xf32, #tpu.memory_space<vmem>> -> memref<104x128xf32, #tpu.memory_space<vmem>>
      tpu.enqueue_dma source(%dma_start3A_136 : memref<104x128xf32, #tpu.memory_space<vmem>>) target(%dma_start3A_133 : memref<104x128xf32, #tpu.memory_space<vmem_shared>>) target_semaphore(%run_scoped3A : memref<!tpu.dma_semaphore, #tpu.memory_space<semaphore_mem>>)
      %dma_wait3A_137 = arith.constant 0 : i32
      %dma_wait3A_138 = arith.constant 0 : i32
      %dma_wait3A_139 = tpu.memref_slice %arg14[%dma_wait3A_137, %dma_wait3A_138] : memref<128x128xf32, #tpu.memory_space<vmem>> -> memref<104x128xf32, #tpu.memory_space<vmem>>
      %dma_wait3A_140 = arith.constant 0 : i32
      %dma_wait3A_141 = tpu.memref_slice %arg15[%add3A_79, %dma_wait3A_140] : memref<10000x128xf32, #tpu.memory_space<vmem_shared>> -> memref<104x128xf32, #tpu.memory_space<vmem_shared>>
      %dma_wait3A_142 = arith.constant 0 : i32
      %dma_wait3A_143 = tpu.memref_slice %arg15[%add3A_79, %dma_wait3A_142] : memref<10000x128xf32, #tpu.memory_space<vmem_shared>> -> memref<104x128xf32, #tpu.memory_space<vmem_shared>>
      %dma_wait3A_144 = arith.constant 0 : i32
      %dma_wait3A_145 = arith.constant 0 : i32
      %dma_wait3A_146 = tpu.memref_slice %arg14[%dma_wait3A_144, %dma_wait3A_145] : memref<128x128xf32, #tpu.memory_space<vmem>> -> memref<104x128xf32, #tpu.memory_space<vmem>>
      tpu.wait_dma2 semaphore(%run_scoped3A : memref<!tpu.dma_semaphore, #tpu.memory_space<semaphore_mem>>) src(%dma_wait3A_146 : memref<104x128xf32, #tpu.memory_space<vmem>>) dst(%dma_wait3A_143 : memref<104x128xf32, #tpu.memory_space<vmem_shared>>)
      tpu.yield
    }) : () -> ()
    %mul3A_80 = arith.constant 624 : i32
    %mul3A_81 = arith.muli %arg1, %mul3A_80 : i32
    %add3A_82 = arith.constant 520 : i32
    %add3A_83 = arith.addi %mul3A_81, %add3A_82 : i32
    "tpu.region"() ({
      %run_scoped3A = tpu.sem_alloc : memref<!tpu.dma_semaphore, #tpu.memory_space<semaphore_mem>>
      %dma_start3A_127 = arith.constant 0 : i32
      %dma_start3A_128 = arith.constant 0 : i32
      %dma_start3A_129 = tpu.memref_slice %arg14[%dma_start3A_127, %dma_start3A_128] : memref<128x128xf32, #tpu.memory_space<vmem>> -> memref<104x128xf32, #tpu.memory_space<vmem>>
      %dma_start3A_130 = arith.constant 0 : i32
      %dma_start3A_131 = tpu.memref_slice %arg15[%add3A_83, %dma_start3A_130] : memref<10000x128xf32, #tpu.memory_space<vmem_shared>> -> memref<104x128xf32, #tpu.memory_space<vmem_shared>>
      %dma_start3A_132 = arith.constant 0 : i32
      %dma_start3A_133 = tpu.memref_slice %arg15[%add3A_83, %dma_start3A_132] : memref<10000x128xf32, #tpu.memory_space<vmem_shared>> -> memref<104x128xf32, #tpu.memory_space<vmem_shared>>
      %dma_start3A_134 = arith.constant 0 : i32
      %dma_start3A_135 = arith.constant 0 : i32
      %dma_start3A_136 = tpu.memref_slice %arg14[%dma_start3A_134, %dma_start3A_135] : memref<128x128xf32, #tpu.memory_space<vmem>> -> memref<104x128xf32, #tpu.memory_space<vmem>>
      tpu.enqueue_dma source(%dma_start3A_136 : memref<104x128xf32, #tpu.memory_space<vmem>>) target(%dma_start3A_133 : memref<104x128xf32, #tpu.memory_space<vmem_shared>>) target_semaphore(%run_scoped3A : memref<!tpu.dma_semaphore, #tpu.memory_space<semaphore_mem>>)
      %dma_wait3A_137 = arith.constant 0 : i32
      %dma_wait3A_138 = arith.constant 0 : i32
      %dma_wait3A_139 = tpu.memref_slice %arg14[%dma_wait3A_137, %dma_wait3A_138] : memref<128x128xf32, #tpu.memory_space<vmem>> -> memref<104x128xf32, #tpu.memory_space<vmem>>
      %dma_wait3A_140 = arith.constant 0 : i32
      %dma_wait3A_141 = tpu.memref_slice %arg15[%add3A_83, %dma_wait3A_140] : memref<10000x128xf32, #tpu.memory_space<vmem_shared>> -> memref<104x128xf32, #tpu.memory_space<vmem_shared>>
      %dma_wait3A_142 = arith.constant 0 : i32
      %dma_wait3A_143 = tpu.memref_slice %arg15[%add3A_83, %dma_wait3A_142] : memref<10000x128xf32, #tpu.memory_space<vmem_shared>> -> memref<104x128xf32, #tpu.memory_space<vmem_shared>>
      %dma_wait3A_144 = arith.constant 0 : i32
      %dma_wait3A_145 = arith.constant 0 : i32
      %dma_wait3A_146 = tpu.memref_slice %arg14[%dma_wait3A_144, %dma_wait3A_145] : memref<128x128xf32, #tpu.memory_space<vmem>> -> memref<104x128xf32, #tpu.memory_space<vmem>>
      tpu.wait_dma2 semaphore(%run_scoped3A : memref<!tpu.dma_semaphore, #tpu.memory_space<semaphore_mem>>) src(%dma_wait3A_146 : memref<104x128xf32, #tpu.memory_space<vmem>>) dst(%dma_wait3A_143 : memref<104x128xf32, #tpu.memory_space<vmem_shared>>)
      tpu.yield
    }) : () -> ()
    %eq3A = arith.constant 15 : i32
    %eq3A_84 = arith.cmpi eq, %arg1, %eq3A : i32
    %convert_element_type3A = arith.extui %eq3A_84 : i1 to i32
    %cond3A = arith.constant 0 : i32
    %cond3A_85 = arith.cmpi ne, %convert_element_type3A, %cond3A : i32
    scf.if %cond3A_85 {
      "tpu.region"() ({
        %run_scoped3A = tpu.sem_alloc : memref<!tpu.dma_semaphore, #tpu.memory_space<semaphore_mem>>
        %dma_start3A_127 = arith.constant 0 : i32
        %dma_start3A_128 = arith.constant 0 : i32
        %dma_start3A_129 = tpu.memref_slice %arg14[%dma_start3A_127, %dma_start3A_128] : memref<128x128xf32, #tpu.memory_space<vmem>> -> memref<16x128xf32, #tpu.memory_space<vmem>>
        %dma_start3A_130 = arith.constant 9984 : i32
        %dma_start3A_131 = arith.constant 0 : i32
        %dma_start3A_132 = tpu.memref_slice %arg15[%dma_start3A_130, %dma_start3A_131] : memref<10000x128xf32, #tpu.memory_space<vmem_shared>> -> memref<16x128xf32, #tpu.memory_space<vmem_shared>>
        %dma_start3A_133 = arith.constant 9984 : i32
        %dma_start3A_134 = arith.constant 0 : i32
        %dma_start3A_135 = tpu.memref_slice %arg15[%dma_start3A_133, %dma_start3A_134] : memref<10000x128xf32, #tpu.memory_space<vmem_shared>> -> memref<16x128xf32, #tpu.memory_space<vmem_shared>>
        %dma_start3A_136 = arith.constant 0 : i32
        %dma_start3A_137 = arith.constant 0 : i32
        %dma_start3A_138 = tpu.memref_slice %arg14[%dma_start3A_136, %dma_start3A_137] : memref<128x128xf32, #tpu.memory_space<vmem>> -> memref<16x128xf32, #tpu.memory_space<vmem>>
        tpu.enqueue_dma source(%dma_start3A_138 : memref<16x128xf32, #tpu.memory_space<vmem>>) target(%dma_start3A_135 : memref<16x128xf32, #tpu.memory_space<vmem_shared>>) target_semaphore(%run_scoped3A : memref<!tpu.dma_semaphore, #tpu.memory_space<semaphore_mem>>)
        %dma_wait3A_139 = arith.constant 0 : i32
        %dma_wait3A_140 = arith.constant 0 : i32
        %dma_wait3A_141 = tpu.memref_slice %arg14[%dma_wait3A_139, %dma_wait3A_140] : memref<128x128xf32, #tpu.memory_space<vmem>> -> memref<16x128xf32, #tpu.memory_space<vmem>>
        %dma_wait3A_142 = arith.constant 9984 : i32
        %dma_wait3A_143 = arith.constant 0 : i32
        %dma_wait3A_144 = tpu.memref_slice %arg15[%dma_wait3A_142, %dma_wait3A_143] : memref<10000x128xf32, #tpu.memory_space<vmem_shared>> -> memref<16x128xf32, #tpu.memory_space<vmem_shared>>
        %dma_wait3A_145 = arith.constant 9984 : i32
        %dma_wait3A_146 = arith.constant 0 : i32
        %dma_wait3A_147 = tpu.memref_slice %arg15[%dma_wait3A_145, %dma_wait3A_146] : memref<10000x128xf32, #tpu.memory_space<vmem_shared>> -> memref<16x128xf32, #tpu.memory_space<vmem_shared>>
        %dma_wait3A_148 = arith.constant 0 : i32
        %dma_wait3A_149 = arith.constant 0 : i32
        %dma_wait3A_150 = tpu.memref_slice %arg14[%dma_wait3A_148, %dma_wait3A_149] : memref<128x128xf32, #tpu.memory_space<vmem>> -> memref<16x128xf32, #tpu.memory_space<vmem>>
        tpu.wait_dma2 semaphore(%run_scoped3A : memref<!tpu.dma_semaphore, #tpu.memory_space<semaphore_mem>>) src(%dma_wait3A_150 : memref<16x128xf32, #tpu.memory_space<vmem>>) dst(%dma_wait3A_147 : memref<16x128xf32, #tpu.memory_space<vmem_shared>>)
        tpu.yield
      }) : () -> ()
    } else {
    }
    %barrier3A = arith.constant 0 : index
    tpu.barrier barrier_id(%barrier3A)
    %scan3A_86 = arith.constant 0 : i32
    %scan3A_87 = arith.constant 0 : i32
    %scan3A_88 = arith.constant 26 : i32
    %scan3A_89 = arith.addi %scan3A_87, %scan3A_88 : i32
    %scan3A_90 = arith.constant 1 : i32
    scf.for %scan3A_127 = %scan3A_87 to %scan3A_89 step %scan3A_90  : i32 {
      %mul3A_128 = arith.constant 3 : i32
      %mul3A_129 = arith.muli %mul3A_128, %scan3A_127 : i32
      %add3A_130 = arith.constant 0 : i32
      %add3A_131 = arith.addi %mul3A_129, %add3A_130 : i32
      %add3A_132 = arith.constant 2 : i32
      %add3A_133 = arith.addi %add3A_131, %add3A_132 : i32
      %lt3A = arith.constant 78 : i32
      %lt3A_134 = arith.cmpi slt, %add3A_133, %lt3A : i32
      %convert_element_type3A_135 = arith.extui %lt3A_134 : i1 to i32
      %cond3A_136 = arith.constant 0 : i32
      %cond3A_137 = arith.cmpi ne, %convert_element_type3A_135, %cond3A_136 : i32
      scf.if %cond3A_137 {
        %add3A_213 = arith.constant 0 : i32
        %add3A_214 = arith.addi %mul3A_129, %add3A_213 : i32
        %add3A_215 = arith.constant 2 : i32
        %add3A_216 = arith.addi %add3A_214, %add3A_215 : i32
        %add3A_217 = arith.addi %mul3A_2, %add3A_216 : i32
        %mul3A_218 = arith.constant 128 : i32
        %mul3A_219 = arith.muli %add3A_217, %mul3A_218 : i32
        %dma_wait3A_220 = tpu.memref_slice %arg3[%mul3A_219] : memref<320000xi32, #tpu.memory_space<hbm>> -> memref<128xi32, #tpu.memory_space<hbm>>
        %dma_wait3A_221 = tpu.memref_slice %arg3[%mul3A_219] : memref<320000xi32, #tpu.memory_space<hbm>> -> memref<128xi32, #tpu.memory_space<hbm>>
        tpu.wait_dma2 semaphore(%arg18 : memref<!tpu.dma_semaphore, #tpu.memory_space<semaphore_mem>>) src(%dma_wait3A_221 : memref<128xi32, #tpu.memory_space<hbm>>) dst(%arg8 : memref<128xi32, #tpu.memory_space<vmem>>)
        %dma_start3A_222 = arith.constant 0 : i32
        %dma_start3A_223 = arith.constant 0 : i32
        %dma_start3A_224 = tpu.memref_slice %arg2[%dma_start3A_222, %dma_start3A_223] : memref<10000x128xf32, #tpu.memory_space<hbm>> -> memref<10000x128xf32, #tpu.memory_space<hbm>>
        tpu.enqueue_indirect_dma source(%dma_start3A_224 : memref<10000x128xf32, #tpu.memory_space<hbm>>) target(%arg14 : memref<128x128xf32, #tpu.memory_space<vmem>>) offsets(%arg8 : memref<128xi32, #tpu.memory_space<vmem>>) semaphore(%arg24 : memref<!tpu.dma_semaphore, #tpu.memory_space<semaphore_mem>>)
      } else {
      }
      %add3A_138 = arith.constant 0 : i32
      %add3A_139 = arith.addi %mul3A_129, %add3A_138 : i32
      %dma_wait3A_140 = arith.constant 0 : i32
      %dma_wait3A_141 = arith.constant 0 : i32
      %dma_wait3A_142 = tpu.memref_slice %arg2[%dma_wait3A_140, %dma_wait3A_141] : memref<10000x128xf32, #tpu.memory_space<hbm>> -> memref<10000x128xf32, #tpu.memory_space<hbm>>
      tpu.wait_indirect_dma semaphore(%arg22 : memref<!tpu.dma_semaphore, #tpu.memory_space<semaphore_mem>>) src(%dma_wait3A_142 : memref<10000x128xf32, #tpu.memory_space<hbm>>) dst(%arg12 : memref<128x128xf32, #tpu.memory_space<vmem>>)
      %add3A_143 = arith.addi %mul3A_2, %add3A_139 : i32
      %mul3A_144 = arith.constant 128 : i32
      %mul3A_145 = arith.muli %add3A_143, %mul3A_144 : i32
      %dma_wait3A_146 = tpu.memref_slice %arg4[%mul3A_145] : memref<320000xi32, #tpu.memory_space<hbm>> -> memref<128xi32, #tpu.memory_space<hbm>>
      %dma_wait3A_147 = tpu.memref_slice %arg4[%mul3A_145] : memref<320000xi32, #tpu.memory_space<hbm>> -> memref<128xi32, #tpu.memory_space<hbm>>
      tpu.wait_dma2 semaphore(%arg19 : memref<!tpu.dma_semaphore, #tpu.memory_space<semaphore_mem>>) src(%dma_wait3A_147 : memref<128xi32, #tpu.memory_space<hbm>>) dst(%arg9 : memref<128xi32, #tpu.memory_space<vmem>>)
      "tpu.region"() ({
        %run_scoped3A = tpu.sem_alloc : memref<!tpu.dma_semaphore, #tpu.memory_space<semaphore_mem>>
        %dma_start3A_213 = arith.constant 0 : i32
        %dma_start3A_214 = arith.constant 0 : i32
        %dma_start3A_215 = tpu.memref_slice %arg15[%dma_start3A_213, %dma_start3A_214] : memref<10000x128xf32, #tpu.memory_space<vmem_shared>> -> memref<10000x128xf32, #tpu.memory_space<vmem_shared>>
        tpu.enqueue_indirect_dma source(%arg12 : memref<128x128xf32, #tpu.memory_space<vmem>>) target(%dma_start3A_215 : memref<10000x128xf32, #tpu.memory_space<vmem_shared>>) offsets(%arg9 : memref<128xi32, #tpu.memory_space<vmem>>) semaphore(%run_scoped3A : memref<!tpu.dma_semaphore, #tpu.memory_space<semaphore_mem>>) {add = true}
        %dma_wait3A_216 = arith.constant 0 : i32
        %dma_wait3A_217 = arith.constant 0 : i32
        %dma_wait3A_218 = tpu.memref_slice %arg15[%dma_wait3A_216, %dma_wait3A_217] : memref<10000x128xf32, #tpu.memory_space<vmem_shared>> -> memref<10000x128xf32, #tpu.memory_space<vmem_shared>>
        tpu.wait_indirect_dma semaphore(%run_scoped3A : memref<!tpu.dma_semaphore, #tpu.memory_space<semaphore_mem>>) src(%arg12 : memref<128x128xf32, #tpu.memory_space<vmem>>) dst(%dma_wait3A_218 : memref<10000x128xf32, #tpu.memory_space<vmem_shared>>)
        tpu.yield
      }) : () -> ()
      %add3A_148 = arith.constant 0 : i32
      %add3A_149 = arith.addi %mul3A_129, %add3A_148 : i32
      %add3A_150 = arith.constant 3 : i32
      %add3A_151 = arith.addi %add3A_149, %add3A_150 : i32
      %lt3A_152 = arith.constant 78 : i32
      %lt3A_153 = arith.cmpi slt, %add3A_151, %lt3A_152 : i32
      %convert_element_type3A_154 = arith.extui %lt3A_153 : i1 to i32
      %cond3A_155 = arith.constant 0 : i32
      %cond3A_156 = arith.cmpi ne, %convert_element_type3A_154, %cond3A_155 : i32
      scf.if %cond3A_156 {
        %add3A_213 = arith.constant 0 : i32
        %add3A_214 = arith.addi %mul3A_129, %add3A_213 : i32
        %add3A_215 = arith.constant 3 : i32
        %add3A_216 = arith.addi %add3A_214, %add3A_215 : i32
        %add3A_217 = arith.addi %mul3A_2, %add3A_216 : i32
        %mul3A_218 = arith.constant 128 : i32
        %mul3A_219 = arith.muli %add3A_217, %mul3A_218 : i32
        %dma_start3A_220 = tpu.memref_slice %arg3[%mul3A_219] : memref<320000xi32, #tpu.memory_space<hbm>> -> memref<128xi32, #tpu.memory_space<hbm>>
        %dma_start3A_221 = tpu.memref_slice %arg3[%mul3A_219] : memref<320000xi32, #tpu.memory_space<hbm>> -> memref<128xi32, #tpu.memory_space<hbm>>
        tpu.enqueue_dma source(%dma_start3A_221 : memref<128xi32, #tpu.memory_space<hbm>>) target(%arg6 : memref<128xi32, #tpu.memory_space<vmem>>) target_semaphore(%arg16 : memref<!tpu.dma_semaphore, #tpu.memory_space<semaphore_mem>>)
        %add3A_222 = arith.addi %mul3A_2, %add3A_216 : i32
        %mul3A_223 = arith.constant 128 : i32
        %mul3A_224 = arith.muli %add3A_222, %mul3A_223 : i32
        %dma_start3A_225 = tpu.memref_slice %arg4[%mul3A_224] : memref<320000xi32, #tpu.memory_space<hbm>> -> memref<128xi32, #tpu.memory_space<hbm>>
        %dma_start3A_226 = tpu.memref_slice %arg4[%mul3A_224] : memref<320000xi32, #tpu.memory_space<hbm>> -> memref<128xi32, #tpu.memory_space<hbm>>
        tpu.enqueue_dma source(%dma_start3A_226 : memref<128xi32, #tpu.memory_space<hbm>>) target(%arg9 : memref<128xi32, #tpu.memory_space<vmem>>) target_semaphore(%arg19 : memref<!tpu.dma_semaphore, #tpu.memory_space<semaphore_mem>>)
      } else {
      }
      %add3A_157 = arith.constant 1 : i32
      %add3A_158 = arith.addi %mul3A_129, %add3A_157 : i32
      %add3A_159 = arith.constant 2 : i32
      %add3A_160 = arith.addi %add3A_158, %add3A_159 : i32
      %lt3A_161 = arith.constant 78 : i32
      %lt3A_162 = arith.cmpi slt, %add3A_160, %lt3A_161 : i32
      %convert_element_type3A_163 = arith.extui %lt3A_162 : i1 to i32
      %cond3A_164 = arith.constant 0 : i32
      %cond3A_165 = arith.cmpi ne, %convert_element_type3A_163, %cond3A_164 : i32
      scf.if %cond3A_165 {
        %add3A_213 = arith.constant 1 : i32
        %add3A_214 = arith.addi %mul3A_129, %add3A_213 : i32
        %add3A_215 = arith.constant 2 : i32
        %add3A_216 = arith.addi %add3A_214, %add3A_215 : i32
        %add3A_217 = arith.addi %mul3A_2, %add3A_216 : i32
        %mul3A_218 = arith.constant 128 : i32
        %mul3A_219 = arith.muli %add3A_217, %mul3A_218 : i32
        %dma_wait3A_220 = tpu.memref_slice %arg3[%mul3A_219] : memref<320000xi32, #tpu.memory_space<hbm>> -> memref<128xi32, #tpu.memory_space<hbm>>
        %dma_wait3A_221 = tpu.memref_slice %arg3[%mul3A_219] : memref<320000xi32, #tpu.memory_space<hbm>> -> memref<128xi32, #tpu.memory_space<hbm>>
        tpu.wait_dma2 semaphore(%arg16 : memref<!tpu.dma_semaphore, #tpu.memory_space<semaphore_mem>>) src(%dma_wait3A_221 : memref<128xi32, #tpu.memory_space<hbm>>) dst(%arg6 : memref<128xi32, #tpu.memory_space<vmem>>)
        %dma_start3A_222 = arith.constant 0 : i32
        %dma_start3A_223 = arith.constant 0 : i32
        %dma_start3A_224 = tpu.memref_slice %arg2[%dma_start3A_222, %dma_start3A_223] : memref<10000x128xf32, #tpu.memory_space<hbm>> -> memref<10000x128xf32, #tpu.memory_space<hbm>>
        tpu.enqueue_indirect_dma source(%dma_start3A_224 : memref<10000x128xf32, #tpu.memory_space<hbm>>) target(%arg12 : memref<128x128xf32, #tpu.memory_space<vmem>>) offsets(%arg6 : memref<128xi32, #tpu.memory_space<vmem>>) semaphore(%arg22 : memref<!tpu.dma_semaphore, #tpu.memory_space<semaphore_mem>>)
      } else {
      }
      %add3A_166 = arith.constant 1 : i32
      %add3A_167 = arith.addi %mul3A_129, %add3A_166 : i32
      %dma_wait3A_168 = arith.constant 0 : i32
      %dma_wait3A_169 = arith.constant 0 : i32
      %dma_wait3A_170 = tpu.memref_slice %arg2[%dma_wait3A_168, %dma_wait3A_169] : memref<10000x128xf32, #tpu.memory_space<hbm>> -> memref<10000x128xf32, #tpu.memory_space<hbm>>
      tpu.wait_indirect_dma semaphore(%arg23 : memref<!tpu.dma_semaphore, #tpu.memory_space<semaphore_mem>>) src(%dma_wait3A_170 : memref<10000x128xf32, #tpu.memory_space<hbm>>) dst(%arg13 : memref<128x128xf32, #tpu.memory_space<vmem>>)
      %add3A_171 = arith.addi %mul3A_2, %add3A_167 : i32
      %mul3A_172 = arith.constant 128 : i32
      %mul3A_173 = arith.muli %add3A_171, %mul3A_172 : i32
      %dma_wait3A_174 = tpu.memref_slice %arg4[%mul3A_173] : memref<320000xi32, #tpu.memory_space<hbm>> -> memref<128xi32, #tpu.memory_space<hbm>>
      %dma_wait3A_175 = tpu.memref_slice %arg4[%mul3A_173] : memref<320000xi32, #tpu.memory_space<hbm>> -> memref<128xi32, #tpu.memory_space<hbm>>
      tpu.wait_dma2 semaphore(%arg20 : memref<!tpu.dma_semaphore, #tpu.memory_space<semaphore_mem>>) src(%dma_wait3A_175 : memref<128xi32, #tpu.memory_space<hbm>>) dst(%arg10 : memref<128xi32, #tpu.memory_space<vmem>>)
      "tpu.region"() ({
        %run_scoped3A = tpu.sem_alloc : memref<!tpu.dma_semaphore, #tpu.memory_space<semaphore_mem>>
        %dma_start3A_213 = arith.constant 0 : i32
        %dma_start3A_214 = arith.constant 0 : i32
        %dma_start3A_215 = tpu.memref_slice %arg15[%dma_start3A_213, %dma_start3A_214] : memref<10000x128xf32, #tpu.memory_space<vmem_shared>> -> memref<10000x128xf32, #tpu.memory_space<vmem_shared>>
        tpu.enqueue_indirect_dma source(%arg13 : memref<128x128xf32, #tpu.memory_space<vmem>>) target(%dma_start3A_215 : memref<10000x128xf32, #tpu.memory_space<vmem_shared>>) offsets(%arg10 : memref<128xi32, #tpu.memory_space<vmem>>) semaphore(%run_scoped3A : memref<!tpu.dma_semaphore, #tpu.memory_space<semaphore_mem>>) {add = true}
        %dma_wait3A_216 = arith.constant 0 : i32
        %dma_wait3A_217 = arith.constant 0 : i32
        %dma_wait3A_218 = tpu.memref_slice %arg15[%dma_wait3A_216, %dma_wait3A_217] : memref<10000x128xf32, #tpu.memory_space<vmem_shared>> -> memref<10000x128xf32, #tpu.memory_space<vmem_shared>>
        tpu.wait_indirect_dma semaphore(%run_scoped3A : memref<!tpu.dma_semaphore, #tpu.memory_space<semaphore_mem>>) src(%arg13 : memref<128x128xf32, #tpu.memory_space<vmem>>) dst(%dma_wait3A_218 : memref<10000x128xf32, #tpu.memory_space<vmem_shared>>)
        tpu.yield
      }) : () -> ()
      %add3A_176 = arith.constant 1 : i32
      %add3A_177 = arith.addi %mul3A_129, %add3A_176 : i32
      %add3A_178 = arith.constant 3 : i32
      %add3A_179 = arith.addi %add3A_177, %add3A_178 : i32
      %lt3A_180 = arith.constant 78 : i32
      %lt3A_181 = arith.cmpi slt, %add3A_179, %lt3A_180 : i32
      %convert_element_type3A_182 = arith.extui %lt3A_181 : i1 to i32
      %cond3A_183 = arith.constant 0 : i32
      %cond3A_184 = arith.cmpi ne, %convert_element_type3A_182, %cond3A_183 : i32
      scf.if %cond3A_184 {
        %add3A_213 = arith.constant 1 : i32
        %add3A_214 = arith.addi %mul3A_129, %add3A_213 : i32
        %add3A_215 = arith.constant 3 : i32
        %add3A_216 = arith.addi %add3A_214, %add3A_215 : i32
        %add3A_217 = arith.addi %mul3A_2, %add3A_216 : i32
        %mul3A_218 = arith.constant 128 : i32
        %mul3A_219 = arith.muli %add3A_217, %mul3A_218 : i32
        %dma_start3A_220 = tpu.memref_slice %arg3[%mul3A_219] : memref<320000xi32, #tpu.memory_space<hbm>> -> memref<128xi32, #tpu.memory_space<hbm>>
        %dma_start3A_221 = tpu.memref_slice %arg3[%mul3A_219] : memref<320000xi32, #tpu.memory_space<hbm>> -> memref<128xi32, #tpu.memory_space<hbm>>
        tpu.enqueue_dma source(%dma_start3A_221 : memref<128xi32, #tpu.memory_space<hbm>>) target(%arg7 : memref<128xi32, #tpu.memory_space<vmem>>) target_semaphore(%arg17 : memref<!tpu.dma_semaphore, #tpu.memory_space<semaphore_mem>>)
        %add3A_222 = arith.addi %mul3A_2, %add3A_216 : i32
        %mul3A_223 = arith.constant 128 : i32
        %mul3A_224 = arith.muli %add3A_222, %mul3A_223 : i32
        %dma_start3A_225 = tpu.memref_slice %arg4[%mul3A_224] : memref<320000xi32, #tpu.memory_space<hbm>> -> memref<128xi32, #tpu.memory_space<hbm>>
        %dma_start3A_226 = tpu.memref_slice %arg4[%mul3A_224] : memref<320000xi32, #tpu.memory_space<hbm>> -> memref<128xi32, #tpu.memory_space<hbm>>
        tpu.enqueue_dma source(%dma_start3A_226 : memref<128xi32, #tpu.memory_space<hbm>>) target(%arg10 : memref<128xi32, #tpu.memory_space<vmem>>) target_semaphore(%arg20 : memref<!tpu.dma_semaphore, #tpu.memory_space<semaphore_mem>>)
      } else {
      }
      %add3A_185 = arith.constant 2 : i32
      %add3A_186 = arith.addi %mul3A_129, %add3A_185 : i32
      %add3A_187 = arith.constant 2 : i32
      %add3A_188 = arith.addi %add3A_186, %add3A_187 : i32
      %lt3A_189 = arith.constant 78 : i32
      %lt3A_190 = arith.cmpi slt, %add3A_188, %lt3A_189 : i32
      %convert_element_type3A_191 = arith.extui %lt3A_190 : i1 to i32
      %cond3A_192 = arith.constant 0 : i32
      %cond3A_193 = arith.cmpi ne, %convert_element_type3A_191, %cond3A_192 : i32
      scf.if %cond3A_193 {
        %add3A_213 = arith.constant 2 : i32
        %add3A_214 = arith.addi %mul3A_129, %add3A_213 : i32
        %add3A_215 = arith.constant 2 : i32
        %add3A_216 = arith.addi %add3A_214, %add3A_215 : i32
        %add3A_217 = arith.addi %mul3A_2, %add3A_216 : i32
        %mul3A_218 = arith.constant 128 : i32
        %mul3A_219 = arith.muli %add3A_217, %mul3A_218 : i32
        %dma_wait3A_220 = tpu.memref_slice %arg3[%mul3A_219] : memref<320000xi32, #tpu.memory_space<hbm>> -> memref<128xi32, #tpu.memory_space<hbm>>
        %dma_wait3A_221 = tpu.memref_slice %arg3[%mul3A_219] : memref<320000xi32, #tpu.memory_space<hbm>> -> memref<128xi32, #tpu.memory_space<hbm>>
        tpu.wait_dma2 semaphore(%arg17 : memref<!tpu.dma_semaphore, #tpu.memory_space<semaphore_mem>>) src(%dma_wait3A_221 : memref<128xi32, #tpu.memory_space<hbm>>) dst(%arg7 : memref<128xi32, #tpu.memory_space<vmem>>)
        %dma_start3A_222 = arith.constant 0 : i32
        %dma_start3A_223 = arith.constant 0 : i32
        %dma_start3A_224 = tpu.memref_slice %arg2[%dma_start3A_222, %dma_start3A_223] : memref<10000x128xf32, #tpu.memory_space<hbm>> -> memref<10000x128xf32, #tpu.memory_space<hbm>>
        tpu.enqueue_indirect_dma source(%dma_start3A_224 : memref<10000x128xf32, #tpu.memory_space<hbm>>) target(%arg13 : memref<128x128xf32, #tpu.memory_space<vmem>>) offsets(%arg7 : memref<128xi32, #tpu.memory_space<vmem>>) semaphore(%arg23 : memref<!tpu.dma_semaphore, #tpu.memory_space<semaphore_mem>>)
      } else {
      }
      %add3A_194 = arith.constant 2 : i32
      %add3A_195 = arith.addi %mul3A_129, %add3A_194 : i32
      %dma_wait3A_196 = arith.constant 0 : i32
      %dma_wait3A_197 = arith.constant 0 : i32
      %dma_wait3A_198 = tpu.memref_slice %arg2[%dma_wait3A_196, %dma_wait3A_197] : memref<10000x128xf32, #tpu.memory_space<hbm>> -> memref<10000x128xf32, #tpu.memory_space<hbm>>
      tpu.wait_indirect_dma semaphore(%arg24 : memref<!tpu.dma_semaphore, #tpu.memory_space<semaphore_mem>>) src(%dma_wait3A_198 : memref<10000x128xf32, #tpu.memory_space<hbm>>) dst(%arg14 : memref<128x128xf32, #tpu.memory_space<vmem>>)
      %add3A_199 = arith.addi %mul3A_2, %add3A_195 : i32
      %mul3A_200 = arith.constant 128 : i32
      %mul3A_201 = arith.muli %add3A_199, %mul3A_200 : i32
      %dma_wait3A_202 = tpu.memref_slice %arg4[%mul3A_201] : memref<320000xi32, #tpu.memory_space<hbm>> -> memref<128xi32, #tpu.memory_space<hbm>>
      %dma_wait3A_203 = tpu.memref_slice %arg4[%mul3A_201] : memref<320000xi32, #tpu.memory_space<hbm>> -> memref<128xi32, #tpu.memory_space<hbm>>
      tpu.wait_dma2 semaphore(%arg21 : memref<!tpu.dma_semaphore, #tpu.memory_space<semaphore_mem>>) src(%dma_wait3A_203 : memref<128xi32, #tpu.memory_space<hbm>>) dst(%arg11 : memref<128xi32, #tpu.memory_space<vmem>>)
      "tpu.region"() ({
        %run_scoped3A = tpu.sem_alloc : memref<!tpu.dma_semaphore, #tpu.memory_space<semaphore_mem>>
        %dma_start3A_213 = arith.constant 0 : i32
        %dma_start3A_214 = arith.constant 0 : i32
        %dma_start3A_215 = tpu.memref_slice %arg15[%dma_start3A_213, %dma_start3A_214] : memref<10000x128xf32, #tpu.memory_space<vmem_shared>> -> memref<10000x128xf32, #tpu.memory_space<vmem_shared>>
        tpu.enqueue_indirect_dma source(%arg14 : memref<128x128xf32, #tpu.memory_space<vmem>>) target(%dma_start3A_215 : memref<10000x128xf32, #tpu.memory_space<vmem_shared>>) offsets(%arg11 : memref<128xi32, #tpu.memory_space<vmem>>) semaphore(%run_scoped3A : memref<!tpu.dma_semaphore, #tpu.memory_space<semaphore_mem>>) {add = true}
        %dma_wait3A_216 = arith.constant 0 : i32
        %dma_wait3A_217 = arith.constant 0 : i32
        %dma_wait3A_218 = tpu.memref_slice %arg15[%dma_wait3A_216, %dma_wait3A_217] : memref<10000x128xf32, #tpu.memory_space<vmem_shared>> -> memref<10000x128xf32, #tpu.memory_space<vmem_shared>>
        tpu.wait_indirect_dma semaphore(%run_scoped3A : memref<!tpu.dma_semaphore, #tpu.memory_space<semaphore_mem>>) src(%arg14 : memref<128x128xf32, #tpu.memory_space<vmem>>) dst(%dma_wait3A_218 : memref<10000x128xf32, #tpu.memory_space<vmem_shared>>)
        tpu.yield
      }) : () -> ()
      %add3A_204 = arith.constant 2 : i32
      %add3A_205 = arith.addi %mul3A_129, %add3A_204 : i32
      %add3A_206 = arith.constant 3 : i32
      %add3A_207 = arith.addi %add3A_205, %add3A_206 : i32
      %lt3A_208 = arith.constant 78 : i32
      %lt3A_209 = arith.cmpi slt, %add3A_207, %lt3A_208 : i32
      %convert_element_type3A_210 = arith.extui %lt3A_209 : i1 to i32
      %cond3A_211 = arith.constant 0 : i32
      %cond3A_212 = arith.cmpi ne, %convert_element_type3A_210, %cond3A_211 : i32
      scf.if %cond3A_212 {
        %add3A_213 = arith.constant 2 : i32
        %add3A_214 = arith.addi %mul3A_129, %add3A_213 : i32
        %add3A_215 = arith.constant 3 : i32
        %add3A_216 = arith.addi %add3A_214, %add3A_215 : i32
        %add3A_217 = arith.addi %mul3A_2, %add3A_216 : i32
        %mul3A_218 = arith.constant 128 : i32
        %mul3A_219 = arith.muli %add3A_217, %mul3A_218 : i32
        %dma_start3A_220 = tpu.memref_slice %arg3[%mul3A_219] : memref<320000xi32, #tpu.memory_space<hbm>> -> memref<128xi32, #tpu.memory_space<hbm>>
        %dma_start3A_221 = tpu.memref_slice %arg3[%mul3A_219] : memref<320000xi32, #tpu.memory_space<hbm>> -> memref<128xi32, #tpu.memory_space<hbm>>
        tpu.enqueue_dma source(%dma_start3A_221 : memref<128xi32, #tpu.memory_space<hbm>>) target(%arg8 : memref<128xi32, #tpu.memory_space<vmem>>) target_semaphore(%arg18 : memref<!tpu.dma_semaphore, #tpu.memory_space<semaphore_mem>>)
        %add3A_222 = arith.addi %mul3A_2, %add3A_216 : i32
        %mul3A_223 = arith.constant 128 : i32
        %mul3A_224 = arith.muli %add3A_222, %mul3A_223 : i32
        %dma_start3A_225 = tpu.memref_slice %arg4[%mul3A_224] : memref<320000xi32, #tpu.memory_space<hbm>> -> memref<128xi32, #tpu.memory_space<hbm>>
        %dma_start3A_226 = tpu.memref_slice %arg4[%mul3A_224] : memref<320000xi32, #tpu.memory_space<hbm>> -> memref<128xi32, #tpu.memory_space<hbm>>
        tpu.enqueue_dma source(%dma_start3A_226 : memref<128xi32, #tpu.memory_space<hbm>>) target(%arg11 : memref<128xi32, #tpu.memory_space<vmem>>) target_semaphore(%arg21 : memref<!tpu.dma_semaphore, #tpu.memory_space<semaphore_mem>>)
      } else {
      }
    }
    %scan3A_91 = arith.constant 26 : i32
    %eq3A_92 = arith.constant 31 : i32
    %eq3A_93 = arith.cmpi eq, %add3A, %eq3A_92 : i32
    %convert_element_type3A_94 = arith.extui %eq3A_93 : i1 to i32
    %cond3A_95 = arith.constant 0 : i32
    %cond3A_96 = arith.cmpi ne, %convert_element_type3A_94, %cond3A_95 : i32
    scf.if %cond3A_96 {
      %scan3A_127 = arith.constant 0 : i32
      %scan3A_128 = arith.constant 0 : i32
      %scan3A_129 = arith.constant 4 : i32
      %scan3A_130 = arith.addi %scan3A_128, %scan3A_129 : i32
      %scan3A_131 = arith.constant 1 : i32
      scf.for %scan3A_133 = %scan3A_128 to %scan3A_130 step %scan3A_131  : i32 {
        %add3A_134 = arith.constant 2496 : i32
        %add3A_135 = arith.addi %add3A_134, %scan3A_133 : i32
        %mul3A_136 = arith.constant 128 : i32
        %mul3A_137 = arith.muli %add3A_135, %mul3A_136 : i32
        "tpu.region"() ({
          %run_scoped3A = tpu.sem_alloc : memref<!tpu.dma_semaphore, #tpu.memory_space<semaphore_mem>>
          %dma_start3A_144 = tpu.memref_slice %arg3[%mul3A_137] : memref<320000xi32, #tpu.memory_space<hbm>> -> memref<128xi32, #tpu.memory_space<hbm>>
          %dma_start3A_145 = tpu.memref_slice %arg3[%mul3A_137] : memref<320000xi32, #tpu.memory_space<hbm>> -> memref<128xi32, #tpu.memory_space<hbm>>
          tpu.enqueue_dma source(%dma_start3A_145 : memref<128xi32, #tpu.memory_space<hbm>>) target(%arg6 : memref<128xi32, #tpu.memory_space<vmem>>) target_semaphore(%run_scoped3A : memref<!tpu.dma_semaphore, #tpu.memory_space<semaphore_mem>>)
          %dma_wait3A_146 = tpu.memref_slice %arg3[%mul3A_137] : memref<320000xi32, #tpu.memory_space<hbm>> -> memref<128xi32, #tpu.memory_space<hbm>>
          %dma_wait3A_147 = tpu.memref_slice %arg3[%mul3A_137] : memref<320000xi32, #tpu.memory_space<hbm>> -> memref<128xi32, #tpu.memory_space<hbm>>
          tpu.wait_dma2 semaphore(%run_scoped3A : memref<!tpu.dma_semaphore, #tpu.memory_space<semaphore_mem>>) src(%dma_wait3A_147 : memref<128xi32, #tpu.memory_space<hbm>>) dst(%arg6 : memref<128xi32, #tpu.memory_space<vmem>>)
          tpu.yield
        }) : () -> ()
        "tpu.region"() ({
          %run_scoped3A = tpu.sem_alloc : memref<!tpu.dma_semaphore, #tpu.memory_space<semaphore_mem>>
          %dma_start3A_144 = tpu.memref_slice %arg4[%mul3A_137] : memref<320000xi32, #tpu.memory_space<hbm>> -> memref<128xi32, #tpu.memory_space<hbm>>
          %dma_start3A_145 = tpu.memref_slice %arg4[%mul3A_137] : memref<320000xi32, #tpu.memory_space<hbm>> -> memref<128xi32, #tpu.memory_space<hbm>>
          tpu.enqueue_dma source(%dma_start3A_145 : memref<128xi32, #tpu.memory_space<hbm>>) target(%arg9 : memref<128xi32, #tpu.memory_space<vmem>>) target_semaphore(%run_scoped3A : memref<!tpu.dma_semaphore, #tpu.memory_space<semaphore_mem>>)
          %dma_wait3A_146 = tpu.memref_slice %arg4[%mul3A_137] : memref<320000xi32, #tpu.memory_space<hbm>> -> memref<128xi32, #tpu.memory_space<hbm>>
          %dma_wait3A_147 = tpu.memref_slice %arg4[%mul3A_137] : memref<320000xi32, #tpu.memory_space<hbm>> -> memref<128xi32, #tpu.memory_space<hbm>>
          tpu.wait_dma2 semaphore(%run_scoped3A : memref<!tpu.dma_semaphore, #tpu.memory_space<semaphore_mem>>) src(%dma_wait3A_147 : memref<128xi32, #tpu.memory_space<hbm>>) dst(%arg9 : memref<128xi32, #tpu.memory_space<vmem>>)
          tpu.yield
        }) : () -> ()
        %dma_start3A_138 = arith.constant 0 : i32
        %dma_start3A_139 = arith.constant 0 : i32
        %dma_start3A_140 = tpu.memref_slice %arg2[%dma_start3A_138, %dma_start3A_139] : memref<10000x128xf32, #tpu.memory_space<hbm>> -> memref<10000x128xf32, #tpu.memory_space<hbm>>
        tpu.enqueue_indirect_dma source(%dma_start3A_140 : memref<10000x128xf32, #tpu.memory_space<hbm>>) target(%arg12 : memref<128x128xf32, #tpu.memory_space<vmem>>) offsets(%arg6 : memref<128xi32, #tpu.memory_space<vmem>>) semaphore(%arg22 : memref<!tpu.dma_semaphore, #tpu.memory_space<semaphore_mem>>)
        %dma_wait3A_141 = arith.constant 0 : i32
        %dma_wait3A_142 = arith.constant 0 : i32
        %dma_wait3A_143 = tpu.memref_slice %arg2[%dma_wait3A_141, %dma_wait3A_142] : memref<10000x128xf32, #tpu.memory_space<hbm>> -> memref<10000x128xf32, #tpu.memory_space<hbm>>
        tpu.wait_indirect_dma semaphore(%arg22 : memref<!tpu.dma_semaphore, #tpu.memory_space<semaphore_mem>>) src(%dma_wait3A_143 : memref<10000x128xf32, #tpu.memory_space<hbm>>) dst(%arg12 : memref<128x128xf32, #tpu.memory_space<vmem>>)
        "tpu.region"() ({
          %run_scoped3A = tpu.sem_alloc : memref<!tpu.dma_semaphore, #tpu.memory_space<semaphore_mem>>
          %dma_start3A_144 = arith.constant 0 : i32
          %dma_start3A_145 = arith.constant 0 : i32
          %dma_start3A_146 = tpu.memref_slice %arg15[%dma_start3A_144, %dma_start3A_145] : memref<10000x128xf32, #tpu.memory_space<vmem_shared>> -> memref<10000x128xf32, #tpu.memory_space<vmem_shared>>
          tpu.enqueue_indirect_dma source(%arg12 : memref<128x128xf32, #tpu.memory_space<vmem>>) target(%dma_start3A_146 : memref<10000x128xf32, #tpu.memory_space<vmem_shared>>) offsets(%arg9 : memref<128xi32, #tpu.memory_space<vmem>>) semaphore(%run_scoped3A : memref<!tpu.dma_semaphore, #tpu.memory_space<semaphore_mem>>) {add = true}
          %dma_wait3A_147 = arith.constant 0 : i32
          %dma_wait3A_148 = arith.constant 0 : i32
          %dma_wait3A_149 = tpu.memref_slice %arg15[%dma_wait3A_147, %dma_wait3A_148] : memref<10000x128xf32, #tpu.memory_space<vmem_shared>> -> memref<10000x128xf32, #tpu.memory_space<vmem_shared>>
          tpu.wait_indirect_dma semaphore(%run_scoped3A : memref<!tpu.dma_semaphore, #tpu.memory_space<semaphore_mem>>) src(%arg12 : memref<128x128xf32, #tpu.memory_space<vmem>>) dst(%dma_wait3A_149 : memref<10000x128xf32, #tpu.memory_space<vmem_shared>>)
          tpu.yield
        }) : () -> ()
      }
      %scan3A_132 = arith.constant 4 : i32
    } else {
    }
    %barrier3A_97 = arith.constant 0 : index
    tpu.barrier barrier_id(%barrier3A_97)
    %mul3A_98 = arith.constant 624 : i32
    %mul3A_99 = arith.muli %arg1, %mul3A_98 : i32
    %add3A_100 = arith.constant 0 : i32
    %add3A_101 = arith.addi %mul3A_99, %add3A_100 : i32
    "tpu.region"() ({
      %run_scoped3A = tpu.sem_alloc : memref<!tpu.dma_semaphore, #tpu.memory_space<semaphore_mem>>
      %dma_start3A_127 = arith.constant 0 : i32
      %dma_start3A_128 = arith.constant 0 : i32
      %dma_start3A_129 = tpu.memref_slice %arg12[%dma_start3A_127, %dma_start3A_128] : memref<128x128xf32, #tpu.memory_space<vmem>> -> memref<104x128xf32, #tpu.memory_space<vmem>>
      %dma_start3A_130 = arith.constant 0 : i32
      %dma_start3A_131 = tpu.memref_slice %arg15[%add3A_101, %dma_start3A_130] : memref<10000x128xf32, #tpu.memory_space<vmem_shared>> -> memref<104x128xf32, #tpu.memory_space<vmem_shared>>
      %dma_start3A_132 = arith.constant 0 : i32
      %dma_start3A_133 = arith.constant 0 : i32
      %dma_start3A_134 = tpu.memref_slice %arg12[%dma_start3A_132, %dma_start3A_133] : memref<128x128xf32, #tpu.memory_space<vmem>> -> memref<104x128xf32, #tpu.memory_space<vmem>>
      %dma_start3A_135 = arith.constant 0 : i32
      %dma_start3A_136 = tpu.memref_slice %arg15[%add3A_101, %dma_start3A_135] : memref<10000x128xf32, #tpu.memory_space<vmem_shared>> -> memref<104x128xf32, #tpu.memory_space<vmem_shared>>
      tpu.enqueue_dma source(%dma_start3A_136 : memref<104x128xf32, #tpu.memory_space<vmem_shared>>) target(%dma_start3A_134 : memref<104x128xf32, #tpu.memory_space<vmem>>) target_semaphore(%run_scoped3A : memref<!tpu.dma_semaphore, #tpu.memory_space<semaphore_mem>>)
      %dma_wait3A_137 = arith.constant 0 : i32
      %dma_wait3A_138 = arith.constant 0 : i32
      %dma_wait3A_139 = tpu.memref_slice %arg12[%dma_wait3A_137, %dma_wait3A_138] : memref<128x128xf32, #tpu.memory_space<vmem>> -> memref<104x128xf32, #tpu.memory_space<vmem>>
      %dma_wait3A_140 = arith.constant 0 : i32
      %dma_wait3A_141 = tpu.memref_slice %arg15[%add3A_101, %dma_wait3A_140] : memref<10000x128xf32, #tpu.memory_space<vmem_shared>> -> memref<104x128xf32, #tpu.memory_space<vmem_shared>>
      %dma_wait3A_142 = arith.constant 0 : i32
      %dma_wait3A_143 = arith.constant 0 : i32
      %dma_wait3A_144 = tpu.memref_slice %arg12[%dma_wait3A_142, %dma_wait3A_143] : memref<128x128xf32, #tpu.memory_space<vmem>> -> memref<104x128xf32, #tpu.memory_space<vmem>>
      %dma_wait3A_145 = arith.constant 0 : i32
      %dma_wait3A_146 = tpu.memref_slice %arg15[%add3A_101, %dma_wait3A_145] : memref<10000x128xf32, #tpu.memory_space<vmem_shared>> -> memref<104x128xf32, #tpu.memory_space<vmem_shared>>
      tpu.wait_dma2 semaphore(%run_scoped3A : memref<!tpu.dma_semaphore, #tpu.memory_space<semaphore_mem>>) src(%dma_wait3A_146 : memref<104x128xf32, #tpu.memory_space<vmem_shared>>) dst(%dma_wait3A_144 : memref<104x128xf32, #tpu.memory_space<vmem>>)
      tpu.yield
    }) : () -> ()
    "tpu.region"() ({
      %run_scoped3A = tpu.sem_alloc : memref<!tpu.dma_semaphore, #tpu.memory_space<semaphore_mem>>
      %dma_start3A_127 = arith.constant 0 : i32
      %dma_start3A_128 = arith.constant 0 : i32
      %dma_start3A_129 = tpu.memref_slice %arg12[%dma_start3A_127, %dma_start3A_128] : memref<128x128xf32, #tpu.memory_space<vmem>> -> memref<104x128xf32, #tpu.memory_space<vmem>>
      %dma_start3A_130 = arith.constant 0 : i32
      %dma_start3A_131 = tpu.memref_slice %arg5[%arg0, %add3A_101, %dma_start3A_130] : memref<2x10000x128xf32, #tpu.memory_space<hbm>> -> memref<1x104x128xf32, #tpu.memory_space<hbm>>
      %dma_start3A_132 = tpu.memref_squeeze %dma_start3A_131 : memref<1x104x128xf32, #tpu.memory_space<hbm>> -> memref<104x128xf32, #tpu.memory_space<hbm>>
      %dma_start3A_133 = arith.constant 0 : i32
      %dma_start3A_134 = tpu.memref_slice %arg5[%arg0, %add3A_101, %dma_start3A_133] : memref<2x10000x128xf32, #tpu.memory_space<hbm>> -> memref<1x104x128xf32, #tpu.memory_space<hbm>>
      %dma_start3A_135 = tpu.memref_squeeze %dma_start3A_134 : memref<1x104x128xf32, #tpu.memory_space<hbm>> -> memref<104x128xf32, #tpu.memory_space<hbm>>
      %dma_start3A_136 = arith.constant 0 : i32
      %dma_start3A_137 = arith.constant 0 : i32
      %dma_start3A_138 = tpu.memref_slice %arg12[%dma_start3A_136, %dma_start3A_137] : memref<128x128xf32, #tpu.memory_space<vmem>> -> memref<104x128xf32, #tpu.memory_space<vmem>>
      tpu.enqueue_dma source(%dma_start3A_138 : memref<104x128xf32, #tpu.memory_space<vmem>>) target(%dma_start3A_135 : memref<104x128xf32, #tpu.memory_space<hbm>>) target_semaphore(%run_scoped3A : memref<!tpu.dma_semaphore, #tpu.memory_space<semaphore_mem>>)
      %dma_wait3A_139 = arith.constant 0 : i32
      %dma_wait3A_140 = arith.constant 0 : i32
      %dma_wait3A_141 = tpu.memref_slice %arg12[%dma_wait3A_139, %dma_wait3A_140] : memref<128x128xf32, #tpu.memory_space<vmem>> -> memref<104x128xf32, #tpu.memory_space<vmem>>
      %dma_wait3A_142 = arith.constant 0 : i32
      %dma_wait3A_143 = tpu.memref_slice %arg5[%arg0, %add3A_101, %dma_wait3A_142] : memref<2x10000x128xf32, #tpu.memory_space<hbm>> -> memref<1x104x128xf32, #tpu.memory_space<hbm>>
      %dma_wait3A_144 = tpu.memref_squeeze %dma_wait3A_143 : memref<1x104x128xf32, #tpu.memory_space<hbm>> -> memref<104x128xf32, #tpu.memory_space<hbm>>
      %dma_wait3A_145 = arith.constant 0 : i32
      %dma_wait3A_146 = tpu.memref_slice %arg5[%arg0, %add3A_101, %dma_wait3A_145] : memref<2x10000x128xf32, #tpu.memory_space<hbm>> -> memref<1x104x128xf32, #tpu.memory_space<hbm>>
      %dma_wait3A_147 = tpu.memref_squeeze %dma_wait3A_146 : memref<1x104x128xf32, #tpu.memory_space<hbm>> -> memref<104x128xf32, #tpu.memory_space<hbm>>
      %dma_wait3A_148 = arith.constant 0 : i32
      %dma_wait3A_149 = arith.constant 0 : i32
      %dma_wait3A_150 = tpu.memref_slice %arg12[%dma_wait3A_148, %dma_wait3A_149] : memref<128x128xf32, #tpu.memory_space<vmem>> -> memref<104x128xf32, #tpu.memory_space<vmem>>
      tpu.wait_dma2 semaphore(%run_scoped3A : memref<!tpu.dma_semaphore, #tpu.memory_space<semaphore_mem>>) src(%dma_wait3A_150 : memref<104x128xf32, #tpu.memory_space<vmem>>) dst(%dma_wait3A_147 : memref<104x128xf32, #tpu.memory_space<hbm>>)
      tpu.yield
    }) : () -> ()
    %mul3A_102 = arith.constant 624 : i32
    %mul3A_103 = arith.muli %arg1, %mul3A_102 : i32
    %add3A_104 = arith.constant 104 : i32
    %add3A_105 = arith.addi %mul3A_103, %add3A_104 : i32
    "tpu.region"() ({
      %run_scoped3A = tpu.sem_alloc : memref<!tpu.dma_semaphore, #tpu.memory_space<semaphore_mem>>
      %dma_start3A_127 = arith.constant 0 : i32
      %dma_start3A_128 = arith.constant 0 : i32
      %dma_start3A_129 = tpu.memref_slice %arg12[%dma_start3A_127, %dma_start3A_128] : memref<128x128xf32, #tpu.memory_space<vmem>> -> memref<104x128xf32, #tpu.memory_space<vmem>>
      %dma_start3A_130 = arith.constant 0 : i32
      %dma_start3A_131 = tpu.memref_slice %arg15[%add3A_105, %dma_start3A_130] : memref<10000x128xf32, #tpu.memory_space<vmem_shared>> -> memref<104x128xf32, #tpu.memory_space<vmem_shared>>
      %dma_start3A_132 = arith.constant 0 : i32
      %dma_start3A_133 = arith.constant 0 : i32
      %dma_start3A_134 = tpu.memref_slice %arg12[%dma_start3A_132, %dma_start3A_133] : memref<128x128xf32, #tpu.memory_space<vmem>> -> memref<104x128xf32, #tpu.memory_space<vmem>>
      %dma_start3A_135 = arith.constant 0 : i32
      %dma_start3A_136 = tpu.memref_slice %arg15[%add3A_105, %dma_start3A_135] : memref<10000x128xf32, #tpu.memory_space<vmem_shared>> -> memref<104x128xf32, #tpu.memory_space<vmem_shared>>
      tpu.enqueue_dma source(%dma_start3A_136 : memref<104x128xf32, #tpu.memory_space<vmem_shared>>) target(%dma_start3A_134 : memref<104x128xf32, #tpu.memory_space<vmem>>) target_semaphore(%run_scoped3A : memref<!tpu.dma_semaphore, #tpu.memory_space<semaphore_mem>>)
      %dma_wait3A_137 = arith.constant 0 : i32
      %dma_wait3A_138 = arith.constant 0 : i32
      %dma_wait3A_139 = tpu.memref_slice %arg12[%dma_wait3A_137, %dma_wait3A_138] : memref<128x128xf32, #tpu.memory_space<vmem>> -> memref<104x128xf32, #tpu.memory_space<vmem>>
      %dma_wait3A_140 = arith.constant 0 : i32
      %dma_wait3A_141 = tpu.memref_slice %arg15[%add3A_105, %dma_wait3A_140] : memref<10000x128xf32, #tpu.memory_space<vmem_shared>> -> memref<104x128xf32, #tpu.memory_space<vmem_shared>>
      %dma_wait3A_142 = arith.constant 0 : i32
      %dma_wait3A_143 = arith.constant 0 : i32
      %dma_wait3A_144 = tpu.memref_slice %arg12[%dma_wait3A_142, %dma_wait3A_143] : memref<128x128xf32, #tpu.memory_space<vmem>> -> memref<104x128xf32, #tpu.memory_space<vmem>>
      %dma_wait3A_145 = arith.constant 0 : i32
      %dma_wait3A_146 = tpu.memref_slice %arg15[%add3A_105, %dma_wait3A_145] : memref<10000x128xf32, #tpu.memory_space<vmem_shared>> -> memref<104x128xf32, #tpu.memory_space<vmem_shared>>
      tpu.wait_dma2 semaphore(%run_scoped3A : memref<!tpu.dma_semaphore, #tpu.memory_space<semaphore_mem>>) src(%dma_wait3A_146 : memref<104x128xf32, #tpu.memory_space<vmem_shared>>) dst(%dma_wait3A_144 : memref<104x128xf32, #tpu.memory_space<vmem>>)
      tpu.yield
    }) : () -> ()
    "tpu.region"() ({
      %run_scoped3A = tpu.sem_alloc : memref<!tpu.dma_semaphore, #tpu.memory_space<semaphore_mem>>
      %dma_start3A_127 = arith.constant 0 : i32
      %dma_start3A_128 = arith.constant 0 : i32
      %dma_start3A_129 = tpu.memref_slice %arg12[%dma_start3A_127, %dma_start3A_128] : memref<128x128xf32, #tpu.memory_space<vmem>> -> memref<104x128xf32, #tpu.memory_space<vmem>>
      %dma_start3A_130 = arith.constant 0 : i32
      %dma_start3A_131 = tpu.memref_slice %arg5[%arg0, %add3A_105, %dma_start3A_130] : memref<2x10000x128xf32, #tpu.memory_space<hbm>> -> memref<1x104x128xf32, #tpu.memory_space<hbm>>
      %dma_start3A_132 = tpu.memref_squeeze %dma_start3A_131 : memref<1x104x128xf32, #tpu.memory_space<hbm>> -> memref<104x128xf32, #tpu.memory_space<hbm>>
      %dma_start3A_133 = arith.constant 0 : i32
      %dma_start3A_134 = tpu.memref_slice %arg5[%arg0, %add3A_105, %dma_start3A_133] : memref<2x10000x128xf32, #tpu.memory_space<hbm>> -> memref<1x104x128xf32, #tpu.memory_space<hbm>>
      %dma_start3A_135 = tpu.memref_squeeze %dma_start3A_134 : memref<1x104x128xf32, #tpu.memory_space<hbm>> -> memref<104x128xf32, #tpu.memory_space<hbm>>
      %dma_start3A_136 = arith.constant 0 : i32
      %dma_start3A_137 = arith.constant 0 : i32
      %dma_start3A_138 = tpu.memref_slice %arg12[%dma_start3A_136, %dma_start3A_137] : memref<128x128xf32, #tpu.memory_space<vmem>> -> memref<104x128xf32, #tpu.memory_space<vmem>>
      tpu.enqueue_dma source(%dma_start3A_138 : memref<104x128xf32, #tpu.memory_space<vmem>>) target(%dma_start3A_135 : memref<104x128xf32, #tpu.memory_space<hbm>>) target_semaphore(%run_scoped3A : memref<!tpu.dma_semaphore, #tpu.memory_space<semaphore_mem>>)
      %dma_wait3A_139 = arith.constant 0 : i32
      %dma_wait3A_140 = arith.constant 0 : i32
      %dma_wait3A_141 = tpu.memref_slice %arg12[%dma_wait3A_139, %dma_wait3A_140] : memref<128x128xf32, #tpu.memory_space<vmem>> -> memref<104x128xf32, #tpu.memory_space<vmem>>
      %dma_wait3A_142 = arith.constant 0 : i32
      %dma_wait3A_143 = tpu.memref_slice %arg5[%arg0, %add3A_105, %dma_wait3A_142] : memref<2x10000x128xf32, #tpu.memory_space<hbm>> -> memref<1x104x128xf32, #tpu.memory_space<hbm>>
      %dma_wait3A_144 = tpu.memref_squeeze %dma_wait3A_143 : memref<1x104x128xf32, #tpu.memory_space<hbm>> -> memref<104x128xf32, #tpu.memory_space<hbm>>
      %dma_wait3A_145 = arith.constant 0 : i32
      %dma_wait3A_146 = tpu.memref_slice %arg5[%arg0, %add3A_105, %dma_wait3A_145] : memref<2x10000x128xf32, #tpu.memory_space<hbm>> -> memref<1x104x128xf32, #tpu.memory_space<hbm>>
      %dma_wait3A_147 = tpu.memref_squeeze %dma_wait3A_146 : memref<1x104x128xf32, #tpu.memory_space<hbm>> -> memref<104x128xf32, #tpu.memory_space<hbm>>
      %dma_wait3A_148 = arith.constant 0 : i32
      %dma_wait3A_149 = arith.constant 0 : i32
      %dma_wait3A_150 = tpu.memref_slice %arg12[%dma_wait3A_148, %dma_wait3A_149] : memref<128x128xf32, #tpu.memory_space<vmem>> -> memref<104x128xf32, #tpu.memory_space<vmem>>
      tpu.wait_dma2 semaphore(%run_scoped3A : memref<!tpu.dma_semaphore, #tpu.memory_space<semaphore_mem>>) src(%dma_wait3A_150 : memref<104x128xf32, #tpu.memory_space<vmem>>) dst(%dma_wait3A_147 : memref<104x128xf32, #tpu.memory_space<hbm>>)
      tpu.yield
    }) : () -> ()
    %mul3A_106 = arith.constant 624 : i32
    %mul3A_107 = arith.muli %arg1, %mul3A_106 : i32
    %add3A_108 = arith.constant 208 : i32
    %add3A_109 = arith.addi %mul3A_107, %add3A_108 : i32
    "tpu.region"() ({
      %run_scoped3A = tpu.sem_alloc : memref<!tpu.dma_semaphore, #tpu.memory_space<semaphore_mem>>
      %dma_start3A_127 = arith.constant 0 : i32
      %dma_start3A_128 = arith.constant 0 : i32
      %dma_start3A_129 = tpu.memref_slice %arg12[%dma_start3A_127, %dma_start3A_128] : memref<128x128xf32, #tpu.memory_space<vmem>> -> memref<104x128xf32, #tpu.memory_space<vmem>>
      %dma_start3A_130 = arith.constant 0 : i32
      %dma_start3A_131 = tpu.memref_slice %arg15[%add3A_109, %dma_start3A_130] : memref<10000x128xf32, #tpu.memory_space<vmem_shared>> -> memref<104x128xf32, #tpu.memory_space<vmem_shared>>
      %dma_start3A_132 = arith.constant 0 : i32
      %dma_start3A_133 = arith.constant 0 : i32
      %dma_start3A_134 = tpu.memref_slice %arg12[%dma_start3A_132, %dma_start3A_133] : memref<128x128xf32, #tpu.memory_space<vmem>> -> memref<104x128xf32, #tpu.memory_space<vmem>>
      %dma_start3A_135 = arith.constant 0 : i32
      %dma_start3A_136 = tpu.memref_slice %arg15[%add3A_109, %dma_start3A_135] : memref<10000x128xf32, #tpu.memory_space<vmem_shared>> -> memref<104x128xf32, #tpu.memory_space<vmem_shared>>
      tpu.enqueue_dma source(%dma_start3A_136 : memref<104x128xf32, #tpu.memory_space<vmem_shared>>) target(%dma_start3A_134 : memref<104x128xf32, #tpu.memory_space<vmem>>) target_semaphore(%run_scoped3A : memref<!tpu.dma_semaphore, #tpu.memory_space<semaphore_mem>>)
      %dma_wait3A_137 = arith.constant 0 : i32
      %dma_wait3A_138 = arith.constant 0 : i32
      %dma_wait3A_139 = tpu.memref_slice %arg12[%dma_wait3A_137, %dma_wait3A_138] : memref<128x128xf32, #tpu.memory_space<vmem>> -> memref<104x128xf32, #tpu.memory_space<vmem>>
      %dma_wait3A_140 = arith.constant 0 : i32
      %dma_wait3A_141 = tpu.memref_slice %arg15[%add3A_109, %dma_wait3A_140] : memref<10000x128xf32, #tpu.memory_space<vmem_shared>> -> memref<104x128xf32, #tpu.memory_space<vmem_shared>>
      %dma_wait3A_142 = arith.constant 0 : i32
      %dma_wait3A_143 = arith.constant 0 : i32
      %dma_wait3A_144 = tpu.memref_slice %arg12[%dma_wait3A_142, %dma_wait3A_143] : memref<128x128xf32, #tpu.memory_space<vmem>> -> memref<104x128xf32, #tpu.memory_space<vmem>>
      %dma_wait3A_145 = arith.constant 0 : i32
      %dma_wait3A_146 = tpu.memref_slice %arg15[%add3A_109, %dma_wait3A_145] : memref<10000x128xf32, #tpu.memory_space<vmem_shared>> -> memref<104x128xf32, #tpu.memory_space<vmem_shared>>
      tpu.wait_dma2 semaphore(%run_scoped3A : memref<!tpu.dma_semaphore, #tpu.memory_space<semaphore_mem>>) src(%dma_wait3A_146 : memref<104x128xf32, #tpu.memory_space<vmem_shared>>) dst(%dma_wait3A_144 : memref<104x128xf32, #tpu.memory_space<vmem>>)
      tpu.yield
    }) : () -> ()
    "tpu.region"() ({
      %run_scoped3A = tpu.sem_alloc : memref<!tpu.dma_semaphore, #tpu.memory_space<semaphore_mem>>
      %dma_start3A_127 = arith.constant 0 : i32
      %dma_start3A_128 = arith.constant 0 : i32
      %dma_start3A_129 = tpu.memref_slice %arg12[%dma_start3A_127, %dma_start3A_128] : memref<128x128xf32, #tpu.memory_space<vmem>> -> memref<104x128xf32, #tpu.memory_space<vmem>>
      %dma_start3A_130 = arith.constant 0 : i32
      %dma_start3A_131 = tpu.memref_slice %arg5[%arg0, %add3A_109, %dma_start3A_130] : memref<2x10000x128xf32, #tpu.memory_space<hbm>> -> memref<1x104x128xf32, #tpu.memory_space<hbm>>
      %dma_start3A_132 = tpu.memref_squeeze %dma_start3A_131 : memref<1x104x128xf32, #tpu.memory_space<hbm>> -> memref<104x128xf32, #tpu.memory_space<hbm>>
      %dma_start3A_133 = arith.constant 0 : i32
      %dma_start3A_134 = tpu.memref_slice %arg5[%arg0, %add3A_109, %dma_start3A_133] : memref<2x10000x128xf32, #tpu.memory_space<hbm>> -> memref<1x104x128xf32, #tpu.memory_space<hbm>>
      %dma_start3A_135 = tpu.memref_squeeze %dma_start3A_134 : memref<1x104x128xf32, #tpu.memory_space<hbm>> -> memref<104x128xf32, #tpu.memory_space<hbm>>
      %dma_start3A_136 = arith.constant 0 : i32
      %dma_start3A_137 = arith.constant 0 : i32
      %dma_start3A_138 = tpu.memref_slice %arg12[%dma_start3A_136, %dma_start3A_137] : memref<128x128xf32, #tpu.memory_space<vmem>> -> memref<104x128xf32, #tpu.memory_space<vmem>>
      tpu.enqueue_dma source(%dma_start3A_138 : memref<104x128xf32, #tpu.memory_space<vmem>>) target(%dma_start3A_135 : memref<104x128xf32, #tpu.memory_space<hbm>>) target_semaphore(%run_scoped3A : memref<!tpu.dma_semaphore, #tpu.memory_space<semaphore_mem>>)
      %dma_wait3A_139 = arith.constant 0 : i32
      %dma_wait3A_140 = arith.constant 0 : i32
      %dma_wait3A_141 = tpu.memref_slice %arg12[%dma_wait3A_139, %dma_wait3A_140] : memref<128x128xf32, #tpu.memory_space<vmem>> -> memref<104x128xf32, #tpu.memory_space<vmem>>
      %dma_wait3A_142 = arith.constant 0 : i32
      %dma_wait3A_143 = tpu.memref_slice %arg5[%arg0, %add3A_109, %dma_wait3A_142] : memref<2x10000x128xf32, #tpu.memory_space<hbm>> -> memref<1x104x128xf32, #tpu.memory_space<hbm>>
      %dma_wait3A_144 = tpu.memref_squeeze %dma_wait3A_143 : memref<1x104x128xf32, #tpu.memory_space<hbm>> -> memref<104x128xf32, #tpu.memory_space<hbm>>
      %dma_wait3A_145 = arith.constant 0 : i32
      %dma_wait3A_146 = tpu.memref_slice %arg5[%arg0, %add3A_109, %dma_wait3A_145] : memref<2x10000x128xf32, #tpu.memory_space<hbm>> -> memref<1x104x128xf32, #tpu.memory_space<hbm>>
      %dma_wait3A_147 = tpu.memref_squeeze %dma_wait3A_146 : memref<1x104x128xf32, #tpu.memory_space<hbm>> -> memref<104x128xf32, #tpu.memory_space<hbm>>
      %dma_wait3A_148 = arith.constant 0 : i32
      %dma_wait3A_149 = arith.constant 0 : i32
      %dma_wait3A_150 = tpu.memref_slice %arg12[%dma_wait3A_148, %dma_wait3A_149] : memref<128x128xf32, #tpu.memory_space<vmem>> -> memref<104x128xf32, #tpu.memory_space<vmem>>
      tpu.wait_dma2 semaphore(%run_scoped3A : memref<!tpu.dma_semaphore, #tpu.memory_space<semaphore_mem>>) src(%dma_wait3A_150 : memref<104x128xf32, #tpu.memory_space<vmem>>) dst(%dma_wait3A_147 : memref<104x128xf32, #tpu.memory_space<hbm>>)
      tpu.yield
    }) : () -> ()
    %mul3A_110 = arith.constant 624 : i32
    %mul3A_111 = arith.muli %arg1, %mul3A_110 : i32
    %add3A_112 = arith.constant 312 : i32
    %add3A_113 = arith.addi %mul3A_111, %add3A_112 : i32
    "tpu.region"() ({
      %run_scoped3A = tpu.sem_alloc : memref<!tpu.dma_semaphore, #tpu.memory_space<semaphore_mem>>
      %dma_start3A_127 = arith.constant 0 : i32
      %dma_start3A_128 = arith.constant 0 : i32
      %dma_start3A_129 = tpu.memref_slice %arg12[%dma_start3A_127, %dma_start3A_128] : memref<128x128xf32, #tpu.memory_space<vmem>> -> memref<104x128xf32, #tpu.memory_space<vmem>>
      %dma_start3A_130 = arith.constant 0 : i32
      %dma_start3A_131 = tpu.memref_slice %arg15[%add3A_113, %dma_start3A_130] : memref<10000x128xf32, #tpu.memory_space<vmem_shared>> -> memref<104x128xf32, #tpu.memory_space<vmem_shared>>
      %dma_start3A_132 = arith.constant 0 : i32
      %dma_start3A_133 = arith.constant 0 : i32
      %dma_start3A_134 = tpu.memref_slice %arg12[%dma_start3A_132, %dma_start3A_133] : memref<128x128xf32, #tpu.memory_space<vmem>> -> memref<104x128xf32, #tpu.memory_space<vmem>>
      %dma_start3A_135 = arith.constant 0 : i32
      %dma_start3A_136 = tpu.memref_slice %arg15[%add3A_113, %dma_start3A_135] : memref<10000x128xf32, #tpu.memory_space<vmem_shared>> -> memref<104x128xf32, #tpu.memory_space<vmem_shared>>
      tpu.enqueue_dma source(%dma_start3A_136 : memref<104x128xf32, #tpu.memory_space<vmem_shared>>) target(%dma_start3A_134 : memref<104x128xf32, #tpu.memory_space<vmem>>) target_semaphore(%run_scoped3A : memref<!tpu.dma_semaphore, #tpu.memory_space<semaphore_mem>>)
      %dma_wait3A_137 = arith.constant 0 : i32
      %dma_wait3A_138 = arith.constant 0 : i32
      %dma_wait3A_139 = tpu.memref_slice %arg12[%dma_wait3A_137, %dma_wait3A_138] : memref<128x128xf32, #tpu.memory_space<vmem>> -> memref<104x128xf32, #tpu.memory_space<vmem>>
      %dma_wait3A_140 = arith.constant 0 : i32
      %dma_wait3A_141 = tpu.memref_slice %arg15[%add3A_113, %dma_wait3A_140] : memref<10000x128xf32, #tpu.memory_space<vmem_shared>> -> memref<104x128xf32, #tpu.memory_space<vmem_shared>>
      %dma_wait3A_142 = arith.constant 0 : i32
      %dma_wait3A_143 = arith.constant 0 : i32
      %dma_wait3A_144 = tpu.memref_slice %arg12[%dma_wait3A_142, %dma_wait3A_143] : memref<128x128xf32, #tpu.memory_space<vmem>> -> memref<104x128xf32, #tpu.memory_space<vmem>>
      %dma_wait3A_145 = arith.constant 0 : i32
      %dma_wait3A_146 = tpu.memref_slice %arg15[%add3A_113, %dma_wait3A_145] : memref<10000x128xf32, #tpu.memory_space<vmem_shared>> -> memref<104x128xf32, #tpu.memory_space<vmem_shared>>
      tpu.wait_dma2 semaphore(%run_scoped3A : memref<!tpu.dma_semaphore, #tpu.memory_space<semaphore_mem>>) src(%dma_wait3A_146 : memref<104x128xf32, #tpu.memory_space<vmem_shared>>) dst(%dma_wait3A_144 : memref<104x128xf32, #tpu.memory_space<vmem>>)
      tpu.yield
    }) : () -> ()
    "tpu.region"() ({
      %run_scoped3A = tpu.sem_alloc : memref<!tpu.dma_semaphore, #tpu.memory_space<semaphore_mem>>
      %dma_start3A_127 = arith.constant 0 : i32
      %dma_start3A_128 = arith.constant 0 : i32
      %dma_start3A_129 = tpu.memref_slice %arg12[%dma_start3A_127, %dma_start3A_128] : memref<128x128xf32, #tpu.memory_space<vmem>> -> memref<104x128xf32, #tpu.memory_space<vmem>>
      %dma_start3A_130 = arith.constant 0 : i32
      %dma_start3A_131 = tpu.memref_slice %arg5[%arg0, %add3A_113, %dma_start3A_130] : memref<2x10000x128xf32, #tpu.memory_space<hbm>> -> memref<1x104x128xf32, #tpu.memory_space<hbm>>
      %dma_start3A_132 = tpu.memref_squeeze %dma_start3A_131 : memref<1x104x128xf32, #tpu.memory_space<hbm>> -> memref<104x128xf32, #tpu.memory_space<hbm>>
      %dma_start3A_133 = arith.constant 0 : i32
      %dma_start3A_134 = tpu.memref_slice %arg5[%arg0, %add3A_113, %dma_start3A_133] : memref<2x10000x128xf32, #tpu.memory_space<hbm>> -> memref<1x104x128xf32, #tpu.memory_space<hbm>>
      %dma_start3A_135 = tpu.memref_squeeze %dma_start3A_134 : memref<1x104x128xf32, #tpu.memory_space<hbm>> -> memref<104x128xf32, #tpu.memory_space<hbm>>
      %dma_start3A_136 = arith.constant 0 : i32
      %dma_start3A_137 = arith.constant 0 : i32
      %dma_start3A_138 = tpu.memref_slice %arg12[%dma_start3A_136, %dma_start3A_137] : memref<128x128xf32, #tpu.memory_space<vmem>> -> memref<104x128xf32, #tpu.memory_space<vmem>>
      tpu.enqueue_dma source(%dma_start3A_138 : memref<104x128xf32, #tpu.memory_space<vmem>>) target(%dma_start3A_135 : memref<104x128xf32, #tpu.memory_space<hbm>>) target_semaphore(%run_scoped3A : memref<!tpu.dma_semaphore, #tpu.memory_space<semaphore_mem>>)
      %dma_wait3A_139 = arith.constant 0 : i32
      %dma_wait3A_140 = arith.constant 0 : i32
      %dma_wait3A_141 = tpu.memref_slice %arg12[%dma_wait3A_139, %dma_wait3A_140] : memref<128x128xf32, #tpu.memory_space<vmem>> -> memref<104x128xf32, #tpu.memory_space<vmem>>
      %dma_wait3A_142 = arith.constant 0 : i32
      %dma_wait3A_143 = tpu.memref_slice %arg5[%arg0, %add3A_113, %dma_wait3A_142] : memref<2x10000x128xf32, #tpu.memory_space<hbm>> -> memref<1x104x128xf32, #tpu.memory_space<hbm>>
      %dma_wait3A_144 = tpu.memref_squeeze %dma_wait3A_143 : memref<1x104x128xf32, #tpu.memory_space<hbm>> -> memref<104x128xf32, #tpu.memory_space<hbm>>
      %dma_wait3A_145 = arith.constant 0 : i32
      %dma_wait3A_146 = tpu.memref_slice %arg5[%arg0, %add3A_113, %dma_wait3A_145] : memref<2x10000x128xf32, #tpu.memory_space<hbm>> -> memref<1x104x128xf32, #tpu.memory_space<hbm>>
      %dma_wait3A_147 = tpu.memref_squeeze %dma_wait3A_146 : memref<1x104x128xf32, #tpu.memory_space<hbm>> -> memref<104x128xf32, #tpu.memory_space<hbm>>
      %dma_wait3A_148 = arith.constant 0 : i32
      %dma_wait3A_149 = arith.constant 0 : i32
      %dma_wait3A_150 = tpu.memref_slice %arg12[%dma_wait3A_148, %dma_wait3A_149] : memref<128x128xf32, #tpu.memory_space<vmem>> -> memref<104x128xf32, #tpu.memory_space<vmem>>
      tpu.wait_dma2 semaphore(%run_scoped3A : memref<!tpu.dma_semaphore, #tpu.memory_space<semaphore_mem>>) src(%dma_wait3A_150 : memref<104x128xf32, #tpu.memory_space<vmem>>) dst(%dma_wait3A_147 : memref<104x128xf32, #tpu.memory_space<hbm>>)
      tpu.yield
    }) : () -> ()
    %mul3A_114 = arith.constant 624 : i32
    %mul3A_115 = arith.muli %arg1, %mul3A_114 : i32
    %add3A_116 = arith.constant 416 : i32
    %add3A_117 = arith.addi %mul3A_115, %add3A_116 : i32
    "tpu.region"() ({
      %run_scoped3A = tpu.sem_alloc : memref<!tpu.dma_semaphore, #tpu.memory_space<semaphore_mem>>
      %dma_start3A_127 = arith.constant 0 : i32
      %dma_start3A_128 = arith.constant 0 : i32
      %dma_start3A_129 = tpu.memref_slice %arg12[%dma_start3A_127, %dma_start3A_128] : memref<128x128xf32, #tpu.memory_space<vmem>> -> memref<104x128xf32, #tpu.memory_space<vmem>>
      %dma_start3A_130 = arith.constant 0 : i32
      %dma_start3A_131 = tpu.memref_slice %arg15[%add3A_117, %dma_start3A_130] : memref<10000x128xf32, #tpu.memory_space<vmem_shared>> -> memref<104x128xf32, #tpu.memory_space<vmem_shared>>
      %dma_start3A_132 = arith.constant 0 : i32
      %dma_start3A_133 = arith.constant 0 : i32
      %dma_start3A_134 = tpu.memref_slice %arg12[%dma_start3A_132, %dma_start3A_133] : memref<128x128xf32, #tpu.memory_space<vmem>> -> memref<104x128xf32, #tpu.memory_space<vmem>>
      %dma_start3A_135 = arith.constant 0 : i32
      %dma_start3A_136 = tpu.memref_slice %arg15[%add3A_117, %dma_start3A_135] : memref<10000x128xf32, #tpu.memory_space<vmem_shared>> -> memref<104x128xf32, #tpu.memory_space<vmem_shared>>
      tpu.enqueue_dma source(%dma_start3A_136 : memref<104x128xf32, #tpu.memory_space<vmem_shared>>) target(%dma_start3A_134 : memref<104x128xf32, #tpu.memory_space<vmem>>) target_semaphore(%run_scoped3A : memref<!tpu.dma_semaphore, #tpu.memory_space<semaphore_mem>>)
      %dma_wait3A_137 = arith.constant 0 : i32
      %dma_wait3A_138 = arith.constant 0 : i32
      %dma_wait3A_139 = tpu.memref_slice %arg12[%dma_wait3A_137, %dma_wait3A_138] : memref<128x128xf32, #tpu.memory_space<vmem>> -> memref<104x128xf32, #tpu.memory_space<vmem>>
      %dma_wait3A_140 = arith.constant 0 : i32
      %dma_wait3A_141 = tpu.memref_slice %arg15[%add3A_117, %dma_wait3A_140] : memref<10000x128xf32, #tpu.memory_space<vmem_shared>> -> memref<104x128xf32, #tpu.memory_space<vmem_shared>>
      %dma_wait3A_142 = arith.constant 0 : i32
      %dma_wait3A_143 = arith.constant 0 : i32
      %dma_wait3A_144 = tpu.memref_slice %arg12[%dma_wait3A_142, %dma_wait3A_143] : memref<128x128xf32, #tpu.memory_space<vmem>> -> memref<104x128xf32, #tpu.memory_space<vmem>>
      %dma_wait3A_145 = arith.constant 0 : i32
      %dma_wait3A_146 = tpu.memref_slice %arg15[%add3A_117, %dma_wait3A_145] : memref<10000x128xf32, #tpu.memory_space<vmem_shared>> -> memref<104x128xf32, #tpu.memory_space<vmem_shared>>
      tpu.wait_dma2 semaphore(%run_scoped3A : memref<!tpu.dma_semaphore, #tpu.memory_space<semaphore_mem>>) src(%dma_wait3A_146 : memref<104x128xf32, #tpu.memory_space<vmem_shared>>) dst(%dma_wait3A_144 : memref<104x128xf32, #tpu.memory_space<vmem>>)
      tpu.yield
    }) : () -> ()
    "tpu.region"() ({
      %run_scoped3A = tpu.sem_alloc : memref<!tpu.dma_semaphore, #tpu.memory_space<semaphore_mem>>
      %dma_start3A_127 = arith.constant 0 : i32
      %dma_start3A_128 = arith.constant 0 : i32
      %dma_start3A_129 = tpu.memref_slice %arg12[%dma_start3A_127, %dma_start3A_128] : memref<128x128xf32, #tpu.memory_space<vmem>> -> memref<104x128xf32, #tpu.memory_space<vmem>>
      %dma_start3A_130 = arith.constant 0 : i32
      %dma_start3A_131 = tpu.memref_slice %arg5[%arg0, %add3A_117, %dma_start3A_130] : memref<2x10000x128xf32, #tpu.memory_space<hbm>> -> memref<1x104x128xf32, #tpu.memory_space<hbm>>
      %dma_start3A_132 = tpu.memref_squeeze %dma_start3A_131 : memref<1x104x128xf32, #tpu.memory_space<hbm>> -> memref<104x128xf32, #tpu.memory_space<hbm>>
      %dma_start3A_133 = arith.constant 0 : i32
      %dma_start3A_134 = tpu.memref_slice %arg5[%arg0, %add3A_117, %dma_start3A_133] : memref<2x10000x128xf32, #tpu.memory_space<hbm>> -> memref<1x104x128xf32, #tpu.memory_space<hbm>>
      %dma_start3A_135 = tpu.memref_squeeze %dma_start3A_134 : memref<1x104x128xf32, #tpu.memory_space<hbm>> -> memref<104x128xf32, #tpu.memory_space<hbm>>
      %dma_start3A_136 = arith.constant 0 : i32
      %dma_start3A_137 = arith.constant 0 : i32
      %dma_start3A_138 = tpu.memref_slice %arg12[%dma_start3A_136, %dma_start3A_137] : memref<128x128xf32, #tpu.memory_space<vmem>> -> memref<104x128xf32, #tpu.memory_space<vmem>>
      tpu.enqueue_dma source(%dma_start3A_138 : memref<104x128xf32, #tpu.memory_space<vmem>>) target(%dma_start3A_135 : memref<104x128xf32, #tpu.memory_space<hbm>>) target_semaphore(%run_scoped3A : memref<!tpu.dma_semaphore, #tpu.memory_space<semaphore_mem>>)
      %dma_wait3A_139 = arith.constant 0 : i32
      %dma_wait3A_140 = arith.constant 0 : i32
      %dma_wait3A_141 = tpu.memref_slice %arg12[%dma_wait3A_139, %dma_wait3A_140] : memref<128x128xf32, #tpu.memory_space<vmem>> -> memref<104x128xf32, #tpu.memory_space<vmem>>
      %dma_wait3A_142 = arith.constant 0 : i32
      %dma_wait3A_143 = tpu.memref_slice %arg5[%arg0, %add3A_117, %dma_wait3A_142] : memref<2x10000x128xf32, #tpu.memory_space<hbm>> -> memref<1x104x128xf32, #tpu.memory_space<hbm>>
      %dma_wait3A_144 = tpu.memref_squeeze %dma_wait3A_143 : memref<1x104x128xf32, #tpu.memory_space<hbm>> -> memref<104x128xf32, #tpu.memory_space<hbm>>
      %dma_wait3A_145 = arith.constant 0 : i32
      %dma_wait3A_146 = tpu.memref_slice %arg5[%arg0, %add3A_117, %dma_wait3A_145] : memref<2x10000x128xf32, #tpu.memory_space<hbm>> -> memref<1x104x128xf32, #tpu.memory_space<hbm>>
      %dma_wait3A_147 = tpu.memref_squeeze %dma_wait3A_146 : memref<1x104x128xf32, #tpu.memory_space<hbm>> -> memref<104x128xf32, #tpu.memory_space<hbm>>
      %dma_wait3A_148 = arith.constant 0 : i32
      %dma_wait3A_149 = arith.constant 0 : i32
      %dma_wait3A_150 = tpu.memref_slice %arg12[%dma_wait3A_148, %dma_wait3A_149] : memref<128x128xf32, #tpu.memory_space<vmem>> -> memref<104x128xf32, #tpu.memory_space<vmem>>
      tpu.wait_dma2 semaphore(%run_scoped3A : memref<!tpu.dma_semaphore, #tpu.memory_space<semaphore_mem>>) src(%dma_wait3A_150 : memref<104x128xf32, #tpu.memory_space<vmem>>) dst(%dma_wait3A_147 : memref<104x128xf32, #tpu.memory_space<hbm>>)
      tpu.yield
    }) : () -> ()
    %mul3A_118 = arith.constant 624 : i32
    %mul3A_119 = arith.muli %arg1, %mul3A_118 : i32
    %add3A_120 = arith.constant 520 : i32
    %add3A_121 = arith.addi %mul3A_119, %add3A_120 : i32
    "tpu.region"() ({
      %run_scoped3A = tpu.sem_alloc : memref<!tpu.dma_semaphore, #tpu.memory_space<semaphore_mem>>
      %dma_start3A_127 = arith.constant 0 : i32
      %dma_start3A_128 = arith.constant 0 : i32
      %dma_start3A_129 = tpu.memref_slice %arg12[%dma_start3A_127, %dma_start3A_128] : memref<128x128xf32, #tpu.memory_space<vmem>> -> memref<104x128xf32, #tpu.memory_space<vmem>>
      %dma_start3A_130 = arith.constant 0 : i32
      %dma_start3A_131 = tpu.memref_slice %arg15[%add3A_121, %dma_start3A_130] : memref<10000x128xf32, #tpu.memory_space<vmem_shared>> -> memref<104x128xf32, #tpu.memory_space<vmem_shared>>
      %dma_start3A_132 = arith.constant 0 : i32
      %dma_start3A_133 = arith.constant 0 : i32
      %dma_start3A_134 = tpu.memref_slice %arg12[%dma_start3A_132, %dma_start3A_133] : memref<128x128xf32, #tpu.memory_space<vmem>> -> memref<104x128xf32, #tpu.memory_space<vmem>>
      %dma_start3A_135 = arith.constant 0 : i32
      %dma_start3A_136 = tpu.memref_slice %arg15[%add3A_121, %dma_start3A_135] : memref<10000x128xf32, #tpu.memory_space<vmem_shared>> -> memref<104x128xf32, #tpu.memory_space<vmem_shared>>
      tpu.enqueue_dma source(%dma_start3A_136 : memref<104x128xf32, #tpu.memory_space<vmem_shared>>) target(%dma_start3A_134 : memref<104x128xf32, #tpu.memory_space<vmem>>) target_semaphore(%run_scoped3A : memref<!tpu.dma_semaphore, #tpu.memory_space<semaphore_mem>>)
      %dma_wait3A_137 = arith.constant 0 : i32
      %dma_wait3A_138 = arith.constant 0 : i32
      %dma_wait3A_139 = tpu.memref_slice %arg12[%dma_wait3A_137, %dma_wait3A_138] : memref<128x128xf32, #tpu.memory_space<vmem>> -> memref<104x128xf32, #tpu.memory_space<vmem>>
      %dma_wait3A_140 = arith.constant 0 : i32
      %dma_wait3A_141 = tpu.memref_slice %arg15[%add3A_121, %dma_wait3A_140] : memref<10000x128xf32, #tpu.memory_space<vmem_shared>> -> memref<104x128xf32, #tpu.memory_space<vmem_shared>>
      %dma_wait3A_142 = arith.constant 0 : i32
      %dma_wait3A_143 = arith.constant 0 : i32
      %dma_wait3A_144 = tpu.memref_slice %arg12[%dma_wait3A_142, %dma_wait3A_143] : memref<128x128xf32, #tpu.memory_space<vmem>> -> memref<104x128xf32, #tpu.memory_space<vmem>>
      %dma_wait3A_145 = arith.constant 0 : i32
      %dma_wait3A_146 = tpu.memref_slice %arg15[%add3A_121, %dma_wait3A_145] : memref<10000x128xf32, #tpu.memory_space<vmem_shared>> -> memref<104x128xf32, #tpu.memory_space<vmem_shared>>
      tpu.wait_dma2 semaphore(%run_scoped3A : memref<!tpu.dma_semaphore, #tpu.memory_space<semaphore_mem>>) src(%dma_wait3A_146 : memref<104x128xf32, #tpu.memory_space<vmem_shared>>) dst(%dma_wait3A_144 : memref<104x128xf32, #tpu.memory_space<vmem>>)
      tpu.yield
    }) : () -> ()
    "tpu.region"() ({
      %run_scoped3A = tpu.sem_alloc : memref<!tpu.dma_semaphore, #tpu.memory_space<semaphore_mem>>
      %dma_start3A_127 = arith.constant 0 : i32
      %dma_start3A_128 = arith.constant 0 : i32
      %dma_start3A_129 = tpu.memref_slice %arg12[%dma_start3A_127, %dma_start3A_128] : memref<128x128xf32, #tpu.memory_space<vmem>> -> memref<104x128xf32, #tpu.memory_space<vmem>>
      %dma_start3A_130 = arith.constant 0 : i32
      %dma_start3A_131 = tpu.memref_slice %arg5[%arg0, %add3A_121, %dma_start3A_130] : memref<2x10000x128xf32, #tpu.memory_space<hbm>> -> memref<1x104x128xf32, #tpu.memory_space<hbm>>
      %dma_start3A_132 = tpu.memref_squeeze %dma_start3A_131 : memref<1x104x128xf32, #tpu.memory_space<hbm>> -> memref<104x128xf32, #tpu.memory_space<hbm>>
      %dma_start3A_133 = arith.constant 0 : i32
      %dma_start3A_134 = tpu.memref_slice %arg5[%arg0, %add3A_121, %dma_start3A_133] : memref<2x10000x128xf32, #tpu.memory_space<hbm>> -> memref<1x104x128xf32, #tpu.memory_space<hbm>>
      %dma_start3A_135 = tpu.memref_squeeze %dma_start3A_134 : memref<1x104x128xf32, #tpu.memory_space<hbm>> -> memref<104x128xf32, #tpu.memory_space<hbm>>
      %dma_start3A_136 = arith.constant 0 : i32
      %dma_start3A_137 = arith.constant 0 : i32
      %dma_start3A_138 = tpu.memref_slice %arg12[%dma_start3A_136, %dma_start3A_137] : memref<128x128xf32, #tpu.memory_space<vmem>> -> memref<104x128xf32, #tpu.memory_space<vmem>>
      tpu.enqueue_dma source(%dma_start3A_138 : memref<104x128xf32, #tpu.memory_space<vmem>>) target(%dma_start3A_135 : memref<104x128xf32, #tpu.memory_space<hbm>>) target_semaphore(%run_scoped3A : memref<!tpu.dma_semaphore, #tpu.memory_space<semaphore_mem>>)
      %dma_wait3A_139 = arith.constant 0 : i32
      %dma_wait3A_140 = arith.constant 0 : i32
      %dma_wait3A_141 = tpu.memref_slice %arg12[%dma_wait3A_139, %dma_wait3A_140] : memref<128x128xf32, #tpu.memory_space<vmem>> -> memref<104x128xf32, #tpu.memory_space<vmem>>
      %dma_wait3A_142 = arith.constant 0 : i32
      %dma_wait3A_143 = tpu.memref_slice %arg5[%arg0, %add3A_121, %dma_wait3A_142] : memref<2x10000x128xf32, #tpu.memory_space<hbm>> -> memref<1x104x128xf32, #tpu.memory_space<hbm>>
      %dma_wait3A_144 = tpu.memref_squeeze %dma_wait3A_143 : memref<1x104x128xf32, #tpu.memory_space<hbm>> -> memref<104x128xf32, #tpu.memory_space<hbm>>
      %dma_wait3A_145 = arith.constant 0 : i32
      %dma_wait3A_146 = tpu.memref_slice %arg5[%arg0, %add3A_121, %dma_wait3A_145] : memref<2x10000x128xf32, #tpu.memory_space<hbm>> -> memref<1x104x128xf32, #tpu.memory_space<hbm>>
      %dma_wait3A_147 = tpu.memref_squeeze %dma_wait3A_146 : memref<1x104x128xf32, #tpu.memory_space<hbm>> -> memref<104x128xf32, #tpu.memory_space<hbm>>
      %dma_wait3A_148 = arith.constant 0 : i32
      %dma_wait3A_149 = arith.constant 0 : i32
      %dma_wait3A_150 = tpu.memref_slice %arg12[%dma_wait3A_148, %dma_wait3A_149] : memref<128x128xf32, #tpu.memory_space<vmem>> -> memref<104x128xf32, #tpu.memory_space<vmem>>
      tpu.wait_dma2 semaphore(%run_scoped3A : memref<!tpu.dma_semaphore, #tpu.memory_space<semaphore_mem>>) src(%dma_wait3A_150 : memref<104x128xf32, #tpu.memory_space<vmem>>) dst(%dma_wait3A_147 : memref<104x128xf32, #tpu.memory_space<hbm>>)
      tpu.yield
    }) : () -> ()
    %eq3A_122 = arith.constant 15 : i32
    %eq3A_123 = arith.cmpi eq, %arg1, %eq3A_122 : i32
    %convert_element_type3A_124 = arith.extui %eq3A_123 : i1 to i32
    %cond3A_125 = arith.constant 0 : i32
    %cond3A_126 = arith.cmpi ne, %convert_element_type3A_124, %cond3A_125 : i32
    scf.if %cond3A_126 {
      "tpu.region"() ({
        %run_scoped3A = tpu.sem_alloc : memref<!tpu.dma_semaphore, #tpu.memory_space<semaphore_mem>>
        %dma_start3A_127 = arith.constant 0 : i32
        %dma_start3A_128 = arith.constant 0 : i32
        %dma_start3A_129 = tpu.memref_slice %arg13[%dma_start3A_127, %dma_start3A_128] : memref<128x128xf32, #tpu.memory_space<vmem>> -> memref<16x128xf32, #tpu.memory_space<vmem>>
        %dma_start3A_130 = arith.constant 9984 : i32
        %dma_start3A_131 = arith.constant 0 : i32
        %dma_start3A_132 = tpu.memref_slice %arg15[%dma_start3A_130, %dma_start3A_131] : memref<10000x128xf32, #tpu.memory_space<vmem_shared>> -> memref<16x128xf32, #tpu.memory_space<vmem_shared>>
        %dma_start3A_133 = arith.constant 0 : i32
        %dma_start3A_134 = arith.constant 0 : i32
        %dma_start3A_135 = tpu.memref_slice %arg13[%dma_start3A_133, %dma_start3A_134] : memref<128x128xf32, #tpu.memory_space<vmem>> -> memref<16x128xf32, #tpu.memory_space<vmem>>
        %dma_start3A_136 = arith.constant 9984 : i32
        %dma_start3A_137 = arith.constant 0 : i32
        %dma_start3A_138 = tpu.memref_slice %arg15[%dma_start3A_136, %dma_start3A_137] : memref<10000x128xf32, #tpu.memory_space<vmem_shared>> -> memref<16x128xf32, #tpu.memory_space<vmem_shared>>
        tpu.enqueue_dma source(%dma_start3A_138 : memref<16x128xf32, #tpu.memory_space<vmem_shared>>) target(%dma_start3A_135 : memref<16x128xf32, #tpu.memory_space<vmem>>) target_semaphore(%run_scoped3A : memref<!tpu.dma_semaphore, #tpu.memory_space<semaphore_mem>>)
        %dma_wait3A_139 = arith.constant 0 : i32
        %dma_wait3A_140 = arith.constant 0 : i32
        %dma_wait3A_141 = tpu.memref_slice %arg13[%dma_wait3A_139, %dma_wait3A_140] : memref<128x128xf32, #tpu.memory_space<vmem>> -> memref<16x128xf32, #tpu.memory_space<vmem>>
        %dma_wait3A_142 = arith.constant 9984 : i32
        %dma_wait3A_143 = arith.constant 0 : i32
        %dma_wait3A_144 = tpu.memref_slice %arg15[%dma_wait3A_142, %dma_wait3A_143] : memref<10000x128xf32, #tpu.memory_space<vmem_shared>> -> memref<16x128xf32, #tpu.memory_space<vmem_shared>>
        %dma_wait3A_145 = arith.constant 0 : i32
        %dma_wait3A_146 = arith.constant 0 : i32
        %dma_wait3A_147 = tpu.memref_slice %arg13[%dma_wait3A_145, %dma_wait3A_146] : memref<128x128xf32, #tpu.memory_space<vmem>> -> memref<16x128xf32, #tpu.memory_space<vmem>>
        %dma_wait3A_148 = arith.constant 9984 : i32
        %dma_wait3A_149 = arith.constant 0 : i32
        %dma_wait3A_150 = tpu.memref_slice %arg15[%dma_wait3A_148, %dma_wait3A_149] : memref<10000x128xf32, #tpu.memory_space<vmem_shared>> -> memref<16x128xf32, #tpu.memory_space<vmem_shared>>
        tpu.wait_dma2 semaphore(%run_scoped3A : memref<!tpu.dma_semaphore, #tpu.memory_space<semaphore_mem>>) src(%dma_wait3A_150 : memref<16x128xf32, #tpu.memory_space<vmem_shared>>) dst(%dma_wait3A_147 : memref<16x128xf32, #tpu.memory_space<vmem>>)
        tpu.yield
      }) : () -> ()
      "tpu.region"() ({
        %run_scoped3A = tpu.sem_alloc : memref<!tpu.dma_semaphore, #tpu.memory_space<semaphore_mem>>
        %dma_start3A_127 = arith.constant 0 : i32
        %dma_start3A_128 = arith.constant 0 : i32
        %dma_start3A_129 = tpu.memref_slice %arg13[%dma_start3A_127, %dma_start3A_128] : memref<128x128xf32, #tpu.memory_space<vmem>> -> memref<16x128xf32, #tpu.memory_space<vmem>>
        %dma_start3A_130 = arith.constant 9984 : i32
        %dma_start3A_131 = arith.constant 0 : i32
        %dma_start3A_132 = tpu.memref_slice %arg5[%arg0, %dma_start3A_130, %dma_start3A_131] : memref<2x10000x128xf32, #tpu.memory_space<hbm>> -> memref<1x16x128xf32, #tpu.memory_space<hbm>>
        %dma_start3A_133 = tpu.memref_squeeze %dma_start3A_132 : memref<1x16x128xf32, #tpu.memory_space<hbm>> -> memref<16x128xf32, #tpu.memory_space<hbm>>
        %dma_start3A_134 = arith.constant 9984 : i32
        %dma_start3A_135 = arith.constant 0 : i32
        %dma_start3A_136 = tpu.memref_slice %arg5[%arg0, %dma_start3A_134, %dma_start3A_135] : memref<2x10000x128xf32, #tpu.memory_space<hbm>> -> memref<1x16x128xf32, #tpu.memory_space<hbm>>
        %dma_start3A_137 = tpu.memref_squeeze %dma_start3A_136 : memref<1x16x128xf32, #tpu.memory_space<hbm>> -> memref<16x128xf32, #tpu.memory_space<hbm>>
        %dma_start3A_138 = arith.constant 0 : i32
        %dma_start3A_139 = arith.constant 0 : i32
        %dma_start3A_140 = tpu.memref_slice %arg13[%dma_start3A_138, %dma_start3A_139] : memref<128x128xf32, #tpu.memory_space<vmem>> -> memref<16x128xf32, #tpu.memory_space<vmem>>
        tpu.enqueue_dma source(%dma_start3A_140 : memref<16x128xf32, #tpu.memory_space<vmem>>) target(%dma_start3A_137 : memref<16x128xf32, #tpu.memory_space<hbm>>) target_semaphore(%run_scoped3A : memref<!tpu.dma_semaphore, #tpu.memory_space<semaphore_mem>>)
        %dma_wait3A_141 = arith.constant 0 : i32
        %dma_wait3A_142 = arith.constant 0 : i32
        %dma_wait3A_143 = tpu.memref_slice %arg13[%dma_wait3A_141, %dma_wait3A_142] : memref<128x128xf32, #tpu.memory_space<vmem>> -> memref<16x128xf32, #tpu.memory_space<vmem>>
        %dma_wait3A_144 = arith.constant 9984 : i32
        %dma_wait3A_145 = arith.constant 0 : i32
        %dma_wait3A_146 = tpu.memref_slice %arg5[%arg0, %dma_wait3A_144, %dma_wait3A_145] : memref<2x10000x128xf32, #tpu.memory_space<hbm>> -> memref<1x16x128xf32, #tpu.memory_space<hbm>>
        %dma_wait3A_147 = tpu.memref_squeeze %dma_wait3A_146 : memref<1x16x128xf32, #tpu.memory_space<hbm>> -> memref<16x128xf32, #tpu.memory_space<hbm>>
        %dma_wait3A_148 = arith.constant 9984 : i32
        %dma_wait3A_149 = arith.constant 0 : i32
        %dma_wait3A_150 = tpu.memref_slice %arg5[%arg0, %dma_wait3A_148, %dma_wait3A_149] : memref<2x10000x128xf32, #tpu.memory_space<hbm>> -> memref<1x16x128xf32, #tpu.memory_space<hbm>>
        %dma_wait3A_151 = tpu.memref_squeeze %dma_wait3A_150 : memref<1x16x128xf32, #tpu.memory_space<hbm>> -> memref<16x128xf32, #tpu.memory_space<hbm>>
        %dma_wait3A_152 = arith.constant 0 : i32
        %dma_wait3A_153 = arith.constant 0 : i32
        %dma_wait3A_154 = tpu.memref_slice %arg13[%dma_wait3A_152, %dma_wait3A_153] : memref<128x128xf32, #tpu.memory_space<vmem>> -> memref<16x128xf32, #tpu.memory_space<vmem>>
        tpu.wait_dma2 semaphore(%run_scoped3A : memref<!tpu.dma_semaphore, #tpu.memory_space<semaphore_mem>>) src(%dma_wait3A_154 : memref<16x128xf32, #tpu.memory_space<vmem>>) dst(%dma_wait3A_151 : memref<16x128xf32, #tpu.memory_space<hbm>>)
        tpu.yield
      }) : () -> ()
    } else {
    }
    return
  }
}

module attributes {stable_mosaic.version = 14 : i64} {
  func.func @_tc1_body(%arg0: i32, %arg1: memref<2x2000x1xf32, #tpu.memory_space<vmem>>, %arg2: memref<2000x128xf32, #tpu.memory_space<vmem>>, %arg3: memref<128x128xf32, #tpu.memory_space<vmem>>, %arg4: memref<2000x128xf32, #tpu.memory_space<vmem>>, %arg5: memref<2000x1xf32, #tpu.memory_space<vmem>>) attributes {dimension_semantics = [#tpu.dimension_semantics<arbitrary>], iteration_bounds = array<i64: 5>, scalar_prefetch = 0 : i64, scratch_operands = 0 : i64, tpu.core_type = #tpu.core_type<tc>, window_params = [{transform_indices = @transform_0, window_bounds = array<i64: 2, 2000, 1>}, {transform_indices = @transform_1, window_bounds = array<i64: 2000, 128>}, {pipeline_mode = #tpu.pipeline_mode<synchronous>, transform_indices = @transform_2, window_bounds = array<i64: 128, 128>}, {transform_indices = @transform_3, window_bounds = array<i64: 2000, 128>}, {transform_indices = @transform_4, window_bounds = array<i64: 2000, 1>}]} {
    %get3A = arith.constant 0 : index
    %get3A_0 = arith.constant 0 : index
    %get3A_1 = arith.constant 0 : index
    %get3A_2 = vector.load %arg1[%get3A, %get3A_0, %get3A_1] : memref<2x2000x1xf32, #tpu.memory_space<vmem>>, vector<1x2000x1xf32>
    %get3A_3 = vector.shape_cast %get3A_2 : vector<1x2000x1xf32> to vector<2000x1xf32>
    %get3A_4 = arith.constant 1 : index
    %get3A_5 = arith.constant 0 : index
    %get3A_6 = arith.constant 0 : index
    %get3A_7 = vector.load %arg1[%get3A_4, %get3A_5, %get3A_6] : memref<2x2000x1xf32, #tpu.memory_space<vmem>>, vector<1x2000x1xf32>
    %get3A_8 = vector.shape_cast %get3A_7 : vector<1x2000x1xf32> to vector<2000x1xf32>
    %add3A = arith.addf %get3A_3, %get3A_8 : vector<2000x1xf32>
    %add3A_9 = arith.constant 1.000000e+00 : f32
    %add3A_10 = vector.broadcast %add3A_9 : f32 to vector<2000x1xf32>
    %add3A_11 = arith.addf %add3A, %add3A_10 : vector<2000x1xf32>
    %max3A = arith.constant 9.99999996E-13 : f32
    %max3A_12 = vector.broadcast %max3A : f32 to vector<2000x1xf32>
    %max3A_13 = arith.maximumf %add3A_11, %max3A_12 : vector<2000x1xf32>
    %rsqrt3A = math.rsqrt %max3A_13 : vector<2000x1xf32>
    %get3A_14 = arith.constant 0 : index
    %get3A_15 = arith.constant 0 : index
    %get3A_16 = vector.load %arg2[%get3A_14, %get3A_15] : memref<2000x128xf32, #tpu.memory_space<vmem>>, vector<2000x128xf32>
    %get3A_17 = arith.constant 0 : index
    %get3A_18 = arith.constant 0 : index
    %get3A_19 = vector.load %arg3[%get3A_17, %get3A_18] : memref<128x128xf32, #tpu.memory_space<vmem>>, vector<128x128xf32>
    %dot_general3A = arith.constant dense<0.000000e+00> : vector<2000x128xf32>
    %dot_general3A_20 = tpu.matmul %get3A_16, %get3A_19, %dot_general3A {dimension_numbers = #tpu.dot_dimension_numbers<[1], [0], [0], [1], [0, 0, 1, 1], [], []>, transpose_lhs_hint = false} : vector<2000x128xf32>, vector<128x128xf32>, vector<2000x128xf32> -> vector<2000x128xf32>
    %mul3A = vector.broadcast %rsqrt3A : vector<2000x1xf32> to vector<2000x128xf32>
    %mul3A_21 = arith.mulf %dot_general3A_20, %mul3A : vector<2000x128xf32>
    %swap3A = arith.constant 0 : index
    %swap3A_22 = arith.constant 0 : index
    %swap3A_23 = vector.load %arg4[%swap3A, %swap3A_22] : memref<2000x128xf32, #tpu.memory_space<vmem>>, vector<2000x128xf32>
    tpu.vector_store %arg4[%swap3A, %swap3A_22], %mul3A_21 {strides = array<i32>} : memref<2000x128xf32, #tpu.memory_space<vmem>>, vector<2000x128xf32>,
    %swap3A_24 = arith.constant 0 : index
    %swap3A_25 = arith.constant 0 : index
    %swap3A_26 = vector.load %arg5[%swap3A_24, %swap3A_25] : memref<2000x1xf32, #tpu.memory_space<vmem>>, vector<2000x1xf32>
    tpu.vector_store %arg5[%swap3A_24, %swap3A_25], %rsqrt3A {strides = array<i32>} : memref<2000x1xf32, #tpu.memory_space<vmem>>, vector<2000x1xf32>,
    return
  }
  func.func @transform_0(%arg0: i32) -> (i32, i32, i32) {
    %c0_i32 = arith.constant 0 : i32
    %c0_i32_0 = arith.constant 0 : i32
    %c0_i32_1 = arith.constant 0 : i32
    return %c0_i32, %arg0, %c0_i32_0 : i32, i32, i32
  }
  func.func @transform_1(%arg0: i32) -> (i32, i32) {
    %c0_i32 = arith.constant 0 : i32
    %c0_i32_0 = arith.constant 0 : i32
    return %arg0, %c0_i32 : i32, i32
  }
  func.func @transform_2(%arg0: i32) -> (i32, i32) {
    %c0_i32 = arith.constant 0 : i32
    %c0_i32_0 = arith.constant 0 : i32
    %c0_i32_1 = arith.constant 0 : i32
    return %c0_i32, %c0_i32_0 : i32, i32
  }
  func.func @transform_3(%arg0: i32) -> (i32, i32) {
    %c0_i32 = arith.constant 0 : i32
    %c0_i32_0 = arith.constant 0 : i32
    return %arg0, %c0_i32 : i32, i32
  }
  func.func @transform_4(%arg0: i32) -> (i32, i32) {
    %c0_i32 = arith.constant 0 : i32
    %c0_i32_0 = arith.constant 0 : i32
    return %arg0, %c0_i32 : i32, i32
  }
}

module attributes {stable_mosaic.version = 14 : i64} {
  func.func @_tc_mid_body(%arg0: i32, %arg1: memref<2x2000x128xf32, #tpu.memory_space<vmem>>, %arg2: memref<2000x128xf32, #tpu.memory_space<vmem>>, %arg3: memref<2000x1xf32, #tpu.memory_space<vmem>>, %arg4: memref<1x128xf32, #tpu.memory_space<vmem>>, %arg5: memref<128x128xf32, #tpu.memory_space<vmem>>, %arg6: memref<2000x128xf32, #tpu.memory_space<vmem>>) attributes {dimension_semantics = [#tpu.dimension_semantics<arbitrary>], iteration_bounds = array<i64: 5>, scalar_prefetch = 0 : i64, scratch_operands = 0 : i64, tpu.core_type = #tpu.core_type<tc>, window_params = [{transform_indices = @transform_0, window_bounds = array<i64: 2, 2000, 128>}, {transform_indices = @transform_1, window_bounds = array<i64: 2000, 128>}, {transform_indices = @transform_2, window_bounds = array<i64: 2000, 1>}, {pipeline_mode = #tpu.pipeline_mode<synchronous>, transform_indices = @transform_3, window_bounds = array<i64: 1, 128>}, {pipeline_mode = #tpu.pipeline_mode<synchronous>, transform_indices = @transform_4, window_bounds = array<i64: 128, 128>}, {transform_indices = @transform_5, window_bounds = array<i64: 2000, 128>}]} {
    %get3A = arith.constant 0 : index
    %get3A_0 = arith.constant 0 : index
    %get3A_1 = vector.load %arg3[%get3A, %get3A_0] : memref<2000x1xf32, #tpu.memory_space<vmem>>, vector<2000x1xf32>
    %get3A_2 = arith.constant 0 : index
    %get3A_3 = arith.constant 0 : index
    %get3A_4 = arith.constant 0 : index
    %get3A_5 = vector.load %arg1[%get3A_2, %get3A_3, %get3A_4] : memref<2x2000x128xf32, #tpu.memory_space<vmem>>, vector<1x2000x128xf32>
    %get3A_6 = vector.shape_cast %get3A_5 : vector<1x2000x128xf32> to vector<2000x128xf32>
    %get3A_7 = arith.constant 1 : index
    %get3A_8 = arith.constant 0 : index
    %get3A_9 = arith.constant 0 : index
    %get3A_10 = vector.load %arg1[%get3A_7, %get3A_8, %get3A_9] : memref<2x2000x128xf32, #tpu.memory_space<vmem>>, vector<1x2000x128xf32>
    %get3A_11 = vector.shape_cast %get3A_10 : vector<1x2000x128xf32> to vector<2000x128xf32>
    %add3A = arith.addf %get3A_6, %get3A_11 : vector<2000x128xf32>
    %get3A_12 = arith.constant 0 : index
    %get3A_13 = arith.constant 0 : index
    %get3A_14 = vector.load %arg2[%get3A_12, %get3A_13] : memref<2000x128xf32, #tpu.memory_space<vmem>>, vector<2000x128xf32>
    %add3A_15 = arith.addf %add3A, %get3A_14 : vector<2000x128xf32>
    %mul3A = vector.broadcast %get3A_1 : vector<2000x1xf32> to vector<2000x128xf32>
    %mul3A_16 = arith.mulf %mul3A, %add3A_15 : vector<2000x128xf32>
    %get3A_17 = arith.constant 0 : index
    %get3A_18 = arith.constant 0 : index
    %get3A_19 = vector.load %arg4[%get3A_17, %get3A_18] : memref<1x128xf32, #tpu.memory_space<vmem>>, vector<1x128xf32>
    %add3A_20 = vector.broadcast %get3A_19 : vector<1x128xf32> to vector<2000x128xf32>
    %add3A_21 = arith.addf %mul3A_16, %add3A_20 : vector<2000x128xf32>
    %max3A = arith.constant 0.000000e+00 : f32
    %max3A_22 = vector.broadcast %max3A : f32 to vector<2000x128xf32>
    %max3A_23 = arith.maximumf %add3A_21, %max3A_22 : vector<2000x128xf32>
    %get3A_24 = arith.constant 0 : index
    %get3A_25 = arith.constant 0 : index
    %get3A_26 = vector.load %arg5[%get3A_24, %get3A_25] : memref<128x128xf32, #tpu.memory_space<vmem>>, vector<128x128xf32>
    %dot_general3A = arith.constant dense<0.000000e+00> : vector<2000x128xf32>
    %dot_general3A_27 = tpu.matmul %max3A_23, %get3A_26, %dot_general3A {dimension_numbers = #tpu.dot_dimension_numbers<[1], [0], [0], [1], [0, 0, 1, 1], [], []>, transpose_lhs_hint = false} : vector<2000x128xf32>, vector<128x128xf32>, vector<2000x128xf32> -> vector<2000x128xf32>
    %mul3A_28 = vector.broadcast %get3A_1 : vector<2000x1xf32> to vector<2000x128xf32>
    %mul3A_29 = arith.mulf %dot_general3A_27, %mul3A_28 : vector<2000x128xf32>
    %swap3A = arith.constant 0 : index
    %swap3A_30 = arith.constant 0 : index
    %swap3A_31 = vector.load %arg6[%swap3A, %swap3A_30] : memref<2000x128xf32, #tpu.memory_space<vmem>>, vector<2000x128xf32>
    tpu.vector_store %arg6[%swap3A, %swap3A_30], %mul3A_29 {strides = array<i32>} : memref<2000x128xf32, #tpu.memory_space<vmem>>, vector<2000x128xf32>,
    return
  }
  func.func @transform_0(%arg0: i32) -> (i32, i32, i32) {
    %c0_i32 = arith.constant 0 : i32
    %c0_i32_0 = arith.constant 0 : i32
    %c0_i32_1 = arith.constant 0 : i32
    return %c0_i32, %arg0, %c0_i32_0 : i32, i32, i32
  }
  func.func @transform_1(%arg0: i32) -> (i32, i32) {
    %c0_i32 = arith.constant 0 : i32
    %c0_i32_0 = arith.constant 0 : i32
    return %arg0, %c0_i32 : i32, i32
  }
  func.func @transform_2(%arg0: i32) -> (i32, i32) {
    %c0_i32 = arith.constant 0 : i32
    %c0_i32_0 = arith.constant 0 : i32
    return %arg0, %c0_i32 : i32, i32
  }
  func.func @transform_3(%arg0: i32) -> (i32, i32) {
    %c0_i32 = arith.constant 0 : i32
    %c0_i32_0 = arith.constant 0 : i32
    %c0_i32_1 = arith.constant 0 : i32
    return %c0_i32, %c0_i32_0 : i32, i32
  }
  func.func @transform_4(%arg0: i32) -> (i32, i32) {
    %c0_i32 = arith.constant 0 : i32
    %c0_i32_0 = arith.constant 0 : i32
    %c0_i32_1 = arith.constant 0 : i32
    return %c0_i32, %c0_i32_0 : i32, i32
  }
  func.func @transform_5(%arg0: i32) -> (i32, i32) {
    %c0_i32 = arith.constant 0 : i32
    %c0_i32_0 = arith.constant 0 : i32
    return %arg0, %c0_i32 : i32, i32
  }
}

module attributes {stable_mosaic.version = 14 : i64} {
  func.func @_tc_final_body(%arg0: i32, %arg1: memref<2x2000x128xf32, #tpu.memory_space<vmem>>, %arg2: memref<2000x128xf32, #tpu.memory_space<vmem>>, %arg3: memref<2000x1xf32, #tpu.memory_space<vmem>>, %arg4: memref<1x128xf32, #tpu.memory_space<vmem>>, %arg5: memref<128x128xf32, #tpu.memory_space<vmem>>, %arg6: memref<1x128xf32, #tpu.memory_space<vmem>>, %arg7: memref<128x40xf32, #tpu.memory_space<vmem>>, %arg8: memref<1x40xf32, #tpu.memory_space<vmem>>, %arg9: memref<2000x40xf32, #tpu.memory_space<vmem>>) attributes {dimension_semantics = [#tpu.dimension_semantics<arbitrary>], iteration_bounds = array<i64: 5>, scalar_prefetch = 0 : i64, scratch_operands = 0 : i64, tpu.core_type = #tpu.core_type<tc>, window_params = [{transform_indices = @transform_0, window_bounds = array<i64: 2, 2000, 128>}, {transform_indices = @transform_1, window_bounds = array<i64: 2000, 128>}, {transform_indices = @transform_2, window_bounds = array<i64: 2000, 1>}, {pipeline_mode = #tpu.pipeline_mode<synchronous>, transform_indices = @transform_3, window_bounds = array<i64: 1, 128>}, {pipeline_mode = #tpu.pipeline_mode<synchronous>, transform_indices = @transform_4, window_bounds = array<i64: 128, 128>}, {pipeline_mode = #tpu.pipeline_mode<synchronous>, transform_indices = @transform_5, window_bounds = array<i64: 1, 128>}, {pipeline_mode = #tpu.pipeline_mode<synchronous>, transform_indices = @transform_6, window_bounds = array<i64: 128, 40>}, {pipeline_mode = #tpu.pipeline_mode<synchronous>, transform_indices = @transform_7, window_bounds = array<i64: 1, 40>}, {transform_indices = @transform_8, window_bounds = array<i64: 2000, 40>}]} {
    %get3A = arith.constant 0 : index
    %get3A_0 = arith.constant 0 : index
    %get3A_1 = vector.load %arg3[%get3A, %get3A_0] : memref<2000x1xf32, #tpu.memory_space<vmem>>, vector<2000x1xf32>
    %get3A_2 = arith.constant 0 : index
    %get3A_3 = arith.constant 0 : index
    %get3A_4 = arith.constant 0 : index
    %get3A_5 = vector.load %arg1[%get3A_2, %get3A_3, %get3A_4] : memref<2x2000x128xf32, #tpu.memory_space<vmem>>, vector<1x2000x128xf32>
    %get3A_6 = vector.shape_cast %get3A_5 : vector<1x2000x128xf32> to vector<2000x128xf32>
    %get3A_7 = arith.constant 1 : index
    %get3A_8 = arith.constant 0 : index
    %get3A_9 = arith.constant 0 : index
    %get3A_10 = vector.load %arg1[%get3A_7, %get3A_8, %get3A_9] : memref<2x2000x128xf32, #tpu.memory_space<vmem>>, vector<1x2000x128xf32>
    %get3A_11 = vector.shape_cast %get3A_10 : vector<1x2000x128xf32> to vector<2000x128xf32>
    %add3A = arith.addf %get3A_6, %get3A_11 : vector<2000x128xf32>
    %get3A_12 = arith.constant 0 : index
    %get3A_13 = arith.constant 0 : index
    %get3A_14 = vector.load %arg2[%get3A_12, %get3A_13] : memref<2000x128xf32, #tpu.memory_space<vmem>>, vector<2000x128xf32>
    %add3A_15 = arith.addf %add3A, %get3A_14 : vector<2000x128xf32>
    %mul3A = vector.broadcast %get3A_1 : vector<2000x1xf32> to vector<2000x128xf32>
    %mul3A_16 = arith.mulf %mul3A, %add3A_15 : vector<2000x128xf32>
    %get3A_17 = arith.constant 0 : index
    %get3A_18 = arith.constant 0 : index
    %get3A_19 = vector.load %arg4[%get3A_17, %get3A_18] : memref<1x128xf32, #tpu.memory_space<vmem>>, vector<1x128xf32>
    %add3A_20 = vector.broadcast %get3A_19 : vector<1x128xf32> to vector<2000x128xf32>
    %add3A_21 = arith.addf %mul3A_16, %add3A_20 : vector<2000x128xf32>
    %max3A = arith.constant 0.000000e+00 : f32
    %max3A_22 = vector.broadcast %max3A : f32 to vector<2000x128xf32>
    %max3A_23 = arith.maximumf %add3A_21, %max3A_22 : vector<2000x128xf32>
    %get3A_24 = arith.constant 0 : index
    %get3A_25 = arith.constant 0 : index
    %get3A_26 = vector.load %arg5[%get3A_24, %get3A_25] : memref<128x128xf32, #tpu.memory_space<vmem>>, vector<128x128xf32>
    %dot_general3A = arith.constant dense<0.000000e+00> : vector<2000x128xf32>
    %dot_general3A_27 = tpu.matmul %max3A_23, %get3A_26, %dot_general3A {dimension_numbers = #tpu.dot_dimension_numbers<[1], [0], [0], [1], [0, 0, 1, 1], [], []>, transpose_lhs_hint = false} : vector<2000x128xf32>, vector<128x128xf32>, vector<2000x128xf32> -> vector<2000x128xf32>
    %get3A_28 = arith.constant 0 : index
    %get3A_29 = arith.constant 0 : index
    %get3A_30 = vector.load %arg6[%get3A_28, %get3A_29] : memref<1x128xf32, #tpu.memory_space<vmem>>, vector<1x128xf32>
    %add3A_31 = vector.broadcast %get3A_30 : vector<1x128xf32> to vector<2000x128xf32>
    %add3A_32 = arith.addf %dot_general3A_27, %add3A_31 : vector<2000x128xf32>
    %max3A_33 = arith.constant 0.000000e+00 : f32
    %max3A_34 = vector.broadcast %max3A_33 : f32 to vector<2000x128xf32>
    %max3A_35 = arith.maximumf %add3A_32, %max3A_34 : vector<2000x128xf32>
    %get3A_36 = arith.constant 0 : index
    %get3A_37 = arith.constant 0 : index
    %get3A_38 = vector.load %arg7[%get3A_36, %get3A_37] : memref<128x40xf32, #tpu.memory_space<vmem>>, vector<128x40xf32>
    %dot_general3A_39 = arith.constant dense<0.000000e+00> : vector<2000x40xf32>
    %dot_general3A_40 = tpu.matmul %max3A_35, %get3A_38, %dot_general3A_39 {dimension_numbers = #tpu.dot_dimension_numbers<[1], [0], [0], [1], [0, 0, 1, 1], [], []>, transpose_lhs_hint = false} : vector<2000x128xf32>, vector<128x40xf32>, vector<2000x40xf32> -> vector<2000x40xf32>
    %get3A_41 = arith.constant 0 : index
    %get3A_42 = arith.constant 0 : index
    %get3A_43 = vector.load %arg8[%get3A_41, %get3A_42] : memref<1x40xf32, #tpu.memory_space<vmem>>, vector<1x40xf32>
    %add3A_44 = vector.broadcast %get3A_43 : vector<1x40xf32> to vector<2000x40xf32>
    %add3A_45 = arith.addf %dot_general3A_40, %add3A_44 : vector<2000x40xf32>
    %swap3A = arith.constant 0 : index
    %swap3A_46 = arith.constant 0 : index
    %swap3A_47 = vector.load %arg9[%swap3A, %swap3A_46] : memref<2000x40xf32, #tpu.memory_space<vmem>>, vector<2000x40xf32>
    tpu.vector_store %arg9[%swap3A, %swap3A_46], %add3A_45 {strides = array<i32>} : memref<2000x40xf32, #tpu.memory_space<vmem>>, vector<2000x40xf32>,
    return
  }
  func.func @transform_0(%arg0: i32) -> (i32, i32, i32) {
    %c0_i32 = arith.constant 0 : i32
    %c0_i32_0 = arith.constant 0 : i32
    %c0_i32_1 = arith.constant 0 : i32
    return %c0_i32, %arg0, %c0_i32_0 : i32, i32, i32
  }
  func.func @transform_1(%arg0: i32) -> (i32, i32) {
    %c0_i32 = arith.constant 0 : i32
    %c0_i32_0 = arith.constant 0 : i32
    return %arg0, %c0_i32 : i32, i32
  }
  func.func @transform_2(%arg0: i32) -> (i32, i32) {
    %c0_i32 = arith.constant 0 : i32
    %c0_i32_0 = arith.constant 0 : i32
    return %arg0, %c0_i32 : i32, i32
  }
  func.func @transform_3(%arg0: i32) -> (i32, i32) {
    %c0_i32 = arith.constant 0 : i32
    %c0_i32_0 = arith.constant 0 : i32
    %c0_i32_1 = arith.constant 0 : i32
    return %c0_i32, %c0_i32_0 : i32, i32
  }
  func.func @transform_4(%arg0: i32) -> (i32, i32) {
    %c0_i32 = arith.constant 0 : i32
    %c0_i32_0 = arith.constant 0 : i32
    %c0_i32_1 = arith.constant 0 : i32
    return %c0_i32, %c0_i32_0 : i32, i32
  }
  func.func @transform_5(%arg0: i32) -> (i32, i32) {
    %c0_i32 = arith.constant 0 : i32
    %c0_i32_0 = arith.constant 0 : i32
    %c0_i32_1 = arith.constant 0 : i32
    return %c0_i32, %c0_i32_0 : i32, i32
  }
  func.func @transform_6(%arg0: i32) -> (i32, i32) {
    %c0_i32 = arith.constant 0 : i32
    %c0_i32_0 = arith.constant 0 : i32
    %c0_i32_1 = arith.constant 0 : i32
    return %c0_i32, %c0_i32_0 : i32, i32
  }
  func.func @transform_7(%arg0: i32) -> (i32, i32) {
    %c0_i32 = arith.constant 0 : i32
    %c0_i32_0 = arith.constant 0 : i32
    %c0_i32_1 = arith.constant 0 : i32
    return %c0_i32, %c0_i32_0 : i32, i32
  }
  func.func @transform_8(%arg0: i32) -> (i32, i32) {
    %c0_i32 = arith.constant 0 : i32
    %c0_i32_0 = arith.constant 0 : i32
    return %arg0, %c0_i32 : i32, i32
  }
}

</mosaic_0001>

<sc_bundles>
// kernel: kernel.10.cloned.1.call-start
scs
__scs_entry_jumppad:
0x0: {  	(pc) =	sbr.rel $0x88, $3  }
0x1: {  	(tag) =	ssettag $0x0;
	lr =	simm.s32 $0x1  }
0x2: {  	[smem:$0x3F95] =	sst lr;
	_ =	strace $0xD0000000  }
0x3: {  	_ = 	snop  }
0x4: {  	_ = 	snop  }
0x5: {  	_ = 	snop  }
0x6: {  	_ = 	snop  }
0x7: {  	_ = 	snop  }
__scs_overlays_trampoline_lowered:
0x8: {  	[smem:$0x3FA4] =	sst s0  }
0x9: {  	[smem:$0x3FA5] =	sst s1  }
0xa: {  	[smem:$0x3FA6] =	sst s2  }
0xb: {  	[smem:$0x3FA7] =	sst s3  }
0xc: {  	[smem:$0x3FA8] =	sst s4  }
0xd: {  	[smem:$0x3FA9] =	sst s5  }
0xe: {  	[smem:$0x3FAA] =	sst s6  }
0xf: {  	[smem:$0x3FAB] =	sst s7  }
0x10: {  	[smem:$0x3FAC] =	sst s8  }
0x11: {  	[smem:$0x3FAD] =	sst s9;
	s0 =	simm.s32 @!p0 $0x0  }
0x12: {  	s1 =	sld [smem:$0x3F93];
	s0 =	simm.s32 @p0 $0x1  }
0x13: {  	[smem:$0x3FAE] =	sst s0;
	s0 =	simm.s32 @!p1 $0x0  }
0x14: {  	s2 =	sld [smem:$0x3F92];
	s0 =	simm.s32 @p1 $0x1  }
0x15: {  	[smem:$0x3FAF] =	sst s0;
	s0 =	simm.s32 @!p2 $0x0  }
0x16: {  	s3 =	sld [smem:$0x3FDB];
	s0 =	simm.s32 @p2 $0x1  }
0x17: {  	s4 =	simm.s32 $0x1BF5;
	[smem:$0x3FB1] =	sst s0  }
0x18: {  	s0 =	sld [smem:$0x3F94];
	_ =	swait.ge [sflag:s4], $0x0  }
0x19: {  	s7 =	sld [smem:$0x3F95]  }
0x1a: {  	s8 =	sadd.s32 $0xFFFFE003, lr  }
0x1b: {  	s9 =	sadd.s32 $0xFFFFFEF7, lr;
	s5 =	simm.s32 $0xFFFFFFFF;
	p2 =	slt.u32 s8, $0xFFFFF086  }
0x1c: {  	p1 =	slt.u32 s9, $0xF7A;
	s5 =	simm.s32 @!p2 $0x0  }
0x1d: {  	s5 =	simm.s32 @p1 $0x1;
	p0 =	seq.s32 s7, s2  }
0x1e: {  	s7 =	smul.u32 @!p0 $0xF7A, s2;
	p2 =	seq.s32 @!p0 s5, $0x0  }
0x1f: {  	s9 =	smul.u32 $0xF7A, s1;
	s8 =	simm.s32 @!p0 $0x1BF5;
	p2 =	por !p2, p0  }
0x20: {  	[sflag:s8] =	ssyncset.s32 @!p0 $0xFFFFF086;
	s6 =	sadd.s32 @!p0 s3, s7;
	s7 =	simm.s32 @!p0 $0x108  }
0x21: {  	s3 =	sadd.s32 s3, s9;
	s6 =	sadd.s32 @!p0 $0x88, s6;
	s7 =	simm.s32 @p2 $0x1082  }
0x22: {  	[simem:s7], [sflag:s8] =	dma.local @!p0 [hbm:s6], $0xF7A  }
0x23: {  	s9 =	sor.u32 $0xD0000000, s2;
	s6 =	simm.s32 $0x108;
	_ =	swait.ge @!p0 [sflag:s8], $0x0  }
0x24: {  	s3 =	sadd.s32 $0x88, s3;
	s6 =	simm.s32 @!p1 $0x1082;
	[sflag:s4] =	ssyncset.s32 $0xFFFFF086  }
0x25: {  	[simem:s6], [sflag:s4] =	dma.local [hbm:s3], $0xF7A  }
0x26: {  	[smem:$0x3F95] =	sst s1;
	(tag) =	ssettag s2;
	_ =	strace s9  }
0x27: {  	s1 =	sld [smem:$0x3FA5]  }
0x28: {  	s2 =	sld [smem:$0x3FA6]  }
0x29: {  	s4 =	sld [smem:$0x3FA8]  }
0x2a: {  	p0 =	seq.s32 s5, $0x0;
	s5 =	sld [smem:$0x3FA9]  }
0x2b: {  	s6 =	sld [smem:$0x3FAA]  }
0x2c: {  	s7 =	sld [smem:$0x3FAB]  }
0x2d: {  	s3 =	simm.s32 $0x108;
	s8 =	sld [smem:$0x3FAC]  }
0x2e: {  	s3 =	simm.s32 @!p0 $0x1082;
	s9 =	sld [smem:$0x3FAD]  }
0x2f: {  	lr =	sadd.s32 s0, s3;
	s0 =	sld [smem:$0x3FA4]  }
0x30: {  	s3 =	sld [smem:$0x3FA7]  }
0x31: {  	[smem:$0x3FB0] =	sst s10  }
0x32: {  	s10 =	sld [smem:$0x3FAE];
	_ =	sdelay $0x3  }
0x33: {  	p0 =	seq.s32 s10, $0x1;
	s10 =	sld [smem:$0x3FB0];
	_ =	sdelay $0x3  }
0x34: {  	[smem:$0x3FB0] =	sst s10  }
0x35: {  	s10 =	sld [smem:$0x3FAF];
	_ =	sdelay $0x3  }
0x36: {  	p1 =	seq.s32 s10, $0x1;
	s10 =	sld [smem:$0x3FB0];
	_ =	sdelay $0x3  }
0x37: {  	[smem:$0x3FB0] =	sst s10  }
0x38: {  	s10 =	sld [smem:$0x3FB1]  }
0x39: {  	_ = 	snop;
	(pc) =	sbr.ind lr, $3  }
0x3a: {  	_ = 	snop  }
0x3b: {  	_ = 	snop  }
0x3c: {  	p2 =	seq.s32 s10, $0x1;
	s10 =	sld [smem:$0x3FB0]  }
0x3d: {  	_ =	shalt  }
0x3e: {  	_ =	shalt  }
0x3f: {  	_ =	shalt  }
0x40: {  	_ =	shalt  }
0x41: {  	_ =	shalt  }
0x42: {  	_ =	shalt  }
0x43: {  	_ =	shalt  }
0x44: {  	_ =	shalt  }
0x45: {  	_ =	shalt  }
0x46: {  	_ =	shalt  }
0x47: {  	_ =	shalt  }
0x48: {  	_ =	shalt  }
0x49: {  	_ =	shalt  }
0x4a: {  	_ =	shalt  }
0x4b: {  	_ =	shalt  }
0x4c: {  	_ =	shalt  }
0x4d: {  	_ =	shalt  }
0x4e: {  	_ =	shalt  }
0x4f: {  	_ =	shalt  }
0x50: {  	_ =	shalt  }
0x51: {  	_ =	shalt  }
0x52: {  	_ =	shalt  }
0x53: {  	_ =	shalt  }
0x54: {  	_ =	shalt  }
0x55: {  	_ =	shalt  }
0x56: {  	_ =	shalt  }
0x57: {  	_ =	shalt  }
0x58: {  	_ =	shalt  }
0x59: {  	_ =	shalt  }
0x5a: {  	_ =	shalt  }
0x5b: {  	_ =	shalt  }
0x5c: {  	_ =	shalt  }
0x5d: {  	_ =	shalt  }
0x5e: {  	_ =	shalt  }
0x5f: {  	_ =	shalt  }
0x60: {  	_ =	shalt  }
0x61: {  	_ =	shalt  }
0x62: {  	_ =	shalt  }
0x63: {  	_ =	shalt  }
0x64: {  	_ =	shalt  }
0x65: {  	_ =	shalt  }
0x66: {  	_ =	shalt  }
0x67: {  	_ =	shalt  }
0x68: {  	_ =	shalt  }
0x69: {  	_ =	shalt  }
0x6a: {  	_ =	shalt  }
0x6b: {  	_ =	shalt  }
0x6c: {  	_ =	shalt  }
0x6d: {  	_ =	shalt  }
0x6e: {  	_ =	shalt  }
0x6f: {  	_ =	shalt  }
0x70: {  	_ =	shalt  }
0x71: {  	_ =	shalt  }
0x72: {  	_ =	shalt  }
0x73: {  	_ =	shalt  }
0x74: {  	_ =	shalt  }
0x75: {  	_ =	shalt  }
0x76: {  	_ =	shalt  }
0x77: {  	_ =	shalt  }
0x78: {  	_ =	shalt  }
0x79: {  	_ =	shalt  }
0x7a: {  	_ =	shalt  }
0x7b: {  	_ =	shalt  }
0x7c: {  	_ =	shalt  }
0x7d: {  	_ =	shalt  }
0x7e: {  	_ =	shalt  }
0x7f: {  	_ =	shalt  }
0x80: {  	_ =	shalt  }
0x81: {  	_ =	shalt  }
0x82: {  	_ =	shalt  }
0x83: {  	_ =	shalt  }
0x84: {  	_ =	shalt  }
0x85: {  	_ =	shalt  }
0x86: {  	_ =	shalt  }
0x87: {  	_ =	shalt  }
.Lfunc_end0:
.L_simem_size_0:
called_computation_lowered:
.L_overlay_start_0:
0x88: {  	s2 =	sld [smem:$0x3FD9]  }
0x89: {  	s3 =	sld [smem:$0x3FFE];
	_ =	sdelay $0x1  }
0x8a: {  	s1 =	srdreg.scid  }
0x8b: {  	s0 =	sand.u32 $0x1, s1  }
0x8c: {  	s16 =	sshll.u32 s0, $0xA;
	s2 =	sadd.s32 s3, s2  }
0x8d: {  	s2 =	sadd.s32 s2, s16  }
0x8e: {  	[smem:$0x3FBC] =	sst s2  }
0x8f: {  	_ = 	snop  }
0x90: {  	(tm) =	ssettm $0x1  }
0x91: {  	s17 =	sld [smem:$0x3FFB];
	_ =	sdelay $0x3  }
0x92: {  	_ =	strace s17  }
0x93: {  	s2 =	sld [smem:$0x3FFC];
	_ =	sdelay $0x3  }
0x94: {  	_ =	strace s2  }
0x95: {  	s2 =	sld [smem:$0x3FFD];
	_ =	sdelay $0x3  }
0x96: {  	_ =	strace s2  }
0x97: {  	_ =	strace $0x8FFFFFFF  }
0x98: {  	s18 =	sld [smem:$0x3FDB];
	_ =	sdelay $0x1  }
0x99: {  	s19 =	simm.s32 $_scs_section_size  }
0x9a: {  	s4 =	simm.s32 $_size__tile_overlayer_lowered;
	s5 =	simm.s32 $_tile_overlayer_lowered  }
0x9b: {  	s22 =	simm.s32 $0x1BFF;
	s21 =	sshll.u32 s5, $0x1;
	s2 =	sadd.s32 s19, s18  }
0x9c: {  	s6 =	simm.s32 $0x0;
	s20 =	sshll.u32 s4, $0x1;
	s4 =	sadd.s32 s21, s2  }
0x9d: {  	[timem:s6], [sflag:s22] =	dma.local [hbm:s4], s20  }
0x9e: {  	_ =	swait.ge [sflag:s22], s20  }
0x9f: {  	s3 =	ssub.s32 $0x0, s20;
	[sflag:s22] =	ssyncset.done $0x0  }
0xa0: {  	[sflag:s22] =	ssyncadd.s32 s3;
	_ =	sdelay $0x1  }
0xa1: {  	s23 =	simm.s32 $0x1B8B  }
0xa2: {  	_ =	swait.ge [sflag:s23], $0x1  }
0xa3: {  	[sflag:s23] =	ssyncset.done $0x0  }
0xa4: {  	s25 =	simm.s32 $0x1B8E;
	s24 =	sld [smem:$0x3FFE];
	[sflag:s23] =	ssyncadd.s32 $0xFFFFFFFF  }
0xa5: {  	s26 =	simm.s32 $execute0_lowered;
	[smem:$0x3FD2] =	sst s25  }
0xa6: {  	s4 =	sshll.u32 s26, $0x1;
	_ =	strace $0x80000046;
	[dreg:$0x1] =	wrdreg $0xFFFFFFFF  }
0xa7: {  	s28 =	simm.s32 $_size_execute0_lowered;
	s2 =	sadd.s32 s2, s4;
	[dreg:$0x0] =	wrdreg $0x0  }
0xa8: {  	s4 =	sshll.u32 s28, $0x1;
	[dreg:$0x2] =	wrdreg s2  }
0xa9: {  	[dreg:$0x3] =	wrdreg s4  }
0xaa: {  	[dreg:$0x4] =	wrdreg $0xC0  }
0xab: {  	_ =	task [dreg:s6], $0x5FFFF  }
0xac: {  	[dreg:$0x1] =	wrdreg $0xFFFFFFFF  }
0xad: {  	[dreg:$0x0] =	wrdreg $0x60  }
0xae: {  	[dreg:$0x2] =	wrdreg s24  }
0xaf: {  	[dreg:$0x3] =	wrdreg $0x52800  }
0xb0: {  	[dreg:$0x4] =	wrdreg $0x9  }
0xb1: {  	_ =	task.clear_ibuf [dreg:s6], $0x5FFFF;
	_ =	strace $0x90000046  }
0xb2: {  	s29 =	simm.s32 $0x9;
	_ =	strace $0x80000048  }
0xb3: {  	_ =	swait.ge [sflag:s29], $0x1  }
0xb4: {  	[sflag:s29] =	ssyncadd.s32 $0xFFFFFFFF  }
0xb5: {  	_ =	strace $0x90000048  }
0xb6: {  	_ =	sfence  }
0xb7: {  	s30 =	sld [smem:$0x0];
	_ =	sdelay $0x2  }
0xb8: {  	s31 =	sshll.u32 s1, $0xD;
	s1 =	sshrl.u32 s1, $0x2  }
0xb9: {  	s3 =	sand.u32 $0x4000, s31;
	s1 =	sadd.s32 s1, s30  }
0xba: {  	s0 =	sor.u32 s3, s0;
	s1 =	sshll.u32 s1, $0x11  }
0xbb: {  	s0 =	sor.u32 s1, s0  }
0xbc: {  	s0 =	sadd.s32 $0x8F2B, s0  }
0xbd: {  	[sflag:s0] =	ssyncadd.remote.s32 $0x1  }
0xbe: {  	_ =	sfence.sel $0xFFFF  }
0xbf: {  	[dreg:$0x0] =	wrdreg $0xFFFFFFFF;
	(pc) =	sbr.abs _section_cstart, $3  }
0xc0: {  	[dreg:$0x1] =	wrdreg $0xFFFFFFFF  }
0xc1: {  	_ =	task.clear_ibuf [dreg:s6], $0x2FFFF;
	_ =	strace $0x9FFFFFFF  }
0xc2: {  	(tm) =	ssettm $0x7FFFFFFF  }
0xc3: {  	_ =	shalt  }
tec
execute0_lowered:
.L_overlay_start_1:
0x0: {  	(tag) =	ssettag $0x1  }
0x1: {  	s0 =	srdreg.scid;
	s5 =	rddreg [dreg:$0x0]  }
0x2: {  	s2 =	rddreg [dreg:$0x1];
	s1 =	stileid.u32;
	s3 =	simm.s32 $0x0  }
0x3: {  	s14 =	simm.s32 $0x2700;
	s4 =	sand.u32 $0x1, s0;
	s0 =	rddreg [dreg:$0x2]  }
0x4: {  	s15 =	simm.s32 $0x2900;
	s16 =	simm.s32 $0x0;
	[smem:$0x7FF] =	sst s3  }
0x5: {  	s8 =	smul.u32 $0x270, s1;
	s12 =	sadd.s32 $0xD000, s5;
	p1 =	sne.s32 s1, $0xF  }
0x6: {  	s6 =	sshll.u32 s4, $0x4;
	s7 =	ssub.s32 $0x2, s4;
	s10 =	smul.u32 $0x2710, s4  }
0x7: {  	_ =	strace $0x80000047;
	s11 =	sor.u32 s1, s6;
	s9 =	sshrl.u32 s7, $0x1  }
0x8: {  	s6 =	smul.u32 $0x4E0, s11;
	s13 =	ssub.s32 s7, s9;
	s29 =	sadd.s32 s8, s10  }
0x9: {  	s30 =	sshrl.u32 s10, $0x3;
	s7 =	sadd.s32 $0x2700, s2;
	p0 =	sne.s32 s11, $0x1F  }
0xa: {  	s11 =	simm.s32 $0x5000;
	s31 =	sshrl.u32 s29, $0x3;
	s9 =	sadd.s32 s12, s30  }
0xb: {  	s10 =	smax.u32 s13, $0x1;
	s13 =	simm.s32 $0x1;
	s6 =	sadd.s32 s6, s5  }
0xc: {  	s5 =	sadd.s32 $0xCE00, s5;
	s9 =	sadd.s32 $0x4E0, s9;
	s4 =	sadd.s32 $0x3200, s6  }
0xd: {  	v0 =	vimm.f32 $0.0e+00;
	v1 =	vimm.f32 $1.000000000e+00;
	s6 =	sadd.s32 s8, s2;
	s8 =	sadd.s32 s12, s31;
	s12 =	simm.s32 $0x2  }
.LBB2_1:
0xe: {  	[tilespmem:s3], [sflag:$0x1] =	stream.linear.gather [hbm4b:s4+s3], $0x2700, $0x38;
	[tilespmem:$0x54F8] =	vst v63  }
0xf: {  	s17 =	simm.s32 @!p0 $0x0;
	s18 =	simm.s32 @!p0 $0x2700  }
0x10: {  	[tilespmem:s18], [sflag:$0x2] =	stream.linear.gather @!p0 [hbm4b:s5+s17], $0x200, $0x38;
	[tilespmem:$0x54F8] =	vst v63  }
0x11: {  	s17 =	simm.s32 @!p0 $0x2  }
0x12: {  	_ =	swait.ge @!p0 [sflag:s17], $0x200  }
0x13: {  	[sflag:s17] =	ssyncset.done @!p0 $0x0  }
0x14: {  	[sflag:s17] =	ssyncadd.s32 @!p0 $0xFFFFFE00  }
0x15: {  	[tilespmem:$0x5000] =	vst v0  }
0x16: {  	[tilespmem:$0x5010] =	vst v0  }
0x17: {  	[tilespmem:$0x5020] =	vst v0  }
0x18: {  	[tilespmem:$0x5030] =	vst v0  }
0x19: {  	[tilespmem:$0x5040] =	vst v0  }
0x1a: {  	[tilespmem:$0x5050] =	vst v0  }
0x1b: {  	[tilespmem:$0x5060] =	vst v0  }
0x1c: {  	[tilespmem:$0x5070] =	vst v0  }
0x1d: {  	[tilespmem:$0x5080] =	vst v0  }
0x1e: {  	[tilespmem:$0x5090] =	vst v0  }
0x1f: {  	[tilespmem:$0x50A0] =	vst v0  }
0x20: {  	[tilespmem:$0x50B0] =	vst v0  }
0x21: {  	[tilespmem:$0x50C0] =	vst v0  }
0x22: {  	[tilespmem:$0x50D0] =	vst v0  }
0x23: {  	[tilespmem:$0x50E0] =	vst v0  }
0x24: {  	[tilespmem:$0x50F0] =	vst v0  }
0x25: {  	[tilespmem:$0x5100] =	vst v0  }
0x26: {  	[tilespmem:$0x5110] =	vst v0  }
0x27: {  	[tilespmem:$0x5120] =	vst v0  }
0x28: {  	[tilespmem:$0x5130] =	vst v0  }
0x29: {  	[tilespmem:$0x5140] =	vst v0  }
0x2a: {  	[tilespmem:$0x5150] =	vst v0  }
0x2b: {  	[tilespmem:$0x5160] =	vst v0  }
0x2c: {  	[tilespmem:$0x5170] =	vst v0  }
0x2d: {  	[tilespmem:$0x5180] =	vst v0  }
0x2e: {  	[tilespmem:$0x5190] =	vst v0  }
0x2f: {  	[tilespmem:$0x51A0] =	vst v0  }
0x30: {  	[tilespmem:$0x51B0] =	vst v0  }
0x31: {  	[tilespmem:$0x51C0] =	vst v0  }
0x32: {  	[tilespmem:$0x51D0] =	vst v0  }
0x33: {  	[tilespmem:$0x51E0] =	vst v0  }
0x34: {  	[tilespmem:$0x51F0] =	vst v0  }
0x35: {  	[tilespmem:$0x5200] =	vst v0  }
0x36: {  	[tilespmem:$0x5210] =	vst v0  }
0x37: {  	[tilespmem:$0x5220] =	vst v0  }
0x38: {  	[tilespmem:$0x5230] =	vst v0  }
0x39: {  	[tilespmem:$0x5240] =	vst v0  }
0x3a: {  	[tilespmem:$0x5250] =	vst v0  }
0x3b: {  	[tilespmem:$0x5260] =	vst v0  }
0x3c: {  	s18 =	simm.s32 $0x0;
	s17 =	simm.s32 $0x40;
	[tilespmem:$0x5270] =	vst v0  }
.LBB2_2:
0x3d: {  	p2 =	sne.s32 s17, $0x9BC0;
	[tilespmem:s18+$0x2900] =	vst v1;
	s18 =	smov.u32 s17;
	s17 =	sadd.s32 $0x40, s17  }
.Ltmp0:
0x3e: {  	(pc) =	sbr.rel @p2 .LBB2_2-.Ltmp0, $2  }
0x3f: {  	_ =	sdelay $0x2  }
0x40: {  	s18 =	sshra.s32 s18, $0x2  }
0x41: {  	[tilespmem:s18+$0x2900] =	vst v1  }
0x42: {  	[spmem:s6] =	stream.linear.scatter [tilespmem:s11], [sflag:$0x2], $0x270, $0x38;
	[tilespmem:$0x54F8] =	vst v63  }
0x43: {  	_ =	swait.ge [sflag:s12], $0x270  }
0x44: {  	[sflag:s12] =	ssyncset.done $0x0  }
0x45: {  	s17 =	simm.s32 @!p1 $0x5000;
	s18 =	simm.s32 @!p1 $0x2;
	[sflag:s12] =	ssyncadd.s32 $0xFFFFFD90  }
0x46: {  	[spmem:s7] =	stream.linear.scatter @!p1 [tilespmem:s17], [sflag:$0x2], $0x10, $0x38;
	[tilespmem:$0x54F8] =	vst v63  }
0x47: {  	_ =	swait.ge @!p1 [sflag:s18], $0x10  }
0x48: {  	[sflag:s18] =	ssyncset.done @!p1 $0x0  }
0x49: {  	[sflag:s18] =	ssyncadd.s32 @!p1 $0xFFFFFFF0  }
0x4a: {  	[bflag:$0x0] =	sbarrier.arrive $0xFFFF  }
0x4b: {  	_ =	swait.ge [sflag:s13], $0x2700  }
0x4c: {  	[sflag:s13] =	ssyncset.done $0x0  }
0x4d: {  	[sflag:s13] =	ssyncadd.s32 $0xFFFFD900  }
0x4e: {  	[spmem:s2] =	stream.indirect.scatter.add.f32 [tilespmem:s15], [sflag:$0x2], $0x1, s3, s14, $0xb8;
	[tilespmem:$0x54F8] =	vst v63  }
0x4f: {  	_ =	swait.ge [sflag:s12], $0x2700  }
0x50: {  	s19 =	simm.s32 @!p0 $0x200;
	[sflag:s12] =	ssyncset.done $0x0  }
0x51: {  	s20 =	simm.s32 @!p0 $0x2700;
	s21 =	simm.s32 @!p0 $0x2900;
	[sflag:s12] =	ssyncadd.s32 $0xFFFFD900  }
0x52: {  	[spmem:s2] =	stream.indirect.scatter.add.f32 @!p0 [tilespmem:s21], [sflag:$0x2], $0x1, s20, s19, $0xb8;
	[tilespmem:$0x54F8] =	vst v63  }
0x53: {  	s19 =	simm.s32 @!p0 $0x2  }
0x54: {  	_ =	swait.ge @!p0 [sflag:s19], $0x200  }
0x55: {  	[sflag:s19] =	ssyncset.done @!p0 $0x0  }
0x56: {  	[sflag:s19] =	ssyncadd.s32 @!p0 $0xFFFFFE00  }
0x57: {  	[bflag:$0x0] =	sbarrier.arrive $0xFFFF  }
0x58: {  	[tilespmem:s11], [sflag:$0x2] =	stream.linear.gather [spmem:s6], $0x270, $0x38;
	[tilespmem:$0x54F8] =	vst v63  }
0x59: {  	_ =	swait.ge [sflag:s12], $0x270  }
0x5a: {  	[sflag:s12] =	ssyncset.done $0x0  }
0x5b: {  	[sflag:s12] =	ssyncadd.s32 $0xFFFFFD90  }
0x5c: {  	[hbm4b:s8+s3] =	stream.linear.scatter [tilespmem:s11], [sflag:$0x2], $0x270, $0x38;
	[tilespmem:$0x54F8] =	vst v63  }
0x5d: {  	_ =	swait.ge [sflag:s12], $0x270  }
0x5e: {  	[sflag:s12] =	ssyncset.done $0x0  }
0x5f: {  	[sflag:s12] =	ssyncadd.s32 $0xFFFFFD90  }
0x60: {  	[tilespmem:s17], [sflag:$0x2] =	stream.linear.gather @!p1 [spmem:s7], $0x10, $0x38;
	[tilespmem:$0x54F8] =	vst v63  }
0x61: {  	s16 =	sadd.s32 $0x1, s16;
	_ =	swait.ge @!p1 [sflag:s18], $0x10  }
0x62: {  	p2 =	sne.s32 s16, s10;
	[sflag:s18] =	ssyncset.done @!p1 $0x0  }
.Ltmp1:
0x63: {  	s19 =	simm.s32 @!p1 $0x0;
	[sflag:s18] =	ssyncadd.s32 @!p1 $0xFFFFFFF0;
	(pc) =	sbr.rel @p2 .LBB2_1-.Ltmp1, $4  }
0x64: {  	[hbm4b:s9+s19] =	stream.linear.scatter @!p1 [tilespmem:s17], [sflag:$0x2], $0x10, $0x38;
	[tilespmem:$0x54F8] =	vst v63  }
0x65: {  	_ =	swait.ge @!p1 [sflag:s18], $0x10  }
0x66: {  	[sflag:s18] =	ssyncset.done @!p1 $0x0  }
0x67: {  	[sflag:s18] =	ssyncadd.s32 @!p1 $0xFFFFFFF0  }
0x68: {  	_ =	sfence.sel $0x180000  }
0x69: {  	[bflag:$0x0] =	sbarrier.arrive $0xFFFF  }
0x6a: {  	p0 =	sne.s32 s1, $0x0;
	_ =	strace $0x90000047  }
0x6b: {  	s0 =	sadd.s32 @!p0 $0x100000, s0;
	[bflag:$0x2] =	sbarrier.arrive $0xFFFF  }
0x6c: {  	[sflag:s0] =	ssyncadd.tile.s32 @!p0 $0x1;
	_ =	shalt  }
.Lfunc_end2:
_tile_overlayer_lowered:
.L_overlay_start_2:
0x6d: {  	(tag) =	ssettag $0x2  }
0x6e: {  	s0 =	rddreg [dreg:$0x0];
	s2 =	stileid.u32  }
0x6f: {  	s1 =	rddreg [dreg:$0x1];
	p0 =	sne.s32 s2, $0x0  }
0x70: {  	s3 =	rddreg [dreg:$0x2];
	[bflag:$0x3] =	sbarrier.arrive $0xFFFF;
	s2 =	simm.s32 @!p0 $0x1C02  }
0x71: {  	[timem:s3], [sflag:s2] =	dma.local @!p0 [hbm:s0], s1  }
0x72: {  	s0 =	simm.s32 @!p0 $0x2  }
0x73: {  	_ =	swait.ge @!p0 [sflag:s0], s1  }
0x74: {  	s1 =	ssub.s32 @!p0 $0x0, s1;
	[sflag:s0] =	ssyncset.done @!p0 $0x0  }
0x75: {  	[sflag:s0] =	ssyncadd.s32 @!p0 s1  }
0x76: {  	[bflag:$0x3] =	sbarrier.arrive $0xFFFF  }
0x77: {  	_ =	shalt  }

// kernel: kernel.13.cloned.1.call-start
scs
__scs_entry_jumppad:
0x0: {  	(pc) =	sbr.rel $0x88, $3  }
0x1: {  	(tag) =	ssettag $0x0;
	lr =	simm.s32 $0x1  }
0x2: {  	[smem:$0x3F95] =	sst lr;
	_ =	strace $0xD0000000  }
0x3: {  	_ = 	snop  }
0x4: {  	_ = 	snop  }
0x5: {  	_ = 	snop  }
0x6: {  	_ = 	snop  }
0x7: {  	_ = 	snop  }
__scs_overlays_trampoline_lowered:
0x8: {  	[smem:$0x3FA4] =	sst s0  }
0x9: {  	[smem:$0x3FA5] =	sst s1  }
0xa: {  	[smem:$0x3FA6] =	sst s2  }
0xb: {  	[smem:$0x3FA7] =	sst s3  }
0xc: {  	[smem:$0x3FA8] =	sst s4  }
0xd: {  	[smem:$0x3FA9] =	sst s5  }
0xe: {  	[smem:$0x3FAA] =	sst s6  }
0xf: {  	[smem:$0x3FAB] =	sst s7  }
0x10: {  	[smem:$0x3FAC] =	sst s8  }
0x11: {  	[smem:$0x3FAD] =	sst s9;
	s0 =	simm.s32 @!p0 $0x0  }
0x12: {  	s1 =	sld [smem:$0x3F93];
	s0 =	simm.s32 @p0 $0x1  }
0x13: {  	[smem:$0x3FAE] =	sst s0;
	s0 =	simm.s32 @!p1 $0x0  }
0x14: {  	s2 =	sld [smem:$0x3F92];
	s0 =	simm.s32 @p1 $0x1  }
0x15: {  	[smem:$0x3FAF] =	sst s0;
	s0 =	simm.s32 @!p2 $0x0  }
0x16: {  	s3 =	sld [smem:$0x3FDB];
	s0 =	simm.s32 @p2 $0x1  }
0x17: {  	s4 =	simm.s32 $0x1BF5;
	[smem:$0x3FB1] =	sst s0  }
0x18: {  	s0 =	sld [smem:$0x3F94];
	_ =	swait.ge [sflag:s4], $0x0  }
0x19: {  	s7 =	sld [smem:$0x3F95]  }
0x1a: {  	s8 =	sadd.s32 $0xFFFFE003, lr  }
0x1b: {  	s9 =	sadd.s32 $0xFFFFFEF7, lr;
	s5 =	simm.s32 $0xFFFFFFFF;
	p2 =	slt.u32 s8, $0xFFFFF086  }
0x1c: {  	p1 =	slt.u32 s9, $0xF7A;
	s5 =	simm.s32 @!p2 $0x0  }
0x1d: {  	s5 =	simm.s32 @p1 $0x1;
	p0 =	seq.s32 s7, s2  }
0x1e: {  	s7 =	smul.u32 @!p0 $0xF7A, s2;
	p2 =	seq.s32 @!p0 s5, $0x0  }
0x1f: {  	s9 =	smul.u32 $0xF7A, s1;
	s8 =	simm.s32 @!p0 $0x1BF5;
	p2 =	por !p2, p0  }
0x20: {  	[sflag:s8] =	ssyncset.s32 @!p0 $0xFFFFF086;
	s6 =	sadd.s32 @!p0 s3, s7;
	s7 =	simm.s32 @!p0 $0x108  }
0x21: {  	s3 =	sadd.s32 s3, s9;
	s6 =	sadd.s32 @!p0 $0x88, s6;
	s7 =	simm.s32 @p2 $0x1082  }
0x22: {  	[simem:s7], [sflag:s8] =	dma.local @!p0 [hbm:s6], $0xF7A  }
0x23: {  	s9 =	sor.u32 $0xD0000000, s2;
	s6 =	simm.s32 $0x108;
	_ =	swait.ge @!p0 [sflag:s8], $0x0  }
0x24: {  	s3 =	sadd.s32 $0x88, s3;
	s6 =	simm.s32 @!p1 $0x1082;
	[sflag:s4] =	ssyncset.s32 $0xFFFFF086  }
0x25: {  	[simem:s6], [sflag:s4] =	dma.local [hbm:s3], $0xF7A  }
0x26: {  	[smem:$0x3F95] =	sst s1;
	(tag) =	ssettag s2;
	_ =	strace s9  }
0x27: {  	s1 =	sld [smem:$0x3FA5]  }
0x28: {  	s2 =	sld [smem:$0x3FA6]  }
0x29: {  	s4 =	sld [smem:$0x3FA8]  }
0x2a: {  	p0 =	seq.s32 s5, $0x0;
	s5 =	sld [smem:$0x3FA9]  }
0x2b: {  	s6 =	sld [smem:$0x3FAA]  }
0x2c: {  	s7 =	sld [smem:$0x3FAB]  }
0x2d: {  	s3 =	simm.s32 $0x108;
	s8 =	sld [smem:$0x3FAC]  }
0x2e: {  	s3 =	simm.s32 @!p0 $0x1082;
	s9 =	sld [smem:$0x3FAD]  }
0x2f: {  	lr =	sadd.s32 s0, s3;
	s0 =	sld [smem:$0x3FA4]  }
0x30: {  	s3 =	sld [smem:$0x3FA7]  }
0x31: {  	[smem:$0x3FB0] =	sst s10  }
0x32: {  	s10 =	sld [smem:$0x3FAE];
	_ =	sdelay $0x3  }
0x33: {  	p0 =	seq.s32 s10, $0x1;
	s10 =	sld [smem:$0x3FB0];
	_ =	sdelay $0x3  }
0x34: {  	[smem:$0x3FB0] =	sst s10  }
0x35: {  	s10 =	sld [smem:$0x3FAF];
	_ =	sdelay $0x3  }
0x36: {  	p1 =	seq.s32 s10, $0x1;
	s10 =	sld [smem:$0x3FB0];
	_ =	sdelay $0x3  }
0x37: {  	[smem:$0x3FB0] =	sst s10  }
0x38: {  	s10 =	sld [smem:$0x3FB1]  }
0x39: {  	_ = 	snop;
	(pc) =	sbr.ind lr, $3  }
0x3a: {  	_ = 	snop  }
0x3b: {  	_ = 	snop  }
0x3c: {  	p2 =	seq.s32 s10, $0x1;
	s10 =	sld [smem:$0x3FB0]  }
0x3d: {  	_ =	shalt  }
0x3e: {  	_ =	shalt  }
0x3f: {  	_ =	shalt  }
0x40: {  	_ =	shalt  }
0x41: {  	_ =	shalt  }
0x42: {  	_ =	shalt  }
0x43: {  	_ =	shalt  }
0x44: {  	_ =	shalt  }
0x45: {  	_ =	shalt  }
0x46: {  	_ =	shalt  }
0x47: {  	_ =	shalt  }
0x48: {  	_ =	shalt  }
0x49: {  	_ =	shalt  }
0x4a: {  	_ =	shalt  }
0x4b: {  	_ =	shalt  }
0x4c: {  	_ =	shalt  }
0x4d: {  	_ =	shalt  }
0x4e: {  	_ =	shalt  }
0x4f: {  	_ =	shalt  }
0x50: {  	_ =	shalt  }
0x51: {  	_ =	shalt  }
0x52: {  	_ =	shalt  }
0x53: {  	_ =	shalt  }
0x54: {  	_ =	shalt  }
0x55: {  	_ =	shalt  }
0x56: {  	_ =	shalt  }
0x57: {  	_ =	shalt  }
0x58: {  	_ =	shalt  }
0x59: {  	_ =	shalt  }
0x5a: {  	_ =	shalt  }
0x5b: {  	_ =	shalt  }
0x5c: {  	_ =	shalt  }
0x5d: {  	_ =	shalt  }
0x5e: {  	_ =	shalt  }
0x5f: {  	_ =	shalt  }
0x60: {  	_ =	shalt  }
0x61: {  	_ =	shalt  }
0x62: {  	_ =	shalt  }
0x63: {  	_ =	shalt  }
0x64: {  	_ =	shalt  }
0x65: {  	_ =	shalt  }
0x66: {  	_ =	shalt  }
0x67: {  	_ =	shalt  }
0x68: {  	_ =	shalt  }
0x69: {  	_ =	shalt  }
0x6a: {  	_ =	shalt  }
0x6b: {  	_ =	shalt  }
0x6c: {  	_ =	shalt  }
0x6d: {  	_ =	shalt  }
0x6e: {  	_ =	shalt  }
0x6f: {  	_ =	shalt  }
0x70: {  	_ =	shalt  }
0x71: {  	_ =	shalt  }
0x72: {  	_ =	shalt  }
0x73: {  	_ =	shalt  }
0x74: {  	_ =	shalt  }
0x75: {  	_ =	shalt  }
0x76: {  	_ =	shalt  }
0x77: {  	_ =	shalt  }
0x78: {  	_ =	shalt  }
0x79: {  	_ =	shalt  }
0x7a: {  	_ =	shalt  }
0x7b: {  	_ =	shalt  }
0x7c: {  	_ =	shalt  }
0x7d: {  	_ =	shalt  }
0x7e: {  	_ =	shalt  }
0x7f: {  	_ =	shalt  }
0x80: {  	_ =	shalt  }
0x81: {  	_ =	shalt  }
0x82: {  	_ =	shalt  }
0x83: {  	_ =	shalt  }
0x84: {  	_ =	shalt  }
0x85: {  	_ =	shalt  }
0x86: {  	_ =	shalt  }
0x87: {  	_ =	shalt  }
.Lfunc_end0:
.L_simem_size_0:
called_computation.1_lowered:
.L_overlay_start_0:
0x88: {  	s2 =	sld [smem:$0x3FD9]  }
0x89: {  	s3 =	sld [smem:$0x3FFE];
	_ =	sdelay $0x1  }
0x8a: {  	s1 =	srdreg.scid  }
0x8b: {  	s0 =	sand.u32 $0x1, s1  }
0x8c: {  	s17 =	sshll.u32 s0, $0xA;
	s2 =	sadd.s32 s3, s2  }
0x8d: {  	s2 =	sadd.s32 s2, s17  }
0x8e: {  	[smem:$0x3FBC] =	sst s2  }
0x8f: {  	_ = 	snop  }
0x90: {  	s2 =	sld [smem:$0x3FD0];
	(tm) =	ssettm $0x1  }
0x91: {  	s18 =	sld [smem:$0x3FFB];
	_ =	sdelay $0x3  }
0x92: {  	_ =	strace s18  }
0x93: {  	s3 =	sld [smem:$0x3FFC];
	_ =	sdelay $0x3  }
0x94: {  	_ =	strace s3  }
0x95: {  	s3 =	sld [smem:$0x3FFD];
	_ =	sdelay $0x3  }
0x96: {  	_ =	strace s3  }
0x97: {  	_ =	strace $0x8FFFFFFF  }
0x98: {  	s19 =	sld [smem:$0x3FDB];
	_ =	sdelay $0x1  }
0x99: {  	s4 =	simm.s32 $_scs_section_size  }
0x9a: {  	s5 =	simm.s32 $_size__tile_overlayer_lowered;
	s6 =	simm.s32 $_tile_overlayer_lowered  }
0x9b: {  	s22 =	simm.s32 $0x1BFF;
	s21 =	sshll.u32 s6, $0x1;
	s3 =	sadd.s32 s4, s19  }
0x9c: {  	s7 =	simm.s32 $0x0;
	s20 =	sshll.u32 s5, $0x1;
	s5 =	sadd.s32 s21, s3  }
0x9d: {  	[timem:s7], [sflag:s22] =	dma.local [hbm:s5], s20  }
0x9e: {  	_ =	swait.ge [sflag:s22], s20  }
0x9f: {  	s4 =	ssub.s32 $0x0, s20;
	[sflag:s22] =	ssyncset.done $0x0  }
0xa0: {  	[sflag:s22] =	ssyncadd.s32 s4;
	_ =	sdelay $0x1  }
0xa1: {  	s23 =	simm.s32 $0x1B8B  }
0xa2: {  	_ =	swait.ge [sflag:s23], $0x1  }
0xa3: {  	[sflag:s23] =	ssyncset.done $0x0  }
0xa4: {  	s25 =	simm.s32 $0x1B8E;
	s24 =	sld [smem:$0x3FFE];
	[sflag:s23] =	ssyncadd.s32 $0xFFFFFFFF  }
0xa5: {  	s26 =	simm.s32 $execute0_lowered;
	[smem:$0x3FD2] =	sst s25  }
0xa6: {  	s5 =	sshll.u32 s26, $0x1;
	_ =	strace $0x80000049;
	[dreg:$0x1] =	wrdreg $0xFFFFFFFF  }
0xa7: {  	s28 =	simm.s32 $_size_execute0_lowered;
	s3 =	sadd.s32 s3, s5;
	[dreg:$0x0] =	wrdreg $0x0  }
0xa8: {  	s5 =	sshll.u32 s28, $0x1;
	[dreg:$0x2] =	wrdreg s3  }
0xa9: {  	[dreg:$0x3] =	wrdreg s5  }
0xaa: {  	[dreg:$0x4] =	wrdreg $0xC0  }
0xab: {  	_ =	task [dreg:s7], $0x5FFFF  }
0xac: {  	[dreg:$0x1] =	wrdreg $0xFFFFFFFF  }
0xad: {  	[dreg:$0x0] =	wrdreg $0x60  }
0xae: {  	[dreg:$0x2] =	wrdreg s24  }
0xaf: {  	[dreg:$0x3] =	wrdreg s2  }
0xb0: {  	[dreg:$0x4] =	wrdreg $0xC3000  }
0xb1: {  	[dreg:$0x5] =	wrdreg $0x9  }
0xb2: {  	_ =	task.clear_ibuf [dreg:s7], $0x6FFFF;
	_ =	strace $0x90000049  }
0xb3: {  	s29 =	simm.s32 $0x9;
	_ =	strace $0x8000004B  }
0xb4: {  	_ =	swait.ge [sflag:s29], $0x1  }
0xb5: {  	[sflag:s29] =	ssyncadd.s32 $0xFFFFFFFF  }
0xb6: {  	_ =	strace $0x9000004B  }
0xb7: {  	_ =	sfence  }
0xb8: {  	s30 =	sld [smem:$0x0];
	_ =	sdelay $0x2  }
0xb9: {  	s31 =	sshll.u32 s1, $0xD;
	s1 =	sshrl.u32 s1, $0x2  }
0xba: {  	s3 =	sand.u32 $0x4000, s31;
	s1 =	sadd.s32 s1, s30  }
0xbb: {  	s0 =	sor.u32 s3, s0;
	s1 =	sshll.u32 s1, $0x11  }
0xbc: {  	s0 =	sor.u32 s1, s0  }
0xbd: {  	s0 =	sadd.s32 $0x8F2B, s0  }
0xbe: {  	[sflag:s0] =	ssyncadd.remote.s32 $0x1  }
0xbf: {  	_ =	sfence.sel $0xFFFF  }
0xc0: {  	[dreg:$0x0] =	wrdreg $0xFFFFFFFF;
	(pc) =	sbr.abs _section_cstart, $3  }
0xc1: {  	[dreg:$0x1] =	wrdreg $0xFFFFFFFF  }
0xc2: {  	_ =	task.clear_ibuf [dreg:s7], $0x2FFFF;
	_ =	strace $0x9FFFFFFF  }
0xc3: {  	(tm) =	ssettm $0x7FFFFFFF  }
tec
execute0_lowered:
.L_overlay_start_1:
0x0: {  	(tag) =	ssettag $0x1  }
0x1: {  	s0 =	rddreg [dreg:$0x0];
	s2 =	srdreg.scid  }
0x2: {  	s1 =	rddreg [dreg:$0x1];
	s22 =	stileid.u32;
	s3 =	simm.s32 $0x0  }
0x3: {  	s28 =	simm.s32 $0x100;
	s4 =	sand.u32 $0x1, s2;
	s2 =	rddreg [dreg:$0x2]  }
0x4: {  	[smem:$0x7FF] =	sst s3;
	s8 =	smul.u32 $0x13800, s22;
	s9 =	sadd.s32 $0x3200, s0  }
0x5: {  	s12 =	sadd.s32 $0x34200, s0;
	s25 =	smul.u32 $0x4E, s22;
	s31 =	sadd.s32 $0xD000, s0  }
0x6: {  	p1 =	sne.s32 s22, $0xF;
	s5 =	sshll.u32 s4, $0x4;
	s11 =	smul.u32 $0x138800, s4  }
0x7: {  	_ =	strace $0x8000004A;
	s7 =	ssub.s32 $0x2, s4;
	s4 =	smul.u32 $0x4E0, s4  }
0x8: {  	s5 =	sor.u32 s22, s5;
	s10 =	sshrl.u32 s7, $0x1;
	s13 =	sadd.s32 $0x3400, s8  }
0x9: {  	s14 =	sadd.s32 $0x6800, s8;
	s19 =	sadd.s32 $0x9C00, s8;
	s6 =	smul.u32 $0x4E0, s5  }
0xa: {  	s20 =	sadd.s32 $0xD000, s8;
	s7 =	ssub.s32 s7, s10;
	s10 =	smul.u32 $0x2700, s5  }
0xb: {  	s15 =	sadd.s32 s8, s11;
	s8 =	sadd.s32 $0x10400, s8;
	s26 =	sadd.s32 s11, s13  }
0xc: {  	s16 =	sadd.s32 s11, s14;
	s17 =	sadd.s32 s11, s19;
	s23 =	sadd.s32 s11, s20  }
0xd: {  	s4 =	sadd.s32 s25, s4;
	p0 =	sne.s32 s5, $0x1F;
	s19 =	sadd.s32 s19, s2  }
0xe: {  	s20 =	sadd.s32 s20, s2;
	s15 =	sshrl.u32 s15, $0x3;
	s16 =	sshrl.u32 s16, $0x3  }
0xf: {  	s18 =	sshrl.u32 s17, $0x3;
	s24 =	sadd.s32 s11, s8;
	s11 =	sshrl.u32 s11, $0x3  }
0x10: {  	s15 =	sadd.s32 s12, s15;
	s21 =	sadd.s32 s12, s18;
	s11 =	sadd.s32 s12, s11  }
0x11: {  	s10 =	sshrl.u32 s10, $0x3;
	s18 =	smul.u32 $0x4E000, s22;
	[dreg:$0x4] =	wrdreg s15  }
0x12: {  	s15 =	sshrl.u32 s26, $0x3;
	[dreg:$0x7] =	wrdreg s21;
	s11 =	sadd.s32 $0x27000, s11  }
0x13: {  	s21 =	sadd.s32 $0x20, s10;
	s15 =	sadd.s32 s12, s15;
	[dreg:$0x12] =	wrdreg s11  }
0x14: {  	s4 =	sshll.u32 s4, $0x4;
	s25 =	sadd.s32 s1, s21;
	[dreg:$0x5] =	wrdreg s15  }
0x15: {  	s5 =	sshrl.u32 s18, $0x2;
	s18 =	sadd.s32 $0xCE00, s0;
	[dreg:$0xe] =	wrdreg s25  }
0x16: {  	s17 =	sor.u32 $0x10, s6;
	s15 =	sadd.s32 s12, s16;
	[dreg:$0x18] =	wrdreg s18  }
0x17: {  	s16 =	sshrl.u32 s24, $0x3;
	s24 =	sadd.s32 s9, s17;
	[dreg:$0x6] =	wrdreg s15  }
0x18: {  	s10 =	sadd.s32 $0x40, s4;
	s26 =	sadd.s32 s12, s16;
	[dreg:$0xd] =	wrdreg s24  }
0x19: {  	s11 =	simm.s32 $0x7;
	s16 =	sadd.s32 s1, s6;
	[dreg:$0x9] =	wrdreg s26  }
0x1a: {  	s25 =	sadd.s32 s10, s9;
	s6 =	sadd.s32 s9, s6;
	[dreg:$0xa] =	wrdreg s16  }
0x1b: {  	s15 =	sshrl.u32 s23, $0x3;
	s23 =	sadd.s32 s1, s17;
	[dreg:$0xb] =	wrdreg s6  }
0x1c: {  	s17 =	sadd.s32 s5, s2;
	s15 =	sadd.s32 s12, s15;
	[dreg:$0xc] =	wrdreg s23  }
0x1d: {  	s24 =	sadd.s32 s10, s1;
	s6 =	sadd.s32 s9, s21;
	[dreg:$0x8] =	wrdreg s15  }
0x1e: {  	s10 =	simm.s32 $0x3;
	s26 =	sadd.s32 s13, s2;
	[dreg:$0xf] =	wrdreg s6  }
0x1f: {  	s21 =	sadd.s32 s8, s2;
	s12 =	smax.u32 s7, $0x1;
	[dreg:$0x10] =	wrdreg s26  }
0x20: {  	s13 =	sadd.s32 s4, s9;
	s16 =	sadd.s32 $0x9C20, s1;
	[dreg:$0x13] =	wrdreg s12  }
0x21: {  	s4 =	sadd.s32 s4, s1;
	s23 =	sadd.s32 $0xCE10, s0;
	[dreg:$0x16] =	wrdreg s16  }
0x22: {  	s8 =	simm.s32 $0x8300;
	s6 =	sadd.s32 s14, s2;
	[dreg:$0x19] =	wrdreg s23  }
0x23: {  	s9 =	simm.s32 $0xA;
	s14 =	sadd.s32 $0x9C00, s1;
	[dreg:$0x11] =	wrdreg s6  }
0x24: {  	s15 =	sadd.s32 $0x9C10, s1;
	s1 =	sadd.s32 $0x9C30, s1;
	[dreg:$0x14] =	wrdreg s14  }
0x25: {  	s26 =	sadd.s32 $0xCE20, s0;
	s0 =	sadd.s32 $0xCE30, s0;
	[dreg:$0x15] =	wrdreg s15  }
.Ltmp0:
0x26: {  	s29 =	sadd.s32 $0x30, s4;
	[dreg:$0x17] =	wrdreg s1;
	(pc) =	sbr.rel .LBB2_1-.Ltmp0, $4  }
0x27: {  	s30 =	sadd.s32 $0x30, s13;
	s4 =	simm.s32 $0x280;
	[dreg:$0x1a] =	wrdreg s26  }
0x28: {  	s12 =	simm.s32 $0x4;
	s13 =	simm.s32 $0x9;
	[dreg:$0x1b] =	wrdreg s0  }
0x29: {  	s0 =	sadd.s32 $0x138000, s2;
	s1 =	simm.s32 $0x180;
	s26 =	simm.s32 $0x80  }
0x2a: {  	v0 =	vimm.f32 $0.0e+00;
	s6 =	simm.s32 $0x300;
	s14 =	simm.s32 $0x6;
	s15 =	simm.s32 $0x0  }
.LBB2_8:
0x2b: {  	[bflag:$0x0] =	sbarrier.arrive $0xFFFF  }
0x2c: {  	[tilespmem:s6], [sflag:$0xA] =	stream.linear.gather [spmem:s17], $0x3400, $0x38;
	[tilespmem:$0x1FB80] =	vst v63  }
0x2d: {  	_ =	swait.ge [sflag:s9], $0x3400  }
0x2e: {  	[sflag:s9] =	ssyncset.done $0x0  }
0x2f: {  	s5 =	rddreg [dreg:$0x4];
	[sflag:s9] =	ssyncadd.s32 $0xFFFFCC00  }
0x30: {  	[hbm4b:s5+s3] =	stream.linear.scatter [tilespmem:s6], [sflag:$0xA], $0x3400, $0x38;
	[tilespmem:$0x1FB80] =	vst v63  }
0x31: {  	_ =	swait.ge [sflag:s9], $0x3400  }
0x32: {  	[sflag:s9] =	ssyncset.done $0x0  }
0x33: {  	s18 =	rddreg [dreg:$0x10];
	[sflag:s9] =	ssyncadd.s32 $0xFFFFCC00  }
0x34: {  	[tilespmem:s6], [sflag:$0xA] =	stream.linear.gather [spmem:s18], $0x3400, $0x38;
	[tilespmem:$0x1FB80] =	vst v63  }
0x35: {  	_ =	swait.ge [sflag:s9], $0x3400  }
0x36: {  	[sflag:s9] =	ssyncset.done $0x0  }
0x37: {  	s22 =	rddreg [dreg:$0x5];
	[sflag:s9] =	ssyncadd.s32 $0xFFFFCC00  }
0x38: {  	[hbm4b:s22+s3] =	stream.linear.scatter [tilespmem:s6], [sflag:$0xA], $0x3400, $0x38;
	[tilespmem:$0x1FB80] =	vst v63  }
0x39: {  	_ =	swait.ge [sflag:s9], $0x3400  }
0x3a: {  	[sflag:s9] =	ssyncset.done $0x0  }
0x3b: {  	s23 =	rddreg [dreg:$0x11];
	[sflag:s9] =	ssyncadd.s32 $0xFFFFCC00  }
0x3c: {  	[tilespmem:s6], [sflag:$0xA] =	stream.linear.gather [spmem:s23], $0x3400, $0x38;
	[tilespmem:$0x1FB80] =	vst v63  }
0x3d: {  	_ =	swait.ge [sflag:s9], $0x3400  }
0x3e: {  	[sflag:s9] =	ssyncset.done $0x0  }
0x3f: {  	s7 =	rddreg [dreg:$0x6];
	[sflag:s9] =	ssyncadd.s32 $0xFFFFCC00  }
0x40: {  	[hbm4b:s7+s3] =	stream.linear.scatter [tilespmem:s6], [sflag:$0xA], $0x3400, $0x38;
	[tilespmem:$0x1FB80] =	vst v63  }
0x41: {  	_ =	swait.ge [sflag:s9], $0x3400  }
0x42: {  	[sflag:s9] =	ssyncset.done $0x0  }
0x43: {  	[sflag:s9] =	ssyncadd.s32 $0xFFFFCC00  }
0x44: {  	[tilespmem:s6], [sflag:$0xA] =	stream.linear.gather [spmem:s19], $0x3400, $0x38;
	[tilespmem:$0x1FB80] =	vst v63  }
0x45: {  	_ =	swait.ge [sflag:s9], $0x3400  }
0x46: {  	[sflag:s9] =	ssyncset.done $0x0  }
0x47: {  	s16 =	rddreg [dreg:$0x7];
	[sflag:s9] =	ssyncadd.s32 $0xFFFFCC00  }
0x48: {  	[hbm4b:s16+s3] =	stream.linear.scatter [tilespmem:s6], [sflag:$0xA], $0x3400, $0x38;
	[tilespmem:$0x1FB80] =	vst v63  }
0x49: {  	_ =	swait.ge [sflag:s9], $0x3400  }
0x4a: {  	[sflag:s9] =	ssyncset.done $0x0  }
0x4b: {  	[sflag:s9] =	ssyncadd.s32 $0xFFFFCC00  }
0x4c: {  	[tilespmem:s6], [sflag:$0xA] =	stream.linear.gather [spmem:s20], $0x3400, $0x38;
	[tilespmem:$0x1FB80] =	vst v63  }
0x4d: {  	_ =	swait.ge [sflag:s9], $0x3400  }
0x4e: {  	[sflag:s9] =	ssyncset.done $0x0  }
0x4f: {  	s18 =	rddreg [dreg:$0x8];
	[sflag:s9] =	ssyncadd.s32 $0xFFFFCC00  }
0x50: {  	[hbm4b:s18+s3] =	stream.linear.scatter [tilespmem:s6], [sflag:$0xA], $0x3400, $0x38;
	[tilespmem:$0x1FB80] =	vst v63  }
0x51: {  	_ =	swait.ge [sflag:s9], $0x3400  }
0x52: {  	[sflag:s9] =	ssyncset.done $0x0  }
0x53: {  	[sflag:s9] =	ssyncadd.s32 $0xFFFFCC00  }
0x54: {  	[tilespmem:s6], [sflag:$0xA] =	stream.linear.gather [spmem:s21], $0x3400, $0x38;
	[tilespmem:$0x1FB80] =	vst v63  }
0x55: {  	_ =	swait.ge [sflag:s9], $0x3400  }
0x56: {  	[sflag:s9] =	ssyncset.done $0x0  }
0x57: {  	s22 =	rddreg [dreg:$0x9];
	[sflag:s9] =	ssyncadd.s32 $0xFFFFCC00  }
0x58: {  	[hbm4b:s22+s3] =	stream.linear.scatter [tilespmem:s6], [sflag:$0xA], $0x3400, $0x38;
	[tilespmem:$0x1FB80] =	vst v63  }
0x59: {  	_ =	swait.ge [sflag:s9], $0x3400  }
0x5a: {  	[sflag:s9] =	ssyncset.done $0x0  }
0x5b: {  	s5 =	simm.s32 @!p1 $0x4300;
	s7 =	simm.s32 @!p1 $0xA;
	[sflag:s9] =	ssyncadd.s32 $0xFFFFCC00  }
0x5c: {  	[tilespmem:s5], [sflag:$0xA] =	stream.linear.gather @!p1 [spmem:s0], $0x800, $0x38;
	[tilespmem:$0x1FB80] =	vst v63  }
0x5d: {  	_ =	swait.ge @!p1 [sflag:s7], $0x800  }
0x5e: {  	[sflag:s7] =	ssyncset.done @!p1 $0x0  }
0x5f: {  	s16 =	simm.s32 @!p1 $0x0;
	s18 =	rddreg [dreg:$0x12];
	[sflag:s7] =	ssyncadd.s32 @!p1 $0xFFFFF800  }
0x60: {  	[hbm4b:s18+s16] =	stream.linear.scatter @!p1 [tilespmem:s5], [sflag:$0xA], $0x800, $0x38;
	[tilespmem:$0x1FB80] =	vst v63  }
0x61: {  	_ =	swait.ge @!p1 [sflag:s7], $0x800  }
0x62: {  	s15 =	sadd.s32 $0x1, s15;
	s23 =	rddreg [dreg:$0x13]  }
0x63: {  	p2 =	sne.s32 s15, s23  }
.Ltmp1:
0x64: {  	_ = 	snop;
	(pc) =	sbr.rel @!p2 .LBB2_9-.Ltmp1, $3  }
0x65: {  	_ =	sdelay $0x1  }
0x66: {  	[sflag:s7] =	ssyncset.done @!p1 $0x0  }
0x67: {  	[sflag:s7] =	ssyncadd.s32 @!p1 $0xFFFFF800  }
.LBB2_1:
0x68: {  	s5 =	rddreg [dreg:$0xa]  }
0x69: {  	[tilespmem:s3], [sflag:$0x1] =	stream.linear.gather [hbm4b:s5+s3], $0x80, $0x38;
	[tilespmem:$0x1FB80] =	vst v63  }
0x6a: {  	s18 =	rddreg [dreg:$0xb]  }
0x6b: {  	[tilespmem:s1], [sflag:$0x4] =	stream.linear.gather [hbm4b:s18+s3], $0x80, $0x38;
	[tilespmem:$0x1FB80] =	vst v63  }
0x6c: {  	s22 =	rddreg [dreg:$0xc]  }
0x6d: {  	[tilespmem:s26], [sflag:$0x2] =	stream.linear.gather [hbm4b:s22+s3], $0x80, $0x38;
	[tilespmem:$0x1FB80] =	vst v63  }
0x6e: {  	s23 =	rddreg [dreg:$0xd];
	s7 =	simm.s32 $0x200  }
0x6f: {  	[tilespmem:s7], [sflag:$0x5] =	stream.linear.gather [hbm4b:s23+s3], $0x80, $0x38;
	[tilespmem:$0x1FB80] =	vst v63  }
0x70: {  	s7 =	rddreg [dreg:$0xe]  }
0x71: {  	[tilespmem:s28], [sflag:$0x3] =	stream.linear.gather [hbm4b:s7+s3], $0x80, $0x38;
	[tilespmem:$0x1FB80] =	vst v63  }
0x72: {  	s16 =	rddreg [dreg:$0xf];
	s18 =	simm.s32 $0x1  }
0x73: {  	[tilespmem:s4], [sflag:$0x6] =	stream.linear.gather [hbm4b:s16+s3], $0x80, $0x38;
	[tilespmem:$0x1FB80] =	vst v63  }
0x74: {  	_ =	swait.ge [sflag:s18], $0x80  }
0x75: {  	[sflag:s18] =	ssyncset.done $0x0  }
0x76: {  	s22 =	simm.s32 $0x2;
	[sflag:s18] =	ssyncadd.s32 $0xFFFFFF80  }
0x77: {  	[tilespmem:s6], [sflag:$0x7] =	stream.indirect.gather [hbm4b:s31+s26], $0x80, s3, s26, $0xb8;
	[tilespmem:$0x1FB80] =	vst v63  }
0x78: {  	_ =	swait.ge [sflag:s22], $0x80  }
0x79: {  	[sflag:s22] =	ssyncset.done $0x0  }
0x7a: {  	s23 =	simm.s32 $0x4300;
	[sflag:s22] =	ssyncadd.s32 $0xFFFFFF80  }
0x7b: {  	[tilespmem:s23], [sflag:$0x8] =	stream.indirect.gather [hbm4b:s31+s26], $0x80, s26, s26, $0xb8;
	[tilespmem:$0x1FB80] =	vst v63  }
0x7c: {  	s22 =	simm.s32 $0x0;
	s23 =	simm.s32 $0x200  }
.LBB2_2:
0x7d: {  	p2 =	sne.s32 s23, $0xFE00;
	[tilespmem:s22+$0x8370] =	vst v0  }
0x7e: {  	[tilespmem:s22+$0x8300] =	vst v0  }
0x7f: {  	[tilespmem:s22+$0x8310] =	vst v0  }
.Ltmp2:
0x80: {  	[tilespmem:s22+$0x8320] =	vst v0;
	(pc) =	sbr.rel @p2 .LBB2_2-.Ltmp2, $4  }
0x81: {  	[tilespmem:s22+$0x8330] =	vst v0  }
0x82: {  	[tilespmem:s22+$0x8340] =	vst v0  }
0x83: {  	[tilespmem:s22+$0x8350] =	vst v0  }
0x84: {  	[tilespmem:s22+$0x8360] =	vst v0;
	s22 =	sshra.s32 s23, $0x2;
	s23 =	sadd.s32 $0x200, s23  }
0x85: {  	[tilespmem:s22+$0x8370] =	vst v0  }
0x86: {  	[tilespmem:s22+$0x8300] =	vst v0  }
0x87: {  	[tilespmem:s22+$0x8310] =	vst v0  }
0x88: {  	[tilespmem:s22+$0x8320] =	vst v0  }
0x89: {  	[tilespmem:s22+$0x8330] =	vst v0  }
0x8a: {  	[tilespmem:s22+$0x8340] =	vst v0  }
0x8b: {  	[tilespmem:s22+$0x8350] =	vst v0  }
0x8c: {  	[tilespmem:s22+$0x8360] =	vst v0  }
0x8d: {  	[spmem:s17] =	stream.linear.scatter [tilespmem:s8], [sflag:$0xA], $0x3400, $0x38;
	[tilespmem:$0x1FB80] =	vst v63  }
0x8e: {  	_ =	swait.ge [sflag:s9], $0x3400  }
0x8f: {  	[sflag:s9] =	ssyncset.done $0x0  }
0x90: {  	s5 =	rddreg [dreg:$0x10];
	[sflag:s9] =	ssyncadd.s32 $0xFFFFCC00  }
0x91: {  	[spmem:s5] =	stream.linear.scatter [tilespmem:s8], [sflag:$0xA], $0x3400, $0x38;
	[tilespmem:$0x1FB80] =	vst v63  }
0x92: {  	_ =	swait.ge [sflag:s9], $0x3400  }
0x93: {  	[sflag:s9] =	ssyncset.done $0x0  }
0x94: {  	s23 =	rddreg [dreg:$0x11];
	[sflag:s9] =	ssyncadd.s32 $0xFFFFCC00  }
0x95: {  	[spmem:s23] =	stream.linear.scatter [tilespmem:s8], [sflag:$0xA], $0x3400, $0x38;
	[tilespmem:$0x1FB80] =	vst v63  }
0x96: {  	_ =	swait.ge [sflag:s9], $0x3400  }
0x97: {  	[sflag:s9] =	ssyncset.done $0x0  }
0x98: {  	[sflag:s9] =	ssyncadd.s32 $0xFFFFCC00  }
0x99: {  	[spmem:s19] =	stream.linear.scatter [tilespmem:s8], [sflag:$0xA], $0x3400, $0x38;
	[tilespmem:$0x1FB80] =	vst v63  }
0x9a: {  	_ =	swait.ge [sflag:s9], $0x3400  }
0x9b: {  	[sflag:s9] =	ssyncset.done $0x0  }
0x9c: {  	[sflag:s9] =	ssyncadd.s32 $0xFFFFCC00  }
0x9d: {  	[spmem:s20] =	stream.linear.scatter [tilespmem:s8], [sflag:$0xA], $0x3400, $0x38;
	[tilespmem:$0x1FB80] =	vst v63  }
0x9e: {  	_ =	swait.ge [sflag:s9], $0x3400  }
0x9f: {  	[sflag:s9] =	ssyncset.done $0x0  }
0xa0: {  	[sflag:s9] =	ssyncadd.s32 $0xFFFFCC00  }
0xa1: {  	[spmem:s21] =	stream.linear.scatter [tilespmem:s8], [sflag:$0xA], $0x3400, $0x38;
	[tilespmem:$0x1FB80] =	vst v63  }
0xa2: {  	_ =	swait.ge [sflag:s9], $0x3400  }
0xa3: {  	[sflag:s9] =	ssyncset.done $0x0  }
0xa4: {  	s22 =	simm.s32 @!p1 $0x8300;
	[sflag:s9] =	ssyncadd.s32 $0xFFFFCC00  }
0xa5: {  	[spmem:s0] =	stream.linear.scatter @!p1 [tilespmem:s22], [sflag:$0xA], $0x800, $0x38;
	[tilespmem:$0x1FB80] =	vst v63  }
0xa6: {  	s22 =	simm.s32 @!p1 $0xA  }
0xa7: {  	_ =	swait.ge @!p1 [sflag:s22], $0x800  }
0xa8: {  	[sflag:s22] =	ssyncset.done @!p1 $0x0  }
0xa9: {  	[sflag:s22] =	ssyncadd.s32 @!p1 $0xFFFFF800  }
0xaa: {  	s18 =	smov.u32 s17;
	s22 =	simm.s32 $0x0;
	[bflag:$0x0] =	sbarrier.arrive $0xFFFF  }
.LBB2_4:
0xab: {  	_ =	swait.ge [sflag:s10], $0x80  }
0xac: {  	[sflag:s10] =	ssyncset.done $0x0  }
0xad: {  	[sflag:s10] =	ssyncadd.s32 $0xFFFFFF80  }
0xae: {  	[tilespmem:s8], [sflag:$0x9] =	stream.indirect.gather [hbm4b:s31+s26], $0x80, s28, s26, $0xb8;
	[tilespmem:$0x1FB80] =	vst v63  }
0xaf: {  	_ =	swait.ge [sflag:s11], $0x4000  }
0xb0: {  	[sflag:s11] =	ssyncset.done $0x0  }
0xb1: {  	[sflag:s11] =	ssyncadd.s32 $0xFFFFC000  }
0xb2: {  	_ =	swait.ge [sflag:s12], $0x80  }
0xb3: {  	[sflag:s12] =	ssyncset.done $0x0  }
0xb4: {  	[sflag:s12] =	ssyncadd.s32 $0xFFFFFF80  }
0xb5: {  	[spmem:s2] =	stream.indirect.scatter.add.f32 [tilespmem:s6], [sflag:$0xA], $0x80, s1, s26, $0xb8;
	[tilespmem:$0x1FB80] =	vst v63  }
0xb6: {  	_ =	swait.ge [sflag:s9], $0x4000  }
0xb7: {  	p2 =	seq.s32 s22, $0x4B0;
	[sflag:s9] =	ssyncset.done $0x0  }
0xb8: {  	s23 =	simm.s32 @p2 $0x8;
	[sflag:s9] =	ssyncadd.s32 $0xFFFFC000  }
0xb9: {  	_ =	swait.ge @p2 [sflag:s23], $0x4000  }
0xba: {  	[sflag:s23] =	ssyncset.done @p2 $0x0  }
0xbb: {  	[sflag:s23] =	ssyncadd.s32 @p2 $0xFFFFC000;
	s23 =	simm.s32 @p2 $0x5  }
0xbc: {  	_ =	swait.ge @p2 [sflag:s23], $0x80  }
0xbd: {  	s5 =	simm.s32 @p2 $0x200;
	[sflag:s23] =	ssyncset.done @p2 $0x0  }
0xbe: {  	s7 =	simm.s32 @p2 $0x4300;
	[sflag:s23] =	ssyncadd.s32 @p2 $0xFFFFFF80;
	s23 =	simm.s32 @p2 $0x80  }
0xbf: {  	[spmem:s2] =	stream.indirect.scatter.add.f32 @p2 [tilespmem:s7], [sflag:$0xA], $0x80, s5, s23, $0xb8;
	[tilespmem:$0x1FB80] =	vst v63  }
0xc0: {  	s5 =	simm.s32 @p2 $0xA  }
0xc1: {  	_ =	swait.ge @p2 [sflag:s5], $0x4000  }
0xc2: {  	[sflag:s5] =	ssyncset.done @p2 $0x0  }
0xc3: {  	s7 =	simm.s32 @!p2 $0x0;
	[sflag:s5] =	ssyncadd.s32 @p2 $0xFFFFC000;
	s5 =	sadd.s32 @!p2 s22, s29  }
0xc4: {  	[tilespmem:s7], [sflag:$0x1] =	stream.linear.gather @!p2 [hbm4b:s5+s7], $0x80, $0x38;
	[tilespmem:$0x1FB80] =	vst v63  }
0xc5: {  	s23 =	simm.s32 @!p2 $0x180;
	s5 =	sadd.s32 @!p2 s22, s30  }
0xc6: {  	[tilespmem:s23], [sflag:$0x4] =	stream.linear.gather @!p2 [hbm4b:s5+s7], $0x80, $0x38;
	[tilespmem:$0x1FB80] =	vst v63  }
0xc7: {  	s5 =	simm.s32 @!p2 $0x1  }
0xc8: {  	_ =	swait.ge @!p2 [sflag:s5], $0x80  }
0xc9: {  	[sflag:s5] =	ssyncset.done @!p2 $0x0  }
0xca: {  	s23 =	simm.s32 @!p2 $0x300;
	[sflag:s5] =	ssyncadd.s32 @!p2 $0xFFFFFF80;
	s5 =	simm.s32 @!p2 $0x80  }
0xcb: {  	[tilespmem:s23], [sflag:$0x7] =	stream.indirect.gather @!p2 [hbm4b:s31+s5], $0x80, s7, s5, $0xb8;
	[tilespmem:$0x1FB80] =	vst v63  }
0xcc: {  	s23 =	simm.s32 @!p2 $0x8  }
0xcd: {  	_ =	swait.ge @!p2 [sflag:s23], $0x4000  }
0xce: {  	[sflag:s23] =	ssyncset.done @!p2 $0x0  }
0xcf: {  	[sflag:s23] =	ssyncadd.s32 @!p2 $0xFFFFC000;
	s23 =	simm.s32 @!p2 $0x5  }
0xd0: {  	_ =	swait.ge @!p2 [sflag:s23], $0x80  }
0xd1: {  	s16 =	simm.s32 @!p2 $0x4300;
	[sflag:s23] =	ssyncset.done @!p2 $0x0  }
0xd2: {  	s17 =	simm.s32 @!p2 $0xA;
	[sflag:s23] =	ssyncadd.s32 @!p2 $0xFFFFFF80;
	s23 =	simm.s32 @!p2 $0x200  }
0xd3: {  	[spmem:s2] =	stream.indirect.scatter.add.f32 @!p2 [tilespmem:s16], [sflag:$0xA], $0x80, s23, s5, $0xb8;
	[tilespmem:$0x1FB80] =	vst v63  }
0xd4: {  	_ =	swait.ge @!p2 [sflag:s17], $0x4000  }
0xd5: {  	[sflag:s17] =	ssyncset.done @!p2 $0x0  }
0xd6: {  	[sflag:s17] =	ssyncadd.s32 @!p2 $0xFFFFC000;
	s17 =	sadd.s32 @!p2 s22, s24  }
0xd7: {  	[tilespmem:s5], [sflag:$0x2] =	stream.linear.gather @!p2 [hbm4b:s17+s7], $0x80, $0x38;
	[tilespmem:$0x1FB80] =	vst v63  }
0xd8: {  	s17 =	sadd.s32 @!p2 s22, s25  }
0xd9: {  	[tilespmem:s23], [sflag:$0x5] =	stream.linear.gather @!p2 [hbm4b:s17+s7], $0x80, $0x38;
	[tilespmem:$0x1FB80] =	vst v63  }
0xda: {  	s7 =	simm.s32 @!p2 $0x2  }
0xdb: {  	_ =	swait.ge @!p2 [sflag:s7], $0x80  }
0xdc: {  	[sflag:s7] =	ssyncset.done @!p2 $0x0  }
0xdd: {  	[sflag:s7] =	ssyncadd.s32 @!p2 $0xFFFFFF80  }
0xde: {  	[tilespmem:s16], [sflag:$0x8] =	stream.indirect.gather @!p2 [hbm4b:s31+s5], $0x80, s5, s5, $0xb8;
	[tilespmem:$0x1FB80] =	vst v63  }
0xdf: {  	_ =	swait.ge [sflag:s13], $0x4000  }
0xe0: {  	[sflag:s13] =	ssyncset.done $0x0  }
0xe1: {  	[sflag:s13] =	ssyncadd.s32 $0xFFFFC000  }
0xe2: {  	_ =	swait.ge [sflag:s14], $0x80  }
0xe3: {  	[sflag:s14] =	ssyncset.done $0x0  }
.Ltmp3:
0xe4: {  	[sflag:s14] =	ssyncadd.s32 $0xFFFFFF80;
	(pc) =	sbr.rel @p2 .LBB2_6-.Ltmp3, $4  }
0xe5: {  	[spmem:s2] =	stream.indirect.scatter.add.f32 [tilespmem:s8], [sflag:$0xA], $0x80, s4, s26, $0xb8;
	[tilespmem:$0x1FB80] =	vst v63  }
0xe6: {  	_ =	swait.ge [sflag:s9], $0x4000  }
0xe7: {  	[sflag:s9] =	ssyncset.done $0x0  }
0xe8: {  	[sflag:s9] =	ssyncadd.s32 $0xFFFFC000  }
.Ltmp4:
0xe9: {  	s5 =	sadd.s32 s22, s24;
	(pc) =	sbr.rel .LBB2_4-.Ltmp4, $4  }
0xea: {  	s23 =	sadd.s32 s22, s25;
	s5 =	sadd.s32 $0x10, s5  }
0xeb: {  	[tilespmem:s28], [sflag:$0x3] =	stream.linear.gather [hbm4b:s5+s3], $0x80, $0x38;
	[tilespmem:$0x1FB80] =	vst v63  }
0xec: {  	s22 =	sadd.s32 $0x30, s22;
	s5 =	sadd.s32 $0x10, s23  }
0xed: {  	[tilespmem:s4], [sflag:$0x6] =	stream.linear.gather [hbm4b:s5+s3], $0x80, $0x38;
	[tilespmem:$0x1FB80] =	vst v63  }
.LBB2_6:
.Ltmp5:
0xee: {  	(pc) =	sbr.rel @p0 .LBB2_8-.Ltmp5, $2  }
0xef: {  	_ =	sdelay $0x2  }
0xf0: {  	s17 =	smov.u32 s18  }
0xf1: {  	s5 =	rddreg [dreg:$0x14]  }
0xf2: {  	[tilespmem:s3], [sflag:$0xA] =	stream.linear.gather [hbm4b:s5+s3], $0x80, $0x38;
	[tilespmem:$0x1FB80] =	vst v63  }
0xf3: {  	_ =	swait.ge [sflag:s9], $0x80  }
0xf4: {  	[sflag:s9] =	ssyncset.done $0x0  }
0xf5: {  	s22 =	rddreg [dreg:$0x18];
	[sflag:s9] =	ssyncadd.s32 $0xFFFFFF80  }
0xf6: {  	[tilespmem:s1], [sflag:$0xA] =	stream.linear.gather [hbm4b:s22+s3], $0x80, $0x38;
	[tilespmem:$0x1FB80] =	vst v63  }
0xf7: {  	_ =	swait.ge [sflag:s9], $0x80  }
0xf8: {  	[sflag:s9] =	ssyncset.done $0x0  }
0xf9: {  	[sflag:s9] =	ssyncadd.s32 $0xFFFFFF80  }
0xfa: {  	[tilespmem:s6], [sflag:$0x7] =	stream.indirect.gather [hbm4b:s31+s26], $0x80, s3, s26, $0xb8;
	[tilespmem:$0x1FB80] =	vst v63  }
0xfb: {  	_ =	swait.ge [sflag:s11], $0x4000  }
0xfc: {  	[sflag:s11] =	ssyncset.done $0x0  }
0xfd: {  	[sflag:s11] =	ssyncadd.s32 $0xFFFFC000  }
0xfe: {  	[spmem:s2] =	stream.indirect.scatter.add.f32 [tilespmem:s6], [sflag:$0xA], $0x80, s1, s26, $0xb8;
	[tilespmem:$0x1FB80] =	vst v63  }
0xff: {  	_ =	swait.ge [sflag:s9], $0x4000  }
0x100: {  	[sflag:s9] =	ssyncset.done $0x0  }
0x101: {  	s23 =	rddreg [dreg:$0x15];
	[sflag:s9] =	ssyncadd.s32 $0xFFFFC000  }
0x102: {  	[tilespmem:s3], [sflag:$0xA] =	stream.linear.gather [hbm4b:s23+s3], $0x80, $0x38;
	[tilespmem:$0x1FB80] =	vst v63  }
0x103: {  	_ =	swait.ge [sflag:s9], $0x80  }
0x104: {  	[sflag:s9] =	ssyncset.done $0x0  }
0x105: {  	s7 =	rddreg [dreg:$0x19];
	[sflag:s9] =	ssyncadd.s32 $0xFFFFFF80  }
0x106: {  	[tilespmem:s1], [sflag:$0xA] =	stream.linear.gather [hbm4b:s7+s3], $0x80, $0x38;
	[tilespmem:$0x1FB80] =	vst v63  }
0x107: {  	_ =	swait.ge [sflag:s9], $0x80  }
0x108: {  	[sflag:s9] =	ssyncset.done $0x0  }
0x109: {  	[sflag:s9] =	ssyncadd.s32 $0xFFFFFF80  }
0x10a: {  	[tilespmem:s6], [sflag:$0x7] =	stream.indirect.gather [hbm4b:s31+s26], $0x80, s3, s26, $0xb8;
	[tilespmem:$0x1FB80] =	vst v63  }
0x10b: {  	_ =	swait.ge [sflag:s11], $0x4000  }
0x10c: {  	[sflag:s11] =	ssyncset.done $0x0  }
0x10d: {  	[sflag:s11] =	ssyncadd.s32 $0xFFFFC000  }
0x10e: {  	[spmem:s2] =	stream.indirect.scatter.add.f32 [tilespmem:s6], [sflag:$0xA], $0x80, s1, s26, $0xb8;
	[tilespmem:$0x1FB80] =	vst v63  }
0x10f: {  	_ =	swait.ge [sflag:s9], $0x4000  }
0x110: {  	[sflag:s9] =	ssyncset.done $0x0  }
0x111: {  	s16 =	rddreg [dreg:$0x16];
	[sflag:s9] =	ssyncadd.s32 $0xFFFFC000  }
0x112: {  	[tilespmem:s3], [sflag:$0xA] =	stream.linear.gather [hbm4b:s16+s3], $0x80, $0x38;
	[tilespmem:$0x1FB80] =	vst v63  }
0x113: {  	_ =	swait.ge [sflag:s9], $0x80  }
0x114: {  	[sflag:s9] =	ssyncset.done $0x0  }
0x115: {  	s18 =	rddreg [dreg:$0x1a];
	[sflag:s9] =	ssyncadd.s32 $0xFFFFFF80  }
0x116: {  	[tilespmem:s1], [sflag:$0xA] =	stream.linear.gather [hbm4b:s18+s3], $0x80, $0x38;
	[tilespmem:$0x1FB80] =	vst v63  }
0x117: {  	_ =	swait.ge [sflag:s9], $0x80  }
0x118: {  	[sflag:s9] =	ssyncset.done $0x0  }
0x119: {  	[sflag:s9] =	ssyncadd.s32 $0xFFFFFF80  }
0x11a: {  	[tilespmem:s6], [sflag:$0x7] =	stream.indirect.gather [hbm4b:s31+s26], $0x80, s3, s26, $0xb8;
	[tilespmem:$0x1FB80] =	vst v63  }
0x11b: {  	_ =	swait.ge [sflag:s11], $0x4000  }
0x11c: {  	[sflag:s11] =	ssyncset.done $0x0  }
0x11d: {  	[sflag:s11] =	ssyncadd.s32 $0xFFFFC000  }
0x11e: {  	[spmem:s2] =	stream.indirect.scatter.add.f32 [tilespmem:s6], [sflag:$0xA], $0x80, s1, s26, $0xb8;
	[tilespmem:$0x1FB80] =	vst v63  }
0x11f: {  	_ =	swait.ge [sflag:s9], $0x4000  }
0x120: {  	[sflag:s9] =	ssyncset.done $0x0  }
0x121: {  	s22 =	rddreg [dreg:$0x17];
	[sflag:s9] =	ssyncadd.s32 $0xFFFFC000  }
0x122: {  	[tilespmem:s3], [sflag:$0xA] =	stream.linear.gather [hbm4b:s22+s3], $0x80, $0x38;
	[tilespmem:$0x1FB80] =	vst v63  }
0x123: {  	_ =	swait.ge [sflag:s9], $0x80  }
0x124: {  	[sflag:s9] =	ssyncset.done $0x0  }
0x125: {  	s23 =	rddreg [dreg:$0x1b];
	[sflag:s9] =	ssyncadd.s32 $0xFFFFFF80  }
0x126: {  	[tilespmem:s1], [sflag:$0xA] =	stream.linear.gather [hbm4b:s23+s3], $0x80, $0x38;
	[tilespmem:$0x1FB80] =	vst v63  }
0x127: {  	_ =	swait.ge [sflag:s9], $0x80  }
0x128: {  	[sflag:s9] =	ssyncset.done $0x0  }
0x129: {  	[sflag:s9] =	ssyncadd.s32 $0xFFFFFF80  }
0x12a: {  	[tilespmem:s6], [sflag:$0x7] =	stream.indirect.gather [hbm4b:s31+s26], $0x80, s3, s26, $0xb8;
	[tilespmem:$0x1FB80] =	vst v63  }
0x12b: {  	_ =	swait.ge [sflag:s11], $0x4000  }
0x12c: {  	[sflag:s11] =	ssyncset.done $0x0  }
.Ltmp6:
0x12d: {  	[sflag:s11] =	ssyncadd.s32 $0xFFFFC000;
	(pc) =	sbr.rel .LBB2_8-.Ltmp6, $4  }
0x12e: {  	[spmem:s2] =	stream.indirect.scatter.add.f32 [tilespmem:s6], [sflag:$0xA], $0x80, s1, s26, $0xb8;
	[tilespmem:$0x1FB80] =	vst v63  }
0x12f: {  	_ =	swait.ge [sflag:s9], $0x4000  }
0x130: {  	[sflag:s9] =	ssyncset.done $0x0  }
0x131: {  	[sflag:s9] =	ssyncadd.s32 $0xFFFFC000  }
.LBB2_9:
0x132: {  	_ =	sfence.sel $0x180000  }
0x133: {  	[bflag:$0x0] =	sbarrier.arrive $0xFFFF  }
0x134: {  	_ =	strace $0x9000004A  }
0x135: {  	s0 =	stileid.u32;
	[bflag:$0x2] =	sbarrier.arrive $0xFFFF  }
0x136: {  	p0 =	sne.s32 s0, $0x0;
	s0 =	rddreg [dreg:$0x3]  }
0x137: {  	s0 =	sadd.s32 @!p0 $0x100000, s0  }
0x138: {  	[sflag:s0] =	ssyncadd.tile.s32 @!p0 $0x1;
	_ =	shalt  }
.Lfunc_end2:
_tile_overlayer_lowered:
.L_overlay_start_2:
0x139: {  	(tag) =	ssettag $0x2  }
0x13a: {  	s0 =	rddreg [dreg:$0x0];
	s2 =	stileid.u32  }
0x13b: {  	s1 =	rddreg [dreg:$0x1];
	p0 =	sne.s32 s2, $0x0  }
0x13c: {  	s3 =	rddreg [dreg:$0x2];
	[bflag:$0x3] =	sbarrier.arrive $0xFFFF;
	s2 =	simm.s32 @!p0 $0x1C0A  }
0x13d: {  	[timem:s3], [sflag:s2] =	dma.local @!p0 [hbm:s0], s1  }
0x13e: {  	s0 =	simm.s32 @!p0 $0xA  }
0x13f: {  	_ =	swait.ge @!p0 [sflag:s0], s1  }
0x140: {  	s1 =	ssub.s32 @!p0 $0x0, s1;
	[sflag:s0] =	ssyncset.done @!p0 $0x0  }
0x141: {  	[sflag:s0] =	ssyncadd.s32 @!p0 s1  }
0x142: {  	[bflag:$0x3] =	sbarrier.arrive $0xFFFF  }
0x143: {  	_ =	shalt  }

// kernel: kernel.16.cloned.1.call-start
scs
__scs_entry_jumppad:
0x0: {  	(pc) =	sbr.rel $0x88, $3  }
0x1: {  	(tag) =	ssettag $0x0;
	lr =	simm.s32 $0x1  }
0x2: {  	[smem:$0x3F95] =	sst lr;
	_ =	strace $0xD0000000  }
0x3: {  	_ = 	snop  }
0x4: {  	_ = 	snop  }
0x5: {  	_ = 	snop  }
0x6: {  	_ = 	snop  }
0x7: {  	_ = 	snop  }
__scs_overlays_trampoline_lowered:
0x8: {  	[smem:$0x3FA4] =	sst s0  }
0x9: {  	[smem:$0x3FA5] =	sst s1  }
0xa: {  	[smem:$0x3FA6] =	sst s2  }
0xb: {  	[smem:$0x3FA7] =	sst s3  }
0xc: {  	[smem:$0x3FA8] =	sst s4  }
0xd: {  	[smem:$0x3FA9] =	sst s5  }
0xe: {  	[smem:$0x3FAA] =	sst s6  }
0xf: {  	[smem:$0x3FAB] =	sst s7  }
0x10: {  	[smem:$0x3FAC] =	sst s8  }
0x11: {  	[smem:$0x3FAD] =	sst s9;
	s0 =	simm.s32 @!p0 $0x0  }
0x12: {  	s1 =	sld [smem:$0x3F93];
	s0 =	simm.s32 @p0 $0x1  }
0x13: {  	[smem:$0x3FAE] =	sst s0;
	s0 =	simm.s32 @!p1 $0x0  }
0x14: {  	s2 =	sld [smem:$0x3F92];
	s0 =	simm.s32 @p1 $0x1  }
0x15: {  	[smem:$0x3FAF] =	sst s0;
	s0 =	simm.s32 @!p2 $0x0  }
0x16: {  	s3 =	sld [smem:$0x3FDB];
	s0 =	simm.s32 @p2 $0x1  }
0x17: {  	s4 =	simm.s32 $0x1BF5;
	[smem:$0x3FB1] =	sst s0  }
0x18: {  	s0 =	sld [smem:$0x3F94];
	_ =	swait.ge [sflag:s4], $0x0  }
0x19: {  	s7 =	sld [smem:$0x3F95]  }
0x1a: {  	s8 =	sadd.s32 $0xFFFFE003, lr  }
0x1b: {  	s9 =	sadd.s32 $0xFFFFFEF7, lr;
	s5 =	simm.s32 $0xFFFFFFFF;
	p2 =	slt.u32 s8, $0xFFFFF086  }
0x1c: {  	p1 =	slt.u32 s9, $0xF7A;
	s5 =	simm.s32 @!p2 $0x0  }
0x1d: {  	s5 =	simm.s32 @p1 $0x1;
	p0 =	seq.s32 s7, s2  }
0x1e: {  	s7 =	smul.u32 @!p0 $0xF7A, s2;
	p2 =	seq.s32 @!p0 s5, $0x0  }
0x1f: {  	s9 =	smul.u32 $0xF7A, s1;
	s8 =	simm.s32 @!p0 $0x1BF5;
	p2 =	por !p2, p0  }
0x20: {  	[sflag:s8] =	ssyncset.s32 @!p0 $0xFFFFF086;
	s6 =	sadd.s32 @!p0 s3, s7;
	s7 =	simm.s32 @!p0 $0x108  }
0x21: {  	s3 =	sadd.s32 s3, s9;
	s6 =	sadd.s32 @!p0 $0x88, s6;
	s7 =	simm.s32 @p2 $0x1082  }
0x22: {  	[simem:s7], [sflag:s8] =	dma.local @!p0 [hbm:s6], $0xF7A  }
0x23: {  	s9 =	sor.u32 $0xD0000000, s2;
	s6 =	simm.s32 $0x108;
	_ =	swait.ge @!p0 [sflag:s8], $0x0  }
0x24: {  	s3 =	sadd.s32 $0x88, s3;
	s6 =	simm.s32 @!p1 $0x1082;
	[sflag:s4] =	ssyncset.s32 $0xFFFFF086  }
0x25: {  	[simem:s6], [sflag:s4] =	dma.local [hbm:s3], $0xF7A  }
0x26: {  	[smem:$0x3F95] =	sst s1;
	(tag) =	ssettag s2;
	_ =	strace s9  }
0x27: {  	s1 =	sld [smem:$0x3FA5]  }
0x28: {  	s2 =	sld [smem:$0x3FA6]  }
0x29: {  	s4 =	sld [smem:$0x3FA8]  }
0x2a: {  	p0 =	seq.s32 s5, $0x0;
	s5 =	sld [smem:$0x3FA9]  }
0x2b: {  	s6 =	sld [smem:$0x3FAA]  }
0x2c: {  	s7 =	sld [smem:$0x3FAB]  }
0x2d: {  	s3 =	simm.s32 $0x108;
	s8 =	sld [smem:$0x3FAC]  }
0x2e: {  	s3 =	simm.s32 @!p0 $0x1082;
	s9 =	sld [smem:$0x3FAD]  }
0x2f: {  	lr =	sadd.s32 s0, s3;
	s0 =	sld [smem:$0x3FA4]  }
0x30: {  	s3 =	sld [smem:$0x3FA7]  }
0x31: {  	[smem:$0x3FB0] =	sst s10  }
0x32: {  	s10 =	sld [smem:$0x3FAE];
	_ =	sdelay $0x3  }
0x33: {  	p0 =	seq.s32 s10, $0x1;
	s10 =	sld [smem:$0x3FB0];
	_ =	sdelay $0x3  }
0x34: {  	[smem:$0x3FB0] =	sst s10  }
0x35: {  	s10 =	sld [smem:$0x3FAF];
	_ =	sdelay $0x3  }
0x36: {  	p1 =	seq.s32 s10, $0x1;
	s10 =	sld [smem:$0x3FB0];
	_ =	sdelay $0x3  }
0x37: {  	[smem:$0x3FB0] =	sst s10  }
0x38: {  	s10 =	sld [smem:$0x3FB1]  }
0x39: {  	_ = 	snop;
	(pc) =	sbr.ind lr, $3  }
0x3a: {  	_ = 	snop  }
0x3b: {  	_ = 	snop  }
0x3c: {  	p2 =	seq.s32 s10, $0x1;
	s10 =	sld [smem:$0x3FB0]  }
0x3d: {  	_ =	shalt  }
0x3e: {  	_ =	shalt  }
0x3f: {  	_ =	shalt  }
0x40: {  	_ =	shalt  }
0x41: {  	_ =	shalt  }
0x42: {  	_ =	shalt  }
0x43: {  	_ =	shalt  }
0x44: {  	_ =	shalt  }
0x45: {  	_ =	shalt  }
0x46: {  	_ =	shalt  }
0x47: {  	_ =	shalt  }
0x48: {  	_ =	shalt  }
0x49: {  	_ =	shalt  }
0x4a: {  	_ =	shalt  }
0x4b: {  	_ =	shalt  }
0x4c: {  	_ =	shalt  }
0x4d: {  	_ =	shalt  }
0x4e: {  	_ =	shalt  }
0x4f: {  	_ =	shalt  }
0x50: {  	_ =	shalt  }
0x51: {  	_ =	shalt  }
0x52: {  	_ =	shalt  }
0x53: {  	_ =	shalt  }
0x54: {  	_ =	shalt  }
0x55: {  	_ =	shalt  }
0x56: {  	_ =	shalt  }
0x57: {  	_ =	shalt  }
0x58: {  	_ =	shalt  }
0x59: {  	_ =	shalt  }
0x5a: {  	_ =	shalt  }
0x5b: {  	_ =	shalt  }
0x5c: {  	_ =	shalt  }
0x5d: {  	_ =	shalt  }
0x5e: {  	_ =	shalt  }
0x5f: {  	_ =	shalt  }
0x60: {  	_ =	shalt  }
0x61: {  	_ =	shalt  }
0x62: {  	_ =	shalt  }
0x63: {  	_ =	shalt  }
0x64: {  	_ =	shalt  }
0x65: {  	_ =	shalt  }
0x66: {  	_ =	shalt  }
0x67: {  	_ =	shalt  }
0x68: {  	_ =	shalt  }
0x69: {  	_ =	shalt  }
0x6a: {  	_ =	shalt  }
0x6b: {  	_ =	shalt  }
0x6c: {  	_ =	shalt  }
0x6d: {  	_ =	shalt  }
0x6e: {  	_ =	shalt  }
0x6f: {  	_ =	shalt  }
0x70: {  	_ =	shalt  }
0x71: {  	_ =	shalt  }
0x72: {  	_ =	shalt  }
0x73: {  	_ =	shalt  }
0x74: {  	_ =	shalt  }
0x75: {  	_ =	shalt  }
0x76: {  	_ =	shalt  }
0x77: {  	_ =	shalt  }
0x78: {  	_ =	shalt  }
0x79: {  	_ =	shalt  }
0x7a: {  	_ =	shalt  }
0x7b: {  	_ =	shalt  }
0x7c: {  	_ =	shalt  }
0x7d: {  	_ =	shalt  }
0x7e: {  	_ =	shalt  }
0x7f: {  	_ =	shalt  }
0x80: {  	_ =	shalt  }
0x81: {  	_ =	shalt  }
0x82: {  	_ =	shalt  }
0x83: {  	_ =	shalt  }
0x84: {  	_ =	shalt  }
0x85: {  	_ =	shalt  }
0x86: {  	_ =	shalt  }
0x87: {  	_ =	shalt  }
.Lfunc_end0:
.L_simem_size_0:
called_computation.2_lowered:
.L_overlay_start_0:
0x88: {  	s2 =	sld [smem:$0x3FD9]  }
0x89: {  	s3 =	sld [smem:$0x3FFE];
	_ =	sdelay $0x1  }
0x8a: {  	s1 =	srdreg.scid  }
0x8b: {  	s0 =	sand.u32 $0x1, s1  }
0x8c: {  	s17 =	sshll.u32 s0, $0xA;
	s2 =	sadd.s32 s3, s2  }
0x8d: {  	s2 =	sadd.s32 s2, s17  }
0x8e: {  	[smem:$0x3FBC] =	sst s2  }
0x8f: {  	_ = 	snop  }
0x90: {  	s2 =	sld [smem:$0x3FD0];
	(tm) =	ssettm $0x1  }
0x91: {  	s18 =	sld [smem:$0x3FFB];
	_ =	sdelay $0x3  }
0x92: {  	_ =	strace s18  }
0x93: {  	s3 =	sld [smem:$0x3FFC];
	_ =	sdelay $0x3  }
0x94: {  	_ =	strace s3  }
0x95: {  	s3 =	sld [smem:$0x3FFD];
	_ =	sdelay $0x3  }
0x96: {  	_ =	strace s3  }
0x97: {  	_ =	strace $0x8FFFFFFF  }
0x98: {  	s19 =	sld [smem:$0x3FDB];
	_ =	sdelay $0x1  }
0x99: {  	s4 =	simm.s32 $_scs_section_size  }
0x9a: {  	s5 =	simm.s32 $_size__tile_overlayer_lowered;
	s6 =	simm.s32 $_tile_overlayer_lowered  }
0x9b: {  	s22 =	simm.s32 $0x1BFF;
	s21 =	sshll.u32 s6, $0x1;
	s3 =	sadd.s32 s4, s19  }
0x9c: {  	s7 =	simm.s32 $0x0;
	s20 =	sshll.u32 s5, $0x1;
	s5 =	sadd.s32 s21, s3  }
0x9d: {  	[timem:s7], [sflag:s22] =	dma.local [hbm:s5], s20  }
0x9e: {  	_ =	swait.ge [sflag:s22], s20  }
0x9f: {  	s4 =	ssub.s32 $0x0, s20;
	[sflag:s22] =	ssyncset.done $0x0  }
0xa0: {  	[sflag:s22] =	ssyncadd.s32 s4;
	_ =	sdelay $0x1  }
0xa1: {  	s23 =	simm.s32 $0x1B8B  }
0xa2: {  	_ =	swait.ge [sflag:s23], $0x1  }
0xa3: {  	[sflag:s23] =	ssyncset.done $0x0  }
0xa4: {  	s25 =	simm.s32 $0x1B8E;
	s24 =	sld [smem:$0x3FFE];
	[sflag:s23] =	ssyncadd.s32 $0xFFFFFFFF  }
0xa5: {  	s26 =	simm.s32 $execute0_lowered;
	[smem:$0x3FD2] =	sst s25  }
0xa6: {  	s5 =	sshll.u32 s26, $0x1;
	_ =	strace $0x8000004C;
	[dreg:$0x1] =	wrdreg $0xFFFFFFFF  }
0xa7: {  	s28 =	simm.s32 $_size_execute0_lowered;
	s3 =	sadd.s32 s3, s5;
	[dreg:$0x0] =	wrdreg $0x0  }
0xa8: {  	s5 =	sshll.u32 s28, $0x1;
	[dreg:$0x2] =	wrdreg s3  }
0xa9: {  	[dreg:$0x3] =	wrdreg s5  }
0xaa: {  	[dreg:$0x4] =	wrdreg $0xC0  }
0xab: {  	_ =	task [dreg:s7], $0x5FFFF  }
0xac: {  	[dreg:$0x1] =	wrdreg $0xFFFFFFFF  }
0xad: {  	[dreg:$0x0] =	wrdreg $0x60  }
0xae: {  	[dreg:$0x2] =	wrdreg s24  }
0xaf: {  	[dreg:$0x3] =	wrdreg s2  }
0xb0: {  	[dreg:$0x4] =	wrdreg $0xC3000  }
0xb1: {  	[dreg:$0x5] =	wrdreg $0x9  }
0xb2: {  	_ =	task.clear_ibuf [dreg:s7], $0x6FFFF;
	_ =	strace $0x9000004C  }
0xb3: {  	s29 =	simm.s32 $0x9;
	_ =	strace $0x8000004E  }
0xb4: {  	_ =	swait.ge [sflag:s29], $0x1  }
0xb5: {  	[sflag:s29] =	ssyncadd.s32 $0xFFFFFFFF  }
0xb6: {  	_ =	strace $0x9000004E  }
0xb7: {  	_ =	sfence  }
0xb8: {  	s30 =	sld [smem:$0x0];
	_ =	sdelay $0x2  }
0xb9: {  	s31 =	sshll.u32 s1, $0xD;
	s1 =	sshrl.u32 s1, $0x2  }
0xba: {  	s3 =	sand.u32 $0x4000, s31;
	s1 =	sadd.s32 s1, s30  }
0xbb: {  	s0 =	sor.u32 s3, s0;
	s1 =	sshll.u32 s1, $0x11  }
0xbc: {  	s0 =	sor.u32 s1, s0  }
0xbd: {  	s0 =	sadd.s32 $0x8F2B, s0  }
0xbe: {  	[sflag:s0] =	ssyncadd.remote.s32 $0x1  }
0xbf: {  	_ =	sfence.sel $0xFFFF  }
0xc0: {  	[dreg:$0x0] =	wrdreg $0xFFFFFFFF;
	(pc) =	sbr.abs _section_cstart, $3  }
0xc1: {  	[dreg:$0x1] =	wrdreg $0xFFFFFFFF  }
0xc2: {  	_ =	task.clear_ibuf [dreg:s7], $0x2FFFF;
	_ =	strace $0x9FFFFFFF  }
0xc3: {  	(tm) =	ssettm $0x7FFFFFFF  }
tec
execute0_lowered:
.L_overlay_start_1:
0x0: {  	(tag) =	ssettag $0x1  }
0x1: {  	s0 =	rddreg [dreg:$0x0];
	s2 =	srdreg.scid  }
0x2: {  	s1 =	rddreg [dreg:$0x1];
	s22 =	stileid.u32;
	s3 =	simm.s32 $0x0  }
0x3: {  	s28 =	simm.s32 $0x100;
	s4 =	sand.u32 $0x1, s2;
	s2 =	rddreg [dreg:$0x2]  }
0x4: {  	[smem:$0x7FF] =	sst s3;
	s8 =	smul.u32 $0x13800, s22;
	s9 =	sadd.s32 $0x3200, s0  }
0x5: {  	s12 =	sadd.s32 $0x34200, s0;
	s25 =	smul.u32 $0x4E, s22;
	s31 =	sadd.s32 $0xD000, s0  }
0x6: {  	p1 =	sne.s32 s22, $0xF;
	s5 =	sshll.u32 s4, $0x4;
	s11 =	smul.u32 $0x138800, s4  }
0x7: {  	_ =	strace $0x8000004D;
	s7 =	ssub.s32 $0x2, s4;
	s4 =	smul.u32 $0x4E0, s4  }
0x8: {  	s5 =	sor.u32 s22, s5;
	s10 =	sshrl.u32 s7, $0x1;
	s13 =	sadd.s32 $0x3400, s8  }
0x9: {  	s14 =	sadd.s32 $0x6800, s8;
	s19 =	sadd.s32 $0x9C00, s8;
	s6 =	smul.u32 $0x4E0, s5  }
0xa: {  	s20 =	sadd.s32 $0xD000, s8;
	s7 =	ssub.s32 s7, s10;
	s10 =	smul.u32 $0x2700, s5  }
0xb: {  	s15 =	sadd.s32 s8, s11;
	s8 =	sadd.s32 $0x10400, s8;
	s26 =	sadd.s32 s11, s13  }
0xc: {  	s16 =	sadd.s32 s11, s14;
	s17 =	sadd.s32 s11, s19;
	s23 =	sadd.s32 s11, s20  }
0xd: {  	s4 =	sadd.s32 s25, s4;
	p0 =	sne.s32 s5, $0x1F;
	s19 =	sadd.s32 s19, s2  }
0xe: {  	s20 =	sadd.s32 s20, s2;
	s15 =	sshrl.u32 s15, $0x3;
	s16 =	sshrl.u32 s16, $0x3  }
0xf: {  	s18 =	sshrl.u32 s17, $0x3;
	s24 =	sadd.s32 s11, s8;
	s11 =	sshrl.u32 s11, $0x3  }
0x10: {  	s15 =	sadd.s32 s12, s15;
	s21 =	sadd.s32 s12, s18;
	s11 =	sadd.s32 s12, s11  }
0x11: {  	s10 =	sshrl.u32 s10, $0x3;
	s18 =	smul.u32 $0x4E000, s22;
	[dreg:$0x4] =	wrdreg s15  }
0x12: {  	s15 =	sshrl.u32 s26, $0x3;
	[dreg:$0x7] =	wrdreg s21;
	s11 =	sadd.s32 $0x27000, s11  }
0x13: {  	s21 =	sadd.s32 $0x20, s10;
	s15 =	sadd.s32 s12, s15;
	[dreg:$0x12] =	wrdreg s11  }
0x14: {  	s4 =	sshll.u32 s4, $0x4;
	s25 =	sadd.s32 s1, s21;
	[dreg:$0x5] =	wrdreg s15  }
0x15: {  	s5 =	sshrl.u32 s18, $0x2;
	s18 =	sadd.s32 $0xCE00, s0;
	[dreg:$0xe] =	wrdreg s25  }
0x16: {  	s17 =	sor.u32 $0x10, s6;
	s15 =	sadd.s32 s12, s16;
	[dreg:$0x18] =	wrdreg s18  }
0x17: {  	s16 =	sshrl.u32 s24, $0x3;
	s24 =	sadd.s32 s9, s17;
	[dreg:$0x6] =	wrdreg s15  }
0x18: {  	s10 =	sadd.s32 $0x40, s4;
	s26 =	sadd.s32 s12, s16;
	[dreg:$0xd] =	wrdreg s24  }
0x19: {  	s11 =	simm.s32 $0x7;
	s16 =	sadd.s32 s1, s6;
	[dreg:$0x9] =	wrdreg s26  }
0x1a: {  	s25 =	sadd.s32 s10, s9;
	s6 =	sadd.s32 s9, s6;
	[dreg:$0xa] =	wrdreg s16  }
0x1b: {  	s15 =	sshrl.u32 s23, $0x3;
	s23 =	sadd.s32 s1, s17;
	[dreg:$0xb] =	wrdreg s6  }
0x1c: {  	s17 =	sadd.s32 s5, s2;
	s15 =	sadd.s32 s12, s15;
	[dreg:$0xc] =	wrdreg s23  }
0x1d: {  	s24 =	sadd.s32 s10, s1;
	s6 =	sadd.s32 s9, s21;
	[dreg:$0x8] =	wrdreg s15  }
0x1e: {  	s10 =	simm.s32 $0x3;
	s26 =	sadd.s32 s13, s2;
	[dreg:$0xf] =	wrdreg s6  }
0x1f: {  	s21 =	sadd.s32 s8, s2;
	s12 =	smax.u32 s7, $0x1;
	[dreg:$0x10] =	wrdreg s26  }
0x20: {  	s13 =	sadd.s32 s4, s9;
	s16 =	sadd.s32 $0x9C20, s1;
	[dreg:$0x13] =	wrdreg s12  }
0x21: {  	s4 =	sadd.s32 s4, s1;
	s23 =	sadd.s32 $0xCE10, s0;
	[dreg:$0x16] =	wrdreg s16  }
0x22: {  	s8 =	simm.s32 $0x8300;
	s6 =	sadd.s32 s14, s2;
	[dreg:$0x19] =	wrdreg s23  }
0x23: {  	s9 =	simm.s32 $0xA;
	s14 =	sadd.s32 $0x9C00, s1;
	[dreg:$0x11] =	wrdreg s6  }
0x24: {  	s15 =	sadd.s32 $0x9C10, s1;
	s1 =	sadd.s32 $0x9C30, s1;
	[dreg:$0x14] =	wrdreg s14  }
0x25: {  	s26 =	sadd.s32 $0xCE20, s0;
	s0 =	sadd.s32 $0xCE30, s0;
	[dreg:$0x15] =	wrdreg s15  }
.Ltmp0:
0x26: {  	s29 =	sadd.s32 $0x30, s4;
	[dreg:$0x17] =	wrdreg s1;
	(pc) =	sbr.rel .LBB2_1-.Ltmp0, $4  }
0x27: {  	s30 =	sadd.s32 $0x30, s13;
	s4 =	simm.s32 $0x280;
	[dreg:$0x1a] =	wrdreg s26  }
0x28: {  	s12 =	simm.s32 $0x4;
	s13 =	simm.s32 $0x9;
	[dreg:$0x1b] =	wrdreg s0  }
0x29: {  	s0 =	sadd.s32 $0x138000, s2;
	s1 =	simm.s32 $0x180;
	s26 =	simm.s32 $0x80  }
0x2a: {  	v0 =	vimm.f32 $0.0e+00;
	s6 =	simm.s32 $0x300;
	s14 =	simm.s32 $0x6;
	s15 =	simm.s32 $0x0  }
.LBB2_8:
0x2b: {  	[bflag:$0x0] =	sbarrier.arrive $0xFFFF  }
0x2c: {  	[tilespmem:s6], [sflag:$0xA] =	stream.linear.gather [spmem:s17], $0x3400, $0x38;
	[tilespmem:$0x1FB80] =	vst v63  }
0x2d: {  	_ =	swait.ge [sflag:s9], $0x3400  }
0x2e: {  	[sflag:s9] =	ssyncset.done $0x0  }
0x2f: {  	s5 =	rddreg [dreg:$0x4];
	[sflag:s9] =	ssyncadd.s32 $0xFFFFCC00  }
0x30: {  	[hbm4b:s5+s3] =	stream.linear.scatter [tilespmem:s6], [sflag:$0xA], $0x3400, $0x38;
	[tilespmem:$0x1FB80] =	vst v63  }
0x31: {  	_ =	swait.ge [sflag:s9], $0x3400  }
0x32: {  	[sflag:s9] =	ssyncset.done $0x0  }
0x33: {  	s18 =	rddreg [dreg:$0x10];
	[sflag:s9] =	ssyncadd.s32 $0xFFFFCC00  }
0x34: {  	[tilespmem:s6], [sflag:$0xA] =	stream.linear.gather [spmem:s18], $0x3400, $0x38;
	[tilespmem:$0x1FB80] =	vst v63  }
0x35: {  	_ =	swait.ge [sflag:s9], $0x3400  }
0x36: {  	[sflag:s9] =	ssyncset.done $0x0  }
0x37: {  	s22 =	rddreg [dreg:$0x5];
	[sflag:s9] =	ssyncadd.s32 $0xFFFFCC00  }
0x38: {  	[hbm4b:s22+s3] =	stream.linear.scatter [tilespmem:s6], [sflag:$0xA], $0x3400, $0x38;
	[tilespmem:$0x1FB80] =	vst v63  }
0x39: {  	_ =	swait.ge [sflag:s9], $0x3400  }
0x3a: {  	[sflag:s9] =	ssyncset.done $0x0  }
0x3b: {  	s23 =	rddreg [dreg:$0x11];
	[sflag:s9] =	ssyncadd.s32 $0xFFFFCC00  }
0x3c: {  	[tilespmem:s6], [sflag:$0xA] =	stream.linear.gather [spmem:s23], $0x3400, $0x38;
	[tilespmem:$0x1FB80] =	vst v63  }
0x3d: {  	_ =	swait.ge [sflag:s9], $0x3400  }
0x3e: {  	[sflag:s9] =	ssyncset.done $0x0  }
0x3f: {  	s7 =	rddreg [dreg:$0x6];
	[sflag:s9] =	ssyncadd.s32 $0xFFFFCC00  }
0x40: {  	[hbm4b:s7+s3] =	stream.linear.scatter [tilespmem:s6], [sflag:$0xA], $0x3400, $0x38;
	[tilespmem:$0x1FB80] =	vst v63  }
0x41: {  	_ =	swait.ge [sflag:s9], $0x3400  }
0x42: {  	[sflag:s9] =	ssyncset.done $0x0  }
0x43: {  	[sflag:s9] =	ssyncadd.s32 $0xFFFFCC00  }
0x44: {  	[tilespmem:s6], [sflag:$0xA] =	stream.linear.gather [spmem:s19], $0x3400, $0x38;
	[tilespmem:$0x1FB80] =	vst v63  }
0x45: {  	_ =	swait.ge [sflag:s9], $0x3400  }
0x46: {  	[sflag:s9] =	ssyncset.done $0x0  }
0x47: {  	s16 =	rddreg [dreg:$0x7];
	[sflag:s9] =	ssyncadd.s32 $0xFFFFCC00  }
0x48: {  	[hbm4b:s16+s3] =	stream.linear.scatter [tilespmem:s6], [sflag:$0xA], $0x3400, $0x38;
	[tilespmem:$0x1FB80] =	vst v63  }
0x49: {  	_ =	swait.ge [sflag:s9], $0x3400  }
0x4a: {  	[sflag:s9] =	ssyncset.done $0x0  }
0x4b: {  	[sflag:s9] =	ssyncadd.s32 $0xFFFFCC00  }
0x4c: {  	[tilespmem:s6], [sflag:$0xA] =	stream.linear.gather [spmem:s20], $0x3400, $0x38;
	[tilespmem:$0x1FB80] =	vst v63  }
0x4d: {  	_ =	swait.ge [sflag:s9], $0x3400  }
0x4e: {  	[sflag:s9] =	ssyncset.done $0x0  }
0x4f: {  	s18 =	rddreg [dreg:$0x8];
	[sflag:s9] =	ssyncadd.s32 $0xFFFFCC00  }
0x50: {  	[hbm4b:s18+s3] =	stream.linear.scatter [tilespmem:s6], [sflag:$0xA], $0x3400, $0x38;
	[tilespmem:$0x1FB80] =	vst v63  }
0x51: {  	_ =	swait.ge [sflag:s9], $0x3400  }
0x52: {  	[sflag:s9] =	ssyncset.done $0x0  }
0x53: {  	[sflag:s9] =	ssyncadd.s32 $0xFFFFCC00  }
0x54: {  	[tilespmem:s6], [sflag:$0xA] =	stream.linear.gather [spmem:s21], $0x3400, $0x38;
	[tilespmem:$0x1FB80] =	vst v63  }
0x55: {  	_ =	swait.ge [sflag:s9], $0x3400  }
0x56: {  	[sflag:s9] =	ssyncset.done $0x0  }
0x57: {  	s22 =	rddreg [dreg:$0x9];
	[sflag:s9] =	ssyncadd.s32 $0xFFFFCC00  }
0x58: {  	[hbm4b:s22+s3] =	stream.linear.scatter [tilespmem:s6], [sflag:$0xA], $0x3400, $0x38;
	[tilespmem:$0x1FB80] =	vst v63  }
0x59: {  	_ =	swait.ge [sflag:s9], $0x3400  }
0x5a: {  	[sflag:s9] =	ssyncset.done $0x0  }
0x5b: {  	s5 =	simm.s32 @!p1 $0x4300;
	s7 =	simm.s32 @!p1 $0xA;
	[sflag:s9] =	ssyncadd.s32 $0xFFFFCC00  }
0x5c: {  	[tilespmem:s5], [sflag:$0xA] =	stream.linear.gather @!p1 [spmem:s0], $0x800, $0x38;
	[tilespmem:$0x1FB80] =	vst v63  }
0x5d: {  	_ =	swait.ge @!p1 [sflag:s7], $0x800  }
0x5e: {  	[sflag:s7] =	ssyncset.done @!p1 $0x0  }
0x5f: {  	s16 =	simm.s32 @!p1 $0x0;
	s18 =	rddreg [dreg:$0x12];
	[sflag:s7] =	ssyncadd.s32 @!p1 $0xFFFFF800  }
0x60: {  	[hbm4b:s18+s16] =	stream.linear.scatter @!p1 [tilespmem:s5], [sflag:$0xA], $0x800, $0x38;
	[tilespmem:$0x1FB80] =	vst v63  }
0x61: {  	_ =	swait.ge @!p1 [sflag:s7], $0x800  }
0x62: {  	s15 =	sadd.s32 $0x1, s15;
	s23 =	rddreg [dreg:$0x13]  }
0x63: {  	p2 =	sne.s32 s15, s23  }
.Ltmp1:
0x64: {  	_ = 	snop;
	(pc) =	sbr.rel @!p2 .LBB2_9-.Ltmp1, $3  }
0x65: {  	_ =	sdelay $0x1  }
0x66: {  	[sflag:s7] =	ssyncset.done @!p1 $0x0  }
0x67: {  	[sflag:s7] =	ssyncadd.s32 @!p1 $0xFFFFF800  }
.LBB2_1:
0x68: {  	s5 =	rddreg [dreg:$0xa]  }
0x69: {  	[tilespmem:s3], [sflag:$0x1] =	stream.linear.gather [hbm4b:s5+s3], $0x80, $0x38;
	[tilespmem:$0x1FB80] =	vst v63  }
0x6a: {  	s18 =	rddreg [dreg:$0xb]  }
0x6b: {  	[tilespmem:s1], [sflag:$0x4] =	stream.linear.gather [hbm4b:s18+s3], $0x80, $0x38;
	[tilespmem:$0x1FB80] =	vst v63  }
0x6c: {  	s22 =	rddreg [dreg:$0xc]  }
0x6d: {  	[tilespmem:s26], [sflag:$0x2] =	stream.linear.gather [hbm4b:s22+s3], $0x80, $0x38;
	[tilespmem:$0x1FB80] =	vst v63  }
0x6e: {  	s23 =	rddreg [dreg:$0xd];
	s7 =	simm.s32 $0x200  }
0x6f: {  	[tilespmem:s7], [sflag:$0x5] =	stream.linear.gather [hbm4b:s23+s3], $0x80, $0x38;
	[tilespmem:$0x1FB80] =	vst v63  }
0x70: {  	s7 =	rddreg [dreg:$0xe]  }
0x71: {  	[tilespmem:s28], [sflag:$0x3] =	stream.linear.gather [hbm4b:s7+s3], $0x80, $0x38;
	[tilespmem:$0x1FB80] =	vst v63  }
0x72: {  	s16 =	rddreg [dreg:$0xf];
	s18 =	simm.s32 $0x1  }
0x73: {  	[tilespmem:s4], [sflag:$0x6] =	stream.linear.gather [hbm4b:s16+s3], $0x80, $0x38;
	[tilespmem:$0x1FB80] =	vst v63  }
0x74: {  	_ =	swait.ge [sflag:s18], $0x80  }
0x75: {  	[sflag:s18] =	ssyncset.done $0x0  }
0x76: {  	s22 =	simm.s32 $0x2;
	[sflag:s18] =	ssyncadd.s32 $0xFFFFFF80  }
0x77: {  	[tilespmem:s6], [sflag:$0x7] =	stream.indirect.gather [hbm4b:s31+s26], $0x80, s3, s26, $0xb8;
	[tilespmem:$0x1FB80] =	vst v63  }
0x78: {  	_ =	swait.ge [sflag:s22], $0x80  }
0x79: {  	[sflag:s22] =	ssyncset.done $0x0  }
0x7a: {  	s23 =	simm.s32 $0x4300;
	[sflag:s22] =	ssyncadd.s32 $0xFFFFFF80  }
0x7b: {  	[tilespmem:s23], [sflag:$0x8] =	stream.indirect.gather [hbm4b:s31+s26], $0x80, s26, s26, $0xb8;
	[tilespmem:$0x1FB80] =	vst v63  }
0x7c: {  	s22 =	simm.s32 $0x0;
	s23 =	simm.s32 $0x200  }
.LBB2_2:
0x7d: {  	p2 =	sne.s32 s23, $0xFE00;
	[tilespmem:s22+$0x8370] =	vst v0  }
0x7e: {  	[tilespmem:s22+$0x8300] =	vst v0  }
0x7f: {  	[tilespmem:s22+$0x8310] =	vst v0  }
.Ltmp2:
0x80: {  	[tilespmem:s22+$0x8320] =	vst v0;
	(pc) =	sbr.rel @p2 .LBB2_2-.Ltmp2, $4  }
0x81: {  	[tilespmem:s22+$0x8330] =	vst v0  }
0x82: {  	[tilespmem:s22+$0x8340] =	vst v0  }
0x83: {  	[tilespmem:s22+$0x8350] =	vst v0  }
0x84: {  	[tilespmem:s22+$0x8360] =	vst v0;
	s22 =	sshra.s32 s23, $0x2;
	s23 =	sadd.s32 $0x200, s23  }
0x85: {  	[tilespmem:s22+$0x8370] =	vst v0  }
0x86: {  	[tilespmem:s22+$0x8300] =	vst v0  }
0x87: {  	[tilespmem:s22+$0x8310] =	vst v0  }
0x88: {  	[tilespmem:s22+$0x8320] =	vst v0  }
0x89: {  	[tilespmem:s22+$0x8330] =	vst v0  }
0x8a: {  	[tilespmem:s22+$0x8340] =	vst v0  }
0x8b: {  	[tilespmem:s22+$0x8350] =	vst v0  }
0x8c: {  	[tilespmem:s22+$0x8360] =	vst v0  }
0x8d: {  	[spmem:s17] =	stream.linear.scatter [tilespmem:s8], [sflag:$0xA], $0x3400, $0x38;
	[tilespmem:$0x1FB80] =	vst v63  }
0x8e: {  	_ =	swait.ge [sflag:s9], $0x3400  }
0x8f: {  	[sflag:s9] =	ssyncset.done $0x0  }
0x90: {  	s5 =	rddreg [dreg:$0x10];
	[sflag:s9] =	ssyncadd.s32 $0xFFFFCC00  }
0x91: {  	[spmem:s5] =	stream.linear.scatter [tilespmem:s8], [sflag:$0xA], $0x3400, $0x38;
	[tilespmem:$0x1FB80] =	vst v63  }
0x92: {  	_ =	swait.ge [sflag:s9], $0x3400  }
0x93: {  	[sflag:s9] =	ssyncset.done $0x0  }
0x94: {  	s23 =	rddreg [dreg:$0x11];
	[sflag:s9] =	ssyncadd.s32 $0xFFFFCC00  }
0x95: {  	[spmem:s23] =	stream.linear.scatter [tilespmem:s8], [sflag:$0xA], $0x3400, $0x38;
	[tilespmem:$0x1FB80] =	vst v63  }
0x96: {  	_ =	swait.ge [sflag:s9], $0x3400  }
0x97: {  	[sflag:s9] =	ssyncset.done $0x0  }
0x98: {  	[sflag:s9] =	ssyncadd.s32 $0xFFFFCC00  }
0x99: {  	[spmem:s19] =	stream.linear.scatter [tilespmem:s8], [sflag:$0xA], $0x3400, $0x38;
	[tilespmem:$0x1FB80] =	vst v63  }
0x9a: {  	_ =	swait.ge [sflag:s9], $0x3400  }
0x9b: {  	[sflag:s9] =	ssyncset.done $0x0  }
0x9c: {  	[sflag:s9] =	ssyncadd.s32 $0xFFFFCC00  }
0x9d: {  	[spmem:s20] =	stream.linear.scatter [tilespmem:s8], [sflag:$0xA], $0x3400, $0x38;
	[tilespmem:$0x1FB80] =	vst v63  }
0x9e: {  	_ =	swait.ge [sflag:s9], $0x3400  }
0x9f: {  	[sflag:s9] =	ssyncset.done $0x0  }
0xa0: {  	[sflag:s9] =	ssyncadd.s32 $0xFFFFCC00  }
0xa1: {  	[spmem:s21] =	stream.linear.scatter [tilespmem:s8], [sflag:$0xA], $0x3400, $0x38;
	[tilespmem:$0x1FB80] =	vst v63  }
0xa2: {  	_ =	swait.ge [sflag:s9], $0x3400  }
0xa3: {  	[sflag:s9] =	ssyncset.done $0x0  }
0xa4: {  	s22 =	simm.s32 @!p1 $0x8300;
	[sflag:s9] =	ssyncadd.s32 $0xFFFFCC00  }
0xa5: {  	[spmem:s0] =	stream.linear.scatter @!p1 [tilespmem:s22], [sflag:$0xA], $0x800, $0x38;
	[tilespmem:$0x1FB80] =	vst v63  }
0xa6: {  	s22 =	simm.s32 @!p1 $0xA  }
0xa7: {  	_ =	swait.ge @!p1 [sflag:s22], $0x800  }
0xa8: {  	[sflag:s22] =	ssyncset.done @!p1 $0x0  }
0xa9: {  	[sflag:s22] =	ssyncadd.s32 @!p1 $0xFFFFF800  }
0xaa: {  	s18 =	smov.u32 s17;
	s22 =	simm.s32 $0x0;
	[bflag:$0x0] =	sbarrier.arrive $0xFFFF  }
.LBB2_4:
0xab: {  	_ =	swait.ge [sflag:s10], $0x80  }
0xac: {  	[sflag:s10] =	ssyncset.done $0x0  }
0xad: {  	[sflag:s10] =	ssyncadd.s32 $0xFFFFFF80  }
0xae: {  	[tilespmem:s8], [sflag:$0x9] =	stream.indirect.gather [hbm4b:s31+s26], $0x80, s28, s26, $0xb8;
	[tilespmem:$0x1FB80] =	vst v63  }
0xaf: {  	_ =	swait.ge [sflag:s11], $0x4000  }
0xb0: {  	[sflag:s11] =	ssyncset.done $0x0  }
0xb1: {  	[sflag:s11] =	ssyncadd.s32 $0xFFFFC000  }
0xb2: {  	_ =	swait.ge [sflag:s12], $0x80  }
0xb3: {  	[sflag:s12] =	ssyncset.done $0x0  }
0xb4: {  	[sflag:s12] =	ssyncadd.s32 $0xFFFFFF80  }
0xb5: {  	[spmem:s2] =	stream.indirect.scatter.add.f32 [tilespmem:s6], [sflag:$0xA], $0x80, s1, s26, $0xb8;
	[tilespmem:$0x1FB80] =	vst v63  }
0xb6: {  	_ =	swait.ge [sflag:s9], $0x4000  }
0xb7: {  	p2 =	seq.s32 s22, $0x4B0;
	[sflag:s9] =	ssyncset.done $0x0  }
0xb8: {  	s23 =	simm.s32 @p2 $0x8;
	[sflag:s9] =	ssyncadd.s32 $0xFFFFC000  }
0xb9: {  	_ =	swait.ge @p2 [sflag:s23], $0x4000  }
0xba: {  	[sflag:s23] =	ssyncset.done @p2 $0x0  }
0xbb: {  	[sflag:s23] =	ssyncadd.s32 @p2 $0xFFFFC000;
	s23 =	simm.s32 @p2 $0x5  }
0xbc: {  	_ =	swait.ge @p2 [sflag:s23], $0x80  }
0xbd: {  	s5 =	simm.s32 @p2 $0x200;
	[sflag:s23] =	ssyncset.done @p2 $0x0  }
0xbe: {  	s7 =	simm.s32 @p2 $0x4300;
	[sflag:s23] =	ssyncadd.s32 @p2 $0xFFFFFF80;
	s23 =	simm.s32 @p2 $0x80  }
0xbf: {  	[spmem:s2] =	stream.indirect.scatter.add.f32 @p2 [tilespmem:s7], [sflag:$0xA], $0x80, s5, s23, $0xb8;
	[tilespmem:$0x1FB80] =	vst v63  }
0xc0: {  	s5 =	simm.s32 @p2 $0xA  }
0xc1: {  	_ =	swait.ge @p2 [sflag:s5], $0x4000  }
0xc2: {  	[sflag:s5] =	ssyncset.done @p2 $0x0  }
0xc3: {  	s7 =	simm.s32 @!p2 $0x0;
	[sflag:s5] =	ssyncadd.s32 @p2 $0xFFFFC000;
	s5 =	sadd.s32 @!p2 s22, s29  }
0xc4: {  	[tilespmem:s7], [sflag:$0x1] =	stream.linear.gather @!p2 [hbm4b:s5+s7], $0x80, $0x38;
	[tilespmem:$0x1FB80] =	vst v63  }
0xc5: {  	s23 =	simm.s32 @!p2 $0x180;
	s5 =	sadd.s32 @!p2 s22, s30  }
0xc6: {  	[tilespmem:s23], [sflag:$0x4] =	stream.linear.gather @!p2 [hbm4b:s5+s7], $0x80, $0x38;
	[tilespmem:$0x1FB80] =	vst v63  }
0xc7: {  	s5 =	simm.s32 @!p2 $0x1  }
0xc8: {  	_ =	swait.ge @!p2 [sflag:s5], $0x80  }
0xc9: {  	[sflag:s5] =	ssyncset.done @!p2 $0x0  }
0xca: {  	s23 =	simm.s32 @!p2 $0x300;
	[sflag:s5] =	ssyncadd.s32 @!p2 $0xFFFFFF80;
	s5 =	simm.s32 @!p2 $0x80  }
0xcb: {  	[tilespmem:s23], [sflag:$0x7] =	stream.indirect.gather @!p2 [hbm4b:s31+s5], $0x80, s7, s5, $0xb8;
	[tilespmem:$0x1FB80] =	vst v63  }
0xcc: {  	s23 =	simm.s32 @!p2 $0x8  }
0xcd: {  	_ =	swait.ge @!p2 [sflag:s23], $0x4000  }
0xce: {  	[sflag:s23] =	ssyncset.done @!p2 $0x0  }
0xcf: {  	[sflag:s23] =	ssyncadd.s32 @!p2 $0xFFFFC000;
	s23 =	simm.s32 @!p2 $0x5  }
0xd0: {  	_ =	swait.ge @!p2 [sflag:s23], $0x80  }
0xd1: {  	s16 =	simm.s32 @!p2 $0x4300;
	[sflag:s23] =	ssyncset.done @!p2 $0x0  }
0xd2: {  	s17 =	simm.s32 @!p2 $0xA;
	[sflag:s23] =	ssyncadd.s32 @!p2 $0xFFFFFF80;
	s23 =	simm.s32 @!p2 $0x200  }
0xd3: {  	[spmem:s2] =	stream.indirect.scatter.add.f32 @!p2 [tilespmem:s16], [sflag:$0xA], $0x80, s23, s5, $0xb8;
	[tilespmem:$0x1FB80] =	vst v63  }
0xd4: {  	_ =	swait.ge @!p2 [sflag:s17], $0x4000  }
0xd5: {  	[sflag:s17] =	ssyncset.done @!p2 $0x0  }
0xd6: {  	[sflag:s17] =	ssyncadd.s32 @!p2 $0xFFFFC000;
	s17 =	sadd.s32 @!p2 s22, s24  }
0xd7: {  	[tilespmem:s5], [sflag:$0x2] =	stream.linear.gather @!p2 [hbm4b:s17+s7], $0x80, $0x38;
	[tilespmem:$0x1FB80] =	vst v63  }
0xd8: {  	s17 =	sadd.s32 @!p2 s22, s25  }
0xd9: {  	[tilespmem:s23], [sflag:$0x5] =	stream.linear.gather @!p2 [hbm4b:s17+s7], $0x80, $0x38;
	[tilespmem:$0x1FB80] =	vst v63  }
0xda: {  	s7 =	simm.s32 @!p2 $0x2  }
0xdb: {  	_ =	swait.ge @!p2 [sflag:s7], $0x80  }
0xdc: {  	[sflag:s7] =	ssyncset.done @!p2 $0x0  }
0xdd: {  	[sflag:s7] =	ssyncadd.s32 @!p2 $0xFFFFFF80  }
0xde: {  	[tilespmem:s16], [sflag:$0x8] =	stream.indirect.gather @!p2 [hbm4b:s31+s5], $0x80, s5, s5, $0xb8;
	[tilespmem:$0x1FB80] =	vst v63  }
0xdf: {  	_ =	swait.ge [sflag:s13], $0x4000  }
0xe0: {  	[sflag:s13] =	ssyncset.done $0x0  }
0xe1: {  	[sflag:s13] =	ssyncadd.s32 $0xFFFFC000  }
0xe2: {  	_ =	swait.ge [sflag:s14], $0x80  }
0xe3: {  	[sflag:s14] =	ssyncset.done $0x0  }
.Ltmp3:
0xe4: {  	[sflag:s14] =	ssyncadd.s32 $0xFFFFFF80;
	(pc) =	sbr.rel @p2 .LBB2_6-.Ltmp3, $4  }
0xe5: {  	[spmem:s2] =	stream.indirect.scatter.add.f32 [tilespmem:s8], [sflag:$0xA], $0x80, s4, s26, $0xb8;
	[tilespmem:$0x1FB80] =	vst v63  }
0xe6: {  	_ =	swait.ge [sflag:s9], $0x4000  }
0xe7: {  	[sflag:s9] =	ssyncset.done $0x0  }
0xe8: {  	[sflag:s9] =	ssyncadd.s32 $0xFFFFC000  }
.Ltmp4:
0xe9: {  	s5 =	sadd.s32 s22, s24;
	(pc) =	sbr.rel .LBB2_4-.Ltmp4, $4  }
0xea: {  	s23 =	sadd.s32 s22, s25;
	s5 =	sadd.s32 $0x10, s5  }
0xeb: {  	[tilespmem:s28], [sflag:$0x3] =	stream.linear.gather [hbm4b:s5+s3], $0x80, $0x38;
	[tilespmem:$0x1FB80] =	vst v63  }
0xec: {  	s22 =	sadd.s32 $0x30, s22;
	s5 =	sadd.s32 $0x10, s23  }
0xed: {  	[tilespmem:s4], [sflag:$0x6] =	stream.linear.gather [hbm4b:s5+s3], $0x80, $0x38;
	[tilespmem:$0x1FB80] =	vst v63  }
.LBB2_6:
.Ltmp5:
0xee: {  	(pc) =	sbr.rel @p0 .LBB2_8-.Ltmp5, $2  }
0xef: {  	_ =	sdelay $0x2  }
0xf0: {  	s17 =	smov.u32 s18  }
0xf1: {  	s5 =	rddreg [dreg:$0x14]  }
0xf2: {  	[tilespmem:s3], [sflag:$0xA] =	stream.linear.gather [hbm4b:s5+s3], $0x80, $0x38;
	[tilespmem:$0x1FB80] =	vst v63  }
0xf3: {  	_ =	swait.ge [sflag:s9], $0x80  }
0xf4: {  	[sflag:s9] =	ssyncset.done $0x0  }
0xf5: {  	s22 =	rddreg [dreg:$0x18];
	[sflag:s9] =	ssyncadd.s32 $0xFFFFFF80  }
0xf6: {  	[tilespmem:s1], [sflag:$0xA] =	stream.linear.gather [hbm4b:s22+s3], $0x80, $0x38;
	[tilespmem:$0x1FB80] =	vst v63  }
0xf7: {  	_ =	swait.ge [sflag:s9], $0x80  }
0xf8: {  	[sflag:s9] =	ssyncset.done $0x0  }
0xf9: {  	[sflag:s9] =	ssyncadd.s32 $0xFFFFFF80  }
0xfa: {  	[tilespmem:s6], [sflag:$0x7] =	stream.indirect.gather [hbm4b:s31+s26], $0x80, s3, s26, $0xb8;
	[tilespmem:$0x1FB80] =	vst v63  }
0xfb: {  	_ =	swait.ge [sflag:s11], $0x4000  }
0xfc: {  	[sflag:s11] =	ssyncset.done $0x0  }
0xfd: {  	[sflag:s11] =	ssyncadd.s32 $0xFFFFC000  }
0xfe: {  	[spmem:s2] =	stream.indirect.scatter.add.f32 [tilespmem:s6], [sflag:$0xA], $0x80, s1, s26, $0xb8;
	[tilespmem:$0x1FB80] =	vst v63  }
0xff: {  	_ =	swait.ge [sflag:s9], $0x4000  }
0x100: {  	[sflag:s9] =	ssyncset.done $0x0  }
0x101: {  	s23 =	rddreg [dreg:$0x15];
	[sflag:s9] =	ssyncadd.s32 $0xFFFFC000  }
0x102: {  	[tilespmem:s3], [sflag:$0xA] =	stream.linear.gather [hbm4b:s23+s3], $0x80, $0x38;
	[tilespmem:$0x1FB80] =	vst v63  }
0x103: {  	_ =	swait.ge [sflag:s9], $0x80  }
0x104: {  	[sflag:s9] =	ssyncset.done $0x0  }
0x105: {  	s7 =	rddreg [dreg:$0x19];
	[sflag:s9] =	ssyncadd.s32 $0xFFFFFF80  }
0x106: {  	[tilespmem:s1], [sflag:$0xA] =	stream.linear.gather [hbm4b:s7+s3], $0x80, $0x38;
	[tilespmem:$0x1FB80] =	vst v63  }
0x107: {  	_ =	swait.ge [sflag:s9], $0x80  }
0x108: {  	[sflag:s9] =	ssyncset.done $0x0  }
0x109: {  	[sflag:s9] =	ssyncadd.s32 $0xFFFFFF80  }
0x10a: {  	[tilespmem:s6], [sflag:$0x7] =	stream.indirect.gather [hbm4b:s31+s26], $0x80, s3, s26, $0xb8;
	[tilespmem:$0x1FB80] =	vst v63  }
0x10b: {  	_ =	swait.ge [sflag:s11], $0x4000  }
0x10c: {  	[sflag:s11] =	ssyncset.done $0x0  }
0x10d: {  	[sflag:s11] =	ssyncadd.s32 $0xFFFFC000  }
0x10e: {  	[spmem:s2] =	stream.indirect.scatter.add.f32 [tilespmem:s6], [sflag:$0xA], $0x80, s1, s26, $0xb8;
	[tilespmem:$0x1FB80] =	vst v63  }
0x10f: {  	_ =	swait.ge [sflag:s9], $0x4000  }
0x110: {  	[sflag:s9] =	ssyncset.done $0x0  }
0x111: {  	s16 =	rddreg [dreg:$0x16];
	[sflag:s9] =	ssyncadd.s32 $0xFFFFC000  }
0x112: {  	[tilespmem:s3], [sflag:$0xA] =	stream.linear.gather [hbm4b:s16+s3], $0x80, $0x38;
	[tilespmem:$0x1FB80] =	vst v63  }
0x113: {  	_ =	swait.ge [sflag:s9], $0x80  }
0x114: {  	[sflag:s9] =	ssyncset.done $0x0  }
0x115: {  	s18 =	rddreg [dreg:$0x1a];
	[sflag:s9] =	ssyncadd.s32 $0xFFFFFF80  }
0x116: {  	[tilespmem:s1], [sflag:$0xA] =	stream.linear.gather [hbm4b:s18+s3], $0x80, $0x38;
	[tilespmem:$0x1FB80] =	vst v63  }
0x117: {  	_ =	swait.ge [sflag:s9], $0x80  }
0x118: {  	[sflag:s9] =	ssyncset.done $0x0  }
0x119: {  	[sflag:s9] =	ssyncadd.s32 $0xFFFFFF80  }
0x11a: {  	[tilespmem:s6], [sflag:$0x7] =	stream.indirect.gather [hbm4b:s31+s26], $0x80, s3, s26, $0xb8;
	[tilespmem:$0x1FB80] =	vst v63  }
0x11b: {  	_ =	swait.ge [sflag:s11], $0x4000  }
0x11c: {  	[sflag:s11] =	ssyncset.done $0x0  }
0x11d: {  	[sflag:s11] =	ssyncadd.s32 $0xFFFFC000  }
0x11e: {  	[spmem:s2] =	stream.indirect.scatter.add.f32 [tilespmem:s6], [sflag:$0xA], $0x80, s1, s26, $0xb8;
	[tilespmem:$0x1FB80] =	vst v63  }
0x11f: {  	_ =	swait.ge [sflag:s9], $0x4000  }
0x120: {  	[sflag:s9] =	ssyncset.done $0x0  }
0x121: {  	s22 =	rddreg [dreg:$0x17];
	[sflag:s9] =	ssyncadd.s32 $0xFFFFC000  }
0x122: {  	[tilespmem:s3], [sflag:$0xA] =	stream.linear.gather [hbm4b:s22+s3], $0x80, $0x38;
	[tilespmem:$0x1FB80] =	vst v63  }
0x123: {  	_ =	swait.ge [sflag:s9], $0x80  }
0x124: {  	[sflag:s9] =	ssyncset.done $0x0  }
0x125: {  	s23 =	rddreg [dreg:$0x1b];
	[sflag:s9] =	ssyncadd.s32 $0xFFFFFF80  }
0x126: {  	[tilespmem:s1], [sflag:$0xA] =	stream.linear.gather [hbm4b:s23+s3], $0x80, $0x38;
	[tilespmem:$0x1FB80] =	vst v63  }
0x127: {  	_ =	swait.ge [sflag:s9], $0x80  }
0x128: {  	[sflag:s9] =	ssyncset.done $0x0  }
0x129: {  	[sflag:s9] =	ssyncadd.s32 $0xFFFFFF80  }
0x12a: {  	[tilespmem:s6], [sflag:$0x7] =	stream.indirect.gather [hbm4b:s31+s26], $0x80, s3, s26, $0xb8;
	[tilespmem:$0x1FB80] =	vst v63  }
0x12b: {  	_ =	swait.ge [sflag:s11], $0x4000  }
0x12c: {  	[sflag:s11] =	ssyncset.done $0x0  }
.Ltmp6:
0x12d: {  	[sflag:s11] =	ssyncadd.s32 $0xFFFFC000;
	(pc) =	sbr.rel .LBB2_8-.Ltmp6, $4  }
0x12e: {  	[spmem:s2] =	stream.indirect.scatter.add.f32 [tilespmem:s6], [sflag:$0xA], $0x80, s1, s26, $0xb8;
	[tilespmem:$0x1FB80] =	vst v63  }
0x12f: {  	_ =	swait.ge [sflag:s9], $0x4000  }
0x130: {  	[sflag:s9] =	ssyncset.done $0x0  }
0x131: {  	[sflag:s9] =	ssyncadd.s32 $0xFFFFC000  }
.LBB2_9:
0x132: {  	_ =	sfence.sel $0x180000  }
0x133: {  	[bflag:$0x0] =	sbarrier.arrive $0xFFFF  }
0x134: {  	_ =	strace $0x9000004D  }
0x135: {  	s0 =	stileid.u32;
	[bflag:$0x2] =	sbarrier.arrive $0xFFFF  }
0x136: {  	p0 =	sne.s32 s0, $0x0;
	s0 =	rddreg [dreg:$0x3]  }
0x137: {  	s0 =	sadd.s32 @!p0 $0x100000, s0  }
0x138: {  	[sflag:s0] =	ssyncadd.tile.s32 @!p0 $0x1;
	_ =	shalt  }
.Lfunc_end2:
_tile_overlayer_lowered:
.L_overlay_start_2:
0x139: {  	(tag) =	ssettag $0x2  }
0x13a: {  	s0 =	rddreg [dreg:$0x0];
	s2 =	stileid.u32  }
0x13b: {  	s1 =	rddreg [dreg:$0x1];
	p0 =	sne.s32 s2, $0x0  }
0x13c: {  	s3 =	rddreg [dreg:$0x2];
	[bflag:$0x3] =	sbarrier.arrive $0xFFFF;
	s2 =	simm.s32 @!p0 $0x1C0A  }
0x13d: {  	[timem:s3], [sflag:s2] =	dma.local @!p0 [hbm:s0], s1  }
0x13e: {  	s0 =	simm.s32 @!p0 $0xA  }
0x13f: {  	_ =	swait.ge @!p0 [sflag:s0], s1  }
0x140: {  	s1 =	ssub.s32 @!p0 $0x0, s1;
	[sflag:s0] =	ssyncset.done @!p0 $0x0  }
0x141: {  	[sflag:s0] =	ssyncadd.s32 @!p0 s1  }
0x142: {  	[bflag:$0x3] =	sbarrier.arrive $0xFFFF  }
0x143: {  	_ =	shalt  }

// kernel: kernel.19.cloned.1.call-start
scs
__scs_entry_jumppad:
0x0: {  	(pc) =	sbr.rel $0x88, $3  }
0x1: {  	(tag) =	ssettag $0x0;
	lr =	simm.s32 $0x1  }
0x2: {  	[smem:$0x3F95] =	sst lr;
	_ =	strace $0xD0000000  }
0x3: {  	_ = 	snop  }
0x4: {  	_ = 	snop  }
0x5: {  	_ = 	snop  }
0x6: {  	_ = 	snop  }
0x7: {  	_ = 	snop  }
__scs_overlays_trampoline_lowered:
0x8: {  	[smem:$0x3FA4] =	sst s0  }
0x9: {  	[smem:$0x3FA5] =	sst s1  }
0xa: {  	[smem:$0x3FA6] =	sst s2  }
0xb: {  	[smem:$0x3FA7] =	sst s3  }
0xc: {  	[smem:$0x3FA8] =	sst s4  }
0xd: {  	[smem:$0x3FA9] =	sst s5  }
0xe: {  	[smem:$0x3FAA] =	sst s6  }
0xf: {  	[smem:$0x3FAB] =	sst s7  }
0x10: {  	[smem:$0x3FAC] =	sst s8  }
0x11: {  	[smem:$0x3FAD] =	sst s9;
	s0 =	simm.s32 @!p0 $0x0  }
0x12: {  	s1 =	sld [smem:$0x3F93];
	s0 =	simm.s32 @p0 $0x1  }
0x13: {  	[smem:$0x3FAE] =	sst s0;
	s0 =	simm.s32 @!p1 $0x0  }
0x14: {  	s2 =	sld [smem:$0x3F92];
	s0 =	simm.s32 @p1 $0x1  }
0x15: {  	[smem:$0x3FAF] =	sst s0;
	s0 =	simm.s32 @!p2 $0x0  }
0x16: {  	s3 =	sld [smem:$0x3FDB];
	s0 =	simm.s32 @p2 $0x1  }
0x17: {  	s4 =	simm.s32 $0x1BF5;
	[smem:$0x3FB1] =	sst s0  }
0x18: {  	s0 =	sld [smem:$0x3F94];
	_ =	swait.ge [sflag:s4], $0x0  }
0x19: {  	s7 =	sld [smem:$0x3F95]  }
0x1a: {  	s8 =	sadd.s32 $0xFFFFE003, lr  }
0x1b: {  	s9 =	sadd.s32 $0xFFFFFEF7, lr;
	s5 =	simm.s32 $0xFFFFFFFF;
	p2 =	slt.u32 s8, $0xFFFFF086  }
0x1c: {  	p1 =	slt.u32 s9, $0xF7A;
	s5 =	simm.s32 @!p2 $0x0  }
0x1d: {  	s5 =	simm.s32 @p1 $0x1;
	p0 =	seq.s32 s7, s2  }
0x1e: {  	s7 =	smul.u32 @!p0 $0xF7A, s2;
	p2 =	seq.s32 @!p0 s5, $0x0  }
0x1f: {  	s9 =	smul.u32 $0xF7A, s1;
	s8 =	simm.s32 @!p0 $0x1BF5;
	p2 =	por !p2, p0  }
0x20: {  	[sflag:s8] =	ssyncset.s32 @!p0 $0xFFFFF086;
	s6 =	sadd.s32 @!p0 s3, s7;
	s7 =	simm.s32 @!p0 $0x108  }
0x21: {  	s3 =	sadd.s32 s3, s9;
	s6 =	sadd.s32 @!p0 $0x88, s6;
	s7 =	simm.s32 @p2 $0x1082  }
0x22: {  	[simem:s7], [sflag:s8] =	dma.local @!p0 [hbm:s6], $0xF7A  }
0x23: {  	s9 =	sor.u32 $0xD0000000, s2;
	s6 =	simm.s32 $0x108;
	_ =	swait.ge @!p0 [sflag:s8], $0x0  }
0x24: {  	s3 =	sadd.s32 $0x88, s3;
	s6 =	simm.s32 @!p1 $0x1082;
	[sflag:s4] =	ssyncset.s32 $0xFFFFF086  }
0x25: {  	[simem:s6], [sflag:s4] =	dma.local [hbm:s3], $0xF7A  }
0x26: {  	[smem:$0x3F95] =	sst s1;
	(tag) =	ssettag s2;
	_ =	strace s9  }
0x27: {  	s1 =	sld [smem:$0x3FA5]  }
0x28: {  	s2 =	sld [smem:$0x3FA6]  }
0x29: {  	s4 =	sld [smem:$0x3FA8]  }
0x2a: {  	p0 =	seq.s32 s5, $0x0;
	s5 =	sld [smem:$0x3FA9]  }
0x2b: {  	s6 =	sld [smem:$0x3FAA]  }
0x2c: {  	s7 =	sld [smem:$0x3FAB]  }
0x2d: {  	s3 =	simm.s32 $0x108;
	s8 =	sld [smem:$0x3FAC]  }
0x2e: {  	s3 =	simm.s32 @!p0 $0x1082;
	s9 =	sld [smem:$0x3FAD]  }
0x2f: {  	lr =	sadd.s32 s0, s3;
	s0 =	sld [smem:$0x3FA4]  }
0x30: {  	s3 =	sld [smem:$0x3FA7]  }
0x31: {  	[smem:$0x3FB0] =	sst s10  }
0x32: {  	s10 =	sld [smem:$0x3FAE];
	_ =	sdelay $0x3  }
0x33: {  	p0 =	seq.s32 s10, $0x1;
	s10 =	sld [smem:$0x3FB0];
	_ =	sdelay $0x3  }
0x34: {  	[smem:$0x3FB0] =	sst s10  }
0x35: {  	s10 =	sld [smem:$0x3FAF];
	_ =	sdelay $0x3  }
0x36: {  	p1 =	seq.s32 s10, $0x1;
	s10 =	sld [smem:$0x3FB0];
	_ =	sdelay $0x3  }
0x37: {  	[smem:$0x3FB0] =	sst s10  }
0x38: {  	s10 =	sld [smem:$0x3FB1]  }
0x39: {  	_ = 	snop;
	(pc) =	sbr.ind lr, $3  }
0x3a: {  	_ = 	snop  }
0x3b: {  	_ = 	snop  }
0x3c: {  	p2 =	seq.s32 s10, $0x1;
	s10 =	sld [smem:$0x3FB0]  }
0x3d: {  	_ =	shalt  }
0x3e: {  	_ =	shalt  }
0x3f: {  	_ =	shalt  }
0x40: {  	_ =	shalt  }
0x41: {  	_ =	shalt  }
0x42: {  	_ =	shalt  }
0x43: {  	_ =	shalt  }
0x44: {  	_ =	shalt  }
0x45: {  	_ =	shalt  }
0x46: {  	_ =	shalt  }
0x47: {  	_ =	shalt  }
0x48: {  	_ =	shalt  }
0x49: {  	_ =	shalt  }
0x4a: {  	_ =	shalt  }
0x4b: {  	_ =	shalt  }
0x4c: {  	_ =	shalt  }
0x4d: {  	_ =	shalt  }
0x4e: {  	_ =	shalt  }
0x4f: {  	_ =	shalt  }
0x50: {  	_ =	shalt  }
0x51: {  	_ =	shalt  }
0x52: {  	_ =	shalt  }
0x53: {  	_ =	shalt  }
0x54: {  	_ =	shalt  }
0x55: {  	_ =	shalt  }
0x56: {  	_ =	shalt  }
0x57: {  	_ =	shalt  }
0x58: {  	_ =	shalt  }
0x59: {  	_ =	shalt  }
0x5a: {  	_ =	shalt  }
0x5b: {  	_ =	shalt  }
0x5c: {  	_ =	shalt  }
0x5d: {  	_ =	shalt  }
0x5e: {  	_ =	shalt  }
0x5f: {  	_ =	shalt  }
0x60: {  	_ =	shalt  }
0x61: {  	_ =	shalt  }
0x62: {  	_ =	shalt  }
0x63: {  	_ =	shalt  }
0x64: {  	_ =	shalt  }
0x65: {  	_ =	shalt  }
0x66: {  	_ =	shalt  }
0x67: {  	_ =	shalt  }
0x68: {  	_ =	shalt  }
0x69: {  	_ =	shalt  }
0x6a: {  	_ =	shalt  }
0x6b: {  	_ =	shalt  }
0x6c: {  	_ =	shalt  }
0x6d: {  	_ =	shalt  }
0x6e: {  	_ =	shalt  }
0x6f: {  	_ =	shalt  }
0x70: {  	_ =	shalt  }
0x71: {  	_ =	shalt  }
0x72: {  	_ =	shalt  }
0x73: {  	_ =	shalt  }
0x74: {  	_ =	shalt  }
0x75: {  	_ =	shalt  }
0x76: {  	_ =	shalt  }
0x77: {  	_ =	shalt  }
0x78: {  	_ =	shalt  }
0x79: {  	_ =	shalt  }
0x7a: {  	_ =	shalt  }
0x7b: {  	_ =	shalt  }
0x7c: {  	_ =	shalt  }
0x7d: {  	_ =	shalt  }
0x7e: {  	_ =	shalt  }
0x7f: {  	_ =	shalt  }
0x80: {  	_ =	shalt  }
0x81: {  	_ =	shalt  }
0x82: {  	_ =	shalt  }
0x83: {  	_ =	shalt  }
0x84: {  	_ =	shalt  }
0x85: {  	_ =	shalt  }
0x86: {  	_ =	shalt  }
0x87: {  	_ =	shalt  }
.Lfunc_end0:
.L_simem_size_0:
called_computation.3_lowered:
.L_overlay_start_0:
0x88: {  	s2 =	sld [smem:$0x3FD9]  }
0x89: {  	s3 =	sld [smem:$0x3FFE];
	_ =	sdelay $0x1  }
0x8a: {  	s1 =	srdreg.scid  }
0x8b: {  	s0 =	sand.u32 $0x1, s1  }
0x8c: {  	s17 =	sshll.u32 s0, $0xA;
	s2 =	sadd.s32 s3, s2  }
0x8d: {  	s2 =	sadd.s32 s2, s17  }
0x8e: {  	[smem:$0x3FBC] =	sst s2  }
0x8f: {  	_ = 	snop  }
0x90: {  	s2 =	sld [smem:$0x3FD0];
	(tm) =	ssettm $0x1  }
0x91: {  	s18 =	sld [smem:$0x3FFB];
	_ =	sdelay $0x3  }
0x92: {  	_ =	strace s18  }
0x93: {  	s3 =	sld [smem:$0x3FFC];
	_ =	sdelay $0x3  }
0x94: {  	_ =	strace s3  }
0x95: {  	s3 =	sld [smem:$0x3FFD];
	_ =	sdelay $0x3  }
0x96: {  	_ =	strace s3  }
0x97: {  	_ =	strace $0x8FFFFFFF  }
0x98: {  	s19 =	sld [smem:$0x3FDB];
	_ =	sdelay $0x1  }
0x99: {  	s4 =	simm.s32 $_scs_section_size  }
0x9a: {  	s5 =	simm.s32 $_size__tile_overlayer_lowered;
	s6 =	simm.s32 $_tile_overlayer_lowered  }
0x9b: {  	s22 =	simm.s32 $0x1BFF;
	s21 =	sshll.u32 s6, $0x1;
	s3 =	sadd.s32 s4, s19  }
0x9c: {  	s7 =	simm.s32 $0x0;
	s20 =	sshll.u32 s5, $0x1;
	s5 =	sadd.s32 s21, s3  }
0x9d: {  	[timem:s7], [sflag:s22] =	dma.local [hbm:s5], s20  }
0x9e: {  	_ =	swait.ge [sflag:s22], s20  }
0x9f: {  	s4 =	ssub.s32 $0x0, s20;
	[sflag:s22] =	ssyncset.done $0x0  }
0xa0: {  	[sflag:s22] =	ssyncadd.s32 s4;
	_ =	sdelay $0x1  }
0xa1: {  	s23 =	simm.s32 $0x1B8B  }
0xa2: {  	_ =	swait.ge [sflag:s23], $0x1  }
0xa3: {  	[sflag:s23] =	ssyncset.done $0x0  }
0xa4: {  	s25 =	simm.s32 $0x1B8E;
	s24 =	sld [smem:$0x3FFE];
	[sflag:s23] =	ssyncadd.s32 $0xFFFFFFFF  }
0xa5: {  	s26 =	simm.s32 $execute0_lowered;
	[smem:$0x3FD2] =	sst s25  }
0xa6: {  	s5 =	sshll.u32 s26, $0x1;
	_ =	strace $0x8000004F;
	[dreg:$0x1] =	wrdreg $0xFFFFFFFF  }
0xa7: {  	s28 =	simm.s32 $_size_execute0_lowered;
	s3 =	sadd.s32 s3, s5;
	[dreg:$0x0] =	wrdreg $0x0  }
0xa8: {  	s5 =	sshll.u32 s28, $0x1;
	[dreg:$0x2] =	wrdreg s3  }
0xa9: {  	[dreg:$0x3] =	wrdreg s5  }
0xaa: {  	[dreg:$0x4] =	wrdreg $0xC0  }
0xab: {  	_ =	task [dreg:s7], $0x5FFFF  }
0xac: {  	[dreg:$0x1] =	wrdreg $0xFFFFFFFF  }
0xad: {  	[dreg:$0x0] =	wrdreg $0x60  }
0xae: {  	[dreg:$0x2] =	wrdreg s24  }
0xaf: {  	[dreg:$0x3] =	wrdreg s2  }
0xb0: {  	[dreg:$0x4] =	wrdreg $0xC3000  }
0xb1: {  	[dreg:$0x5] =	wrdreg $0x9  }
0xb2: {  	_ =	task.clear_ibuf [dreg:s7], $0x6FFFF;
	_ =	strace $0x9000004F  }
0xb3: {  	s29 =	simm.s32 $0x9;
	_ =	strace $0x80000051  }
0xb4: {  	_ =	swait.ge [sflag:s29], $0x1  }
0xb5: {  	[sflag:s29] =	ssyncadd.s32 $0xFFFFFFFF  }
0xb6: {  	_ =	strace $0x90000051  }
0xb7: {  	_ =	sfence  }
0xb8: {  	s30 =	sld [smem:$0x0];
	_ =	sdelay $0x2  }
0xb9: {  	s31 =	sshll.u32 s1, $0xD;
	s1 =	sshrl.u32 s1, $0x2  }
0xba: {  	s3 =	sand.u32 $0x4000, s31;
	s1 =	sadd.s32 s1, s30  }
0xbb: {  	s0 =	sor.u32 s3, s0;
	s1 =	sshll.u32 s1, $0x11  }
0xbc: {  	s0 =	sor.u32 s1, s0  }
0xbd: {  	s0 =	sadd.s32 $0x8F2B, s0  }
0xbe: {  	[sflag:s0] =	ssyncadd.remote.s32 $0x1  }
0xbf: {  	_ =	sfence.sel $0xFFFF  }
0xc0: {  	[dreg:$0x0] =	wrdreg $0xFFFFFFFF;
	(pc) =	sbr.abs _section_cstart, $3  }
0xc1: {  	[dreg:$0x1] =	wrdreg $0xFFFFFFFF  }
0xc2: {  	_ =	task.clear_ibuf [dreg:s7], $0x2FFFF;
	_ =	strace $0x9FFFFFFF  }
0xc3: {  	(tm) =	ssettm $0x7FFFFFFF  }
tec
execute0_lowered:
.L_overlay_start_1:
0x0: {  	(tag) =	ssettag $0x1  }
0x1: {  	s0 =	rddreg [dreg:$0x0];
	s2 =	srdreg.scid  }
0x2: {  	s1 =	rddreg [dreg:$0x1];
	s22 =	stileid.u32;
	s3 =	simm.s32 $0x0  }
0x3: {  	s28 =	simm.s32 $0x100;
	s4 =	sand.u32 $0x1, s2;
	s2 =	rddreg [dreg:$0x2]  }
0x4: {  	[smem:$0x7FF] =	sst s3;
	s8 =	smul.u32 $0x13800, s22;
	s9 =	sadd.s32 $0x3200, s0  }
0x5: {  	s12 =	sadd.s32 $0x34200, s0;
	s25 =	smul.u32 $0x4E, s22;
	s31 =	sadd.s32 $0xD000, s0  }
0x6: {  	p1 =	sne.s32 s22, $0xF;
	s5 =	sshll.u32 s4, $0x4;
	s11 =	smul.u32 $0x138800, s4  }
0x7: {  	_ =	strace $0x80000050;
	s7 =	ssub.s32 $0x2, s4;
	s4 =	smul.u32 $0x4E0, s4  }
0x8: {  	s5 =	sor.u32 s22, s5;
	s10 =	sshrl.u32 s7, $0x1;
	s13 =	sadd.s32 $0x3400, s8  }
0x9: {  	s14 =	sadd.s32 $0x6800, s8;
	s19 =	sadd.s32 $0x9C00, s8;
	s6 =	smul.u32 $0x4E0, s5  }
0xa: {  	s20 =	sadd.s32 $0xD000, s8;
	s7 =	ssub.s32 s7, s10;
	s10 =	smul.u32 $0x2700, s5  }
0xb: {  	s15 =	sadd.s32 s8, s11;
	s8 =	sadd.s32 $0x10400, s8;
	s26 =	sadd.s32 s11, s13  }
0xc: {  	s16 =	sadd.s32 s11, s14;
	s17 =	sadd.s32 s11, s19;
	s23 =	sadd.s32 s11, s20  }
0xd: {  	s4 =	sadd.s32 s25, s4;
	p0 =	sne.s32 s5, $0x1F;
	s19 =	sadd.s32 s19, s2  }
0xe: {  	s20 =	sadd.s32 s20, s2;
	s15 =	sshrl.u32 s15, $0x3;
	s16 =	sshrl.u32 s16, $0x3  }
0xf: {  	s18 =	sshrl.u32 s17, $0x3;
	s24 =	sadd.s32 s11, s8;
	s11 =	sshrl.u32 s11, $0x3  }
0x10: {  	s15 =	sadd.s32 s12, s15;
	s21 =	sadd.s32 s12, s18;
	s11 =	sadd.s32 s12, s11  }
0x11: {  	s10 =	sshrl.u32 s10, $0x3;
	s18 =	smul.u32 $0x4E000, s22;
	[dreg:$0x4] =	wrdreg s15  }
0x12: {  	s15 =	sshrl.u32 s26, $0x3;
	[dreg:$0x7] =	wrdreg s21;
	s11 =	sadd.s32 $0x27000, s11  }
0x13: {  	s21 =	sadd.s32 $0x20, s10;
	s15 =	sadd.s32 s12, s15;
	[dreg:$0x12] =	wrdreg s11  }
0x14: {  	s4 =	sshll.u32 s4, $0x4;
	s25 =	sadd.s32 s1, s21;
	[dreg:$0x5] =	wrdreg s15  }
0x15: {  	s5 =	sshrl.u32 s18, $0x2;
	s18 =	sadd.s32 $0xCE00, s0;
	[dreg:$0xe] =	wrdreg s25  }
0x16: {  	s17 =	sor.u32 $0x10, s6;
	s15 =	sadd.s32 s12, s16;
	[dreg:$0x18] =	wrdreg s18  }
0x17: {  	s16 =	sshrl.u32 s24, $0x3;
	s24 =	sadd.s32 s9, s17;
	[dreg:$0x6] =	wrdreg s15  }
0x18: {  	s10 =	sadd.s32 $0x40, s4;
	s26 =	sadd.s32 s12, s16;
	[dreg:$0xd] =	wrdreg s24  }
0x19: {  	s11 =	simm.s32 $0x7;
	s16 =	sadd.s32 s1, s6;
	[dreg:$0x9] =	wrdreg s26  }
0x1a: {  	s25 =	sadd.s32 s10, s9;
	s6 =	sadd.s32 s9, s6;
	[dreg:$0xa] =	wrdreg s16  }
0x1b: {  	s15 =	sshrl.u32 s23, $0x3;
	s23 =	sadd.s32 s1, s17;
	[dreg:$0xb] =	wrdreg s6  }
0x1c: {  	s17 =	sadd.s32 s5, s2;
	s15 =	sadd.s32 s12, s15;
	[dreg:$0xc] =	wrdreg s23  }
0x1d: {  	s24 =	sadd.s32 s10, s1;
	s6 =	sadd.s32 s9, s21;
	[dreg:$0x8] =	wrdreg s15  }
0x1e: {  	s10 =	simm.s32 $0x3;
	s26 =	sadd.s32 s13, s2;
	[dreg:$0xf] =	wrdreg s6  }
0x1f: {  	s21 =	sadd.s32 s8, s2;
	s12 =	smax.u32 s7, $0x1;
	[dreg:$0x10] =	wrdreg s26  }
0x20: {  	s13 =	sadd.s32 s4, s9;
	s16 =	sadd.s32 $0x9C20, s1;
	[dreg:$0x13] =	wrdreg s12  }
0x21: {  	s4 =	sadd.s32 s4, s1;
	s23 =	sadd.s32 $0xCE10, s0;
	[dreg:$0x16] =	wrdreg s16  }
0x22: {  	s8 =	simm.s32 $0x8300;
	s6 =	sadd.s32 s14, s2;
	[dreg:$0x19] =	wrdreg s23  }
0x23: {  	s9 =	simm.s32 $0xA;
	s14 =	sadd.s32 $0x9C00, s1;
	[dreg:$0x11] =	wrdreg s6  }
0x24: {  	s15 =	sadd.s32 $0x9C10, s1;
	s1 =	sadd.s32 $0x9C30, s1;
	[dreg:$0x14] =	wrdreg s14  }
0x25: {  	s26 =	sadd.s32 $0xCE20, s0;
	s0 =	sadd.s32 $0xCE30, s0;
	[dreg:$0x15] =	wrdreg s15  }
.Ltmp0:
0x26: {  	s29 =	sadd.s32 $0x30, s4;
	[dreg:$0x17] =	wrdreg s1;
	(pc) =	sbr.rel .LBB2_1-.Ltmp0, $4  }
0x27: {  	s30 =	sadd.s32 $0x30, s13;
	s4 =	simm.s32 $0x280;
	[dreg:$0x1a] =	wrdreg s26  }
0x28: {  	s12 =	simm.s32 $0x4;
	s13 =	simm.s32 $0x9;
	[dreg:$0x1b] =	wrdreg s0  }
0x29: {  	s0 =	sadd.s32 $0x138000, s2;
	s1 =	simm.s32 $0x180;
	s26 =	simm.s32 $0x80  }
0x2a: {  	v0 =	vimm.f32 $0.0e+00;
	s6 =	simm.s32 $0x300;
	s14 =	simm.s32 $0x6;
	s15 =	simm.s32 $0x0  }
.LBB2_8:
0x2b: {  	[bflag:$0x0] =	sbarrier.arrive $0xFFFF  }
0x2c: {  	[tilespmem:s6], [sflag:$0xA] =	stream.linear.gather [spmem:s17], $0x3400, $0x38;
	[tilespmem:$0x1FB80] =	vst v63  }
0x2d: {  	_ =	swait.ge [sflag:s9], $0x3400  }
0x2e: {  	[sflag:s9] =	ssyncset.done $0x0  }
0x2f: {  	s5 =	rddreg [dreg:$0x4];
	[sflag:s9] =	ssyncadd.s32 $0xFFFFCC00  }
0x30: {  	[hbm4b:s5+s3] =	stream.linear.scatter [tilespmem:s6], [sflag:$0xA], $0x3400, $0x38;
	[tilespmem:$0x1FB80] =	vst v63  }
0x31: {  	_ =	swait.ge [sflag:s9], $0x3400  }
0x32: {  	[sflag:s9] =	ssyncset.done $0x0  }
0x33: {  	s18 =	rddreg [dreg:$0x10];
	[sflag:s9] =	ssyncadd.s32 $0xFFFFCC00  }
0x34: {  	[tilespmem:s6], [sflag:$0xA] =	stream.linear.gather [spmem:s18], $0x3400, $0x38;
	[tilespmem:$0x1FB80] =	vst v63  }
0x35: {  	_ =	swait.ge [sflag:s9], $0x3400  }
0x36: {  	[sflag:s9] =	ssyncset.done $0x0  }
0x37: {  	s22 =	rddreg [dreg:$0x5];
	[sflag:s9] =	ssyncadd.s32 $0xFFFFCC00  }
0x38: {  	[hbm4b:s22+s3] =	stream.linear.scatter [tilespmem:s6], [sflag:$0xA], $0x3400, $0x38;
	[tilespmem:$0x1FB80] =	vst v63  }
0x39: {  	_ =	swait.ge [sflag:s9], $0x3400  }
0x3a: {  	[sflag:s9] =	ssyncset.done $0x0  }
0x3b: {  	s23 =	rddreg [dreg:$0x11];
	[sflag:s9] =	ssyncadd.s32 $0xFFFFCC00  }
0x3c: {  	[tilespmem:s6], [sflag:$0xA] =	stream.linear.gather [spmem:s23], $0x3400, $0x38;
	[tilespmem:$0x1FB80] =	vst v63  }
0x3d: {  	_ =	swait.ge [sflag:s9], $0x3400  }
0x3e: {  	[sflag:s9] =	ssyncset.done $0x0  }
0x3f: {  	s7 =	rddreg [dreg:$0x6];
	[sflag:s9] =	ssyncadd.s32 $0xFFFFCC00  }
0x40: {  	[hbm4b:s7+s3] =	stream.linear.scatter [tilespmem:s6], [sflag:$0xA], $0x3400, $0x38;
	[tilespmem:$0x1FB80] =	vst v63  }
0x41: {  	_ =	swait.ge [sflag:s9], $0x3400  }
0x42: {  	[sflag:s9] =	ssyncset.done $0x0  }
0x43: {  	[sflag:s9] =	ssyncadd.s32 $0xFFFFCC00  }
0x44: {  	[tilespmem:s6], [sflag:$0xA] =	stream.linear.gather [spmem:s19], $0x3400, $0x38;
	[tilespmem:$0x1FB80] =	vst v63  }
0x45: {  	_ =	swait.ge [sflag:s9], $0x3400  }
0x46: {  	[sflag:s9] =	ssyncset.done $0x0  }
0x47: {  	s16 =	rddreg [dreg:$0x7];
	[sflag:s9] =	ssyncadd.s32 $0xFFFFCC00  }
0x48: {  	[hbm4b:s16+s3] =	stream.linear.scatter [tilespmem:s6], [sflag:$0xA], $0x3400, $0x38;
	[tilespmem:$0x1FB80] =	vst v63  }
0x49: {  	_ =	swait.ge [sflag:s9], $0x3400  }
0x4a: {  	[sflag:s9] =	ssyncset.done $0x0  }
0x4b: {  	[sflag:s9] =	ssyncadd.s32 $0xFFFFCC00  }
0x4c: {  	[tilespmem:s6], [sflag:$0xA] =	stream.linear.gather [spmem:s20], $0x3400, $0x38;
	[tilespmem:$0x1FB80] =	vst v63  }
0x4d: {  	_ =	swait.ge [sflag:s9], $0x3400  }
0x4e: {  	[sflag:s9] =	ssyncset.done $0x0  }
0x4f: {  	s18 =	rddreg [dreg:$0x8];
	[sflag:s9] =	ssyncadd.s32 $0xFFFFCC00  }
0x50: {  	[hbm4b:s18+s3] =	stream.linear.scatter [tilespmem:s6], [sflag:$0xA], $0x3400, $0x38;
	[tilespmem:$0x1FB80] =	vst v63  }
0x51: {  	_ =	swait.ge [sflag:s9], $0x3400  }
0x52: {  	[sflag:s9] =	ssyncset.done $0x0  }
0x53: {  	[sflag:s9] =	ssyncadd.s32 $0xFFFFCC00  }
0x54: {  	[tilespmem:s6], [sflag:$0xA] =	stream.linear.gather [spmem:s21], $0x3400, $0x38;
	[tilespmem:$0x1FB80] =	vst v63  }
0x55: {  	_ =	swait.ge [sflag:s9], $0x3400  }
0x56: {  	[sflag:s9] =	ssyncset.done $0x0  }
0x57: {  	s22 =	rddreg [dreg:$0x9];
	[sflag:s9] =	ssyncadd.s32 $0xFFFFCC00  }
0x58: {  	[hbm4b:s22+s3] =	stream.linear.scatter [tilespmem:s6], [sflag:$0xA], $0x3400, $0x38;
	[tilespmem:$0x1FB80] =	vst v63  }
0x59: {  	_ =	swait.ge [sflag:s9], $0x3400  }
0x5a: {  	[sflag:s9] =	ssyncset.done $0x0  }
0x5b: {  	s5 =	simm.s32 @!p1 $0x4300;
	s7 =	simm.s32 @!p1 $0xA;
	[sflag:s9] =	ssyncadd.s32 $0xFFFFCC00  }
0x5c: {  	[tilespmem:s5], [sflag:$0xA] =	stream.linear.gather @!p1 [spmem:s0], $0x800, $0x38;
	[tilespmem:$0x1FB80] =	vst v63  }
0x5d: {  	_ =	swait.ge @!p1 [sflag:s7], $0x800  }
0x5e: {  	[sflag:s7] =	ssyncset.done @!p1 $0x0  }
0x5f: {  	s16 =	simm.s32 @!p1 $0x0;
	s18 =	rddreg [dreg:$0x12];
	[sflag:s7] =	ssyncadd.s32 @!p1 $0xFFFFF800  }
0x60: {  	[hbm4b:s18+s16] =	stream.linear.scatter @!p1 [tilespmem:s5], [sflag:$0xA], $0x800, $0x38;
	[tilespmem:$0x1FB80] =	vst v63  }
0x61: {  	_ =	swait.ge @!p1 [sflag:s7], $0x800  }
0x62: {  	s15 =	sadd.s32 $0x1, s15;
	s23 =	rddreg [dreg:$0x13]  }
0x63: {  	p2 =	sne.s32 s15, s23  }
.Ltmp1:
0x64: {  	_ = 	snop;
	(pc) =	sbr.rel @!p2 .LBB2_9-.Ltmp1, $3  }
0x65: {  	_ =	sdelay $0x1  }
0x66: {  	[sflag:s7] =	ssyncset.done @!p1 $0x0  }
0x67: {  	[sflag:s7] =	ssyncadd.s32 @!p1 $0xFFFFF800  }
.LBB2_1:
0x68: {  	s5 =	rddreg [dreg:$0xa]  }
0x69: {  	[tilespmem:s3], [sflag:$0x1] =	stream.linear.gather [hbm4b:s5+s3], $0x80, $0x38;
	[tilespmem:$0x1FB80] =	vst v63  }
0x6a: {  	s18 =	rddreg [dreg:$0xb]  }
0x6b: {  	[tilespmem:s1], [sflag:$0x4] =	stream.linear.gather [hbm4b:s18+s3], $0x80, $0x38;
	[tilespmem:$0x1FB80] =	vst v63  }
0x6c: {  	s22 =	rddreg [dreg:$0xc]  }
0x6d: {  	[tilespmem:s26], [sflag:$0x2] =	stream.linear.gather [hbm4b:s22+s3], $0x80, $0x38;
	[tilespmem:$0x1FB80] =	vst v63  }
0x6e: {  	s23 =	rddreg [dreg:$0xd];
	s7 =	simm.s32 $0x200  }
0x6f: {  	[tilespmem:s7], [sflag:$0x5] =	stream.linear.gather [hbm4b:s23+s3], $0x80, $0x38;
	[tilespmem:$0x1FB80] =	vst v63  }
0x70: {  	s7 =	rddreg [dreg:$0xe]  }
0x71: {  	[tilespmem:s28], [sflag:$0x3] =	stream.linear.gather [hbm4b:s7+s3], $0x80, $0x38;
	[tilespmem:$0x1FB80] =	vst v63  }
0x72: {  	s16 =	rddreg [dreg:$0xf];
	s18 =	simm.s32 $0x1  }
0x73: {  	[tilespmem:s4], [sflag:$0x6] =	stream.linear.gather [hbm4b:s16+s3], $0x80, $0x38;
	[tilespmem:$0x1FB80] =	vst v63  }
0x74: {  	_ =	swait.ge [sflag:s18], $0x80  }
0x75: {  	[sflag:s18] =	ssyncset.done $0x0  }
0x76: {  	s22 =	simm.s32 $0x2;
	[sflag:s18] =	ssyncadd.s32 $0xFFFFFF80  }
0x77: {  	[tilespmem:s6], [sflag:$0x7] =	stream.indirect.gather [hbm4b:s31+s26], $0x80, s3, s26, $0xb8;
	[tilespmem:$0x1FB80] =	vst v63  }
0x78: {  	_ =	swait.ge [sflag:s22], $0x80  }
0x79: {  	[sflag:s22] =	ssyncset.done $0x0  }
0x7a: {  	s23 =	simm.s32 $0x4300;
	[sflag:s22] =	ssyncadd.s32 $0xFFFFFF80  }
0x7b: {  	[tilespmem:s23], [sflag:$0x8] =	stream.indirect.gather [hbm4b:s31+s26], $0x80, s26, s26, $0xb8;
	[tilespmem:$0x1FB80] =	vst v63  }
0x7c: {  	s22 =	simm.s32 $0x0;
	s23 =	simm.s32 $0x200  }
.LBB2_2:
0x7d: {  	p2 =	sne.s32 s23, $0xFE00;
	[tilespmem:s22+$0x8370] =	vst v0  }
0x7e: {  	[tilespmem:s22+$0x8300] =	vst v0  }
0x7f: {  	[tilespmem:s22+$0x8310] =	vst v0  }
.Ltmp2:
0x80: {  	[tilespmem:s22+$0x8320] =	vst v0;
	(pc) =	sbr.rel @p2 .LBB2_2-.Ltmp2, $4  }
0x81: {  	[tilespmem:s22+$0x8330] =	vst v0  }
0x82: {  	[tilespmem:s22+$0x8340] =	vst v0  }
0x83: {  	[tilespmem:s22+$0x8350] =	vst v0  }
0x84: {  	[tilespmem:s22+$0x8360] =	vst v0;
	s22 =	sshra.s32 s23, $0x2;
	s23 =	sadd.s32 $0x200, s23  }
0x85: {  	[tilespmem:s22+$0x8370] =	vst v0  }
0x86: {  	[tilespmem:s22+$0x8300] =	vst v0  }
0x87: {  	[tilespmem:s22+$0x8310] =	vst v0  }
0x88: {  	[tilespmem:s22+$0x8320] =	vst v0  }
0x89: {  	[tilespmem:s22+$0x8330] =	vst v0  }
0x8a: {  	[tilespmem:s22+$0x8340] =	vst v0  }
0x8b: {  	[tilespmem:s22+$0x8350] =	vst v0  }
0x8c: {  	[tilespmem:s22+$0x8360] =	vst v0  }
0x8d: {  	[spmem:s17] =	stream.linear.scatter [tilespmem:s8], [sflag:$0xA], $0x3400, $0x38;
	[tilespmem:$0x1FB80] =	vst v63  }
0x8e: {  	_ =	swait.ge [sflag:s9], $0x3400  }
0x8f: {  	[sflag:s9] =	ssyncset.done $0x0  }
0x90: {  	s5 =	rddreg [dreg:$0x10];
	[sflag:s9] =	ssyncadd.s32 $0xFFFFCC00  }
0x91: {  	[spmem:s5] =	stream.linear.scatter [tilespmem:s8], [sflag:$0xA], $0x3400, $0x38;
	[tilespmem:$0x1FB80] =	vst v63  }
0x92: {  	_ =	swait.ge [sflag:s9], $0x3400  }
0x93: {  	[sflag:s9] =	ssyncset.done $0x0  }
0x94: {  	s23 =	rddreg [dreg:$0x11];
	[sflag:s9] =	ssyncadd.s32 $0xFFFFCC00  }
0x95: {  	[spmem:s23] =	stream.linear.scatter [tilespmem:s8], [sflag:$0xA], $0x3400, $0x38;
	[tilespmem:$0x1FB80] =	vst v63  }
0x96: {  	_ =	swait.ge [sflag:s9], $0x3400  }
0x97: {  	[sflag:s9] =	ssyncset.done $0x0  }
0x98: {  	[sflag:s9] =	ssyncadd.s32 $0xFFFFCC00  }
0x99: {  	[spmem:s19] =	stream.linear.scatter [tilespmem:s8], [sflag:$0xA], $0x3400, $0x38;
	[tilespmem:$0x1FB80] =	vst v63  }
0x9a: {  	_ =	swait.ge [sflag:s9], $0x3400  }
0x9b: {  	[sflag:s9] =	ssyncset.done $0x0  }
0x9c: {  	[sflag:s9] =	ssyncadd.s32 $0xFFFFCC00  }
0x9d: {  	[spmem:s20] =	stream.linear.scatter [tilespmem:s8], [sflag:$0xA], $0x3400, $0x38;
	[tilespmem:$0x1FB80] =	vst v63  }
0x9e: {  	_ =	swait.ge [sflag:s9], $0x3400  }
0x9f: {  	[sflag:s9] =	ssyncset.done $0x0  }
0xa0: {  	[sflag:s9] =	ssyncadd.s32 $0xFFFFCC00  }
0xa1: {  	[spmem:s21] =	stream.linear.scatter [tilespmem:s8], [sflag:$0xA], $0x3400, $0x38;
	[tilespmem:$0x1FB80] =	vst v63  }
0xa2: {  	_ =	swait.ge [sflag:s9], $0x3400  }
0xa3: {  	[sflag:s9] =	ssyncset.done $0x0  }
0xa4: {  	s22 =	simm.s32 @!p1 $0x8300;
	[sflag:s9] =	ssyncadd.s32 $0xFFFFCC00  }
0xa5: {  	[spmem:s0] =	stream.linear.scatter @!p1 [tilespmem:s22], [sflag:$0xA], $0x800, $0x38;
	[tilespmem:$0x1FB80] =	vst v63  }
0xa6: {  	s22 =	simm.s32 @!p1 $0xA  }
0xa7: {  	_ =	swait.ge @!p1 [sflag:s22], $0x800  }
0xa8: {  	[sflag:s22] =	ssyncset.done @!p1 $0x0  }
0xa9: {  	[sflag:s22] =	ssyncadd.s32 @!p1 $0xFFFFF800  }
0xaa: {  	s18 =	smov.u32 s17;
	s22 =	simm.s32 $0x0;
	[bflag:$0x0] =	sbarrier.arrive $0xFFFF  }
.LBB2_4:
0xab: {  	_ =	swait.ge [sflag:s10], $0x80  }
0xac: {  	[sflag:s10] =	ssyncset.done $0x0  }
0xad: {  	[sflag:s10] =	ssyncadd.s32 $0xFFFFFF80  }
0xae: {  	[tilespmem:s8], [sflag:$0x9] =	stream.indirect.gather [hbm4b:s31+s26], $0x80, s28, s26, $0xb8;
	[tilespmem:$0x1FB80] =	vst v63  }
0xaf: {  	_ =	swait.ge [sflag:s11], $0x4000  }
0xb0: {  	[sflag:s11] =	ssyncset.done $0x0  }
0xb1: {  	[sflag:s11] =	ssyncadd.s32 $0xFFFFC000  }
0xb2: {  	_ =	swait.ge [sflag:s12], $0x80  }
0xb3: {  	[sflag:s12] =	ssyncset.done $0x0  }
0xb4: {  	[sflag:s12] =	ssyncadd.s32 $0xFFFFFF80  }
0xb5: {  	[spmem:s2] =	stream.indirect.scatter.add.f32 [tilespmem:s6], [sflag:$0xA], $0x80, s1, s26, $0xb8;
	[tilespmem:$0x1FB80] =	vst v63  }
0xb6: {  	_ =	swait.ge [sflag:s9], $0x4000  }
0xb7: {  	p2 =	seq.s32 s22, $0x4B0;
	[sflag:s9] =	ssyncset.done $0x0  }
0xb8: {  	s23 =	simm.s32 @p2 $0x8;
	[sflag:s9] =	ssyncadd.s32 $0xFFFFC000  }
0xb9: {  	_ =	swait.ge @p2 [sflag:s23], $0x4000  }
0xba: {  	[sflag:s23] =	ssyncset.done @p2 $0x0  }
0xbb: {  	[sflag:s23] =	ssyncadd.s32 @p2 $0xFFFFC000;
	s23 =	simm.s32 @p2 $0x5  }
0xbc: {  	_ =	swait.ge @p2 [sflag:s23], $0x80  }
0xbd: {  	s5 =	simm.s32 @p2 $0x200;
	[sflag:s23] =	ssyncset.done @p2 $0x0  }
0xbe: {  	s7 =	simm.s32 @p2 $0x4300;
	[sflag:s23] =	ssyncadd.s32 @p2 $0xFFFFFF80;
	s23 =	simm.s32 @p2 $0x80  }
0xbf: {  	[spmem:s2] =	stream.indirect.scatter.add.f32 @p2 [tilespmem:s7], [sflag:$0xA], $0x80, s5, s23, $0xb8;
	[tilespmem:$0x1FB80] =	vst v63  }
0xc0: {  	s5 =	simm.s32 @p2 $0xA  }
0xc1: {  	_ =	swait.ge @p2 [sflag:s5], $0x4000  }
0xc2: {  	[sflag:s5] =	ssyncset.done @p2 $0x0  }
0xc3: {  	s7 =	simm.s32 @!p2 $0x0;
	[sflag:s5] =	ssyncadd.s32 @p2 $0xFFFFC000;
	s5 =	sadd.s32 @!p2 s22, s29  }
0xc4: {  	[tilespmem:s7], [sflag:$0x1] =	stream.linear.gather @!p2 [hbm4b:s5+s7], $0x80, $0x38;
	[tilespmem:$0x1FB80] =	vst v63  }
0xc5: {  	s23 =	simm.s32 @!p2 $0x180;
	s5 =	sadd.s32 @!p2 s22, s30  }
0xc6: {  	[tilespmem:s23], [sflag:$0x4] =	stream.linear.gather @!p2 [hbm4b:s5+s7], $0x80, $0x38;
	[tilespmem:$0x1FB80] =	vst v63  }
0xc7: {  	s5 =	simm.s32 @!p2 $0x1  }
0xc8: {  	_ =	swait.ge @!p2 [sflag:s5], $0x80  }
0xc9: {  	[sflag:s5] =	ssyncset.done @!p2 $0x0  }
0xca: {  	s23 =	simm.s32 @!p2 $0x300;
	[sflag:s5] =	ssyncadd.s32 @!p2 $0xFFFFFF80;
	s5 =	simm.s32 @!p2 $0x80  }
0xcb: {  	[tilespmem:s23], [sflag:$0x7] =	stream.indirect.gather @!p2 [hbm4b:s31+s5], $0x80, s7, s5, $0xb8;
	[tilespmem:$0x1FB80] =	vst v63  }
0xcc: {  	s23 =	simm.s32 @!p2 $0x8  }
0xcd: {  	_ =	swait.ge @!p2 [sflag:s23], $0x4000  }
0xce: {  	[sflag:s23] =	ssyncset.done @!p2 $0x0  }
0xcf: {  	[sflag:s23] =	ssyncadd.s32 @!p2 $0xFFFFC000;
	s23 =	simm.s32 @!p2 $0x5  }
0xd0: {  	_ =	swait.ge @!p2 [sflag:s23], $0x80  }
0xd1: {  	s16 =	simm.s32 @!p2 $0x4300;
	[sflag:s23] =	ssyncset.done @!p2 $0x0  }
0xd2: {  	s17 =	simm.s32 @!p2 $0xA;
	[sflag:s23] =	ssyncadd.s32 @!p2 $0xFFFFFF80;
	s23 =	simm.s32 @!p2 $0x200  }
0xd3: {  	[spmem:s2] =	stream.indirect.scatter.add.f32 @!p2 [tilespmem:s16], [sflag:$0xA], $0x80, s23, s5, $0xb8;
	[tilespmem:$0x1FB80] =	vst v63  }
0xd4: {  	_ =	swait.ge @!p2 [sflag:s17], $0x4000  }
0xd5: {  	[sflag:s17] =	ssyncset.done @!p2 $0x0  }
0xd6: {  	[sflag:s17] =	ssyncadd.s32 @!p2 $0xFFFFC000;
	s17 =	sadd.s32 @!p2 s22, s24  }
0xd7: {  	[tilespmem:s5], [sflag:$0x2] =	stream.linear.gather @!p2 [hbm4b:s17+s7], $0x80, $0x38;
	[tilespmem:$0x1FB80] =	vst v63  }
0xd8: {  	s17 =	sadd.s32 @!p2 s22, s25  }
0xd9: {  	[tilespmem:s23], [sflag:$0x5] =	stream.linear.gather @!p2 [hbm4b:s17+s7], $0x80, $0x38;
	[tilespmem:$0x1FB80] =	vst v63  }
0xda: {  	s7 =	simm.s32 @!p2 $0x2  }
0xdb: {  	_ =	swait.ge @!p2 [sflag:s7], $0x80  }
0xdc: {  	[sflag:s7] =	ssyncset.done @!p2 $0x0  }
0xdd: {  	[sflag:s7] =	ssyncadd.s32 @!p2 $0xFFFFFF80  }
0xde: {  	[tilespmem:s16], [sflag:$0x8] =	stream.indirect.gather @!p2 [hbm4b:s31+s5], $0x80, s5, s5, $0xb8;
	[tilespmem:$0x1FB80] =	vst v63  }
0xdf: {  	_ =	swait.ge [sflag:s13], $0x4000  }
0xe0: {  	[sflag:s13] =	ssyncset.done $0x0  }
0xe1: {  	[sflag:s13] =	ssyncadd.s32 $0xFFFFC000  }
0xe2: {  	_ =	swait.ge [sflag:s14], $0x80  }
0xe3: {  	[sflag:s14] =	ssyncset.done $0x0  }
.Ltmp3:
0xe4: {  	[sflag:s14] =	ssyncadd.s32 $0xFFFFFF80;
	(pc) =	sbr.rel @p2 .LBB2_6-.Ltmp3, $4  }
0xe5: {  	[spmem:s2] =	stream.indirect.scatter.add.f32 [tilespmem:s8], [sflag:$0xA], $0x80, s4, s26, $0xb8;
	[tilespmem:$0x1FB80] =	vst v63  }
0xe6: {  	_ =	swait.ge [sflag:s9], $0x4000  }
0xe7: {  	[sflag:s9] =	ssyncset.done $0x0  }
0xe8: {  	[sflag:s9] =	ssyncadd.s32 $0xFFFFC000  }
.Ltmp4:
0xe9: {  	s5 =	sadd.s32 s22, s24;
	(pc) =	sbr.rel .LBB2_4-.Ltmp4, $4  }
0xea: {  	s23 =	sadd.s32 s22, s25;
	s5 =	sadd.s32 $0x10, s5  }
0xeb: {  	[tilespmem:s28], [sflag:$0x3] =	stream.linear.gather [hbm4b:s5+s3], $0x80, $0x38;
	[tilespmem:$0x1FB80] =	vst v63  }
0xec: {  	s22 =	sadd.s32 $0x30, s22;
	s5 =	sadd.s32 $0x10, s23  }
0xed: {  	[tilespmem:s4], [sflag:$0x6] =	stream.linear.gather [hbm4b:s5+s3], $0x80, $0x38;
	[tilespmem:$0x1FB80] =	vst v63  }
.LBB2_6:
.Ltmp5:
0xee: {  	(pc) =	sbr.rel @p0 .LBB2_8-.Ltmp5, $2  }
0xef: {  	_ =	sdelay $0x2  }
0xf0: {  	s17 =	smov.u32 s18  }
0xf1: {  	s5 =	rddreg [dreg:$0x14]  }
0xf2: {  	[tilespmem:s3], [sflag:$0xA] =	stream.linear.gather [hbm4b:s5+s3], $0x80, $0x38;
	[tilespmem:$0x1FB80] =	vst v63  }
0xf3: {  	_ =	swait.ge [sflag:s9], $0x80  }
0xf4: {  	[sflag:s9] =	ssyncset.done $0x0  }
0xf5: {  	s22 =	rddreg [dreg:$0x18];
	[sflag:s9] =	ssyncadd.s32 $0xFFFFFF80  }
0xf6: {  	[tilespmem:s1], [sflag:$0xA] =	stream.linear.gather [hbm4b:s22+s3], $0x80, $0x38;
	[tilespmem:$0x1FB80] =	vst v63  }
0xf7: {  	_ =	swait.ge [sflag:s9], $0x80  }
0xf8: {  	[sflag:s9] =	ssyncset.done $0x0  }
0xf9: {  	[sflag:s9] =	ssyncadd.s32 $0xFFFFFF80  }
0xfa: {  	[tilespmem:s6], [sflag:$0x7] =	stream.indirect.gather [hbm4b:s31+s26], $0x80, s3, s26, $0xb8;
	[tilespmem:$0x1FB80] =	vst v63  }
0xfb: {  	_ =	swait.ge [sflag:s11], $0x4000  }
0xfc: {  	[sflag:s11] =	ssyncset.done $0x0  }
0xfd: {  	[sflag:s11] =	ssyncadd.s32 $0xFFFFC000  }
0xfe: {  	[spmem:s2] =	stream.indirect.scatter.add.f32 [tilespmem:s6], [sflag:$0xA], $0x80, s1, s26, $0xb8;
	[tilespmem:$0x1FB80] =	vst v63  }
0xff: {  	_ =	swait.ge [sflag:s9], $0x4000  }
0x100: {  	[sflag:s9] =	ssyncset.done $0x0  }
0x101: {  	s23 =	rddreg [dreg:$0x15];
	[sflag:s9] =	ssyncadd.s32 $0xFFFFC000  }
0x102: {  	[tilespmem:s3], [sflag:$0xA] =	stream.linear.gather [hbm4b:s23+s3], $0x80, $0x38;
	[tilespmem:$0x1FB80] =	vst v63  }
0x103: {  	_ =	swait.ge [sflag:s9], $0x80  }
0x104: {  	[sflag:s9] =	ssyncset.done $0x0  }
0x105: {  	s7 =	rddreg [dreg:$0x19];
	[sflag:s9] =	ssyncadd.s32 $0xFFFFFF80  }
0x106: {  	[tilespmem:s1], [sflag:$0xA] =	stream.linear.gather [hbm4b:s7+s3], $0x80, $0x38;
	[tilespmem:$0x1FB80] =	vst v63  }
0x107: {  	_ =	swait.ge [sflag:s9], $0x80  }
0x108: {  	[sflag:s9] =	ssyncset.done $0x0  }
0x109: {  	[sflag:s9] =	ssyncadd.s32 $0xFFFFFF80  }
0x10a: {  	[tilespmem:s6], [sflag:$0x7] =	stream.indirect.gather [hbm4b:s31+s26], $0x80, s3, s26, $0xb8;
	[tilespmem:$0x1FB80] =	vst v63  }
0x10b: {  	_ =	swait.ge [sflag:s11], $0x4000  }
0x10c: {  	[sflag:s11] =	ssyncset.done $0x0  }
0x10d: {  	[sflag:s11] =	ssyncadd.s32 $0xFFFFC000  }
0x10e: {  	[spmem:s2] =	stream.indirect.scatter.add.f32 [tilespmem:s6], [sflag:$0xA], $0x80, s1, s26, $0xb8;
	[tilespmem:$0x1FB80] =	vst v63  }
0x10f: {  	_ =	swait.ge [sflag:s9], $0x4000  }
0x110: {  	[sflag:s9] =	ssyncset.done $0x0  }
0x111: {  	s16 =	rddreg [dreg:$0x16];
	[sflag:s9] =	ssyncadd.s32 $0xFFFFC000  }
0x112: {  	[tilespmem:s3], [sflag:$0xA] =	stream.linear.gather [hbm4b:s16+s3], $0x80, $0x38;
	[tilespmem:$0x1FB80] =	vst v63  }
0x113: {  	_ =	swait.ge [sflag:s9], $0x80  }
0x114: {  	[sflag:s9] =	ssyncset.done $0x0  }
0x115: {  	s18 =	rddreg [dreg:$0x1a];
	[sflag:s9] =	ssyncadd.s32 $0xFFFFFF80  }
0x116: {  	[tilespmem:s1], [sflag:$0xA] =	stream.linear.gather [hbm4b:s18+s3], $0x80, $0x38;
	[tilespmem:$0x1FB80] =	vst v63  }
0x117: {  	_ =	swait.ge [sflag:s9], $0x80  }
0x118: {  	[sflag:s9] =	ssyncset.done $0x0  }
0x119: {  	[sflag:s9] =	ssyncadd.s32 $0xFFFFFF80  }
0x11a: {  	[tilespmem:s6], [sflag:$0x7] =	stream.indirect.gather [hbm4b:s31+s26], $0x80, s3, s26, $0xb8;
	[tilespmem:$0x1FB80] =	vst v63  }
0x11b: {  	_ =	swait.ge [sflag:s11], $0x4000  }
0x11c: {  	[sflag:s11] =	ssyncset.done $0x0  }
0x11d: {  	[sflag:s11] =	ssyncadd.s32 $0xFFFFC000  }
0x11e: {  	[spmem:s2] =	stream.indirect.scatter.add.f32 [tilespmem:s6], [sflag:$0xA], $0x80, s1, s26, $0xb8;
	[tilespmem:$0x1FB80] =	vst v63  }
0x11f: {  	_ =	swait.ge [sflag:s9], $0x4000  }
0x120: {  	[sflag:s9] =	ssyncset.done $0x0  }
0x121: {  	s22 =	rddreg [dreg:$0x17];
	[sflag:s9] =	ssyncadd.s32 $0xFFFFC000  }
0x122: {  	[tilespmem:s3], [sflag:$0xA] =	stream.linear.gather [hbm4b:s22+s3], $0x80, $0x38;
	[tilespmem:$0x1FB80] =	vst v63  }
0x123: {  	_ =	swait.ge [sflag:s9], $0x80  }
0x124: {  	[sflag:s9] =	ssyncset.done $0x0  }
0x125: {  	s23 =	rddreg [dreg:$0x1b];
	[sflag:s9] =	ssyncadd.s32 $0xFFFFFF80  }
0x126: {  	[tilespmem:s1], [sflag:$0xA] =	stream.linear.gather [hbm4b:s23+s3], $0x80, $0x38;
	[tilespmem:$0x1FB80] =	vst v63  }
0x127: {  	_ =	swait.ge [sflag:s9], $0x80  }
0x128: {  	[sflag:s9] =	ssyncset.done $0x0  }
0x129: {  	[sflag:s9] =	ssyncadd.s32 $0xFFFFFF80  }
0x12a: {  	[tilespmem:s6], [sflag:$0x7] =	stream.indirect.gather [hbm4b:s31+s26], $0x80, s3, s26, $0xb8;
	[tilespmem:$0x1FB80] =	vst v63  }
0x12b: {  	_ =	swait.ge [sflag:s11], $0x4000  }
0x12c: {  	[sflag:s11] =	ssyncset.done $0x0  }
.Ltmp6:
0x12d: {  	[sflag:s11] =	ssyncadd.s32 $0xFFFFC000;
	(pc) =	sbr.rel .LBB2_8-.Ltmp6, $4  }
0x12e: {  	[spmem:s2] =	stream.indirect.scatter.add.f32 [tilespmem:s6], [sflag:$0xA], $0x80, s1, s26, $0xb8;
	[tilespmem:$0x1FB80] =	vst v63  }
0x12f: {  	_ =	swait.ge [sflag:s9], $0x4000  }
0x130: {  	[sflag:s9] =	ssyncset.done $0x0  }
0x131: {  	[sflag:s9] =	ssyncadd.s32 $0xFFFFC000  }
.LBB2_9:
0x132: {  	_ =	sfence.sel $0x180000  }
0x133: {  	[bflag:$0x0] =	sbarrier.arrive $0xFFFF  }
0x134: {  	_ =	strace $0x90000050  }
0x135: {  	s0 =	stileid.u32;
	[bflag:$0x2] =	sbarrier.arrive $0xFFFF  }
0x136: {  	p0 =	sne.s32 s0, $0x0;
	s0 =	rddreg [dreg:$0x3]  }
0x137: {  	s0 =	sadd.s32 @!p0 $0x100000, s0  }
0x138: {  	[sflag:s0] =	ssyncadd.tile.s32 @!p0 $0x1;
	_ =	shalt  }
.Lfunc_end2:
_tile_overlayer_lowered:
.L_overlay_start_2:
0x139: {  	(tag) =	ssettag $0x2  }
0x13a: {  	s0 =	rddreg [dreg:$0x0];
	s2 =	stileid.u32  }
0x13b: {  	s1 =	rddreg [dreg:$0x1];
	p0 =	sne.s32 s2, $0x0  }
0x13c: {  	s3 =	rddreg [dreg:$0x2];
	[bflag:$0x3] =	sbarrier.arrive $0xFFFF;
	s2 =	simm.s32 @!p0 $0x1C0A  }
0x13d: {  	[timem:s3], [sflag:s2] =	dma.local @!p0 [hbm:s0], s1  }
0x13e: {  	s0 =	simm.s32 @!p0 $0xA  }
0x13f: {  	_ =	swait.ge @!p0 [sflag:s0], s1  }
0x140: {  	s1 =	ssub.s32 @!p0 $0x0, s1;
	[sflag:s0] =	ssyncset.done @!p0 $0x0  }
0x141: {  	[sflag:s0] =	ssyncadd.s32 @!p0 s1  }
0x142: {  	[bflag:$0x3] =	sbarrier.arrive $0xFFFF  }
0x143: {  	_ =	shalt  }

</sc_bundles>
